<compile_context>
chip_gen: v7x
topology: tpu7x:2x2x1
jax: 0.10.2.dev20260603
libtpu: 0.0.44.dev20260713+nightly
codegen_flags: <defaults>
</compile_context>

<pallas_src>
import jax
import jax.numpy as jnp
from jax import lax
from jax.experimental import pallas as pl
from jax.experimental.pallas import tpu as pltpu
from jax.experimental.pallas import tpu_sc as plsc

B = 16384
D = 64
NC = 2
NS = 16
NW = NC * NS
BPW = B // NW
CH = 128
NCH = BPW // CH


def _project_kernel(cat_ref, w_ref, out_ref):
    out_ref[...] = jnp.dot(
        cat_ref[...], w_ref[...].T, preferred_element_type=jnp.float32
    )


def _project(category_x, cat2item_w):
    n_cat = category_x.shape[0]
    return pl.pallas_call(
        _project_kernel,
        out_shape=jax.ShapeDtypeStruct((n_cat, D), jnp.float32),
    )(category_x, cat2item_w)


def _sc_body(uidx_hbm, iidx_hbm, cidx_hbm, uw_hbm, ub_hbm, ix_hbm, pj_hbm,
             out_hbm, uidx_v, iidx_v, cidx_v, w_v, x_v, p_v, b_v, out_v,
             sem, semb, semx, semp):
    wid = lax.axis_index("s") * NC + lax.axis_index("c")
    pltpu.sync_copy(uidx_hbm.at[wid], uidx_v)
    pltpu.sync_copy(iidx_hbm.at[wid], iidx_v)
    pltpu.sync_copy(cidx_hbm.at[wid], cidx_v)
    lane = lax.iota(jnp.int32, 16)
    zeros16 = jnp.zeros((16,), jnp.int32)

    def chunk(c, _):
        base = c * CH

        def fire(g, _):
            gb = g * 16
            uvec = uidx_v[pl.ds(base + gb, 16)]
            ivec = iidx_v[pl.ds(base + gb, 16)]
            cvec = cidx_v[pl.ds(base + gb, 16)]
            for r in range(16):
                row = pl.ds(gb + r, 1)
                pltpu.make_async_copy(
                    uw_hbm.at[pl.ds(uvec[r], 1)], w_v.at[row], sem
                ).start()
                pltpu.make_async_copy(
                    ub_hbm.at[pl.ds(uvec[r], 1)], b_v.at[row], semb
                ).start()
                pltpu.make_async_copy(
                    ix_hbm.at[pl.ds(ivec[r], 1)], x_v.at[row], semx
                ).start()
                pltpu.make_async_copy(
                    pj_hbm.at[pl.ds(cvec[r], 1)], p_v.at[row], semp
                ).start()
            return 0

        lax.fori_loop(0, CH // 16, fire, 0)

        def drain(i, _):
            row = pl.ds(i, 1)
            pltpu.make_async_copy(uw_hbm.at[pl.ds(0, 1)], w_v.at[row], sem).wait()
            pltpu.make_async_copy(ub_hbm.at[pl.ds(0, 1)], b_v.at[row], semb).wait()
            pltpu.make_async_copy(ix_hbm.at[pl.ds(0, 1)], x_v.at[row], semx).wait()
            pltpu.make_async_copy(pj_hbm.at[pl.ds(0, 1)], p_v.at[row], semp).wait()
            return 0

        lax.fori_loop(0, CH, drain, 0)

        def group(g, _):
            res = jnp.zeros((16,), jnp.float32)
            gb = g * 16
            for r in range(16):
                i = gb + r
                acc = w_v[i, pl.ds(0, 16)] * (x_v[i, pl.ds(0, 16)] + p_v[i, pl.ds(0, 16)])
                for k in range(1, D // 16):
                    s = pl.ds(k * 16, 16)
                    acc = acc + w_v[i, s] * (x_v[i, s] + p_v[i, s])
                res = jnp.where(lane == r, jnp.sum(acc), res)
            bias = plsc.load_gather(b_v, [gb + lane, zeros16])
            out_v[pl.ds(base + gb, 16)] = res + bias
            return 0

        lax.fori_loop(0, CH // 16, group, 0)
        return 0

    lax.fori_loop(0, NCH, chunk, 0)

    pltpu.sync_copy(out_v, out_hbm.at[pl.ds(wid * BPW, BPW)])


@jax.jit
def _sc_gather_dot(uidx2, iidx2, cidx2, user_w, user_b, item_x, proj):
    mesh = plsc.VectorSubcoreMesh(core_axis_name="c", subcore_axis_name="s")
    return pl.kernel(
        _sc_body,
        out_type=jax.ShapeDtypeStruct((B,), jnp.float32),
        mesh=mesh,
        compiler_params=pltpu.CompilerParams(needs_layout_passes=False),
        scratch_types=[
            pltpu.VMEM((BPW,), jnp.int32),
            pltpu.VMEM((BPW,), jnp.int32),
            pltpu.VMEM((BPW,), jnp.int32),
            pltpu.VMEM((CH, D), jnp.float32),
            pltpu.VMEM((CH, D), jnp.float32),
            pltpu.VMEM((CH, D), jnp.float32),
            pltpu.VMEM((CH, 1), jnp.float32),
            pltpu.VMEM((BPW,), jnp.float32),
            pltpu.SemaphoreType.DMA,
            pltpu.SemaphoreType.DMA,
            pltpu.SemaphoreType.DMA,
            pltpu.SemaphoreType.DMA,
        ],
    )(uidx2, iidx2, cidx2, user_w, user_b, item_x, proj)


def kernel(user_idx, item_idx, category_idx, user_w, user_b, item_x,
           category_x, cat2item_w):
    proj = _project(category_x, cat2item_w)
    uidx2 = user_idx.astype(jnp.int32).reshape(NW, BPW)
    iidx2 = item_idx.astype(jnp.int32).reshape(NW, BPW)
    cidx2 = category_idx.astype(jnp.int32).reshape(NW, BPW)
    return _sc_gather_dot(uidx2, iidx2, cidx2, user_w, user_b, item_x, proj)

# --- scband reference (transcript-rebuilt; emitter-appended) ---
"""Pipeline reference for scband-linear-user-item-model-21749714387562 (READ-ONLY COPY).

The authoritative reference and input builder live on the scoring server;
editing this copy changes nothing except your own understanding.
"""

import jax, jax.numpy as jnp
import numpy as np


def setup_inputs(seed: int = 0) -> dict:
    key = jax.random.key(seed)
    ks = jax.random.split(key, 8)
    B = 16384
    n_users = 1000000
    n_items = 1000000
    n_categories = 1000
    feat_dim = 64
    cat_dim = 16
    return {
        "user_idx": jax.random.randint(ks[0], (B,), 0, n_users, dtype=jnp.int64) if jax.config.jax_enable_x64 else jax.random.randint(ks[0], (B,), 0, n_users).astype(jnp.int32),
        "item_idx": jax.random.randint(ks[1], (B,), 0, n_items).astype(jnp.int32),
        "category_idx": jax.random.randint(ks[2], (B,), 0, n_categories).astype(jnp.int32),
        "user_w": jax.random.normal(ks[3], (n_users, feat_dim), dtype=jnp.float32) * 0.02,
        "user_b": jax.random.normal(ks[4], (n_users, 1), dtype=jnp.float32) * 0.02,
        "item_x": jax.random.normal(ks[5], (n_items, feat_dim), dtype=jnp.float32) * 0.02,
        "category_x": jax.random.normal(ks[6], (n_categories, cat_dim), dtype=jnp.float32) * 0.02,
        "cat2item_w": jax.random.normal(ks[7], (feat_dim, cat_dim), dtype=jnp.float32) * 0.02,
    }


def reference(user_idx, item_idx, category_idx, user_w, user_b, item_x, category_x, cat2item_w):
    # Embedding lookups (gather)
    w_u = jnp.take(user_w, user_idx, axis=0)              # [B, feat_dim]
    b_u = jnp.take(user_b, user_idx, axis=0).squeeze(-1)  # [B]
    x_i = jnp.take(item_x, item_idx, axis=0)              # [B, feat_dim]
    c_i = jnp.take(category_x, category_idx, axis=0)      # [B, cat_dim]
    # cat2item linear projection (Linear with no bias: y = c_i @ W.T)
    c_i = c_i @ cat2item_w.T                               # [B, feat_dim]
    combined = x_i + c_i
    pred = (w_u * combined).sum(axis=1) + b_u              # [B]
    return pred

if __name__ == "__main__":
    import jax
    _d = setup_inputs()
    print(jax.jit(kernel)(*tuple(_d.values())))

</pallas_src>

<mosaic_0001>
#map = affine_map<(d0, d1) -> (0, 0)>
#map1 = affine_map<(d0, d1) -> (0)>
module attributes {stable_mosaic.version = 14 : i64} {
  func.func @_sc_body(%arg0: i32, %arg1: i32, %arg2: memref<32x512xi32, #tpu.memory_space<hbm>>, %arg3: memref<32x512xi32, #tpu.memory_space<hbm>>, %arg4: memref<32x512xi32, #tpu.memory_space<hbm>>, %arg5: memref<1000000x64xf32, #tpu.memory_space<hbm>>, %arg6: memref<1000000x1xf32, #tpu.memory_space<hbm>>, %arg7: memref<1000000x64xf32, #tpu.memory_space<hbm>>, %arg8: memref<1000x64xf32, #tpu.memory_space<hbm>>, %arg9: memref<16384xf32, #tpu.memory_space<hbm>>, %arg10: memref<512xi32, #tpu.memory_space<vmem>>, %arg11: memref<512xi32, #tpu.memory_space<vmem>>, %arg12: memref<512xi32, #tpu.memory_space<vmem>>, %arg13: memref<128x64xf32, #tpu.memory_space<vmem>>, %arg14: memref<128x64xf32, #tpu.memory_space<vmem>>, %arg15: memref<128x64xf32, #tpu.memory_space<vmem>>, %arg16: memref<128x1xf32, #tpu.memory_space<vmem>>, %arg17: memref<512xf32, #tpu.memory_space<vmem>>, %arg18: memref<!tpu.dma_semaphore, #tpu.memory_space<semaphore_mem>>, %arg19: memref<!tpu.dma_semaphore, #tpu.memory_space<semaphore_mem>>, %arg20: memref<!tpu.dma_semaphore, #tpu.memory_space<semaphore_mem>>, %arg21: memref<!tpu.dma_semaphore, #tpu.memory_space<semaphore_mem>>) attributes {dimension_semantics = [#tpu.dimension_semantics<core_parallel>, #tpu.dimension_semantics<subcore_parallel>], iteration_bounds = array<i64: 2, 16>, scalar_prefetch = 0 : i64, scratch_operands = 12 : i64, tpu.core_type = #tpu.core_type<sc_vector_subcore>, window_params = [{transform_indices = #map}, {transform_indices = #map}, {transform_indices = #map}, {transform_indices = #map}, {transform_indices = #map}, {transform_indices = #map}, {transform_indices = #map}, {transform_indices = #map1}]} {
    %mul3A = arith.constant 2 : i32
    %mul3A_0 = arith.muli %arg1, %mul3A : i32
    %add3A = arith.addi %mul3A_0, %arg0 : i32
    "tpu.region"() ({
      %run_scoped3A = tpu.sem_alloc : memref<!tpu.dma_semaphore, #tpu.memory_space<semaphore_mem>>
      %dma_start3A = arith.constant 0 : i32
      %dma_start3A_10 = tpu.memref_slice %arg2[%add3A, %dma_start3A] : memref<32x512xi32, #tpu.memory_space<hbm>> -> memref<1x512xi32, #tpu.memory_space<hbm>>
      %dma_start3A_11 = tpu.memref_squeeze %dma_start3A_10 : memref<1x512xi32, #tpu.memory_space<hbm>> -> memref<512xi32, #tpu.memory_space<hbm>>
      %dma_start3A_12 = arith.constant 0 : i32
      %dma_start3A_13 = tpu.memref_slice %arg2[%add3A, %dma_start3A_12] : memref<32x512xi32, #tpu.memory_space<hbm>> -> memref<1x512xi32, #tpu.memory_space<hbm>>
      %dma_start3A_14 = tpu.memref_squeeze %dma_start3A_13 : memref<1x512xi32, #tpu.memory_space<hbm>> -> memref<512xi32, #tpu.memory_space<hbm>>
      tpu.enqueue_dma source(%dma_start3A_14 : memref<512xi32, #tpu.memory_space<hbm>>) target(%arg10 : memref<512xi32, #tpu.memory_space<vmem>>) target_semaphore(%run_scoped3A : memref<!tpu.dma_semaphore, #tpu.memory_space<semaphore_mem>>)
      %dma_wait3A = arith.constant 0 : i32
      %dma_wait3A_15 = tpu.memref_slice %arg2[%add3A, %dma_wait3A] : memref<32x512xi32, #tpu.memory_space<hbm>> -> memref<1x512xi32, #tpu.memory_space<hbm>>
      %dma_wait3A_16 = tpu.memref_squeeze %dma_wait3A_15 : memref<1x512xi32, #tpu.memory_space<hbm>> -> memref<512xi32, #tpu.memory_space<hbm>>
      %dma_wait3A_17 = arith.constant 0 : i32
      %dma_wait3A_18 = tpu.memref_slice %arg2[%add3A, %dma_wait3A_17] : memref<32x512xi32, #tpu.memory_space<hbm>> -> memref<1x512xi32, #tpu.memory_space<hbm>>
      %dma_wait3A_19 = tpu.memref_squeeze %dma_wait3A_18 : memref<1x512xi32, #tpu.memory_space<hbm>> -> memref<512xi32, #tpu.memory_space<hbm>>
      tpu.wait_dma2 semaphore(%run_scoped3A : memref<!tpu.dma_semaphore, #tpu.memory_space<semaphore_mem>>) src(%dma_wait3A_19 : memref<512xi32, #tpu.memory_space<hbm>>) dst(%arg10 : memref<512xi32, #tpu.memory_space<vmem>>)
      tpu.yield
    }) : () -> ()
    "tpu.region"() ({
      %run_scoped3A = tpu.sem_alloc : memref<!tpu.dma_semaphore, #tpu.memory_space<semaphore_mem>>
      %dma_start3A = arith.constant 0 : i32
      %dma_start3A_10 = tpu.memref_slice %arg3[%add3A, %dma_start3A] : memref<32x512xi32, #tpu.memory_space<hbm>> -> memref<1x512xi32, #tpu.memory_space<hbm>>
      %dma_start3A_11 = tpu.memref_squeeze %dma_start3A_10 : memref<1x512xi32, #tpu.memory_space<hbm>> -> memref<512xi32, #tpu.memory_space<hbm>>
      %dma_start3A_12 = arith.constant 0 : i32
      %dma_start3A_13 = tpu.memref_slice %arg3[%add3A, %dma_start3A_12] : memref<32x512xi32, #tpu.memory_space<hbm>> -> memref<1x512xi32, #tpu.memory_space<hbm>>
      %dma_start3A_14 = tpu.memref_squeeze %dma_start3A_13 : memref<1x512xi32, #tpu.memory_space<hbm>> -> memref<512xi32, #tpu.memory_space<hbm>>
      tpu.enqueue_dma source(%dma_start3A_14 : memref<512xi32, #tpu.memory_space<hbm>>) target(%arg11 : memref<512xi32, #tpu.memory_space<vmem>>) target_semaphore(%run_scoped3A : memref<!tpu.dma_semaphore, #tpu.memory_space<semaphore_mem>>)
      %dma_wait3A = arith.constant 0 : i32
      %dma_wait3A_15 = tpu.memref_slice %arg3[%add3A, %dma_wait3A] : memref<32x512xi32, #tpu.memory_space<hbm>> -> memref<1x512xi32, #tpu.memory_space<hbm>>
      %dma_wait3A_16 = tpu.memref_squeeze %dma_wait3A_15 : memref<1x512xi32, #tpu.memory_space<hbm>> -> memref<512xi32, #tpu.memory_space<hbm>>
      %dma_wait3A_17 = arith.constant 0 : i32
      %dma_wait3A_18 = tpu.memref_slice %arg3[%add3A, %dma_wait3A_17] : memref<32x512xi32, #tpu.memory_space<hbm>> -> memref<1x512xi32, #tpu.memory_space<hbm>>
      %dma_wait3A_19 = tpu.memref_squeeze %dma_wait3A_18 : memref<1x512xi32, #tpu.memory_space<hbm>> -> memref<512xi32, #tpu.memory_space<hbm>>
      tpu.wait_dma2 semaphore(%run_scoped3A : memref<!tpu.dma_semaphore, #tpu.memory_space<semaphore_mem>>) src(%dma_wait3A_19 : memref<512xi32, #tpu.memory_space<hbm>>) dst(%arg11 : memref<512xi32, #tpu.memory_space<vmem>>)
      tpu.yield
    }) : () -> ()
    "tpu.region"() ({
      %run_scoped3A = tpu.sem_alloc : memref<!tpu.dma_semaphore, #tpu.memory_space<semaphore_mem>>
      %dma_start3A = arith.constant 0 : i32
      %dma_start3A_10 = tpu.memref_slice %arg4[%add3A, %dma_start3A] : memref<32x512xi32, #tpu.memory_space<hbm>> -> memref<1x512xi32, #tpu.memory_space<hbm>>
      %dma_start3A_11 = tpu.memref_squeeze %dma_start3A_10 : memref<1x512xi32, #tpu.memory_space<hbm>> -> memref<512xi32, #tpu.memory_space<hbm>>
      %dma_start3A_12 = arith.constant 0 : i32
      %dma_start3A_13 = tpu.memref_slice %arg4[%add3A, %dma_start3A_12] : memref<32x512xi32, #tpu.memory_space<hbm>> -> memref<1x512xi32, #tpu.memory_space<hbm>>
      %dma_start3A_14 = tpu.memref_squeeze %dma_start3A_13 : memref<1x512xi32, #tpu.memory_space<hbm>> -> memref<512xi32, #tpu.memory_space<hbm>>
      tpu.enqueue_dma source(%dma_start3A_14 : memref<512xi32, #tpu.memory_space<hbm>>) target(%arg12 : memref<512xi32, #tpu.memory_space<vmem>>) target_semaphore(%run_scoped3A : memref<!tpu.dma_semaphore, #tpu.memory_space<semaphore_mem>>)
      %dma_wait3A = arith.constant 0 : i32
      %dma_wait3A_15 = tpu.memref_slice %arg4[%add3A, %dma_wait3A] : memref<32x512xi32, #tpu.memory_space<hbm>> -> memref<1x512xi32, #tpu.memory_space<hbm>>
      %dma_wait3A_16 = tpu.memref_squeeze %dma_wait3A_15 : memref<1x512xi32, #tpu.memory_space<hbm>> -> memref<512xi32, #tpu.memory_space<hbm>>
      %dma_wait3A_17 = arith.constant 0 : i32
      %dma_wait3A_18 = tpu.memref_slice %arg4[%add3A, %dma_wait3A_17] : memref<32x512xi32, #tpu.memory_space<hbm>> -> memref<1x512xi32, #tpu.memory_space<hbm>>
      %dma_wait3A_19 = tpu.memref_squeeze %dma_wait3A_18 : memref<1x512xi32, #tpu.memory_space<hbm>> -> memref<512xi32, #tpu.memory_space<hbm>>
      tpu.wait_dma2 semaphore(%run_scoped3A : memref<!tpu.dma_semaphore, #tpu.memory_space<semaphore_mem>>) src(%dma_wait3A_19 : memref<512xi32, #tpu.memory_space<hbm>>) dst(%arg12 : memref<512xi32, #tpu.memory_space<vmem>>)
      tpu.yield
    }) : () -> ()
    %iota3A = tpu.iota {dimensions = array<i32: 0>} : vector<16xi32>
    %broadcast_in_dim3A = arith.constant 0 : i32
    %broadcast_in_dim3A_1 = vector.broadcast %broadcast_in_dim3A : i32 to vector<16xi32>
    %scan3A = arith.constant 0 : i32
    %scan3A_2 = arith.constant 0 : i32
    %scan3A_3 = arith.constant 4 : i32
    %scan3A_4 = arith.addi %scan3A_2, %scan3A_3 : i32
    %scan3A_5 = arith.constant 1 : i32
    %scan3A_6 = scf.for %scan3A_10 = %scan3A_2 to %scan3A_4 step %scan3A_5 iter_args(%scan3A_11 = %scan3A) -> (i32)  : i32 {
      %mul3A_12 = arith.constant 128 : i32
      %mul3A_13 = arith.muli %scan3A_10, %mul3A_12 : i32
      %scan3A_14 = arith.constant 0 : i32
      %scan3A_15 = arith.constant 0 : i32
      %scan3A_16 = arith.constant 8 : i32
      %scan3A_17 = arith.addi %scan3A_15, %scan3A_16 : i32
      %scan3A_18 = arith.constant 1 : i32
      %scan3A_19 = scf.for %scan3A_36 = %scan3A_15 to %scan3A_17 step %scan3A_18 iter_args(%scan3A_37 = %scan3A_14) -> (i32)  : i32 {
        %mul3A_38 = arith.constant 16 : i32
        %mul3A_39 = arith.muli %scan3A_36, %mul3A_38 : i32
        %add3A_40 = arith.addi %mul3A_13, %mul3A_39 : i32
        %get3A = arith.index_cast %add3A_40 : i32 to index
        %get3A_41 = tpu.vector_load %arg10[%get3A] {strides = array<i32>} : memref<512xi32, #tpu.memory_space<vmem>>, vector<16xi32>,
        %add3A_42 = arith.addi %mul3A_13, %mul3A_39 : i32
        %get3A_43 = arith.index_cast %add3A_42 : i32 to index
        %get3A_44 = tpu.vector_load %arg11[%get3A_43] {strides = array<i32>} : memref<512xi32, #tpu.memory_space<vmem>>, vector<16xi32>,
        %add3A_45 = arith.addi %mul3A_13, %mul3A_39 : i32
        %get3A_46 = arith.index_cast %add3A_45 : i32 to index
        %get3A_47 = tpu.vector_load %arg12[%get3A_46] {strides = array<i32>} : memref<512xi32, #tpu.memory_space<vmem>>, vector<16xi32>,
        %add3A_48 = arith.constant 0 : i32
        %add3A_49 = arith.addi %mul3A_39, %add3A_48 : i32
        %slice3A = vector.extract_strided_slice %get3A_41 {offsets = [0], sizes = [1], strides = [1]} : vector<16xi32> to vector<1xi32>
        %squeeze3A = vector.extract %slice3A[0] : i32 from vector<1xi32>
        %dma_start3A = arith.constant 0 : i32
        %dma_start3A_50 = tpu.memref_slice %arg13[%add3A_49, %dma_start3A] : memref<128x64xf32, #tpu.memory_space<vmem>> -> memref<1x64xf32, #tpu.memory_space<vmem>>
        %dma_start3A_51 = arith.constant 0 : i32
        %dma_start3A_52 = tpu.memref_slice %arg5[%squeeze3A, %dma_start3A_51] : memref<1000000x64xf32, #tpu.memory_space<hbm>> -> memref<1x64xf32, #tpu.memory_space<hbm>>
        %dma_start3A_53 = arith.constant 0 : i32
        %dma_start3A_54 = tpu.memref_slice %arg13[%add3A_49, %dma_start3A_53] : memref<128x64xf32, #tpu.memory_space<vmem>> -> memref<1x64xf32, #tpu.memory_space<vmem>>
        %dma_start3A_55 = arith.constant 0 : i32
        %dma_start3A_56 = tpu.memref_slice %arg5[%squeeze3A, %dma_start3A_55] : memref<1000000x64xf32, #tpu.memory_space<hbm>> -> memref<1x64xf32, #tpu.memory_space<hbm>>
        tpu.enqueue_dma source(%dma_start3A_56 : memref<1x64xf32, #tpu.memory_space<hbm>>) target(%dma_start3A_54 : memref<1x64xf32, #tpu.memory_space<vmem>>) target_semaphore(%arg18 : memref<!tpu.dma_semaphore, #tpu.memory_space<semaphore_mem>>)
        %slice3A_57 = vector.extract_strided_slice %get3A_41 {offsets = [0], sizes = [1], strides = [1]} : vector<16xi32> to vector<1xi32>
        %squeeze3A_58 = vector.extract %slice3A_57[0] : i32 from vector<1xi32>
        %dma_start3A_59 = arith.constant 0 : i32
        %dma_start3A_60 = tpu.memref_slice %arg16[%add3A_49, %dma_start3A_59] : memref<128x1xf32, #tpu.memory_space<vmem>> -> memref<1x1xf32, #tpu.memory_space<vmem>>
        %dma_start3A_61 = arith.constant 0 : i32
        %dma_start3A_62 = tpu.memref_slice %arg6[%squeeze3A_58, %dma_start3A_61] : memref<1000000x1xf32, #tpu.memory_space<hbm>> -> memref<1x1xf32, #tpu.memory_space<hbm>>
        %dma_start3A_63 = arith.constant 0 : i32
        %dma_start3A_64 = tpu.memref_slice %arg16[%add3A_49, %dma_start3A_63] : memref<128x1xf32, #tpu.memory_space<vmem>> -> memref<1x1xf32, #tpu.memory_space<vmem>>
        %dma_start3A_65 = arith.constant 0 : i32
        %dma_start3A_66 = tpu.memref_slice %arg6[%squeeze3A_58, %dma_start3A_65] : memref<1000000x1xf32, #tpu.memory_space<hbm>> -> memref<1x1xf32, #tpu.memory_space<hbm>>
        tpu.enqueue_dma source(%dma_start3A_66 : memref<1x1xf32, #tpu.memory_space<hbm>>) target(%dma_start3A_64 : memref<1x1xf32, #tpu.memory_space<vmem>>) target_semaphore(%arg19 : memref<!tpu.dma_semaphore, #tpu.memory_space<semaphore_mem>>)
        %slice3A_67 = vector.extract_strided_slice %get3A_44 {offsets = [0], sizes = [1], strides = [1]} : vector<16xi32> to vector<1xi32>
        %squeeze3A_68 = vector.extract %slice3A_67[0] : i32 from vector<1xi32>
        %dma_start3A_69 = arith.constant 0 : i32
        %dma_start3A_70 = tpu.memref_slice %arg14[%add3A_49, %dma_start3A_69] : memref<128x64xf32, #tpu.memory_space<vmem>> -> memref<1x64xf32, #tpu.memory_space<vmem>>
        %dma_start3A_71 = arith.constant 0 : i32
        %dma_start3A_72 = tpu.memref_slice %arg7[%squeeze3A_68, %dma_start3A_71] : memref<1000000x64xf32, #tpu.memory_space<hbm>> -> memref<1x64xf32, #tpu.memory_space<hbm>>
        %dma_start3A_73 = arith.constant 0 : i32
        %dma_start3A_74 = tpu.memref_slice %arg14[%add3A_49, %dma_start3A_73] : memref<128x64xf32, #tpu.memory_space<vmem>> -> memref<1x64xf32, #tpu.memory_space<vmem>>
        %dma_start3A_75 = arith.constant 0 : i32
        %dma_start3A_76 = tpu.memref_slice %arg7[%squeeze3A_68, %dma_start3A_75] : memref<1000000x64xf32, #tpu.memory_space<hbm>> -> memref<1x64xf32, #tpu.memory_space<hbm>>
        tpu.enqueue_dma source(%dma_start3A_76 : memref<1x64xf32, #tpu.memory_space<hbm>>) target(%dma_start3A_74 : memref<1x64xf32, #tpu.memory_space<vmem>>) target_semaphore(%arg20 : memref<!tpu.dma_semaphore, #tpu.memory_space<semaphore_mem>>)
        %slice3A_77 = vector.extract_strided_slice %get3A_47 {offsets = [0], sizes = [1], strides = [1]} : vector<16xi32> to vector<1xi32>
        %squeeze3A_78 = vector.extract %slice3A_77[0] : i32 from vector<1xi32>
        %dma_start3A_79 = arith.constant 0 : i32
        %dma_start3A_80 = tpu.memref_slice %arg15[%add3A_49, %dma_start3A_79] : memref<128x64xf32, #tpu.memory_space<vmem>> -> memref<1x64xf32, #tpu.memory_space<vmem>>
        %dma_start3A_81 = arith.constant 0 : i32
        %dma_start3A_82 = tpu.memref_slice %arg8[%squeeze3A_78, %dma_start3A_81] : memref<1000x64xf32, #tpu.memory_space<hbm>> -> memref<1x64xf32, #tpu.memory_space<hbm>>
        %dma_start3A_83 = arith.constant 0 : i32
        %dma_start3A_84 = tpu.memref_slice %arg15[%add3A_49, %dma_start3A_83] : memref<128x64xf32, #tpu.memory_space<vmem>> -> memref<1x64xf32, #tpu.memory_space<vmem>>
        %dma_start3A_85 = arith.constant 0 : i32
        %dma_start3A_86 = tpu.memref_slice %arg8[%squeeze3A_78, %dma_start3A_85] : memref<1000x64xf32, #tpu.memory_space<hbm>> -> memref<1x64xf32, #tpu.memory_space<hbm>>
        tpu.enqueue_dma source(%dma_start3A_86 : memref<1x64xf32, #tpu.memory_space<hbm>>) target(%dma_start3A_84 : memref<1x64xf32, #tpu.memory_space<vmem>>) target_semaphore(%arg21 : memref<!tpu.dma_semaphore, #tpu.memory_space<semaphore_mem>>)
        %add3A_87 = arith.constant 1 : i32
        %add3A_88 = arith.addi %mul3A_39, %add3A_87 : i32
        %slice3A_89 = vector.extract_strided_slice %get3A_41 {offsets = [1], sizes = [1], strides = [1]} : vector<16xi32> to vector<1xi32>
        %squeeze3A_90 = vector.extract %slice3A_89[0] : i32 from vector<1xi32>
        %dma_start3A_91 = arith.constant 0 : i32
        %dma_start3A_92 = tpu.memref_slice %arg13[%add3A_88, %dma_start3A_91] : memref<128x64xf32, #tpu.memory_space<vmem>> -> memref<1x64xf32, #tpu.memory_space<vmem>>
        %dma_start3A_93 = arith.constant 0 : i32
        %dma_start3A_94 = tpu.memref_slice %arg5[%squeeze3A_90, %dma_start3A_93] : memref<1000000x64xf32, #tpu.memory_space<hbm>> -> memref<1x64xf32, #tpu.memory_space<hbm>>
        %dma_start3A_95 = arith.constant 0 : i32
        %dma_start3A_96 = tpu.memref_slice %arg13[%add3A_88, %dma_start3A_95] : memref<128x64xf32, #tpu.memory_space<vmem>> -> memref<1x64xf32, #tpu.memory_space<vmem>>
        %dma_start3A_97 = arith.constant 0 : i32
        %dma_start3A_98 = tpu.memref_slice %arg5[%squeeze3A_90, %dma_start3A_97] : memref<1000000x64xf32, #tpu.memory_space<hbm>> -> memref<1x64xf32, #tpu.memory_space<hbm>>
        tpu.enqueue_dma source(%dma_start3A_98 : memref<1x64xf32, #tpu.memory_space<hbm>>) target(%dma_start3A_96 : memref<1x64xf32, #tpu.memory_space<vmem>>) target_semaphore(%arg18 : memref<!tpu.dma_semaphore, #tpu.memory_space<semaphore_mem>>)
        %slice3A_99 = vector.extract_strided_slice %get3A_41 {offsets = [1], sizes = [1], strides = [1]} : vector<16xi32> to vector<1xi32>
        %squeeze3A_100 = vector.extract %slice3A_99[0] : i32 from vector<1xi32>
        %dma_start3A_101 = arith.constant 0 : i32
        %dma_start3A_102 = tpu.memref_slice %arg16[%add3A_88, %dma_start3A_101] : memref<128x1xf32, #tpu.memory_space<vmem>> -> memref<1x1xf32, #tpu.memory_space<vmem>>
        %dma_start3A_103 = arith.constant 0 : i32
        %dma_start3A_104 = tpu.memref_slice %arg6[%squeeze3A_100, %dma_start3A_103] : memref<1000000x1xf32, #tpu.memory_space<hbm>> -> memref<1x1xf32, #tpu.memory_space<hbm>>
        %dma_start3A_105 = arith.constant 0 : i32
        %dma_start3A_106 = tpu.memref_slice %arg16[%add3A_88, %dma_start3A_105] : memref<128x1xf32, #tpu.memory_space<vmem>> -> memref<1x1xf32, #tpu.memory_space<vmem>>
        %dma_start3A_107 = arith.constant 0 : i32
        %dma_start3A_108 = tpu.memref_slice %arg6[%squeeze3A_100, %dma_start3A_107] : memref<1000000x1xf32, #tpu.memory_space<hbm>> -> memref<1x1xf32, #tpu.memory_space<hbm>>
        tpu.enqueue_dma source(%dma_start3A_108 : memref<1x1xf32, #tpu.memory_space<hbm>>) target(%dma_start3A_106 : memref<1x1xf32, #tpu.memory_space<vmem>>) target_semaphore(%arg19 : memref<!tpu.dma_semaphore, #tpu.memory_space<semaphore_mem>>)
        %slice3A_109 = vector.extract_strided_slice %get3A_44 {offsets = [1], sizes = [1], strides = [1]} : vector<16xi32> to vector<1xi32>
        %squeeze3A_110 = vector.extract %slice3A_109[0] : i32 from vector<1xi32>
        %dma_start3A_111 = arith.constant 0 : i32
        %dma_start3A_112 = tpu.memref_slice %arg14[%add3A_88, %dma_start3A_111] : memref<128x64xf32, #tpu.memory_space<vmem>> -> memref<1x64xf32, #tpu.memory_space<vmem>>
        %dma_start3A_113 = arith.constant 0 : i32
        %dma_start3A_114 = tpu.memref_slice %arg7[%squeeze3A_110, %dma_start3A_113] : memref<1000000x64xf32, #tpu.memory_space<hbm>> -> memref<1x64xf32, #tpu.memory_space<hbm>>
        %dma_start3A_115 = arith.constant 0 : i32
        %dma_start3A_116 = tpu.memref_slice %arg14[%add3A_88, %dma_start3A_115] : memref<128x64xf32, #tpu.memory_space<vmem>> -> memref<1x64xf32, #tpu.memory_space<vmem>>
        %dma_start3A_117 = arith.constant 0 : i32
        %dma_start3A_118 = tpu.memref_slice %arg7[%squeeze3A_110, %dma_start3A_117] : memref<1000000x64xf32, #tpu.memory_space<hbm>> -> memref<1x64xf32, #tpu.memory_space<hbm>>
        tpu.enqueue_dma source(%dma_start3A_118 : memref<1x64xf32, #tpu.memory_space<hbm>>) target(%dma_start3A_116 : memref<1x64xf32, #tpu.memory_space<vmem>>) target_semaphore(%arg20 : memref<!tpu.dma_semaphore, #tpu.memory_space<semaphore_mem>>)
        %slice3A_119 = vector.extract_strided_slice %get3A_47 {offsets = [1], sizes = [1], strides = [1]} : vector<16xi32> to vector<1xi32>
        %squeeze3A_120 = vector.extract %slice3A_119[0] : i32 from vector<1xi32>
        %dma_start3A_121 = arith.constant 0 : i32
        %dma_start3A_122 = tpu.memref_slice %arg15[%add3A_88, %dma_start3A_121] : memref<128x64xf32, #tpu.memory_space<vmem>> -> memref<1x64xf32, #tpu.memory_space<vmem>>
        %dma_start3A_123 = arith.constant 0 : i32
        %dma_start3A_124 = tpu.memref_slice %arg8[%squeeze3A_120, %dma_start3A_123] : memref<1000x64xf32, #tpu.memory_space<hbm>> -> memref<1x64xf32, #tpu.memory_space<hbm>>
        %dma_start3A_125 = arith.constant 0 : i32
        %dma_start3A_126 = tpu.memref_slice %arg15[%add3A_88, %dma_start3A_125] : memref<128x64xf32, #tpu.memory_space<vmem>> -> memref<1x64xf32, #tpu.memory_space<vmem>>
        %dma_start3A_127 = arith.constant 0 : i32
        %dma_start3A_128 = tpu.memref_slice %arg8[%squeeze3A_120, %dma_start3A_127] : memref<1000x64xf32, #tpu.memory_space<hbm>> -> memref<1x64xf32, #tpu.memory_space<hbm>>
        tpu.enqueue_dma source(%dma_start3A_128 : memref<1x64xf32, #tpu.memory_space<hbm>>) target(%dma_start3A_126 : memref<1x64xf32, #tpu.memory_space<vmem>>) target_semaphore(%arg21 : memref<!tpu.dma_semaphore, #tpu.memory_space<semaphore_mem>>)
        %add3A_129 = arith.constant 2 : i32
        %add3A_130 = arith.addi %mul3A_39, %add3A_129 : i32
        %slice3A_131 = vector.extract_strided_slice %get3A_41 {offsets = [2], sizes = [1], strides = [1]} : vector<16xi32> to vector<1xi32>
        %squeeze3A_132 = vector.extract %slice3A_131[0] : i32 from vector<1xi32>
        %dma_start3A_133 = arith.constant 0 : i32
        %dma_start3A_134 = tpu.memref_slice %arg13[%add3A_130, %dma_start3A_133] : memref<128x64xf32, #tpu.memory_space<vmem>> -> memref<1x64xf32, #tpu.memory_space<vmem>>
        %dma_start3A_135 = arith.constant 0 : i32
        %dma_start3A_136 = tpu.memref_slice %arg5[%squeeze3A_132, %dma_start3A_135] : memref<1000000x64xf32, #tpu.memory_space<hbm>> -> memref<1x64xf32, #tpu.memory_space<hbm>>
        %dma_start3A_137 = arith.constant 0 : i32
        %dma_start3A_138 = tpu.memref_slice %arg13[%add3A_130, %dma_start3A_137] : memref<128x64xf32, #tpu.memory_space<vmem>> -> memref<1x64xf32, #tpu.memory_space<vmem>>
        %dma_start3A_139 = arith.constant 0 : i32
        %dma_start3A_140 = tpu.memref_slice %arg5[%squeeze3A_132, %dma_start3A_139] : memref<1000000x64xf32, #tpu.memory_space<hbm>> -> memref<1x64xf32, #tpu.memory_space<hbm>>
        tpu.enqueue_dma source(%dma_start3A_140 : memref<1x64xf32, #tpu.memory_space<hbm>>) target(%dma_start3A_138 : memref<1x64xf32, #tpu.memory_space<vmem>>) target_semaphore(%arg18 : memref<!tpu.dma_semaphore, #tpu.memory_space<semaphore_mem>>)
        %slice3A_141 = vector.extract_strided_slice %get3A_41 {offsets = [2], sizes = [1], strides = [1]} : vector<16xi32> to vector<1xi32>
        %squeeze3A_142 = vector.extract %slice3A_141[0] : i32 from vector<1xi32>
        %dma_start3A_143 = arith.constant 0 : i32
        %dma_start3A_144 = tpu.memref_slice %arg16[%add3A_130, %dma_start3A_143] : memref<128x1xf32, #tpu.memory_space<vmem>> -> memref<1x1xf32, #tpu.memory_space<vmem>>
        %dma_start3A_145 = arith.constant 0 : i32
        %dma_start3A_146 = tpu.memref_slice %arg6[%squeeze3A_142, %dma_start3A_145] : memref<1000000x1xf32, #tpu.memory_space<hbm>> -> memref<1x1xf32, #tpu.memory_space<hbm>>
        %dma_start3A_147 = arith.constant 0 : i32
        %dma_start3A_148 = tpu.memref_slice %arg16[%add3A_130, %dma_start3A_147] : memref<128x1xf32, #tpu.memory_space<vmem>> -> memref<1x1xf32, #tpu.memory_space<vmem>>
        %dma_start3A_149 = arith.constant 0 : i32
        %dma_start3A_150 = tpu.memref_slice %arg6[%squeeze3A_142, %dma_start3A_149] : memref<1000000x1xf32, #tpu.memory_space<hbm>> -> memref<1x1xf32, #tpu.memory_space<hbm>>
        tpu.enqueue_dma source(%dma_start3A_150 : memref<1x1xf32, #tpu.memory_space<hbm>>) target(%dma_start3A_148 : memref<1x1xf32, #tpu.memory_space<vmem>>) target_semaphore(%arg19 : memref<!tpu.dma_semaphore, #tpu.memory_space<semaphore_mem>>)
        %slice3A_151 = vector.extract_strided_slice %get3A_44 {offsets = [2], sizes = [1], strides = [1]} : vector<16xi32> to vector<1xi32>
        %squeeze3A_152 = vector.extract %slice3A_151[0] : i32 from vector<1xi32>
        %dma_start3A_153 = arith.constant 0 : i32
        %dma_start3A_154 = tpu.memref_slice %arg14[%add3A_130, %dma_start3A_153] : memref<128x64xf32, #tpu.memory_space<vmem>> -> memref<1x64xf32, #tpu.memory_space<vmem>>
        %dma_start3A_155 = arith.constant 0 : i32
        %dma_start3A_156 = tpu.memref_slice %arg7[%squeeze3A_152, %dma_start3A_155] : memref<1000000x64xf32, #tpu.memory_space<hbm>> -> memref<1x64xf32, #tpu.memory_space<hbm>>
        %dma_start3A_157 = arith.constant 0 : i32
        %dma_start3A_158 = tpu.memref_slice %arg14[%add3A_130, %dma_start3A_157] : memref<128x64xf32, #tpu.memory_space<vmem>> -> memref<1x64xf32, #tpu.memory_space<vmem>>
        %dma_start3A_159 = arith.constant 0 : i32
        %dma_start3A_160 = tpu.memref_slice %arg7[%squeeze3A_152, %dma_start3A_159] : memref<1000000x64xf32, #tpu.memory_space<hbm>> -> memref<1x64xf32, #tpu.memory_space<hbm>>
        tpu.enqueue_dma source(%dma_start3A_160 : memref<1x64xf32, #tpu.memory_space<hbm>>) target(%dma_start3A_158 : memref<1x64xf32, #tpu.memory_space<vmem>>) target_semaphore(%arg20 : memref<!tpu.dma_semaphore, #tpu.memory_space<semaphore_mem>>)
        %slice3A_161 = vector.extract_strided_slice %get3A_47 {offsets = [2], sizes = [1], strides = [1]} : vector<16xi32> to vector<1xi32>
        %squeeze3A_162 = vector.extract %slice3A_161[0] : i32 from vector<1xi32>
        %dma_start3A_163 = arith.constant 0 : i32
        %dma_start3A_164 = tpu.memref_slice %arg15[%add3A_130, %dma_start3A_163] : memref<128x64xf32, #tpu.memory_space<vmem>> -> memref<1x64xf32, #tpu.memory_space<vmem>>
        %dma_start3A_165 = arith.constant 0 : i32
        %dma_start3A_166 = tpu.memref_slice %arg8[%squeeze3A_162, %dma_start3A_165] : memref<1000x64xf32, #tpu.memory_space<hbm>> -> memref<1x64xf32, #tpu.memory_space<hbm>>
        %dma_start3A_167 = arith.constant 0 : i32
        %dma_start3A_168 = tpu.memref_slice %arg15[%add3A_130, %dma_start3A_167] : memref<128x64xf32, #tpu.memory_space<vmem>> -> memref<1x64xf32, #tpu.memory_space<vmem>>
        %dma_start3A_169 = arith.constant 0 : i32
        %dma_start3A_170 = tpu.memref_slice %arg8[%squeeze3A_162, %dma_start3A_169] : memref<1000x64xf32, #tpu.memory_space<hbm>> -> memref<1x64xf32, #tpu.memory_space<hbm>>
        tpu.enqueue_dma source(%dma_start3A_170 : memref<1x64xf32, #tpu.memory_space<hbm>>) target(%dma_start3A_168 : memref<1x64xf32, #tpu.memory_space<vmem>>) target_semaphore(%arg21 : memref<!tpu.dma_semaphore, #tpu.memory_space<semaphore_mem>>)
        %add3A_171 = arith.constant 3 : i32
        %add3A_172 = arith.addi %mul3A_39, %add3A_171 : i32
        %slice3A_173 = vector.extract_strided_slice %get3A_41 {offsets = [3], sizes = [1], strides = [1]} : vector<16xi32> to vector<1xi32>
        %squeeze3A_174 = vector.extract %slice3A_173[0] : i32 from vector<1xi32>
        %dma_start3A_175 = arith.constant 0 : i32
        %dma_start3A_176 = tpu.memref_slice %arg13[%add3A_172, %dma_start3A_175] : memref<128x64xf32, #tpu.memory_space<vmem>> -> memref<1x64xf32, #tpu.memory_space<vmem>>
        %dma_start3A_177 = arith.constant 0 : i32
        %dma_start3A_178 = tpu.memref_slice %arg5[%squeeze3A_174, %dma_start3A_177] : memref<1000000x64xf32, #tpu.memory_space<hbm>> -> memref<1x64xf32, #tpu.memory_space<hbm>>
        %dma_start3A_179 = arith.constant 0 : i32
        %dma_start3A_180 = tpu.memref_slice %arg13[%add3A_172, %dma_start3A_179] : memref<128x64xf32, #tpu.memory_space<vmem>> -> memref<1x64xf32, #tpu.memory_space<vmem>>
        %dma_start3A_181 = arith.constant 0 : i32
        %dma_start3A_182 = tpu.memref_slice %arg5[%squeeze3A_174, %dma_start3A_181] : memref<1000000x64xf32, #tpu.memory_space<hbm>> -> memref<1x64xf32, #tpu.memory_space<hbm>>
        tpu.enqueue_dma source(%dma_start3A_182 : memref<1x64xf32, #tpu.memory_space<hbm>>) target(%dma_start3A_180 : memref<1x64xf32, #tpu.memory_space<vmem>>) target_semaphore(%arg18 : memref<!tpu.dma_semaphore, #tpu.memory_space<semaphore_mem>>)
        %slice3A_183 = vector.extract_strided_slice %get3A_41 {offsets = [3], sizes = [1], strides = [1]} : vector<16xi32> to vector<1xi32>
        %squeeze3A_184 = vector.extract %slice3A_183[0] : i32 from vector<1xi32>
        %dma_start3A_185 = arith.constant 0 : i32
        %dma_start3A_186 = tpu.memref_slice %arg16[%add3A_172, %dma_start3A_185] : memref<128x1xf32, #tpu.memory_space<vmem>> -> memref<1x1xf32, #tpu.memory_space<vmem>>
        %dma_start3A_187 = arith.constant 0 : i32
        %dma_start3A_188 = tpu.memref_slice %arg6[%squeeze3A_184, %dma_start3A_187] : memref<1000000x1xf32, #tpu.memory_space<hbm>> -> memref<1x1xf32, #tpu.memory_space<hbm>>
        %dma_start3A_189 = arith.constant 0 : i32
        %dma_start3A_190 = tpu.memref_slice %arg16[%add3A_172, %dma_start3A_189] : memref<128x1xf32, #tpu.memory_space<vmem>> -> memref<1x1xf32, #tpu.memory_space<vmem>>
        %dma_start3A_191 = arith.constant 0 : i32
        %dma_start3A_192 = tpu.memref_slice %arg6[%squeeze3A_184, %dma_start3A_191] : memref<1000000x1xf32, #tpu.memory_space<hbm>> -> memref<1x1xf32, #tpu.memory_space<hbm>>
        tpu.enqueue_dma source(%dma_start3A_192 : memref<1x1xf32, #tpu.memory_space<hbm>>) target(%dma_start3A_190 : memref<1x1xf32, #tpu.memory_space<vmem>>) target_semaphore(%arg19 : memref<!tpu.dma_semaphore, #tpu.memory_space<semaphore_mem>>)
        %slice3A_193 = vector.extract_strided_slice %get3A_44 {offsets = [3], sizes = [1], strides = [1]} : vector<16xi32> to vector<1xi32>
        %squeeze3A_194 = vector.extract %slice3A_193[0] : i32 from vector<1xi32>
        %dma_start3A_195 = arith.constant 0 : i32
        %dma_start3A_196 = tpu.memref_slice %arg14[%add3A_172, %dma_start3A_195] : memref<128x64xf32, #tpu.memory_space<vmem>> -> memref<1x64xf32, #tpu.memory_space<vmem>>
        %dma_start3A_197 = arith.constant 0 : i32
        %dma_start3A_198 = tpu.memref_slice %arg7[%squeeze3A_194, %dma_start3A_197] : memref<1000000x64xf32, #tpu.memory_space<hbm>> -> memref<1x64xf32, #tpu.memory_space<hbm>>
        %dma_start3A_199 = arith.constant 0 : i32
        %dma_start3A_200 = tpu.memref_slice %arg14[%add3A_172, %dma_start3A_199] : memref<128x64xf32, #tpu.memory_space<vmem>> -> memref<1x64xf32, #tpu.memory_space<vmem>>
        %dma_start3A_201 = arith.constant 0 : i32
        %dma_start3A_202 = tpu.memref_slice %arg7[%squeeze3A_194, %dma_start3A_201] : memref<1000000x64xf32, #tpu.memory_space<hbm>> -> memref<1x64xf32, #tpu.memory_space<hbm>>
        tpu.enqueue_dma source(%dma_start3A_202 : memref<1x64xf32, #tpu.memory_space<hbm>>) target(%dma_start3A_200 : memref<1x64xf32, #tpu.memory_space<vmem>>) target_semaphore(%arg20 : memref<!tpu.dma_semaphore, #tpu.memory_space<semaphore_mem>>)
        %slice3A_203 = vector.extract_strided_slice %get3A_47 {offsets = [3], sizes = [1], strides = [1]} : vector<16xi32> to vector<1xi32>
        %squeeze3A_204 = vector.extract %slice3A_203[0] : i32 from vector<1xi32>
        %dma_start3A_205 = arith.constant 0 : i32
        %dma_start3A_206 = tpu.memref_slice %arg15[%add3A_172, %dma_start3A_205] : memref<128x64xf32, #tpu.memory_space<vmem>> -> memref<1x64xf32, #tpu.memory_space<vmem>>
        %dma_start3A_207 = arith.constant 0 : i32
        %dma_start3A_208 = tpu.memref_slice %arg8[%squeeze3A_204, %dma_start3A_207] : memref<1000x64xf32, #tpu.memory_space<hbm>> -> memref<1x64xf32, #tpu.memory_space<hbm>>
        %dma_start3A_209 = arith.constant 0 : i32
        %dma_start3A_210 = tpu.memref_slice %arg15[%add3A_172, %dma_start3A_209] : memref<128x64xf32, #tpu.memory_space<vmem>> -> memref<1x64xf32, #tpu.memory_space<vmem>>
        %dma_start3A_211 = arith.constant 0 : i32
        %dma_start3A_212 = tpu.memref_slice %arg8[%squeeze3A_204, %dma_start3A_211] : memref<1000x64xf32, #tpu.memory_space<hbm>> -> memref<1x64xf32, #tpu.memory_space<hbm>>
        tpu.enqueue_dma source(%dma_start3A_212 : memref<1x64xf32, #tpu.memory_space<hbm>>) target(%dma_start3A_210 : memref<1x64xf32, #tpu.memory_space<vmem>>) target_semaphore(%arg21 : memref<!tpu.dma_semaphore, #tpu.memory_space<semaphore_mem>>)
        %add3A_213 = arith.constant 4 : i32
        %add3A_214 = arith.addi %mul3A_39, %add3A_213 : i32
        %slice3A_215 = vector.extract_strided_slice %get3A_41 {offsets = [4], sizes = [1], strides = [1]} : vector<16xi32> to vector<1xi32>
        %squeeze3A_216 = vector.extract %slice3A_215[0] : i32 from vector<1xi32>
        %dma_start3A_217 = arith.constant 0 : i32
        %dma_start3A_218 = tpu.memref_slice %arg13[%add3A_214, %dma_start3A_217] : memref<128x64xf32, #tpu.memory_space<vmem>> -> memref<1x64xf32, #tpu.memory_space<vmem>>
        %dma_start3A_219 = arith.constant 0 : i32
        %dma_start3A_220 = tpu.memref_slice %arg5[%squeeze3A_216, %dma_start3A_219] : memref<1000000x64xf32, #tpu.memory_space<hbm>> -> memref<1x64xf32, #tpu.memory_space<hbm>>
        %dma_start3A_221 = arith.constant 0 : i32
        %dma_start3A_222 = tpu.memref_slice %arg13[%add3A_214, %dma_start3A_221] : memref<128x64xf32, #tpu.memory_space<vmem>> -> memref<1x64xf32, #tpu.memory_space<vmem>>
        %dma_start3A_223 = arith.constant 0 : i32
        %dma_start3A_224 = tpu.memref_slice %arg5[%squeeze3A_216, %dma_start3A_223] : memref<1000000x64xf32, #tpu.memory_space<hbm>> -> memref<1x64xf32, #tpu.memory_space<hbm>>
        tpu.enqueue_dma source(%dma_start3A_224 : memref<1x64xf32, #tpu.memory_space<hbm>>) target(%dma_start3A_222 : memref<1x64xf32, #tpu.memory_space<vmem>>) target_semaphore(%arg18 : memref<!tpu.dma_semaphore, #tpu.memory_space<semaphore_mem>>)
        %slice3A_225 = vector.extract_strided_slice %get3A_41 {offsets = [4], sizes = [1], strides = [1]} : vector<16xi32> to vector<1xi32>
        %squeeze3A_226 = vector.extract %slice3A_225[0] : i32 from vector<1xi32>
        %dma_start3A_227 = arith.constant 0 : i32
        %dma_start3A_228 = tpu.memref_slice %arg16[%add3A_214, %dma_start3A_227] : memref<128x1xf32, #tpu.memory_space<vmem>> -> memref<1x1xf32, #tpu.memory_space<vmem>>
        %dma_start3A_229 = arith.constant 0 : i32
        %dma_start3A_230 = tpu.memref_slice %arg6[%squeeze3A_226, %dma_start3A_229] : memref<1000000x1xf32, #tpu.memory_space<hbm>> -> memref<1x1xf32, #tpu.memory_space<hbm>>
        %dma_start3A_231 = arith.constant 0 : i32
        %dma_start3A_232 = tpu.memref_slice %arg16[%add3A_214, %dma_start3A_231] : memref<128x1xf32, #tpu.memory_space<vmem>> -> memref<1x1xf32, #tpu.memory_space<vmem>>
        %dma_start3A_233 = arith.constant 0 : i32
        %dma_start3A_234 = tpu.memref_slice %arg6[%squeeze3A_226, %dma_start3A_233] : memref<1000000x1xf32, #tpu.memory_space<hbm>> -> memref<1x1xf32, #tpu.memory_space<hbm>>
        tpu.enqueue_dma source(%dma_start3A_234 : memref<1x1xf32, #tpu.memory_space<hbm>>) target(%dma_start3A_232 : memref<1x1xf32, #tpu.memory_space<vmem>>) target_semaphore(%arg19 : memref<!tpu.dma_semaphore, #tpu.memory_space<semaphore_mem>>)
        %slice3A_235 = vector.extract_strided_slice %get3A_44 {offsets = [4], sizes = [1], strides = [1]} : vector<16xi32> to vector<1xi32>
        %squeeze3A_236 = vector.extract %slice3A_235[0] : i32 from vector<1xi32>
        %dma_start3A_237 = arith.constant 0 : i32
        %dma_start3A_238 = tpu.memref_slice %arg14[%add3A_214, %dma_start3A_237] : memref<128x64xf32, #tpu.memory_space<vmem>> -> memref<1x64xf32, #tpu.memory_space<vmem>>
        %dma_start3A_239 = arith.constant 0 : i32
        %dma_start3A_240 = tpu.memref_slice %arg7[%squeeze3A_236, %dma_start3A_239] : memref<1000000x64xf32, #tpu.memory_space<hbm>> -> memref<1x64xf32, #tpu.memory_space<hbm>>
        %dma_start3A_241 = arith.constant 0 : i32
        %dma_start3A_242 = tpu.memref_slice %arg14[%add3A_214, %dma_start3A_241] : memref<128x64xf32, #tpu.memory_space<vmem>> -> memref<1x64xf32, #tpu.memory_space<vmem>>
        %dma_start3A_243 = arith.constant 0 : i32
        %dma_start3A_244 = tpu.memref_slice %arg7[%squeeze3A_236, %dma_start3A_243] : memref<1000000x64xf32, #tpu.memory_space<hbm>> -> memref<1x64xf32, #tpu.memory_space<hbm>>
        tpu.enqueue_dma source(%dma_start3A_244 : memref<1x64xf32, #tpu.memory_space<hbm>>) target(%dma_start3A_242 : memref<1x64xf32, #tpu.memory_space<vmem>>) target_semaphore(%arg20 : memref<!tpu.dma_semaphore, #tpu.memory_space<semaphore_mem>>)
        %slice3A_245 = vector.extract_strided_slice %get3A_47 {offsets = [4], sizes = [1], strides = [1]} : vector<16xi32> to vector<1xi32>
        %squeeze3A_246 = vector.extract %slice3A_245[0] : i32 from vector<1xi32>
        %dma_start3A_247 = arith.constant 0 : i32
        %dma_start3A_248 = tpu.memref_slice %arg15[%add3A_214, %dma_start3A_247] : memref<128x64xf32, #tpu.memory_space<vmem>> -> memref<1x64xf32, #tpu.memory_space<vmem>>
        %dma_start3A_249 = arith.constant 0 : i32
        %dma_start3A_250 = tpu.memref_slice %arg8[%squeeze3A_246, %dma_start3A_249] : memref<1000x64xf32, #tpu.memory_space<hbm>> -> memref<1x64xf32, #tpu.memory_space<hbm>>
        %dma_start3A_251 = arith.constant 0 : i32
        %dma_start3A_252 = tpu.memref_slice %arg15[%add3A_214, %dma_start3A_251] : memref<128x64xf32, #tpu.memory_space<vmem>> -> memref<1x64xf32, #tpu.memory_space<vmem>>
        %dma_start3A_253 = arith.constant 0 : i32
        %dma_start3A_254 = tpu.memref_slice %arg8[%squeeze3A_246, %dma_start3A_253] : memref<1000x64xf32, #tpu.memory_space<hbm>> -> memref<1x64xf32, #tpu.memory_space<hbm>>
        tpu.enqueue_dma source(%dma_start3A_254 : memref<1x64xf32, #tpu.memory_space<hbm>>) target(%dma_start3A_252 : memref<1x64xf32, #tpu.memory_space<vmem>>) target_semaphore(%arg21 : memref<!tpu.dma_semaphore, #tpu.memory_space<semaphore_mem>>)
        %add3A_255 = arith.constant 5 : i32
        %add3A_256 = arith.addi %mul3A_39, %add3A_255 : i32
        %slice3A_257 = vector.extract_strided_slice %get3A_41 {offsets = [5], sizes = [1], strides = [1]} : vector<16xi32> to vector<1xi32>
        %squeeze3A_258 = vector.extract %slice3A_257[0] : i32 from vector<1xi32>
        %dma_start3A_259 = arith.constant 0 : i32
        %dma_start3A_260 = tpu.memref_slice %arg13[%add3A_256, %dma_start3A_259] : memref<128x64xf32, #tpu.memory_space<vmem>> -> memref<1x64xf32, #tpu.memory_space<vmem>>
        %dma_start3A_261 = arith.constant 0 : i32
        %dma_start3A_262 = tpu.memref_slice %arg5[%squeeze3A_258, %dma_start3A_261] : memref<1000000x64xf32, #tpu.memory_space<hbm>> -> memref<1x64xf32, #tpu.memory_space<hbm>>
        %dma_start3A_263 = arith.constant 0 : i32
        %dma_start3A_264 = tpu.memref_slice %arg13[%add3A_256, %dma_start3A_263] : memref<128x64xf32, #tpu.memory_space<vmem>> -> memref<1x64xf32, #tpu.memory_space<vmem>>
        %dma_start3A_265 = arith.constant 0 : i32
        %dma_start3A_266 = tpu.memref_slice %arg5[%squeeze3A_258, %dma_start3A_265] : memref<1000000x64xf32, #tpu.memory_space<hbm>> -> memref<1x64xf32, #tpu.memory_space<hbm>>
        tpu.enqueue_dma source(%dma_start3A_266 : memref<1x64xf32, #tpu.memory_space<hbm>>) target(%dma_start3A_264 : memref<1x64xf32, #tpu.memory_space<vmem>>) target_semaphore(%arg18 : memref<!tpu.dma_semaphore, #tpu.memory_space<semaphore_mem>>)
        %slice3A_267 = vector.extract_strided_slice %get3A_41 {offsets = [5], sizes = [1], strides = [1]} : vector<16xi32> to vector<1xi32>
        %squeeze3A_268 = vector.extract %slice3A_267[0] : i32 from vector<1xi32>
        %dma_start3A_269 = arith.constant 0 : i32
        %dma_start3A_270 = tpu.memref_slice %arg16[%add3A_256, %dma_start3A_269] : memref<128x1xf32, #tpu.memory_space<vmem>> -> memref<1x1xf32, #tpu.memory_space<vmem>>
        %dma_start3A_271 = arith.constant 0 : i32
        %dma_start3A_272 = tpu.memref_slice %arg6[%squeeze3A_268, %dma_start3A_271] : memref<1000000x1xf32, #tpu.memory_space<hbm>> -> memref<1x1xf32, #tpu.memory_space<hbm>>
        %dma_start3A_273 = arith.constant 0 : i32
        %dma_start3A_274 = tpu.memref_slice %arg16[%add3A_256, %dma_start3A_273] : memref<128x1xf32, #tpu.memory_space<vmem>> -> memref<1x1xf32, #tpu.memory_space<vmem>>
        %dma_start3A_275 = arith.constant 0 : i32
        %dma_start3A_276 = tpu.memref_slice %arg6[%squeeze3A_268, %dma_start3A_275] : memref<1000000x1xf32, #tpu.memory_space<hbm>> -> memref<1x1xf32, #tpu.memory_space<hbm>>
        tpu.enqueue_dma source(%dma_start3A_276 : memref<1x1xf32, #tpu.memory_space<hbm>>) target(%dma_start3A_274 : memref<1x1xf32, #tpu.memory_space<vmem>>) target_semaphore(%arg19 : memref<!tpu.dma_semaphore, #tpu.memory_space<semaphore_mem>>)
        %slice3A_277 = vector.extract_strided_slice %get3A_44 {offsets = [5], sizes = [1], strides = [1]} : vector<16xi32> to vector<1xi32>
        %squeeze3A_278 = vector.extract %slice3A_277[0] : i32 from vector<1xi32>
        %dma_start3A_279 = arith.constant 0 : i32
        %dma_start3A_280 = tpu.memref_slice %arg14[%add3A_256, %dma_start3A_279] : memref<128x64xf32, #tpu.memory_space<vmem>> -> memref<1x64xf32, #tpu.memory_space<vmem>>
        %dma_start3A_281 = arith.constant 0 : i32
        %dma_start3A_282 = tpu.memref_slice %arg7[%squeeze3A_278, %dma_start3A_281] : memref<1000000x64xf32, #tpu.memory_space<hbm>> -> memref<1x64xf32, #tpu.memory_space<hbm>>
        %dma_start3A_283 = arith.constant 0 : i32
        %dma_start3A_284 = tpu.memref_slice %arg14[%add3A_256, %dma_start3A_283] : memref<128x64xf32, #tpu.memory_space<vmem>> -> memref<1x64xf32, #tpu.memory_space<vmem>>
        %dma_start3A_285 = arith.constant 0 : i32
        %dma_start3A_286 = tpu.memref_slice %arg7[%squeeze3A_278, %dma_start3A_285] : memref<1000000x64xf32, #tpu.memory_space<hbm>> -> memref<1x64xf32, #tpu.memory_space<hbm>>
        tpu.enqueue_dma source(%dma_start3A_286 : memref<1x64xf32, #tpu.memory_space<hbm>>) target(%dma_start3A_284 : memref<1x64xf32, #tpu.memory_space<vmem>>) target_semaphore(%arg20 : memref<!tpu.dma_semaphore, #tpu.memory_space<semaphore_mem>>)
        %slice3A_287 = vector.extract_strided_slice %get3A_47 {offsets = [5], sizes = [1], strides = [1]} : vector<16xi32> to vector<1xi32>
        %squeeze3A_288 = vector.extract %slice3A_287[0] : i32 from vector<1xi32>
        %dma_start3A_289 = arith.constant 0 : i32
        %dma_start3A_290 = tpu.memref_slice %arg15[%add3A_256, %dma_start3A_289] : memref<128x64xf32, #tpu.memory_space<vmem>> -> memref<1x64xf32, #tpu.memory_space<vmem>>
        %dma_start3A_291 = arith.constant 0 : i32
        %dma_start3A_292 = tpu.memref_slice %arg8[%squeeze3A_288, %dma_start3A_291] : memref<1000x64xf32, #tpu.memory_space<hbm>> -> memref<1x64xf32, #tpu.memory_space<hbm>>
        %dma_start3A_293 = arith.constant 0 : i32
        %dma_start3A_294 = tpu.memref_slice %arg15[%add3A_256, %dma_start3A_293] : memref<128x64xf32, #tpu.memory_space<vmem>> -> memref<1x64xf32, #tpu.memory_space<vmem>>
        %dma_start3A_295 = arith.constant 0 : i32
        %dma_start3A_296 = tpu.memref_slice %arg8[%squeeze3A_288, %dma_start3A_295] : memref<1000x64xf32, #tpu.memory_space<hbm>> -> memref<1x64xf32, #tpu.memory_space<hbm>>
        tpu.enqueue_dma source(%dma_start3A_296 : memref<1x64xf32, #tpu.memory_space<hbm>>) target(%dma_start3A_294 : memref<1x64xf32, #tpu.memory_space<vmem>>) target_semaphore(%arg21 : memref<!tpu.dma_semaphore, #tpu.memory_space<semaphore_mem>>)
        %add3A_297 = arith.constant 6 : i32
        %add3A_298 = arith.addi %mul3A_39, %add3A_297 : i32
        %slice3A_299 = vector.extract_strided_slice %get3A_41 {offsets = [6], sizes = [1], strides = [1]} : vector<16xi32> to vector<1xi32>
        %squeeze3A_300 = vector.extract %slice3A_299[0] : i32 from vector<1xi32>
        %dma_start3A_301 = arith.constant 0 : i32
        %dma_start3A_302 = tpu.memref_slice %arg13[%add3A_298, %dma_start3A_301] : memref<128x64xf32, #tpu.memory_space<vmem>> -> memref<1x64xf32, #tpu.memory_space<vmem>>
        %dma_start3A_303 = arith.constant 0 : i32
        %dma_start3A_304 = tpu.memref_slice %arg5[%squeeze3A_300, %dma_start3A_303] : memref<1000000x64xf32, #tpu.memory_space<hbm>> -> memref<1x64xf32, #tpu.memory_space<hbm>>
        %dma_start3A_305 = arith.constant 0 : i32
        %dma_start3A_306 = tpu.memref_slice %arg13[%add3A_298, %dma_start3A_305] : memref<128x64xf32, #tpu.memory_space<vmem>> -> memref<1x64xf32, #tpu.memory_space<vmem>>
        %dma_start3A_307 = arith.constant 0 : i32
        %dma_start3A_308 = tpu.memref_slice %arg5[%squeeze3A_300, %dma_start3A_307] : memref<1000000x64xf32, #tpu.memory_space<hbm>> -> memref<1x64xf32, #tpu.memory_space<hbm>>
        tpu.enqueue_dma source(%dma_start3A_308 : memref<1x64xf32, #tpu.memory_space<hbm>>) target(%dma_start3A_306 : memref<1x64xf32, #tpu.memory_space<vmem>>) target_semaphore(%arg18 : memref<!tpu.dma_semaphore, #tpu.memory_space<semaphore_mem>>)
        %slice3A_309 = vector.extract_strided_slice %get3A_41 {offsets = [6], sizes = [1], strides = [1]} : vector<16xi32> to vector<1xi32>
        %squeeze3A_310 = vector.extract %slice3A_309[0] : i32 from vector<1xi32>
        %dma_start3A_311 = arith.constant 0 : i32
        %dma_start3A_312 = tpu.memref_slice %arg16[%add3A_298, %dma_start3A_311] : memref<128x1xf32, #tpu.memory_space<vmem>> -> memref<1x1xf32, #tpu.memory_space<vmem>>
        %dma_start3A_313 = arith.constant 0 : i32
        %dma_start3A_314 = tpu.memref_slice %arg6[%squeeze3A_310, %dma_start3A_313] : memref<1000000x1xf32, #tpu.memory_space<hbm>> -> memref<1x1xf32, #tpu.memory_space<hbm>>
        %dma_start3A_315 = arith.constant 0 : i32
        %dma_start3A_316 = tpu.memref_slice %arg16[%add3A_298, %dma_start3A_315] : memref<128x1xf32, #tpu.memory_space<vmem>> -> memref<1x1xf32, #tpu.memory_space<vmem>>
        %dma_start3A_317 = arith.constant 0 : i32
        %dma_start3A_318 = tpu.memref_slice %arg6[%squeeze3A_310, %dma_start3A_317] : memref<1000000x1xf32, #tpu.memory_space<hbm>> -> memref<1x1xf32, #tpu.memory_space<hbm>>
        tpu.enqueue_dma source(%dma_start3A_318 : memref<1x1xf32, #tpu.memory_space<hbm>>) target(%dma_start3A_316 : memref<1x1xf32, #tpu.memory_space<vmem>>) target_semaphore(%arg19 : memref<!tpu.dma_semaphore, #tpu.memory_space<semaphore_mem>>)
        %slice3A_319 = vector.extract_strided_slice %get3A_44 {offsets = [6], sizes = [1], strides = [1]} : vector<16xi32> to vector<1xi32>
        %squeeze3A_320 = vector.extract %slice3A_319[0] : i32 from vector<1xi32>
        %dma_start3A_321 = arith.constant 0 : i32
        %dma_start3A_322 = tpu.memref_slice %arg14[%add3A_298, %dma_start3A_321] : memref<128x64xf32, #tpu.memory_space<vmem>> -> memref<1x64xf32, #tpu.memory_space<vmem>>
        %dma_start3A_323 = arith.constant 0 : i32
        %dma_start3A_324 = tpu.memref_slice %arg7[%squeeze3A_320, %dma_start3A_323] : memref<1000000x64xf32, #tpu.memory_space<hbm>> -> memref<1x64xf32, #tpu.memory_space<hbm>>
        %dma_start3A_325 = arith.constant 0 : i32
        %dma_start3A_326 = tpu.memref_slice %arg14[%add3A_298, %dma_start3A_325] : memref<128x64xf32, #tpu.memory_space<vmem>> -> memref<1x64xf32, #tpu.memory_space<vmem>>
        %dma_start3A_327 = arith.constant 0 : i32
        %dma_start3A_328 = tpu.memref_slice %arg7[%squeeze3A_320, %dma_start3A_327] : memref<1000000x64xf32, #tpu.memory_space<hbm>> -> memref<1x64xf32, #tpu.memory_space<hbm>>
        tpu.enqueue_dma source(%dma_start3A_328 : memref<1x64xf32, #tpu.memory_space<hbm>>) target(%dma_start3A_326 : memref<1x64xf32, #tpu.memory_space<vmem>>) target_semaphore(%arg20 : memref<!tpu.dma_semaphore, #tpu.memory_space<semaphore_mem>>)
        %slice3A_329 = vector.extract_strided_slice %get3A_47 {offsets = [6], sizes = [1], strides = [1]} : vector<16xi32> to vector<1xi32>
        %squeeze3A_330 = vector.extract %slice3A_329[0] : i32 from vector<1xi32>
        %dma_start3A_331 = arith.constant 0 : i32
        %dma_start3A_332 = tpu.memref_slice %arg15[%add3A_298, %dma_start3A_331] : memref<128x64xf32, #tpu.memory_space<vmem>> -> memref<1x64xf32, #tpu.memory_space<vmem>>
        %dma_start3A_333 = arith.constant 0 : i32
        %dma_start3A_334 = tpu.memref_slice %arg8[%squeeze3A_330, %dma_start3A_333] : memref<1000x64xf32, #tpu.memory_space<hbm>> -> memref<1x64xf32, #tpu.memory_space<hbm>>
        %dma_start3A_335 = arith.constant 0 : i32
        %dma_start3A_336 = tpu.memref_slice %arg15[%add3A_298, %dma_start3A_335] : memref<128x64xf32, #tpu.memory_space<vmem>> -> memref<1x64xf32, #tpu.memory_space<vmem>>
        %dma_start3A_337 = arith.constant 0 : i32
        %dma_start3A_338 = tpu.memref_slice %arg8[%squeeze3A_330, %dma_start3A_337] : memref<1000x64xf32, #tpu.memory_space<hbm>> -> memref<1x64xf32, #tpu.memory_space<hbm>>
        tpu.enqueue_dma source(%dma_start3A_338 : memref<1x64xf32, #tpu.memory_space<hbm>>) target(%dma_start3A_336 : memref<1x64xf32, #tpu.memory_space<vmem>>) target_semaphore(%arg21 : memref<!tpu.dma_semaphore, #tpu.memory_space<semaphore_mem>>)
        %add3A_339 = arith.constant 7 : i32
        %add3A_340 = arith.addi %mul3A_39, %add3A_339 : i32
        %slice3A_341 = vector.extract_strided_slice %get3A_41 {offsets = [7], sizes = [1], strides = [1]} : vector<16xi32> to vector<1xi32>
        %squeeze3A_342 = vector.extract %slice3A_341[0] : i32 from vector<1xi32>
        %dma_start3A_343 = arith.constant 0 : i32
        %dma_start3A_344 = tpu.memref_slice %arg13[%add3A_340, %dma_start3A_343] : memref<128x64xf32, #tpu.memory_space<vmem>> -> memref<1x64xf32, #tpu.memory_space<vmem>>
        %dma_start3A_345 = arith.constant 0 : i32
        %dma_start3A_346 = tpu.memref_slice %arg5[%squeeze3A_342, %dma_start3A_345] : memref<1000000x64xf32, #tpu.memory_space<hbm>> -> memref<1x64xf32, #tpu.memory_space<hbm>>
        %dma_start3A_347 = arith.constant 0 : i32
        %dma_start3A_348 = tpu.memref_slice %arg13[%add3A_340, %dma_start3A_347] : memref<128x64xf32, #tpu.memory_space<vmem>> -> memref<1x64xf32, #tpu.memory_space<vmem>>
        %dma_start3A_349 = arith.constant 0 : i32
        %dma_start3A_350 = tpu.memref_slice %arg5[%squeeze3A_342, %dma_start3A_349] : memref<1000000x64xf32, #tpu.memory_space<hbm>> -> memref<1x64xf32, #tpu.memory_space<hbm>>
        tpu.enqueue_dma source(%dma_start3A_350 : memref<1x64xf32, #tpu.memory_space<hbm>>) target(%dma_start3A_348 : memref<1x64xf32, #tpu.memory_space<vmem>>) target_semaphore(%arg18 : memref<!tpu.dma_semaphore, #tpu.memory_space<semaphore_mem>>)
        %slice3A_351 = vector.extract_strided_slice %get3A_41 {offsets = [7], sizes = [1], strides = [1]} : vector<16xi32> to vector<1xi32>
        %squeeze3A_352 = vector.extract %slice3A_351[0] : i32 from vector<1xi32>
        %dma_start3A_353 = arith.constant 0 : i32
        %dma_start3A_354 = tpu.memref_slice %arg16[%add3A_340, %dma_start3A_353] : memref<128x1xf32, #tpu.memory_space<vmem>> -> memref<1x1xf32, #tpu.memory_space<vmem>>
        %dma_start3A_355 = arith.constant 0 : i32
        %dma_start3A_356 = tpu.memref_slice %arg6[%squeeze3A_352, %dma_start3A_355] : memref<1000000x1xf32, #tpu.memory_space<hbm>> -> memref<1x1xf32, #tpu.memory_space<hbm>>
        %dma_start3A_357 = arith.constant 0 : i32
        %dma_start3A_358 = tpu.memref_slice %arg16[%add3A_340, %dma_start3A_357] : memref<128x1xf32, #tpu.memory_space<vmem>> -> memref<1x1xf32, #tpu.memory_space<vmem>>
        %dma_start3A_359 = arith.constant 0 : i32
        %dma_start3A_360 = tpu.memref_slice %arg6[%squeeze3A_352, %dma_start3A_359] : memref<1000000x1xf32, #tpu.memory_space<hbm>> -> memref<1x1xf32, #tpu.memory_space<hbm>>
        tpu.enqueue_dma source(%dma_start3A_360 : memref<1x1xf32, #tpu.memory_space<hbm>>) target(%dma_start3A_358 : memref<1x1xf32, #tpu.memory_space<vmem>>) target_semaphore(%arg19 : memref<!tpu.dma_semaphore, #tpu.memory_space<semaphore_mem>>)
        %slice3A_361 = vector.extract_strided_slice %get3A_44 {offsets = [7], sizes = [1], strides = [1]} : vector<16xi32> to vector<1xi32>
        %squeeze3A_362 = vector.extract %slice3A_361[0] : i32 from vector<1xi32>
        %dma_start3A_363 = arith.constant 0 : i32
        %dma_start3A_364 = tpu.memref_slice %arg14[%add3A_340, %dma_start3A_363] : memref<128x64xf32, #tpu.memory_space<vmem>> -> memref<1x64xf32, #tpu.memory_space<vmem>>
        %dma_start3A_365 = arith.constant 0 : i32
        %dma_start3A_366 = tpu.memref_slice %arg7[%squeeze3A_362, %dma_start3A_365] : memref<1000000x64xf32, #tpu.memory_space<hbm>> -> memref<1x64xf32, #tpu.memory_space<hbm>>
        %dma_start3A_367 = arith.constant 0 : i32
        %dma_start3A_368 = tpu.memref_slice %arg14[%add3A_340, %dma_start3A_367] : memref<128x64xf32, #tpu.memory_space<vmem>> -> memref<1x64xf32, #tpu.memory_space<vmem>>
        %dma_start3A_369 = arith.constant 0 : i32
        %dma_start3A_370 = tpu.memref_slice %arg7[%squeeze3A_362, %dma_start3A_369] : memref<1000000x64xf32, #tpu.memory_space<hbm>> -> memref<1x64xf32, #tpu.memory_space<hbm>>
        tpu.enqueue_dma source(%dma_start3A_370 : memref<1x64xf32, #tpu.memory_space<hbm>>) target(%dma_start3A_368 : memref<1x64xf32, #tpu.memory_space<vmem>>) target_semaphore(%arg20 : memref<!tpu.dma_semaphore, #tpu.memory_space<semaphore_mem>>)
        %slice3A_371 = vector.extract_strided_slice %get3A_47 {offsets = [7], sizes = [1], strides = [1]} : vector<16xi32> to vector<1xi32>
        %squeeze3A_372 = vector.extract %slice3A_371[0] : i32 from vector<1xi32>
        %dma_start3A_373 = arith.constant 0 : i32
        %dma_start3A_374 = tpu.memref_slice %arg15[%add3A_340, %dma_start3A_373] : memref<128x64xf32, #tpu.memory_space<vmem>> -> memref<1x64xf32, #tpu.memory_space<vmem>>
        %dma_start3A_375 = arith.constant 0 : i32
        %dma_start3A_376 = tpu.memref_slice %arg8[%squeeze3A_372, %dma_start3A_375] : memref<1000x64xf32, #tpu.memory_space<hbm>> -> memref<1x64xf32, #tpu.memory_space<hbm>>
        %dma_start3A_377 = arith.constant 0 : i32
        %dma_start3A_378 = tpu.memref_slice %arg15[%add3A_340, %dma_start3A_377] : memref<128x64xf32, #tpu.memory_space<vmem>> -> memref<1x64xf32, #tpu.memory_space<vmem>>
        %dma_start3A_379 = arith.constant 0 : i32
        %dma_start3A_380 = tpu.memref_slice %arg8[%squeeze3A_372, %dma_start3A_379] : memref<1000x64xf32, #tpu.memory_space<hbm>> -> memref<1x64xf32, #tpu.memory_space<hbm>>
        tpu.enqueue_dma source(%dma_start3A_380 : memref<1x64xf32, #tpu.memory_space<hbm>>) target(%dma_start3A_378 : memref<1x64xf32, #tpu.memory_space<vmem>>) target_semaphore(%arg21 : memref<!tpu.dma_semaphore, #tpu.memory_space<semaphore_mem>>)
        %add3A_381 = arith.constant 8 : i32
        %add3A_382 = arith.addi %mul3A_39, %add3A_381 : i32
        %slice3A_383 = vector.extract_strided_slice %get3A_41 {offsets = [8], sizes = [1], strides = [1]} : vector<16xi32> to vector<1xi32>
        %squeeze3A_384 = vector.extract %slice3A_383[0] : i32 from vector<1xi32>
        %dma_start3A_385 = arith.constant 0 : i32
        %dma_start3A_386 = tpu.memref_slice %arg13[%add3A_382, %dma_start3A_385] : memref<128x64xf32, #tpu.memory_space<vmem>> -> memref<1x64xf32, #tpu.memory_space<vmem>>
        %dma_start3A_387 = arith.constant 0 : i32
        %dma_start3A_388 = tpu.memref_slice %arg5[%squeeze3A_384, %dma_start3A_387] : memref<1000000x64xf32, #tpu.memory_space<hbm>> -> memref<1x64xf32, #tpu.memory_space<hbm>>
        %dma_start3A_389 = arith.constant 0 : i32
        %dma_start3A_390 = tpu.memref_slice %arg13[%add3A_382, %dma_start3A_389] : memref<128x64xf32, #tpu.memory_space<vmem>> -> memref<1x64xf32, #tpu.memory_space<vmem>>
        %dma_start3A_391 = arith.constant 0 : i32
        %dma_start3A_392 = tpu.memref_slice %arg5[%squeeze3A_384, %dma_start3A_391] : memref<1000000x64xf32, #tpu.memory_space<hbm>> -> memref<1x64xf32, #tpu.memory_space<hbm>>
        tpu.enqueue_dma source(%dma_start3A_392 : memref<1x64xf32, #tpu.memory_space<hbm>>) target(%dma_start3A_390 : memref<1x64xf32, #tpu.memory_space<vmem>>) target_semaphore(%arg18 : memref<!tpu.dma_semaphore, #tpu.memory_space<semaphore_mem>>)
        %slice3A_393 = vector.extract_strided_slice %get3A_41 {offsets = [8], sizes = [1], strides = [1]} : vector<16xi32> to vector<1xi32>
        %squeeze3A_394 = vector.extract %slice3A_393[0] : i32 from vector<1xi32>
        %dma_start3A_395 = arith.constant 0 : i32
        %dma_start3A_396 = tpu.memref_slice %arg16[%add3A_382, %dma_start3A_395] : memref<128x1xf32, #tpu.memory_space<vmem>> -> memref<1x1xf32, #tpu.memory_space<vmem>>
        %dma_start3A_397 = arith.constant 0 : i32
        %dma_start3A_398 = tpu.memref_slice %arg6[%squeeze3A_394, %dma_start3A_397] : memref<1000000x1xf32, #tpu.memory_space<hbm>> -> memref<1x1xf32, #tpu.memory_space<hbm>>
        %dma_start3A_399 = arith.constant 0 : i32
        %dma_start3A_400 = tpu.memref_slice %arg16[%add3A_382, %dma_start3A_399] : memref<128x1xf32, #tpu.memory_space<vmem>> -> memref<1x1xf32, #tpu.memory_space<vmem>>
        %dma_start3A_401 = arith.constant 0 : i32
        %dma_start3A_402 = tpu.memref_slice %arg6[%squeeze3A_394, %dma_start3A_401] : memref<1000000x1xf32, #tpu.memory_space<hbm>> -> memref<1x1xf32, #tpu.memory_space<hbm>>
        tpu.enqueue_dma source(%dma_start3A_402 : memref<1x1xf32, #tpu.memory_space<hbm>>) target(%dma_start3A_400 : memref<1x1xf32, #tpu.memory_space<vmem>>) target_semaphore(%arg19 : memref<!tpu.dma_semaphore, #tpu.memory_space<semaphore_mem>>)
        %slice3A_403 = vector.extract_strided_slice %get3A_44 {offsets = [8], sizes = [1], strides = [1]} : vector<16xi32> to vector<1xi32>
        %squeeze3A_404 = vector.extract %slice3A_403[0] : i32 from vector<1xi32>
        %dma_start3A_405 = arith.constant 0 : i32
        %dma_start3A_406 = tpu.memref_slice %arg14[%add3A_382, %dma_start3A_405] : memref<128x64xf32, #tpu.memory_space<vmem>> -> memref<1x64xf32, #tpu.memory_space<vmem>>
        %dma_start3A_407 = arith.constant 0 : i32
        %dma_start3A_408 = tpu.memref_slice %arg7[%squeeze3A_404, %dma_start3A_407] : memref<1000000x64xf32, #tpu.memory_space<hbm>> -> memref<1x64xf32, #tpu.memory_space<hbm>>
        %dma_start3A_409 = arith.constant 0 : i32
        %dma_start3A_410 = tpu.memref_slice %arg14[%add3A_382, %dma_start3A_409] : memref<128x64xf32, #tpu.memory_space<vmem>> -> memref<1x64xf32, #tpu.memory_space<vmem>>
        %dma_start3A_411 = arith.constant 0 : i32
        %dma_start3A_412 = tpu.memref_slice %arg7[%squeeze3A_404, %dma_start3A_411] : memref<1000000x64xf32, #tpu.memory_space<hbm>> -> memref<1x64xf32, #tpu.memory_space<hbm>>
        tpu.enqueue_dma source(%dma_start3A_412 : memref<1x64xf32, #tpu.memory_space<hbm>>) target(%dma_start3A_410 : memref<1x64xf32, #tpu.memory_space<vmem>>) target_semaphore(%arg20 : memref<!tpu.dma_semaphore, #tpu.memory_space<semaphore_mem>>)
        %slice3A_413 = vector.extract_strided_slice %get3A_47 {offsets = [8], sizes = [1], strides = [1]} : vector<16xi32> to vector<1xi32>
        %squeeze3A_414 = vector.extract %slice3A_413[0] : i32 from vector<1xi32>
        %dma_start3A_415 = arith.constant 0 : i32
        %dma_start3A_416 = tpu.memref_slice %arg15[%add3A_382, %dma_start3A_415] : memref<128x64xf32, #tpu.memory_space<vmem>> -> memref<1x64xf32, #tpu.memory_space<vmem>>
        %dma_start3A_417 = arith.constant 0 : i32
        %dma_start3A_418 = tpu.memref_slice %arg8[%squeeze3A_414, %dma_start3A_417] : memref<1000x64xf32, #tpu.memory_space<hbm>> -> memref<1x64xf32, #tpu.memory_space<hbm>>
        %dma_start3A_419 = arith.constant 0 : i32
        %dma_start3A_420 = tpu.memref_slice %arg15[%add3A_382, %dma_start3A_419] : memref<128x64xf32, #tpu.memory_space<vmem>> -> memref<1x64xf32, #tpu.memory_space<vmem>>
        %dma_start3A_421 = arith.constant 0 : i32
        %dma_start3A_422 = tpu.memref_slice %arg8[%squeeze3A_414, %dma_start3A_421] : memref<1000x64xf32, #tpu.memory_space<hbm>> -> memref<1x64xf32, #tpu.memory_space<hbm>>
        tpu.enqueue_dma source(%dma_start3A_422 : memref<1x64xf32, #tpu.memory_space<hbm>>) target(%dma_start3A_420 : memref<1x64xf32, #tpu.memory_space<vmem>>) target_semaphore(%arg21 : memref<!tpu.dma_semaphore, #tpu.memory_space<semaphore_mem>>)
        %add3A_423 = arith.constant 9 : i32
        %add3A_424 = arith.addi %mul3A_39, %add3A_423 : i32
        %slice3A_425 = vector.extract_strided_slice %get3A_41 {offsets = [9], sizes = [1], strides = [1]} : vector<16xi32> to vector<1xi32>
        %squeeze3A_426 = vector.extract %slice3A_425[0] : i32 from vector<1xi32>
        %dma_start3A_427 = arith.constant 0 : i32
        %dma_start3A_428 = tpu.memref_slice %arg13[%add3A_424, %dma_start3A_427] : memref<128x64xf32, #tpu.memory_space<vmem>> -> memref<1x64xf32, #tpu.memory_space<vmem>>
        %dma_start3A_429 = arith.constant 0 : i32
        %dma_start3A_430 = tpu.memref_slice %arg5[%squeeze3A_426, %dma_start3A_429] : memref<1000000x64xf32, #tpu.memory_space<hbm>> -> memref<1x64xf32, #tpu.memory_space<hbm>>
        %dma_start3A_431 = arith.constant 0 : i32
        %dma_start3A_432 = tpu.memref_slice %arg13[%add3A_424, %dma_start3A_431] : memref<128x64xf32, #tpu.memory_space<vmem>> -> memref<1x64xf32, #tpu.memory_space<vmem>>
        %dma_start3A_433 = arith.constant 0 : i32
        %dma_start3A_434 = tpu.memref_slice %arg5[%squeeze3A_426, %dma_start3A_433] : memref<1000000x64xf32, #tpu.memory_space<hbm>> -> memref<1x64xf32, #tpu.memory_space<hbm>>
        tpu.enqueue_dma source(%dma_start3A_434 : memref<1x64xf32, #tpu.memory_space<hbm>>) target(%dma_start3A_432 : memref<1x64xf32, #tpu.memory_space<vmem>>) target_semaphore(%arg18 : memref<!tpu.dma_semaphore, #tpu.memory_space<semaphore_mem>>)
        %slice3A_435 = vector.extract_strided_slice %get3A_41 {offsets = [9], sizes = [1], strides = [1]} : vector<16xi32> to vector<1xi32>
        %squeeze3A_436 = vector.extract %slice3A_435[0] : i32 from vector<1xi32>
        %dma_start3A_437 = arith.constant 0 : i32
        %dma_start3A_438 = tpu.memref_slice %arg16[%add3A_424, %dma_start3A_437] : memref<128x1xf32, #tpu.memory_space<vmem>> -> memref<1x1xf32, #tpu.memory_space<vmem>>
        %dma_start3A_439 = arith.constant 0 : i32
        %dma_start3A_440 = tpu.memref_slice %arg6[%squeeze3A_436, %dma_start3A_439] : memref<1000000x1xf32, #tpu.memory_space<hbm>> -> memref<1x1xf32, #tpu.memory_space<hbm>>
        %dma_start3A_441 = arith.constant 0 : i32
        %dma_start3A_442 = tpu.memref_slice %arg16[%add3A_424, %dma_start3A_441] : memref<128x1xf32, #tpu.memory_space<vmem>> -> memref<1x1xf32, #tpu.memory_space<vmem>>
        %dma_start3A_443 = arith.constant 0 : i32
        %dma_start3A_444 = tpu.memref_slice %arg6[%squeeze3A_436, %dma_start3A_443] : memref<1000000x1xf32, #tpu.memory_space<hbm>> -> memref<1x1xf32, #tpu.memory_space<hbm>>
        tpu.enqueue_dma source(%dma_start3A_444 : memref<1x1xf32, #tpu.memory_space<hbm>>) target(%dma_start3A_442 : memref<1x1xf32, #tpu.memory_space<vmem>>) target_semaphore(%arg19 : memref<!tpu.dma_semaphore, #tpu.memory_space<semaphore_mem>>)
        %slice3A_445 = vector.extract_strided_slice %get3A_44 {offsets = [9], sizes = [1], strides = [1]} : vector<16xi32> to vector<1xi32>
        %squeeze3A_446 = vector.extract %slice3A_445[0] : i32 from vector<1xi32>
        %dma_start3A_447 = arith.constant 0 : i32
        %dma_start3A_448 = tpu.memref_slice %arg14[%add3A_424, %dma_start3A_447] : memref<128x64xf32, #tpu.memory_space<vmem>> -> memref<1x64xf32, #tpu.memory_space<vmem>>
        %dma_start3A_449 = arith.constant 0 : i32
        %dma_start3A_450 = tpu.memref_slice %arg7[%squeeze3A_446, %dma_start3A_449] : memref<1000000x64xf32, #tpu.memory_space<hbm>> -> memref<1x64xf32, #tpu.memory_space<hbm>>
        %dma_start3A_451 = arith.constant 0 : i32
        %dma_start3A_452 = tpu.memref_slice %arg14[%add3A_424, %dma_start3A_451] : memref<128x64xf32, #tpu.memory_space<vmem>> -> memref<1x64xf32, #tpu.memory_space<vmem>>
        %dma_start3A_453 = arith.constant 0 : i32
        %dma_start3A_454 = tpu.memref_slice %arg7[%squeeze3A_446, %dma_start3A_453] : memref<1000000x64xf32, #tpu.memory_space<hbm>> -> memref<1x64xf32, #tpu.memory_space<hbm>>
        tpu.enqueue_dma source(%dma_start3A_454 : memref<1x64xf32, #tpu.memory_space<hbm>>) target(%dma_start3A_452 : memref<1x64xf32, #tpu.memory_space<vmem>>) target_semaphore(%arg20 : memref<!tpu.dma_semaphore, #tpu.memory_space<semaphore_mem>>)
        %slice3A_455 = vector.extract_strided_slice %get3A_47 {offsets = [9], sizes = [1], strides = [1]} : vector<16xi32> to vector<1xi32>
        %squeeze3A_456 = vector.extract %slice3A_455[0] : i32 from vector<1xi32>
        %dma_start3A_457 = arith.constant 0 : i32
        %dma_start3A_458 = tpu.memref_slice %arg15[%add3A_424, %dma_start3A_457] : memref<128x64xf32, #tpu.memory_space<vmem>> -> memref<1x64xf32, #tpu.memory_space<vmem>>
        %dma_start3A_459 = arith.constant 0 : i32
        %dma_start3A_460 = tpu.memref_slice %arg8[%squeeze3A_456, %dma_start3A_459] : memref<1000x64xf32, #tpu.memory_space<hbm>> -> memref<1x64xf32, #tpu.memory_space<hbm>>
        %dma_start3A_461 = arith.constant 0 : i32
        %dma_start3A_462 = tpu.memref_slice %arg15[%add3A_424, %dma_start3A_461] : memref<128x64xf32, #tpu.memory_space<vmem>> -> memref<1x64xf32, #tpu.memory_space<vmem>>
        %dma_start3A_463 = arith.constant 0 : i32
        %dma_start3A_464 = tpu.memref_slice %arg8[%squeeze3A_456, %dma_start3A_463] : memref<1000x64xf32, #tpu.memory_space<hbm>> -> memref<1x64xf32, #tpu.memory_space<hbm>>
        tpu.enqueue_dma source(%dma_start3A_464 : memref<1x64xf32, #tpu.memory_space<hbm>>) target(%dma_start3A_462 : memref<1x64xf32, #tpu.memory_space<vmem>>) target_semaphore(%arg21 : memref<!tpu.dma_semaphore, #tpu.memory_space<semaphore_mem>>)
        %add3A_465 = arith.constant 10 : i32
        %add3A_466 = arith.addi %mul3A_39, %add3A_465 : i32
        %slice3A_467 = vector.extract_strided_slice %get3A_41 {offsets = [10], sizes = [1], strides = [1]} : vector<16xi32> to vector<1xi32>
        %squeeze3A_468 = vector.extract %slice3A_467[0] : i32 from vector<1xi32>
        %dma_start3A_469 = arith.constant 0 : i32
        %dma_start3A_470 = tpu.memref_slice %arg13[%add3A_466, %dma_start3A_469] : memref<128x64xf32, #tpu.memory_space<vmem>> -> memref<1x64xf32, #tpu.memory_space<vmem>>
        %dma_start3A_471 = arith.constant 0 : i32
        %dma_start3A_472 = tpu.memref_slice %arg5[%squeeze3A_468, %dma_start3A_471] : memref<1000000x64xf32, #tpu.memory_space<hbm>> -> memref<1x64xf32, #tpu.memory_space<hbm>>
        %dma_start3A_473 = arith.constant 0 : i32
        %dma_start3A_474 = tpu.memref_slice %arg13[%add3A_466, %dma_start3A_473] : memref<128x64xf32, #tpu.memory_space<vmem>> -> memref<1x64xf32, #tpu.memory_space<vmem>>
        %dma_start3A_475 = arith.constant 0 : i32
        %dma_start3A_476 = tpu.memref_slice %arg5[%squeeze3A_468, %dma_start3A_475] : memref<1000000x64xf32, #tpu.memory_space<hbm>> -> memref<1x64xf32, #tpu.memory_space<hbm>>
        tpu.enqueue_dma source(%dma_start3A_476 : memref<1x64xf32, #tpu.memory_space<hbm>>) target(%dma_start3A_474 : memref<1x64xf32, #tpu.memory_space<vmem>>) target_semaphore(%arg18 : memref<!tpu.dma_semaphore, #tpu.memory_space<semaphore_mem>>)
        %slice3A_477 = vector.extract_strided_slice %get3A_41 {offsets = [10], sizes = [1], strides = [1]} : vector<16xi32> to vector<1xi32>
        %squeeze3A_478 = vector.extract %slice3A_477[0] : i32 from vector<1xi32>
        %dma_start3A_479 = arith.constant 0 : i32
        %dma_start3A_480 = tpu.memref_slice %arg16[%add3A_466, %dma_start3A_479] : memref<128x1xf32, #tpu.memory_space<vmem>> -> memref<1x1xf32, #tpu.memory_space<vmem>>
        %dma_start3A_481 = arith.constant 0 : i32
        %dma_start3A_482 = tpu.memref_slice %arg6[%squeeze3A_478, %dma_start3A_481] : memref<1000000x1xf32, #tpu.memory_space<hbm>> -> memref<1x1xf32, #tpu.memory_space<hbm>>
        %dma_start3A_483 = arith.constant 0 : i32
        %dma_start3A_484 = tpu.memref_slice %arg16[%add3A_466, %dma_start3A_483] : memref<128x1xf32, #tpu.memory_space<vmem>> -> memref<1x1xf32, #tpu.memory_space<vmem>>
        %dma_start3A_485 = arith.constant 0 : i32
        %dma_start3A_486 = tpu.memref_slice %arg6[%squeeze3A_478, %dma_start3A_485] : memref<1000000x1xf32, #tpu.memory_space<hbm>> -> memref<1x1xf32, #tpu.memory_space<hbm>>
        tpu.enqueue_dma source(%dma_start3A_486 : memref<1x1xf32, #tpu.memory_space<hbm>>) target(%dma_start3A_484 : memref<1x1xf32, #tpu.memory_space<vmem>>) target_semaphore(%arg19 : memref<!tpu.dma_semaphore, #tpu.memory_space<semaphore_mem>>)
        %slice3A_487 = vector.extract_strided_slice %get3A_44 {offsets = [10], sizes = [1], strides = [1]} : vector<16xi32> to vector<1xi32>
        %squeeze3A_488 = vector.extract %slice3A_487[0] : i32 from vector<1xi32>
        %dma_start3A_489 = arith.constant 0 : i32
        %dma_start3A_490 = tpu.memref_slice %arg14[%add3A_466, %dma_start3A_489] : memref<128x64xf32, #tpu.memory_space<vmem>> -> memref<1x64xf32, #tpu.memory_space<vmem>>
        %dma_start3A_491 = arith.constant 0 : i32
        %dma_start3A_492 = tpu.memref_slice %arg7[%squeeze3A_488, %dma_start3A_491] : memref<1000000x64xf32, #tpu.memory_space<hbm>> -> memref<1x64xf32, #tpu.memory_space<hbm>>
        %dma_start3A_493 = arith.constant 0 : i32
        %dma_start3A_494 = tpu.memref_slice %arg14[%add3A_466, %dma_start3A_493] : memref<128x64xf32, #tpu.memory_space<vmem>> -> memref<1x64xf32, #tpu.memory_space<vmem>>
        %dma_start3A_495 = arith.constant 0 : i32
        %dma_start3A_496 = tpu.memref_slice %arg7[%squeeze3A_488, %dma_start3A_495] : memref<1000000x64xf32, #tpu.memory_space<hbm>> -> memref<1x64xf32, #tpu.memory_space<hbm>>
        tpu.enqueue_dma source(%dma_start3A_496 : memref<1x64xf32, #tpu.memory_space<hbm>>) target(%dma_start3A_494 : memref<1x64xf32, #tpu.memory_space<vmem>>) target_semaphore(%arg20 : memref<!tpu.dma_semaphore, #tpu.memory_space<semaphore_mem>>)
        %slice3A_497 = vector.extract_strided_slice %get3A_47 {offsets = [10], sizes = [1], strides = [1]} : vector<16xi32> to vector<1xi32>
        %squeeze3A_498 = vector.extract %slice3A_497[0] : i32 from vector<1xi32>
        %dma_start3A_499 = arith.constant 0 : i32
        %dma_start3A_500 = tpu.memref_slice %arg15[%add3A_466, %dma_start3A_499] : memref<128x64xf32, #tpu.memory_space<vmem>> -> memref<1x64xf32, #tpu.memory_space<vmem>>
        %dma_start3A_501 = arith.constant 0 : i32
        %dma_start3A_502 = tpu.memref_slice %arg8[%squeeze3A_498, %dma_start3A_501] : memref<1000x64xf32, #tpu.memory_space<hbm>> -> memref<1x64xf32, #tpu.memory_space<hbm>>
        %dma_start3A_503 = arith.constant 0 : i32
        %dma_start3A_504 = tpu.memref_slice %arg15[%add3A_466, %dma_start3A_503] : memref<128x64xf32, #tpu.memory_space<vmem>> -> memref<1x64xf32, #tpu.memory_space<vmem>>
        %dma_start3A_505 = arith.constant 0 : i32
        %dma_start3A_506 = tpu.memref_slice %arg8[%squeeze3A_498, %dma_start3A_505] : memref<1000x64xf32, #tpu.memory_space<hbm>> -> memref<1x64xf32, #tpu.memory_space<hbm>>
        tpu.enqueue_dma source(%dma_start3A_506 : memref<1x64xf32, #tpu.memory_space<hbm>>) target(%dma_start3A_504 : memref<1x64xf32, #tpu.memory_space<vmem>>) target_semaphore(%arg21 : memref<!tpu.dma_semaphore, #tpu.memory_space<semaphore_mem>>)
        %add3A_507 = arith.constant 11 : i32
        %add3A_508 = arith.addi %mul3A_39, %add3A_507 : i32
        %slice3A_509 = vector.extract_strided_slice %get3A_41 {offsets = [11], sizes = [1], strides = [1]} : vector<16xi32> to vector<1xi32>
        %squeeze3A_510 = vector.extract %slice3A_509[0] : i32 from vector<1xi32>
        %dma_start3A_511 = arith.constant 0 : i32
        %dma_start3A_512 = tpu.memref_slice %arg13[%add3A_508, %dma_start3A_511] : memref<128x64xf32, #tpu.memory_space<vmem>> -> memref<1x64xf32, #tpu.memory_space<vmem>>
        %dma_start3A_513 = arith.constant 0 : i32
        %dma_start3A_514 = tpu.memref_slice %arg5[%squeeze3A_510, %dma_start3A_513] : memref<1000000x64xf32, #tpu.memory_space<hbm>> -> memref<1x64xf32, #tpu.memory_space<hbm>>
        %dma_start3A_515 = arith.constant 0 : i32
        %dma_start3A_516 = tpu.memref_slice %arg13[%add3A_508, %dma_start3A_515] : memref<128x64xf32, #tpu.memory_space<vmem>> -> memref<1x64xf32, #tpu.memory_space<vmem>>
        %dma_start3A_517 = arith.constant 0 : i32
        %dma_start3A_518 = tpu.memref_slice %arg5[%squeeze3A_510, %dma_start3A_517] : memref<1000000x64xf32, #tpu.memory_space<hbm>> -> memref<1x64xf32, #tpu.memory_space<hbm>>
        tpu.enqueue_dma source(%dma_start3A_518 : memref<1x64xf32, #tpu.memory_space<hbm>>) target(%dma_start3A_516 : memref<1x64xf32, #tpu.memory_space<vmem>>) target_semaphore(%arg18 : memref<!tpu.dma_semaphore, #tpu.memory_space<semaphore_mem>>)
        %slice3A_519 = vector.extract_strided_slice %get3A_41 {offsets = [11], sizes = [1], strides = [1]} : vector<16xi32> to vector<1xi32>
        %squeeze3A_520 = vector.extract %slice3A_519[0] : i32 from vector<1xi32>
        %dma_start3A_521 = arith.constant 0 : i32
        %dma_start3A_522 = tpu.memref_slice %arg16[%add3A_508, %dma_start3A_521] : memref<128x1xf32, #tpu.memory_space<vmem>> -> memref<1x1xf32, #tpu.memory_space<vmem>>
        %dma_start3A_523 = arith.constant 0 : i32
        %dma_start3A_524 = tpu.memref_slice %arg6[%squeeze3A_520, %dma_start3A_523] : memref<1000000x1xf32, #tpu.memory_space<hbm>> -> memref<1x1xf32, #tpu.memory_space<hbm>>
        %dma_start3A_525 = arith.constant 0 : i32
        %dma_start3A_526 = tpu.memref_slice %arg16[%add3A_508, %dma_start3A_525] : memref<128x1xf32, #tpu.memory_space<vmem>> -> memref<1x1xf32, #tpu.memory_space<vmem>>
        %dma_start3A_527 = arith.constant 0 : i32
        %dma_start3A_528 = tpu.memref_slice %arg6[%squeeze3A_520, %dma_start3A_527] : memref<1000000x1xf32, #tpu.memory_space<hbm>> -> memref<1x1xf32, #tpu.memory_space<hbm>>
        tpu.enqueue_dma source(%dma_start3A_528 : memref<1x1xf32, #tpu.memory_space<hbm>>) target(%dma_start3A_526 : memref<1x1xf32, #tpu.memory_space<vmem>>) target_semaphore(%arg19 : memref<!tpu.dma_semaphore, #tpu.memory_space<semaphore_mem>>)
        %slice3A_529 = vector.extract_strided_slice %get3A_44 {offsets = [11], sizes = [1], strides = [1]} : vector<16xi32> to vector<1xi32>
        %squeeze3A_530 = vector.extract %slice3A_529[0] : i32 from vector<1xi32>
        %dma_start3A_531 = arith.constant 0 : i32
        %dma_start3A_532 = tpu.memref_slice %arg14[%add3A_508, %dma_start3A_531] : memref<128x64xf32, #tpu.memory_space<vmem>> -> memref<1x64xf32, #tpu.memory_space<vmem>>
        %dma_start3A_533 = arith.constant 0 : i32
        %dma_start3A_534 = tpu.memref_slice %arg7[%squeeze3A_530, %dma_start3A_533] : memref<1000000x64xf32, #tpu.memory_space<hbm>> -> memref<1x64xf32, #tpu.memory_space<hbm>>
        %dma_start3A_535 = arith.constant 0 : i32
        %dma_start3A_536 = tpu.memref_slice %arg14[%add3A_508, %dma_start3A_535] : memref<128x64xf32, #tpu.memory_space<vmem>> -> memref<1x64xf32, #tpu.memory_space<vmem>>
        %dma_start3A_537 = arith.constant 0 : i32
        %dma_start3A_538 = tpu.memref_slice %arg7[%squeeze3A_530, %dma_start3A_537] : memref<1000000x64xf32, #tpu.memory_space<hbm>> -> memref<1x64xf32, #tpu.memory_space<hbm>>
        tpu.enqueue_dma source(%dma_start3A_538 : memref<1x64xf32, #tpu.memory_space<hbm>>) target(%dma_start3A_536 : memref<1x64xf32, #tpu.memory_space<vmem>>) target_semaphore(%arg20 : memref<!tpu.dma_semaphore, #tpu.memory_space<semaphore_mem>>)
        %slice3A_539 = vector.extract_strided_slice %get3A_47 {offsets = [11], sizes = [1], strides = [1]} : vector<16xi32> to vector<1xi32>
        %squeeze3A_540 = vector.extract %slice3A_539[0] : i32 from vector<1xi32>
        %dma_start3A_541 = arith.constant 0 : i32
        %dma_start3A_542 = tpu.memref_slice %arg15[%add3A_508, %dma_start3A_541] : memref<128x64xf32, #tpu.memory_space<vmem>> -> memref<1x64xf32, #tpu.memory_space<vmem>>
        %dma_start3A_543 = arith.constant 0 : i32
        %dma_start3A_544 = tpu.memref_slice %arg8[%squeeze3A_540, %dma_start3A_543] : memref<1000x64xf32, #tpu.memory_space<hbm>> -> memref<1x64xf32, #tpu.memory_space<hbm>>
        %dma_start3A_545 = arith.constant 0 : i32
        %dma_start3A_546 = tpu.memref_slice %arg15[%add3A_508, %dma_start3A_545] : memref<128x64xf32, #tpu.memory_space<vmem>> -> memref<1x64xf32, #tpu.memory_space<vmem>>
        %dma_start3A_547 = arith.constant 0 : i32
        %dma_start3A_548 = tpu.memref_slice %arg8[%squeeze3A_540, %dma_start3A_547] : memref<1000x64xf32, #tpu.memory_space<hbm>> -> memref<1x64xf32, #tpu.memory_space<hbm>>
        tpu.enqueue_dma source(%dma_start3A_548 : memref<1x64xf32, #tpu.memory_space<hbm>>) target(%dma_start3A_546 : memref<1x64xf32, #tpu.memory_space<vmem>>) target_semaphore(%arg21 : memref<!tpu.dma_semaphore, #tpu.memory_space<semaphore_mem>>)
        %add3A_549 = arith.constant 12 : i32
        %add3A_550 = arith.addi %mul3A_39, %add3A_549 : i32
        %slice3A_551 = vector.extract_strided_slice %get3A_41 {offsets = [12], sizes = [1], strides = [1]} : vector<16xi32> to vector<1xi32>
        %squeeze3A_552 = vector.extract %slice3A_551[0] : i32 from vector<1xi32>
        %dma_start3A_553 = arith.constant 0 : i32
        %dma_start3A_554 = tpu.memref_slice %arg13[%add3A_550, %dma_start3A_553] : memref<128x64xf32, #tpu.memory_space<vmem>> -> memref<1x64xf32, #tpu.memory_space<vmem>>
        %dma_start3A_555 = arith.constant 0 : i32
        %dma_start3A_556 = tpu.memref_slice %arg5[%squeeze3A_552, %dma_start3A_555] : memref<1000000x64xf32, #tpu.memory_space<hbm>> -> memref<1x64xf32, #tpu.memory_space<hbm>>
        %dma_start3A_557 = arith.constant 0 : i32
        %dma_start3A_558 = tpu.memref_slice %arg13[%add3A_550, %dma_start3A_557] : memref<128x64xf32, #tpu.memory_space<vmem>> -> memref<1x64xf32, #tpu.memory_space<vmem>>
        %dma_start3A_559 = arith.constant 0 : i32
        %dma_start3A_560 = tpu.memref_slice %arg5[%squeeze3A_552, %dma_start3A_559] : memref<1000000x64xf32, #tpu.memory_space<hbm>> -> memref<1x64xf32, #tpu.memory_space<hbm>>
        tpu.enqueue_dma source(%dma_start3A_560 : memref<1x64xf32, #tpu.memory_space<hbm>>) target(%dma_start3A_558 : memref<1x64xf32, #tpu.memory_space<vmem>>) target_semaphore(%arg18 : memref<!tpu.dma_semaphore, #tpu.memory_space<semaphore_mem>>)
        %slice3A_561 = vector.extract_strided_slice %get3A_41 {offsets = [12], sizes = [1], strides = [1]} : vector<16xi32> to vector<1xi32>
        %squeeze3A_562 = vector.extract %slice3A_561[0] : i32 from vector<1xi32>
        %dma_start3A_563 = arith.constant 0 : i32
        %dma_start3A_564 = tpu.memref_slice %arg16[%add3A_550, %dma_start3A_563] : memref<128x1xf32, #tpu.memory_space<vmem>> -> memref<1x1xf32, #tpu.memory_space<vmem>>
        %dma_start3A_565 = arith.constant 0 : i32
        %dma_start3A_566 = tpu.memref_slice %arg6[%squeeze3A_562, %dma_start3A_565] : memref<1000000x1xf32, #tpu.memory_space<hbm>> -> memref<1x1xf32, #tpu.memory_space<hbm>>
        %dma_start3A_567 = arith.constant 0 : i32
        %dma_start3A_568 = tpu.memref_slice %arg16[%add3A_550, %dma_start3A_567] : memref<128x1xf32, #tpu.memory_space<vmem>> -> memref<1x1xf32, #tpu.memory_space<vmem>>
        %dma_start3A_569 = arith.constant 0 : i32
        %dma_start3A_570 = tpu.memref_slice %arg6[%squeeze3A_562, %dma_start3A_569] : memref<1000000x1xf32, #tpu.memory_space<hbm>> -> memref<1x1xf32, #tpu.memory_space<hbm>>
        tpu.enqueue_dma source(%dma_start3A_570 : memref<1x1xf32, #tpu.memory_space<hbm>>) target(%dma_start3A_568 : memref<1x1xf32, #tpu.memory_space<vmem>>) target_semaphore(%arg19 : memref<!tpu.dma_semaphore, #tpu.memory_space<semaphore_mem>>)
        %slice3A_571 = vector.extract_strided_slice %get3A_44 {offsets = [12], sizes = [1], strides = [1]} : vector<16xi32> to vector<1xi32>
        %squeeze3A_572 = vector.extract %slice3A_571[0] : i32 from vector<1xi32>
        %dma_start3A_573 = arith.constant 0 : i32
        %dma_start3A_574 = tpu.memref_slice %arg14[%add3A_550, %dma_start3A_573] : memref<128x64xf32, #tpu.memory_space<vmem>> -> memref<1x64xf32, #tpu.memory_space<vmem>>
        %dma_start3A_575 = arith.constant 0 : i32
        %dma_start3A_576 = tpu.memref_slice %arg7[%squeeze3A_572, %dma_start3A_575] : memref<1000000x64xf32, #tpu.memory_space<hbm>> -> memref<1x64xf32, #tpu.memory_space<hbm>>
        %dma_start3A_577 = arith.constant 0 : i32
        %dma_start3A_578 = tpu.memref_slice %arg14[%add3A_550, %dma_start3A_577] : memref<128x64xf32, #tpu.memory_space<vmem>> -> memref<1x64xf32, #tpu.memory_space<vmem>>
        %dma_start3A_579 = arith.constant 0 : i32
        %dma_start3A_580 = tpu.memref_slice %arg7[%squeeze3A_572, %dma_start3A_579] : memref<1000000x64xf32, #tpu.memory_space<hbm>> -> memref<1x64xf32, #tpu.memory_space<hbm>>
        tpu.enqueue_dma source(%dma_start3A_580 : memref<1x64xf32, #tpu.memory_space<hbm>>) target(%dma_start3A_578 : memref<1x64xf32, #tpu.memory_space<vmem>>) target_semaphore(%arg20 : memref<!tpu.dma_semaphore, #tpu.memory_space<semaphore_mem>>)
        %slice3A_581 = vector.extract_strided_slice %get3A_47 {offsets = [12], sizes = [1], strides = [1]} : vector<16xi32> to vector<1xi32>
        %squeeze3A_582 = vector.extract %slice3A_581[0] : i32 from vector<1xi32>
        %dma_start3A_583 = arith.constant 0 : i32
        %dma_start3A_584 = tpu.memref_slice %arg15[%add3A_550, %dma_start3A_583] : memref<128x64xf32, #tpu.memory_space<vmem>> -> memref<1x64xf32, #tpu.memory_space<vmem>>
        %dma_start3A_585 = arith.constant 0 : i32
        %dma_start3A_586 = tpu.memref_slice %arg8[%squeeze3A_582, %dma_start3A_585] : memref<1000x64xf32, #tpu.memory_space<hbm>> -> memref<1x64xf32, #tpu.memory_space<hbm>>
        %dma_start3A_587 = arith.constant 0 : i32
        %dma_start3A_588 = tpu.memref_slice %arg15[%add3A_550, %dma_start3A_587] : memref<128x64xf32, #tpu.memory_space<vmem>> -> memref<1x64xf32, #tpu.memory_space<vmem>>
        %dma_start3A_589 = arith.constant 0 : i32
        %dma_start3A_590 = tpu.memref_slice %arg8[%squeeze3A_582, %dma_start3A_589] : memref<1000x64xf32, #tpu.memory_space<hbm>> -> memref<1x64xf32, #tpu.memory_space<hbm>>
        tpu.enqueue_dma source(%dma_start3A_590 : memref<1x64xf32, #tpu.memory_space<hbm>>) target(%dma_start3A_588 : memref<1x64xf32, #tpu.memory_space<vmem>>) target_semaphore(%arg21 : memref<!tpu.dma_semaphore, #tpu.memory_space<semaphore_mem>>)
        %add3A_591 = arith.constant 13 : i32
        %add3A_592 = arith.addi %mul3A_39, %add3A_591 : i32
        %slice3A_593 = vector.extract_strided_slice %get3A_41 {offsets = [13], sizes = [1], strides = [1]} : vector<16xi32> to vector<1xi32>
        %squeeze3A_594 = vector.extract %slice3A_593[0] : i32 from vector<1xi32>
        %dma_start3A_595 = arith.constant 0 : i32
        %dma_start3A_596 = tpu.memref_slice %arg13[%add3A_592, %dma_start3A_595] : memref<128x64xf32, #tpu.memory_space<vmem>> -> memref<1x64xf32, #tpu.memory_space<vmem>>
        %dma_start3A_597 = arith.constant 0 : i32
        %dma_start3A_598 = tpu.memref_slice %arg5[%squeeze3A_594, %dma_start3A_597] : memref<1000000x64xf32, #tpu.memory_space<hbm>> -> memref<1x64xf32, #tpu.memory_space<hbm>>
        %dma_start3A_599 = arith.constant 0 : i32
        %dma_start3A_600 = tpu.memref_slice %arg13[%add3A_592, %dma_start3A_599] : memref<128x64xf32, #tpu.memory_space<vmem>> -> memref<1x64xf32, #tpu.memory_space<vmem>>
        %dma_start3A_601 = arith.constant 0 : i32
        %dma_start3A_602 = tpu.memref_slice %arg5[%squeeze3A_594, %dma_start3A_601] : memref<1000000x64xf32, #tpu.memory_space<hbm>> -> memref<1x64xf32, #tpu.memory_space<hbm>>
        tpu.enqueue_dma source(%dma_start3A_602 : memref<1x64xf32, #tpu.memory_space<hbm>>) target(%dma_start3A_600 : memref<1x64xf32, #tpu.memory_space<vmem>>) target_semaphore(%arg18 : memref<!tpu.dma_semaphore, #tpu.memory_space<semaphore_mem>>)
        %slice3A_603 = vector.extract_strided_slice %get3A_41 {offsets = [13], sizes = [1], strides = [1]} : vector<16xi32> to vector<1xi32>
        %squeeze3A_604 = vector.extract %slice3A_603[0] : i32 from vector<1xi32>
        %dma_start3A_605 = arith.constant 0 : i32
        %dma_start3A_606 = tpu.memref_slice %arg16[%add3A_592, %dma_start3A_605] : memref<128x1xf32, #tpu.memory_space<vmem>> -> memref<1x1xf32, #tpu.memory_space<vmem>>
        %dma_start3A_607 = arith.constant 0 : i32
        %dma_start3A_608 = tpu.memref_slice %arg6[%squeeze3A_604, %dma_start3A_607] : memref<1000000x1xf32, #tpu.memory_space<hbm>> -> memref<1x1xf32, #tpu.memory_space<hbm>>
        %dma_start3A_609 = arith.constant 0 : i32
        %dma_start3A_610 = tpu.memref_slice %arg16[%add3A_592, %dma_start3A_609] : memref<128x1xf32, #tpu.memory_space<vmem>> -> memref<1x1xf32, #tpu.memory_space<vmem>>
        %dma_start3A_611 = arith.constant 0 : i32
        %dma_start3A_612 = tpu.memref_slice %arg6[%squeeze3A_604, %dma_start3A_611] : memref<1000000x1xf32, #tpu.memory_space<hbm>> -> memref<1x1xf32, #tpu.memory_space<hbm>>
        tpu.enqueue_dma source(%dma_start3A_612 : memref<1x1xf32, #tpu.memory_space<hbm>>) target(%dma_start3A_610 : memref<1x1xf32, #tpu.memory_space<vmem>>) target_semaphore(%arg19 : memref<!tpu.dma_semaphore, #tpu.memory_space<semaphore_mem>>)
        %slice3A_613 = vector.extract_strided_slice %get3A_44 {offsets = [13], sizes = [1], strides = [1]} : vector<16xi32> to vector<1xi32>
        %squeeze3A_614 = vector.extract %slice3A_613[0] : i32 from vector<1xi32>
        %dma_start3A_615 = arith.constant 0 : i32
        %dma_start3A_616 = tpu.memref_slice %arg14[%add3A_592, %dma_start3A_615] : memref<128x64xf32, #tpu.memory_space<vmem>> -> memref<1x64xf32, #tpu.memory_space<vmem>>
        %dma_start3A_617 = arith.constant 0 : i32
        %dma_start3A_618 = tpu.memref_slice %arg7[%squeeze3A_614, %dma_start3A_617] : memref<1000000x64xf32, #tpu.memory_space<hbm>> -> memref<1x64xf32, #tpu.memory_space<hbm>>
        %dma_start3A_619 = arith.constant 0 : i32
        %dma_start3A_620 = tpu.memref_slice %arg14[%add3A_592, %dma_start3A_619] : memref<128x64xf32, #tpu.memory_space<vmem>> -> memref<1x64xf32, #tpu.memory_space<vmem>>
        %dma_start3A_621 = arith.constant 0 : i32
        %dma_start3A_622 = tpu.memref_slice %arg7[%squeeze3A_614, %dma_start3A_621] : memref<1000000x64xf32, #tpu.memory_space<hbm>> -> memref<1x64xf32, #tpu.memory_space<hbm>>
        tpu.enqueue_dma source(%dma_start3A_622 : memref<1x64xf32, #tpu.memory_space<hbm>>) target(%dma_start3A_620 : memref<1x64xf32, #tpu.memory_space<vmem>>) target_semaphore(%arg20 : memref<!tpu.dma_semaphore, #tpu.memory_space<semaphore_mem>>)
        %slice3A_623 = vector.extract_strided_slice %get3A_47 {offsets = [13], sizes = [1], strides = [1]} : vector<16xi32> to vector<1xi32>
        %squeeze3A_624 = vector.extract %slice3A_623[0] : i32 from vector<1xi32>
        %dma_start3A_625 = arith.constant 0 : i32
        %dma_start3A_626 = tpu.memref_slice %arg15[%add3A_592, %dma_start3A_625] : memref<128x64xf32, #tpu.memory_space<vmem>> -> memref<1x64xf32, #tpu.memory_space<vmem>>
        %dma_start3A_627 = arith.constant 0 : i32
        %dma_start3A_628 = tpu.memref_slice %arg8[%squeeze3A_624, %dma_start3A_627] : memref<1000x64xf32, #tpu.memory_space<hbm>> -> memref<1x64xf32, #tpu.memory_space<hbm>>
        %dma_start3A_629 = arith.constant 0 : i32
        %dma_start3A_630 = tpu.memref_slice %arg15[%add3A_592, %dma_start3A_629] : memref<128x64xf32, #tpu.memory_space<vmem>> -> memref<1x64xf32, #tpu.memory_space<vmem>>
        %dma_start3A_631 = arith.constant 0 : i32
        %dma_start3A_632 = tpu.memref_slice %arg8[%squeeze3A_624, %dma_start3A_631] : memref<1000x64xf32, #tpu.memory_space<hbm>> -> memref<1x64xf32, #tpu.memory_space<hbm>>
        tpu.enqueue_dma source(%dma_start3A_632 : memref<1x64xf32, #tpu.memory_space<hbm>>) target(%dma_start3A_630 : memref<1x64xf32, #tpu.memory_space<vmem>>) target_semaphore(%arg21 : memref<!tpu.dma_semaphore, #tpu.memory_space<semaphore_mem>>)
        %add3A_633 = arith.constant 14 : i32
        %add3A_634 = arith.addi %mul3A_39, %add3A_633 : i32
        %slice3A_635 = vector.extract_strided_slice %get3A_41 {offsets = [14], sizes = [1], strides = [1]} : vector<16xi32> to vector<1xi32>
        %squeeze3A_636 = vector.extract %slice3A_635[0] : i32 from vector<1xi32>
        %dma_start3A_637 = arith.constant 0 : i32
        %dma_start3A_638 = tpu.memref_slice %arg13[%add3A_634, %dma_start3A_637] : memref<128x64xf32, #tpu.memory_space<vmem>> -> memref<1x64xf32, #tpu.memory_space<vmem>>
        %dma_start3A_639 = arith.constant 0 : i32
        %dma_start3A_640 = tpu.memref_slice %arg5[%squeeze3A_636, %dma_start3A_639] : memref<1000000x64xf32, #tpu.memory_space<hbm>> -> memref<1x64xf32, #tpu.memory_space<hbm>>
        %dma_start3A_641 = arith.constant 0 : i32
        %dma_start3A_642 = tpu.memref_slice %arg13[%add3A_634, %dma_start3A_641] : memref<128x64xf32, #tpu.memory_space<vmem>> -> memref<1x64xf32, #tpu.memory_space<vmem>>
        %dma_start3A_643 = arith.constant 0 : i32
        %dma_start3A_644 = tpu.memref_slice %arg5[%squeeze3A_636, %dma_start3A_643] : memref<1000000x64xf32, #tpu.memory_space<hbm>> -> memref<1x64xf32, #tpu.memory_space<hbm>>
        tpu.enqueue_dma source(%dma_start3A_644 : memref<1x64xf32, #tpu.memory_space<hbm>>) target(%dma_start3A_642 : memref<1x64xf32, #tpu.memory_space<vmem>>) target_semaphore(%arg18 : memref<!tpu.dma_semaphore, #tpu.memory_space<semaphore_mem>>)
        %slice3A_645 = vector.extract_strided_slice %get3A_41 {offsets = [14], sizes = [1], strides = [1]} : vector<16xi32> to vector<1xi32>
        %squeeze3A_646 = vector.extract %slice3A_645[0] : i32 from vector<1xi32>
        %dma_start3A_647 = arith.constant 0 : i32
        %dma_start3A_648 = tpu.memref_slice %arg16[%add3A_634, %dma_start3A_647] : memref<128x1xf32, #tpu.memory_space<vmem>> -> memref<1x1xf32, #tpu.memory_space<vmem>>
        %dma_start3A_649 = arith.constant 0 : i32
        %dma_start3A_650 = tpu.memref_slice %arg6[%squeeze3A_646, %dma_start3A_649] : memref<1000000x1xf32, #tpu.memory_space<hbm>> -> memref<1x1xf32, #tpu.memory_space<hbm>>
        %dma_start3A_651 = arith.constant 0 : i32
        %dma_start3A_652 = tpu.memref_slice %arg16[%add3A_634, %dma_start3A_651] : memref<128x1xf32, #tpu.memory_space<vmem>> -> memref<1x1xf32, #tpu.memory_space<vmem>>
        %dma_start3A_653 = arith.constant 0 : i32
        %dma_start3A_654 = tpu.memref_slice %arg6[%squeeze3A_646, %dma_start3A_653] : memref<1000000x1xf32, #tpu.memory_space<hbm>> -> memref<1x1xf32, #tpu.memory_space<hbm>>
        tpu.enqueue_dma source(%dma_start3A_654 : memref<1x1xf32, #tpu.memory_space<hbm>>) target(%dma_start3A_652 : memref<1x1xf32, #tpu.memory_space<vmem>>) target_semaphore(%arg19 : memref<!tpu.dma_semaphore, #tpu.memory_space<semaphore_mem>>)
        %slice3A_655 = vector.extract_strided_slice %get3A_44 {offsets = [14], sizes = [1], strides = [1]} : vector<16xi32> to vector<1xi32>
        %squeeze3A_656 = vector.extract %slice3A_655[0] : i32 from vector<1xi32>
        %dma_start3A_657 = arith.constant 0 : i32
        %dma_start3A_658 = tpu.memref_slice %arg14[%add3A_634, %dma_start3A_657] : memref<128x64xf32, #tpu.memory_space<vmem>> -> memref<1x64xf32, #tpu.memory_space<vmem>>
        %dma_start3A_659 = arith.constant 0 : i32
        %dma_start3A_660 = tpu.memref_slice %arg7[%squeeze3A_656, %dma_start3A_659] : memref<1000000x64xf32, #tpu.memory_space<hbm>> -> memref<1x64xf32, #tpu.memory_space<hbm>>
        %dma_start3A_661 = arith.constant 0 : i32
        %dma_start3A_662 = tpu.memref_slice %arg14[%add3A_634, %dma_start3A_661] : memref<128x64xf32, #tpu.memory_space<vmem>> -> memref<1x64xf32, #tpu.memory_space<vmem>>
        %dma_start3A_663 = arith.constant 0 : i32
        %dma_start3A_664 = tpu.memref_slice %arg7[%squeeze3A_656, %dma_start3A_663] : memref<1000000x64xf32, #tpu.memory_space<hbm>> -> memref<1x64xf32, #tpu.memory_space<hbm>>
        tpu.enqueue_dma source(%dma_start3A_664 : memref<1x64xf32, #tpu.memory_space<hbm>>) target(%dma_start3A_662 : memref<1x64xf32, #tpu.memory_space<vmem>>) target_semaphore(%arg20 : memref<!tpu.dma_semaphore, #tpu.memory_space<semaphore_mem>>)
        %slice3A_665 = vector.extract_strided_slice %get3A_47 {offsets = [14], sizes = [1], strides = [1]} : vector<16xi32> to vector<1xi32>
        %squeeze3A_666 = vector.extract %slice3A_665[0] : i32 from vector<1xi32>
        %dma_start3A_667 = arith.constant 0 : i32
        %dma_start3A_668 = tpu.memref_slice %arg15[%add3A_634, %dma_start3A_667] : memref<128x64xf32, #tpu.memory_space<vmem>> -> memref<1x64xf32, #tpu.memory_space<vmem>>
        %dma_start3A_669 = arith.constant 0 : i32
        %dma_start3A_670 = tpu.memref_slice %arg8[%squeeze3A_666, %dma_start3A_669] : memref<1000x64xf32, #tpu.memory_space<hbm>> -> memref<1x64xf32, #tpu.memory_space<hbm>>
        %dma_start3A_671 = arith.constant 0 : i32
        %dma_start3A_672 = tpu.memref_slice %arg15[%add3A_634, %dma_start3A_671] : memref<128x64xf32, #tpu.memory_space<vmem>> -> memref<1x64xf32, #tpu.memory_space<vmem>>
        %dma_start3A_673 = arith.constant 0 : i32
        %dma_start3A_674 = tpu.memref_slice %arg8[%squeeze3A_666, %dma_start3A_673] : memref<1000x64xf32, #tpu.memory_space<hbm>> -> memref<1x64xf32, #tpu.memory_space<hbm>>
        tpu.enqueue_dma source(%dma_start3A_674 : memref<1x64xf32, #tpu.memory_space<hbm>>) target(%dma_start3A_672 : memref<1x64xf32, #tpu.memory_space<vmem>>) target_semaphore(%arg21 : memref<!tpu.dma_semaphore, #tpu.memory_space<semaphore_mem>>)
        %add3A_675 = arith.constant 15 : i32
        %add3A_676 = arith.addi %mul3A_39, %add3A_675 : i32
        %slice3A_677 = vector.extract_strided_slice %get3A_41 {offsets = [15], sizes = [1], strides = [1]} : vector<16xi32> to vector<1xi32>
        %squeeze3A_678 = vector.extract %slice3A_677[0] : i32 from vector<1xi32>
        %dma_start3A_679 = arith.constant 0 : i32
        %dma_start3A_680 = tpu.memref_slice %arg13[%add3A_676, %dma_start3A_679] : memref<128x64xf32, #tpu.memory_space<vmem>> -> memref<1x64xf32, #tpu.memory_space<vmem>>
        %dma_start3A_681 = arith.constant 0 : i32
        %dma_start3A_682 = tpu.memref_slice %arg5[%squeeze3A_678, %dma_start3A_681] : memref<1000000x64xf32, #tpu.memory_space<hbm>> -> memref<1x64xf32, #tpu.memory_space<hbm>>
        %dma_start3A_683 = arith.constant 0 : i32
        %dma_start3A_684 = tpu.memref_slice %arg13[%add3A_676, %dma_start3A_683] : memref<128x64xf32, #tpu.memory_space<vmem>> -> memref<1x64xf32, #tpu.memory_space<vmem>>
        %dma_start3A_685 = arith.constant 0 : i32
        %dma_start3A_686 = tpu.memref_slice %arg5[%squeeze3A_678, %dma_start3A_685] : memref<1000000x64xf32, #tpu.memory_space<hbm>> -> memref<1x64xf32, #tpu.memory_space<hbm>>
        tpu.enqueue_dma source(%dma_start3A_686 : memref<1x64xf32, #tpu.memory_space<hbm>>) target(%dma_start3A_684 : memref<1x64xf32, #tpu.memory_space<vmem>>) target_semaphore(%arg18 : memref<!tpu.dma_semaphore, #tpu.memory_space<semaphore_mem>>)
        %slice3A_687 = vector.extract_strided_slice %get3A_41 {offsets = [15], sizes = [1], strides = [1]} : vector<16xi32> to vector<1xi32>
        %squeeze3A_688 = vector.extract %slice3A_687[0] : i32 from vector<1xi32>
        %dma_start3A_689 = arith.constant 0 : i32
        %dma_start3A_690 = tpu.memref_slice %arg16[%add3A_676, %dma_start3A_689] : memref<128x1xf32, #tpu.memory_space<vmem>> -> memref<1x1xf32, #tpu.memory_space<vmem>>
        %dma_start3A_691 = arith.constant 0 : i32
        %dma_start3A_692 = tpu.memref_slice %arg6[%squeeze3A_688, %dma_start3A_691] : memref<1000000x1xf32, #tpu.memory_space<hbm>> -> memref<1x1xf32, #tpu.memory_space<hbm>>
        %dma_start3A_693 = arith.constant 0 : i32
        %dma_start3A_694 = tpu.memref_slice %arg16[%add3A_676, %dma_start3A_693] : memref<128x1xf32, #tpu.memory_space<vmem>> -> memref<1x1xf32, #tpu.memory_space<vmem>>
        %dma_start3A_695 = arith.constant 0 : i32
        %dma_start3A_696 = tpu.memref_slice %arg6[%squeeze3A_688, %dma_start3A_695] : memref<1000000x1xf32, #tpu.memory_space<hbm>> -> memref<1x1xf32, #tpu.memory_space<hbm>>
        tpu.enqueue_dma source(%dma_start3A_696 : memref<1x1xf32, #tpu.memory_space<hbm>>) target(%dma_start3A_694 : memref<1x1xf32, #tpu.memory_space<vmem>>) target_semaphore(%arg19 : memref<!tpu.dma_semaphore, #tpu.memory_space<semaphore_mem>>)
        %slice3A_697 = vector.extract_strided_slice %get3A_44 {offsets = [15], sizes = [1], strides = [1]} : vector<16xi32> to vector<1xi32>
        %squeeze3A_698 = vector.extract %slice3A_697[0] : i32 from vector<1xi32>
        %dma_start3A_699 = arith.constant 0 : i32
        %dma_start3A_700 = tpu.memref_slice %arg14[%add3A_676, %dma_start3A_699] : memref<128x64xf32, #tpu.memory_space<vmem>> -> memref<1x64xf32, #tpu.memory_space<vmem>>
        %dma_start3A_701 = arith.constant 0 : i32
        %dma_start3A_702 = tpu.memref_slice %arg7[%squeeze3A_698, %dma_start3A_701] : memref<1000000x64xf32, #tpu.memory_space<hbm>> -> memref<1x64xf32, #tpu.memory_space<hbm>>
        %dma_start3A_703 = arith.constant 0 : i32
        %dma_start3A_704 = tpu.memref_slice %arg14[%add3A_676, %dma_start3A_703] : memref<128x64xf32, #tpu.memory_space<vmem>> -> memref<1x64xf32, #tpu.memory_space<vmem>>
        %dma_start3A_705 = arith.constant 0 : i32
        %dma_start3A_706 = tpu.memref_slice %arg7[%squeeze3A_698, %dma_start3A_705] : memref<1000000x64xf32, #tpu.memory_space<hbm>> -> memref<1x64xf32, #tpu.memory_space<hbm>>
        tpu.enqueue_dma source(%dma_start3A_706 : memref<1x64xf32, #tpu.memory_space<hbm>>) target(%dma_start3A_704 : memref<1x64xf32, #tpu.memory_space<vmem>>) target_semaphore(%arg20 : memref<!tpu.dma_semaphore, #tpu.memory_space<semaphore_mem>>)
        %slice3A_707 = vector.extract_strided_slice %get3A_47 {offsets = [15], sizes = [1], strides = [1]} : vector<16xi32> to vector<1xi32>
        %squeeze3A_708 = vector.extract %slice3A_707[0] : i32 from vector<1xi32>
        %dma_start3A_709 = arith.constant 0 : i32
        %dma_start3A_710 = tpu.memref_slice %arg15[%add3A_676, %dma_start3A_709] : memref<128x64xf32, #tpu.memory_space<vmem>> -> memref<1x64xf32, #tpu.memory_space<vmem>>
        %dma_start3A_711 = arith.constant 0 : i32
        %dma_start3A_712 = tpu.memref_slice %arg8[%squeeze3A_708, %dma_start3A_711] : memref<1000x64xf32, #tpu.memory_space<hbm>> -> memref<1x64xf32, #tpu.memory_space<hbm>>
        %dma_start3A_713 = arith.constant 0 : i32
        %dma_start3A_714 = tpu.memref_slice %arg15[%add3A_676, %dma_start3A_713] : memref<128x64xf32, #tpu.memory_space<vmem>> -> memref<1x64xf32, #tpu.memory_space<vmem>>
        %dma_start3A_715 = arith.constant 0 : i32
        %dma_start3A_716 = tpu.memref_slice %arg8[%squeeze3A_708, %dma_start3A_715] : memref<1000x64xf32, #tpu.memory_space<hbm>> -> memref<1x64xf32, #tpu.memory_space<hbm>>
        tpu.enqueue_dma source(%dma_start3A_716 : memref<1x64xf32, #tpu.memory_space<hbm>>) target(%dma_start3A_714 : memref<1x64xf32, #tpu.memory_space<vmem>>) target_semaphore(%arg21 : memref<!tpu.dma_semaphore, #tpu.memory_space<semaphore_mem>>)
        %scan3A_717 = arith.constant 0 : i32
        scf.yield %scan3A_717 : i32
      }
      %scan3A_20 = arith.constant 8 : i32
      %scan3A_21 = arith.constant 0 : i32
      %scan3A_22 = arith.constant 0 : i32
      %scan3A_23 = arith.constant 128 : i32
      %scan3A_24 = arith.addi %scan3A_22, %scan3A_23 : i32
      %scan3A_25 = arith.constant 1 : i32
      %scan3A_26 = scf.for %scan3A_36 = %scan3A_22 to %scan3A_24 step %scan3A_25 iter_args(%scan3A_37 = %scan3A_21) -> (i32)  : i32 {
        %dma_wait3A = arith.constant 0 : i32
        %dma_wait3A_38 = tpu.memref_slice %arg13[%scan3A_36, %dma_wait3A] : memref<128x64xf32, #tpu.memory_space<vmem>> -> memref<1x64xf32, #tpu.memory_space<vmem>>
        %dma_wait3A_39 = arith.constant 0 : i32
        %dma_wait3A_40 = arith.constant 0 : i32
        %dma_wait3A_41 = tpu.memref_slice %arg5[%dma_wait3A_39, %dma_wait3A_40] : memref<1000000x64xf32, #tpu.memory_space<hbm>> -> memref<1x64xf32, #tpu.memory_space<hbm>>
        %dma_wait3A_42 = arith.constant 0 : i32
        %dma_wait3A_43 = tpu.memref_slice %arg13[%scan3A_36, %dma_wait3A_42] : memref<128x64xf32, #tpu.memory_space<vmem>> -> memref<1x64xf32, #tpu.memory_space<vmem>>
        %dma_wait3A_44 = arith.constant 0 : i32
        %dma_wait3A_45 = arith.constant 0 : i32
        %dma_wait3A_46 = tpu.memref_slice %arg5[%dma_wait3A_44, %dma_wait3A_45] : memref<1000000x64xf32, #tpu.memory_space<hbm>> -> memref<1x64xf32, #tpu.memory_space<hbm>>
        tpu.wait_dma2 semaphore(%arg18 : memref<!tpu.dma_semaphore, #tpu.memory_space<semaphore_mem>>) src(%dma_wait3A_46 : memref<1x64xf32, #tpu.memory_space<hbm>>) dst(%dma_wait3A_43 : memref<1x64xf32, #tpu.memory_space<vmem>>)
        %dma_wait3A_47 = arith.constant 0 : i32
        %dma_wait3A_48 = tpu.memref_slice %arg16[%scan3A_36, %dma_wait3A_47] : memref<128x1xf32, #tpu.memory_space<vmem>> -> memref<1x1xf32, #tpu.memory_space<vmem>>
        %dma_wait3A_49 = arith.constant 0 : i32
        %dma_wait3A_50 = arith.constant 0 : i32
        %dma_wait3A_51 = tpu.memref_slice %arg6[%dma_wait3A_49, %dma_wait3A_50] : memref<1000000x1xf32, #tpu.memory_space<hbm>> -> memref<1x1xf32, #tpu.memory_space<hbm>>
        %dma_wait3A_52 = arith.constant 0 : i32
        %dma_wait3A_53 = tpu.memref_slice %arg16[%scan3A_36, %dma_wait3A_52] : memref<128x1xf32, #tpu.memory_space<vmem>> -> memref<1x1xf32, #tpu.memory_space<vmem>>
        %dma_wait3A_54 = arith.constant 0 : i32
        %dma_wait3A_55 = arith.constant 0 : i32
        %dma_wait3A_56 = tpu.memref_slice %arg6[%dma_wait3A_54, %dma_wait3A_55] : memref<1000000x1xf32, #tpu.memory_space<hbm>> -> memref<1x1xf32, #tpu.memory_space<hbm>>
        tpu.wait_dma2 semaphore(%arg19 : memref<!tpu.dma_semaphore, #tpu.memory_space<semaphore_mem>>) src(%dma_wait3A_56 : memref<1x1xf32, #tpu.memory_space<hbm>>) dst(%dma_wait3A_53 : memref<1x1xf32, #tpu.memory_space<vmem>>)
        %dma_wait3A_57 = arith.constant 0 : i32
        %dma_wait3A_58 = tpu.memref_slice %arg14[%scan3A_36, %dma_wait3A_57] : memref<128x64xf32, #tpu.memory_space<vmem>> -> memref<1x64xf32, #tpu.memory_space<vmem>>
        %dma_wait3A_59 = arith.constant 0 : i32
        %dma_wait3A_60 = arith.constant 0 : i32
        %dma_wait3A_61 = tpu.memref_slice %arg7[%dma_wait3A_59, %dma_wait3A_60] : memref<1000000x64xf32, #tpu.memory_space<hbm>> -> memref<1x64xf32, #tpu.memory_space<hbm>>
        %dma_wait3A_62 = arith.constant 0 : i32
        %dma_wait3A_63 = tpu.memref_slice %arg14[%scan3A_36, %dma_wait3A_62] : memref<128x64xf32, #tpu.memory_space<vmem>> -> memref<1x64xf32, #tpu.memory_space<vmem>>
        %dma_wait3A_64 = arith.constant 0 : i32
        %dma_wait3A_65 = arith.constant 0 : i32
        %dma_wait3A_66 = tpu.memref_slice %arg7[%dma_wait3A_64, %dma_wait3A_65] : memref<1000000x64xf32, #tpu.memory_space<hbm>> -> memref<1x64xf32, #tpu.memory_space<hbm>>
        tpu.wait_dma2 semaphore(%arg20 : memref<!tpu.dma_semaphore, #tpu.memory_space<semaphore_mem>>) src(%dma_wait3A_66 : memref<1x64xf32, #tpu.memory_space<hbm>>) dst(%dma_wait3A_63 : memref<1x64xf32, #tpu.memory_space<vmem>>)
        %dma_wait3A_67 = arith.constant 0 : i32
        %dma_wait3A_68 = tpu.memref_slice %arg15[%scan3A_36, %dma_wait3A_67] : memref<128x64xf32, #tpu.memory_space<vmem>> -> memref<1x64xf32, #tpu.memory_space<vmem>>
        %dma_wait3A_69 = arith.constant 0 : i32
        %dma_wait3A_70 = arith.constant 0 : i32
        %dma_wait3A_71 = tpu.memref_slice %arg8[%dma_wait3A_69, %dma_wait3A_70] : memref<1000x64xf32, #tpu.memory_space<hbm>> -> memref<1x64xf32, #tpu.memory_space<hbm>>
        %dma_wait3A_72 = arith.constant 0 : i32
        %dma_wait3A_73 = tpu.memref_slice %arg15[%scan3A_36, %dma_wait3A_72] : memref<128x64xf32, #tpu.memory_space<vmem>> -> memref<1x64xf32, #tpu.memory_space<vmem>>
        %dma_wait3A_74 = arith.constant 0 : i32
        %dma_wait3A_75 = arith.constant 0 : i32
        %dma_wait3A_76 = tpu.memref_slice %arg8[%dma_wait3A_74, %dma_wait3A_75] : memref<1000x64xf32, #tpu.memory_space<hbm>> -> memref<1x64xf32, #tpu.memory_space<hbm>>
        tpu.wait_dma2 semaphore(%arg21 : memref<!tpu.dma_semaphore, #tpu.memory_space<semaphore_mem>>) src(%dma_wait3A_76 : memref<1x64xf32, #tpu.memory_space<hbm>>) dst(%dma_wait3A_73 : memref<1x64xf32, #tpu.memory_space<vmem>>)
        %scan3A_77 = arith.constant 0 : i32
        scf.yield %scan3A_77 : i32
      }
      %scan3A_27 = arith.constant 128 : i32
      %scan3A_28 = arith.constant 0 : i32
      %scan3A_29 = arith.constant 0 : i32
      %scan3A_30 = arith.constant 8 : i32
      %scan3A_31 = arith.addi %scan3A_29, %scan3A_30 : i32
      %scan3A_32 = arith.constant 1 : i32
      %scan3A_33 = scf.for %scan3A_36 = %scan3A_29 to %scan3A_31 step %scan3A_32 iter_args(%scan3A_37 = %scan3A_28) -> (i32)  : i32 {
        %broadcast_in_dim3A_38 = arith.constant 0.000000e+00 : f32
        %broadcast_in_dim3A_39 = vector.broadcast %broadcast_in_dim3A_38 : f32 to vector<16xf32>
        %mul3A_40 = arith.constant 16 : i32
        %mul3A_41 = arith.muli %scan3A_36, %mul3A_40 : i32
        %add3A_42 = arith.constant 0 : i32
        %add3A_43 = arith.addi %mul3A_41, %add3A_42 : i32
        %get3A = arith.index_cast %add3A_43 : i32 to index
        %get3A_44 = arith.constant 0 : index
        %get3A_45 = tpu.vector_load %arg13[%get3A, %get3A_44] {strides = array<i32>} : memref<128x64xf32, #tpu.memory_space<vmem>>, vector<16xf32>,
        %get3A_46 = arith.index_cast %add3A_43 : i32 to index
        %get3A_47 = arith.constant 0 : index
        %get3A_48 = tpu.vector_load %arg14[%get3A_46, %get3A_47] {strides = array<i32>} : memref<128x64xf32, #tpu.memory_space<vmem>>, vector<16xf32>,
        %get3A_49 = arith.index_cast %add3A_43 : i32 to index
        %get3A_50 = arith.constant 0 : index
        %get3A_51 = tpu.vector_load %arg15[%get3A_49, %get3A_50] {strides = array<i32>} : memref<128x64xf32, #tpu.memory_space<vmem>>, vector<16xf32>,
        %add3A_52 = arith.addf %get3A_48, %get3A_51 : vector<16xf32>
        %mul3A_53 = arith.mulf %get3A_45, %add3A_52 : vector<16xf32>
        %get3A_54 = arith.index_cast %add3A_43 : i32 to index
        %get3A_55 = arith.constant 16 : index
        %get3A_56 = tpu.vector_load %arg13[%get3A_54, %get3A_55] {strides = array<i32>} : memref<128x64xf32, #tpu.memory_space<vmem>>, vector<16xf32>,
        %get3A_57 = arith.index_cast %add3A_43 : i32 to index
        %get3A_58 = arith.constant 16 : index
        %get3A_59 = tpu.vector_load %arg14[%get3A_57, %get3A_58] {strides = array<i32>} : memref<128x64xf32, #tpu.memory_space<vmem>>, vector<16xf32>,
        %get3A_60 = arith.index_cast %add3A_43 : i32 to index
        %get3A_61 = arith.constant 16 : index
        %get3A_62 = tpu.vector_load %arg15[%get3A_60, %get3A_61] {strides = array<i32>} : memref<128x64xf32, #tpu.memory_space<vmem>>, vector<16xf32>,
        %add3A_63 = arith.addf %get3A_59, %get3A_62 : vector<16xf32>
        %mul3A_64 = arith.mulf %get3A_56, %add3A_63 : vector<16xf32>
        %add3A_65 = arith.addf %mul3A_53, %mul3A_64 : vector<16xf32>
        %get3A_66 = arith.index_cast %add3A_43 : i32 to index
        %get3A_67 = arith.constant 32 : index
        %get3A_68 = tpu.vector_load %arg13[%get3A_66, %get3A_67] {strides = array<i32>} : memref<128x64xf32, #tpu.memory_space<vmem>>, vector<16xf32>,
        %get3A_69 = arith.index_cast %add3A_43 : i32 to index
        %get3A_70 = arith.constant 32 : index
        %get3A_71 = tpu.vector_load %arg14[%get3A_69, %get3A_70] {strides = array<i32>} : memref<128x64xf32, #tpu.memory_space<vmem>>, vector<16xf32>,
        %get3A_72 = arith.index_cast %add3A_43 : i32 to index
        %get3A_73 = arith.constant 32 : index
        %get3A_74 = tpu.vector_load %arg15[%get3A_72, %get3A_73] {strides = array<i32>} : memref<128x64xf32, #tpu.memory_space<vmem>>, vector<16xf32>,
        %add3A_75 = arith.addf %get3A_71, %get3A_74 : vector<16xf32>
        %mul3A_76 = arith.mulf %get3A_68, %add3A_75 : vector<16xf32>
        %add3A_77 = arith.addf %add3A_65, %mul3A_76 : vector<16xf32>
        %get3A_78 = arith.index_cast %add3A_43 : i32 to index
        %get3A_79 = arith.constant 48 : index
        %get3A_80 = tpu.vector_load %arg13[%get3A_78, %get3A_79] {strides = array<i32>} : memref<128x64xf32, #tpu.memory_space<vmem>>, vector<16xf32>,
        %get3A_81 = arith.index_cast %add3A_43 : i32 to index
        %get3A_82 = arith.constant 48 : index
        %get3A_83 = tpu.vector_load %arg14[%get3A_81, %get3A_82] {strides = array<i32>} : memref<128x64xf32, #tpu.memory_space<vmem>>, vector<16xf32>,
        %get3A_84 = arith.index_cast %add3A_43 : i32 to index
        %get3A_85 = arith.constant 48 : index
        %get3A_86 = tpu.vector_load %arg15[%get3A_84, %get3A_85] {strides = array<i32>} : memref<128x64xf32, #tpu.memory_space<vmem>>, vector<16xf32>,
        %add3A_87 = arith.addf %get3A_83, %get3A_86 : vector<16xf32>
        %mul3A_88 = arith.mulf %get3A_80, %add3A_87 : vector<16xf32>
        %add3A_89 = arith.addf %add3A_77, %mul3A_88 : vector<16xf32>
        %eq3A = arith.constant 0 : i32
        %eq3A_90 = vector.broadcast %eq3A : i32 to vector<16xi32>
        %eq3A_91 = arith.cmpi eq, %iota3A, %eq3A_90 : vector<16xi32>
        %reduce_sum3A = arith.constant true
        %reduce_sum3A_92 = vector.broadcast %reduce_sum3A : i1 to vector<16xi1>
        %reduce_sum3A_93 = tpu.scan <sum>, %add3A_89 masked %reduce_sum3A_92 : vector<16xf32>, vector<16xi1> -> vector<16xf32>
        %reduce_sum3A_94 = vector.extract %reduce_sum3A_93[15] : f32 from vector<16xf32>
        %broadcast_in_dim3A_95 = vector.broadcast %reduce_sum3A_94 : f32 to vector<16xf32>
        %select_n3A = arith.select %eq3A_91, %broadcast_in_dim3A_95, %broadcast_in_dim3A_39 : vector<16xi1>, vector<16xf32>
        %add3A_96 = arith.constant 1 : i32
        %add3A_97 = arith.addi %mul3A_41, %add3A_96 : i32
        %get3A_98 = arith.index_cast %add3A_97 : i32 to index
        %get3A_99 = arith.constant 0 : index
        %get3A_100 = tpu.vector_load %arg13[%get3A_98, %get3A_99] {strides = array<i32>} : memref<128x64xf32, #tpu.memory_space<vmem>>, vector<16xf32>,
        %get3A_101 = arith.index_cast %add3A_97 : i32 to index
        %get3A_102 = arith.constant 0 : index
        %get3A_103 = tpu.vector_load %arg14[%get3A_101, %get3A_102] {strides = array<i32>} : memref<128x64xf32, #tpu.memory_space<vmem>>, vector<16xf32>,
        %get3A_104 = arith.index_cast %add3A_97 : i32 to index
        %get3A_105 = arith.constant 0 : index
        %get3A_106 = tpu.vector_load %arg15[%get3A_104, %get3A_105] {strides = array<i32>} : memref<128x64xf32, #tpu.memory_space<vmem>>, vector<16xf32>,
        %add3A_107 = arith.addf %get3A_103, %get3A_106 : vector<16xf32>
        %mul3A_108 = arith.mulf %get3A_100, %add3A_107 : vector<16xf32>
        %get3A_109 = arith.index_cast %add3A_97 : i32 to index
        %get3A_110 = arith.constant 16 : index
        %get3A_111 = tpu.vector_load %arg13[%get3A_109, %get3A_110] {strides = array<i32>} : memref<128x64xf32, #tpu.memory_space<vmem>>, vector<16xf32>,
        %get3A_112 = arith.index_cast %add3A_97 : i32 to index
        %get3A_113 = arith.constant 16 : index
        %get3A_114 = tpu.vector_load %arg14[%get3A_112, %get3A_113] {strides = array<i32>} : memref<128x64xf32, #tpu.memory_space<vmem>>, vector<16xf32>,
        %get3A_115 = arith.index_cast %add3A_97 : i32 to index
        %get3A_116 = arith.constant 16 : index
        %get3A_117 = tpu.vector_load %arg15[%get3A_115, %get3A_116] {strides = array<i32>} : memref<128x64xf32, #tpu.memory_space<vmem>>, vector<16xf32>,
        %add3A_118 = arith.addf %get3A_114, %get3A_117 : vector<16xf32>
        %mul3A_119 = arith.mulf %get3A_111, %add3A_118 : vector<16xf32>
        %add3A_120 = arith.addf %mul3A_108, %mul3A_119 : vector<16xf32>
        %get3A_121 = arith.index_cast %add3A_97 : i32 to index
        %get3A_122 = arith.constant 32 : index
        %get3A_123 = tpu.vector_load %arg13[%get3A_121, %get3A_122] {strides = array<i32>} : memref<128x64xf32, #tpu.memory_space<vmem>>, vector<16xf32>,
        %get3A_124 = arith.index_cast %add3A_97 : i32 to index
        %get3A_125 = arith.constant 32 : index
        %get3A_126 = tpu.vector_load %arg14[%get3A_124, %get3A_125] {strides = array<i32>} : memref<128x64xf32, #tpu.memory_space<vmem>>, vector<16xf32>,
        %get3A_127 = arith.index_cast %add3A_97 : i32 to index
        %get3A_128 = arith.constant 32 : index
        %get3A_129 = tpu.vector_load %arg15[%get3A_127, %get3A_128] {strides = array<i32>} : memref<128x64xf32, #tpu.memory_space<vmem>>, vector<16xf32>,
        %add3A_130 = arith.addf %get3A_126, %get3A_129 : vector<16xf32>
        %mul3A_131 = arith.mulf %get3A_123, %add3A_130 : vector<16xf32>
        %add3A_132 = arith.addf %add3A_120, %mul3A_131 : vector<16xf32>
        %get3A_133 = arith.index_cast %add3A_97 : i32 to index
        %get3A_134 = arith.constant 48 : index
        %get3A_135 = tpu.vector_load %arg13[%get3A_133, %get3A_134] {strides = array<i32>} : memref<128x64xf32, #tpu.memory_space<vmem>>, vector<16xf32>,
        %get3A_136 = arith.index_cast %add3A_97 : i32 to index
        %get3A_137 = arith.constant 48 : index
        %get3A_138 = tpu.vector_load %arg14[%get3A_136, %get3A_137] {strides = array<i32>} : memref<128x64xf32, #tpu.memory_space<vmem>>, vector<16xf32>,
        %get3A_139 = arith.index_cast %add3A_97 : i32 to index
        %get3A_140 = arith.constant 48 : index
        %get3A_141 = tpu.vector_load %arg15[%get3A_139, %get3A_140] {strides = array<i32>} : memref<128x64xf32, #tpu.memory_space<vmem>>, vector<16xf32>,
        %add3A_142 = arith.addf %get3A_138, %get3A_141 : vector<16xf32>
        %mul3A_143 = arith.mulf %get3A_135, %add3A_142 : vector<16xf32>
        %add3A_144 = arith.addf %add3A_132, %mul3A_143 : vector<16xf32>
        %eq3A_145 = arith.constant 1 : i32
        %eq3A_146 = vector.broadcast %eq3A_145 : i32 to vector<16xi32>
        %eq3A_147 = arith.cmpi eq, %iota3A, %eq3A_146 : vector<16xi32>
        %reduce_sum3A_148 = arith.constant true
        %reduce_sum3A_149 = vector.broadcast %reduce_sum3A_148 : i1 to vector<16xi1>
        %reduce_sum3A_150 = tpu.scan <sum>, %add3A_144 masked %reduce_sum3A_149 : vector<16xf32>, vector<16xi1> -> vector<16xf32>
        %reduce_sum3A_151 = vector.extract %reduce_sum3A_150[15] : f32 from vector<16xf32>
        %broadcast_in_dim3A_152 = vector.broadcast %reduce_sum3A_151 : f32 to vector<16xf32>
        %select_n3A_153 = arith.select %eq3A_147, %broadcast_in_dim3A_152, %select_n3A : vector<16xi1>, vector<16xf32>
        %add3A_154 = arith.constant 2 : i32
        %add3A_155 = arith.addi %mul3A_41, %add3A_154 : i32
        %get3A_156 = arith.index_cast %add3A_155 : i32 to index
        %get3A_157 = arith.constant 0 : index
        %get3A_158 = tpu.vector_load %arg13[%get3A_156, %get3A_157] {strides = array<i32>} : memref<128x64xf32, #tpu.memory_space<vmem>>, vector<16xf32>,
        %get3A_159 = arith.index_cast %add3A_155 : i32 to index
        %get3A_160 = arith.constant 0 : index
        %get3A_161 = tpu.vector_load %arg14[%get3A_159, %get3A_160] {strides = array<i32>} : memref<128x64xf32, #tpu.memory_space<vmem>>, vector<16xf32>,
        %get3A_162 = arith.index_cast %add3A_155 : i32 to index
        %get3A_163 = arith.constant 0 : index
        %get3A_164 = tpu.vector_load %arg15[%get3A_162, %get3A_163] {strides = array<i32>} : memref<128x64xf32, #tpu.memory_space<vmem>>, vector<16xf32>,
        %add3A_165 = arith.addf %get3A_161, %get3A_164 : vector<16xf32>
        %mul3A_166 = arith.mulf %get3A_158, %add3A_165 : vector<16xf32>
        %get3A_167 = arith.index_cast %add3A_155 : i32 to index
        %get3A_168 = arith.constant 16 : index
        %get3A_169 = tpu.vector_load %arg13[%get3A_167, %get3A_168] {strides = array<i32>} : memref<128x64xf32, #tpu.memory_space<vmem>>, vector<16xf32>,
        %get3A_170 = arith.index_cast %add3A_155 : i32 to index
        %get3A_171 = arith.constant 16 : index
        %get3A_172 = tpu.vector_load %arg14[%get3A_170, %get3A_171] {strides = array<i32>} : memref<128x64xf32, #tpu.memory_space<vmem>>, vector<16xf32>,
        %get3A_173 = arith.index_cast %add3A_155 : i32 to index
        %get3A_174 = arith.constant 16 : index
        %get3A_175 = tpu.vector_load %arg15[%get3A_173, %get3A_174] {strides = array<i32>} : memref<128x64xf32, #tpu.memory_space<vmem>>, vector<16xf32>,
        %add3A_176 = arith.addf %get3A_172, %get3A_175 : vector<16xf32>
        %mul3A_177 = arith.mulf %get3A_169, %add3A_176 : vector<16xf32>
        %add3A_178 = arith.addf %mul3A_166, %mul3A_177 : vector<16xf32>
        %get3A_179 = arith.index_cast %add3A_155 : i32 to index
        %get3A_180 = arith.constant 32 : index
        %get3A_181 = tpu.vector_load %arg13[%get3A_179, %get3A_180] {strides = array<i32>} : memref<128x64xf32, #tpu.memory_space<vmem>>, vector<16xf32>,
        %get3A_182 = arith.index_cast %add3A_155 : i32 to index
        %get3A_183 = arith.constant 32 : index
        %get3A_184 = tpu.vector_load %arg14[%get3A_182, %get3A_183] {strides = array<i32>} : memref<128x64xf32, #tpu.memory_space<vmem>>, vector<16xf32>,
        %get3A_185 = arith.index_cast %add3A_155 : i32 to index
        %get3A_186 = arith.constant 32 : index
        %get3A_187 = tpu.vector_load %arg15[%get3A_185, %get3A_186] {strides = array<i32>} : memref<128x64xf32, #tpu.memory_space<vmem>>, vector<16xf32>,
        %add3A_188 = arith.addf %get3A_184, %get3A_187 : vector<16xf32>
        %mul3A_189 = arith.mulf %get3A_181, %add3A_188 : vector<16xf32>
        %add3A_190 = arith.addf %add3A_178, %mul3A_189 : vector<16xf32>
        %get3A_191 = arith.index_cast %add3A_155 : i32 to index
        %get3A_192 = arith.constant 48 : index
        %get3A_193 = tpu.vector_load %arg13[%get3A_191, %get3A_192] {strides = array<i32>} : memref<128x64xf32, #tpu.memory_space<vmem>>, vector<16xf32>,
        %get3A_194 = arith.index_cast %add3A_155 : i32 to index
        %get3A_195 = arith.constant 48 : index
        %get3A_196 = tpu.vector_load %arg14[%get3A_194, %get3A_195] {strides = array<i32>} : memref<128x64xf32, #tpu.memory_space<vmem>>, vector<16xf32>,
        %get3A_197 = arith.index_cast %add3A_155 : i32 to index
        %get3A_198 = arith.constant 48 : index
        %get3A_199 = tpu.vector_load %arg15[%get3A_197, %get3A_198] {strides = array<i32>} : memref<128x64xf32, #tpu.memory_space<vmem>>, vector<16xf32>,
        %add3A_200 = arith.addf %get3A_196, %get3A_199 : vector<16xf32>
        %mul3A_201 = arith.mulf %get3A_193, %add3A_200 : vector<16xf32>
        %add3A_202 = arith.addf %add3A_190, %mul3A_201 : vector<16xf32>
        %eq3A_203 = arith.constant 2 : i32
        %eq3A_204 = vector.broadcast %eq3A_203 : i32 to vector<16xi32>
        %eq3A_205 = arith.cmpi eq, %iota3A, %eq3A_204 : vector<16xi32>
        %reduce_sum3A_206 = arith.constant true
        %reduce_sum3A_207 = vector.broadcast %reduce_sum3A_206 : i1 to vector<16xi1>
        %reduce_sum3A_208 = tpu.scan <sum>, %add3A_202 masked %reduce_sum3A_207 : vector<16xf32>, vector<16xi1> -> vector<16xf32>
        %reduce_sum3A_209 = vector.extract %reduce_sum3A_208[15] : f32 from vector<16xf32>
        %broadcast_in_dim3A_210 = vector.broadcast %reduce_sum3A_209 : f32 to vector<16xf32>
        %select_n3A_211 = arith.select %eq3A_205, %broadcast_in_dim3A_210, %select_n3A_153 : vector<16xi1>, vector<16xf32>
        %add3A_212 = arith.constant 3 : i32
        %add3A_213 = arith.addi %mul3A_41, %add3A_212 : i32
        %get3A_214 = arith.index_cast %add3A_213 : i32 to index
        %get3A_215 = arith.constant 0 : index
        %get3A_216 = tpu.vector_load %arg13[%get3A_214, %get3A_215] {strides = array<i32>} : memref<128x64xf32, #tpu.memory_space<vmem>>, vector<16xf32>,
        %get3A_217 = arith.index_cast %add3A_213 : i32 to index
        %get3A_218 = arith.constant 0 : index
        %get3A_219 = tpu.vector_load %arg14[%get3A_217, %get3A_218] {strides = array<i32>} : memref<128x64xf32, #tpu.memory_space<vmem>>, vector<16xf32>,
        %get3A_220 = arith.index_cast %add3A_213 : i32 to index
        %get3A_221 = arith.constant 0 : index
        %get3A_222 = tpu.vector_load %arg15[%get3A_220, %get3A_221] {strides = array<i32>} : memref<128x64xf32, #tpu.memory_space<vmem>>, vector<16xf32>,
        %add3A_223 = arith.addf %get3A_219, %get3A_222 : vector<16xf32>
        %mul3A_224 = arith.mulf %get3A_216, %add3A_223 : vector<16xf32>
        %get3A_225 = arith.index_cast %add3A_213 : i32 to index
        %get3A_226 = arith.constant 16 : index
        %get3A_227 = tpu.vector_load %arg13[%get3A_225, %get3A_226] {strides = array<i32>} : memref<128x64xf32, #tpu.memory_space<vmem>>, vector<16xf32>,
        %get3A_228 = arith.index_cast %add3A_213 : i32 to index
        %get3A_229 = arith.constant 16 : index
        %get3A_230 = tpu.vector_load %arg14[%get3A_228, %get3A_229] {strides = array<i32>} : memref<128x64xf32, #tpu.memory_space<vmem>>, vector<16xf32>,
        %get3A_231 = arith.index_cast %add3A_213 : i32 to index
        %get3A_232 = arith.constant 16 : index
        %get3A_233 = tpu.vector_load %arg15[%get3A_231, %get3A_232] {strides = array<i32>} : memref<128x64xf32, #tpu.memory_space<vmem>>, vector<16xf32>,
        %add3A_234 = arith.addf %get3A_230, %get3A_233 : vector<16xf32>
        %mul3A_235 = arith.mulf %get3A_227, %add3A_234 : vector<16xf32>
        %add3A_236 = arith.addf %mul3A_224, %mul3A_235 : vector<16xf32>
        %get3A_237 = arith.index_cast %add3A_213 : i32 to index
        %get3A_238 = arith.constant 32 : index
        %get3A_239 = tpu.vector_load %arg13[%get3A_237, %get3A_238] {strides = array<i32>} : memref<128x64xf32, #tpu.memory_space<vmem>>, vector<16xf32>,
        %get3A_240 = arith.index_cast %add3A_213 : i32 to index
        %get3A_241 = arith.constant 32 : index
        %get3A_242 = tpu.vector_load %arg14[%get3A_240, %get3A_241] {strides = array<i32>} : memref<128x64xf32, #tpu.memory_space<vmem>>, vector<16xf32>,
        %get3A_243 = arith.index_cast %add3A_213 : i32 to index
        %get3A_244 = arith.constant 32 : index
        %get3A_245 = tpu.vector_load %arg15[%get3A_243, %get3A_244] {strides = array<i32>} : memref<128x64xf32, #tpu.memory_space<vmem>>, vector<16xf32>,
        %add3A_246 = arith.addf %get3A_242, %get3A_245 : vector<16xf32>
        %mul3A_247 = arith.mulf %get3A_239, %add3A_246 : vector<16xf32>
        %add3A_248 = arith.addf %add3A_236, %mul3A_247 : vector<16xf32>
        %get3A_249 = arith.index_cast %add3A_213 : i32 to index
        %get3A_250 = arith.constant 48 : index
        %get3A_251 = tpu.vector_load %arg13[%get3A_249, %get3A_250] {strides = array<i32>} : memref<128x64xf32, #tpu.memory_space<vmem>>, vector<16xf32>,
        %get3A_252 = arith.index_cast %add3A_213 : i32 to index
        %get3A_253 = arith.constant 48 : index
        %get3A_254 = tpu.vector_load %arg14[%get3A_252, %get3A_253] {strides = array<i32>} : memref<128x64xf32, #tpu.memory_space<vmem>>, vector<16xf32>,
        %get3A_255 = arith.index_cast %add3A_213 : i32 to index
        %get3A_256 = arith.constant 48 : index
        %get3A_257 = tpu.vector_load %arg15[%get3A_255, %get3A_256] {strides = array<i32>} : memref<128x64xf32, #tpu.memory_space<vmem>>, vector<16xf32>,
        %add3A_258 = arith.addf %get3A_254, %get3A_257 : vector<16xf32>
        %mul3A_259 = arith.mulf %get3A_251, %add3A_258 : vector<16xf32>
        %add3A_260 = arith.addf %add3A_248, %mul3A_259 : vector<16xf32>
        %eq3A_261 = arith.constant 3 : i32
        %eq3A_262 = vector.broadcast %eq3A_261 : i32 to vector<16xi32>
        %eq3A_263 = arith.cmpi eq, %iota3A, %eq3A_262 : vector<16xi32>
        %reduce_sum3A_264 = arith.constant true
        %reduce_sum3A_265 = vector.broadcast %reduce_sum3A_264 : i1 to vector<16xi1>
        %reduce_sum3A_266 = tpu.scan <sum>, %add3A_260 masked %reduce_sum3A_265 : vector<16xf32>, vector<16xi1> -> vector<16xf32>
        %reduce_sum3A_267 = vector.extract %reduce_sum3A_266[15] : f32 from vector<16xf32>
        %broadcast_in_dim3A_268 = vector.broadcast %reduce_sum3A_267 : f32 to vector<16xf32>
        %select_n3A_269 = arith.select %eq3A_263, %broadcast_in_dim3A_268, %select_n3A_211 : vector<16xi1>, vector<16xf32>
        %add3A_270 = arith.constant 4 : i32
        %add3A_271 = arith.addi %mul3A_41, %add3A_270 : i32
        %get3A_272 = arith.index_cast %add3A_271 : i32 to index
        %get3A_273 = arith.constant 0 : index
        %get3A_274 = tpu.vector_load %arg13[%get3A_272, %get3A_273] {strides = array<i32>} : memref<128x64xf32, #tpu.memory_space<vmem>>, vector<16xf32>,
        %get3A_275 = arith.index_cast %add3A_271 : i32 to index
        %get3A_276 = arith.constant 0 : index
        %get3A_277 = tpu.vector_load %arg14[%get3A_275, %get3A_276] {strides = array<i32>} : memref<128x64xf32, #tpu.memory_space<vmem>>, vector<16xf32>,
        %get3A_278 = arith.index_cast %add3A_271 : i32 to index
        %get3A_279 = arith.constant 0 : index
        %get3A_280 = tpu.vector_load %arg15[%get3A_278, %get3A_279] {strides = array<i32>} : memref<128x64xf32, #tpu.memory_space<vmem>>, vector<16xf32>,
        %add3A_281 = arith.addf %get3A_277, %get3A_280 : vector<16xf32>
        %mul3A_282 = arith.mulf %get3A_274, %add3A_281 : vector<16xf32>
        %get3A_283 = arith.index_cast %add3A_271 : i32 to index
        %get3A_284 = arith.constant 16 : index
        %get3A_285 = tpu.vector_load %arg13[%get3A_283, %get3A_284] {strides = array<i32>} : memref<128x64xf32, #tpu.memory_space<vmem>>, vector<16xf32>,
        %get3A_286 = arith.index_cast %add3A_271 : i32 to index
        %get3A_287 = arith.constant 16 : index
        %get3A_288 = tpu.vector_load %arg14[%get3A_286, %get3A_287] {strides = array<i32>} : memref<128x64xf32, #tpu.memory_space<vmem>>, vector<16xf32>,
        %get3A_289 = arith.index_cast %add3A_271 : i32 to index
        %get3A_290 = arith.constant 16 : index
        %get3A_291 = tpu.vector_load %arg15[%get3A_289, %get3A_290] {strides = array<i32>} : memref<128x64xf32, #tpu.memory_space<vmem>>, vector<16xf32>,
        %add3A_292 = arith.addf %get3A_288, %get3A_291 : vector<16xf32>
        %mul3A_293 = arith.mulf %get3A_285, %add3A_292 : vector<16xf32>
        %add3A_294 = arith.addf %mul3A_282, %mul3A_293 : vector<16xf32>
        %get3A_295 = arith.index_cast %add3A_271 : i32 to index
        %get3A_296 = arith.constant 32 : index
        %get3A_297 = tpu.vector_load %arg13[%get3A_295, %get3A_296] {strides = array<i32>} : memref<128x64xf32, #tpu.memory_space<vmem>>, vector<16xf32>,
        %get3A_298 = arith.index_cast %add3A_271 : i32 to index
        %get3A_299 = arith.constant 32 : index
        %get3A_300 = tpu.vector_load %arg14[%get3A_298, %get3A_299] {strides = array<i32>} : memref<128x64xf32, #tpu.memory_space<vmem>>, vector<16xf32>,
        %get3A_301 = arith.index_cast %add3A_271 : i32 to index
        %get3A_302 = arith.constant 32 : index
        %get3A_303 = tpu.vector_load %arg15[%get3A_301, %get3A_302] {strides = array<i32>} : memref<128x64xf32, #tpu.memory_space<vmem>>, vector<16xf32>,
        %add3A_304 = arith.addf %get3A_300, %get3A_303 : vector<16xf32>
        %mul3A_305 = arith.mulf %get3A_297, %add3A_304 : vector<16xf32>
        %add3A_306 = arith.addf %add3A_294, %mul3A_305 : vector<16xf32>
        %get3A_307 = arith.index_cast %add3A_271 : i32 to index
        %get3A_308 = arith.constant 48 : index
        %get3A_309 = tpu.vector_load %arg13[%get3A_307, %get3A_308] {strides = array<i32>} : memref<128x64xf32, #tpu.memory_space<vmem>>, vector<16xf32>,
        %get3A_310 = arith.index_cast %add3A_271 : i32 to index
        %get3A_311 = arith.constant 48 : index
        %get3A_312 = tpu.vector_load %arg14[%get3A_310, %get3A_311] {strides = array<i32>} : memref<128x64xf32, #tpu.memory_space<vmem>>, vector<16xf32>,
        %get3A_313 = arith.index_cast %add3A_271 : i32 to index
        %get3A_314 = arith.constant 48 : index
        %get3A_315 = tpu.vector_load %arg15[%get3A_313, %get3A_314] {strides = array<i32>} : memref<128x64xf32, #tpu.memory_space<vmem>>, vector<16xf32>,
        %add3A_316 = arith.addf %get3A_312, %get3A_315 : vector<16xf32>
        %mul3A_317 = arith.mulf %get3A_309, %add3A_316 : vector<16xf32>
        %add3A_318 = arith.addf %add3A_306, %mul3A_317 : vector<16xf32>
        %eq3A_319 = arith.constant 4 : i32
        %eq3A_320 = vector.broadcast %eq3A_319 : i32 to vector<16xi32>
        %eq3A_321 = arith.cmpi eq, %iota3A, %eq3A_320 : vector<16xi32>
        %reduce_sum3A_322 = arith.constant true
        %reduce_sum3A_323 = vector.broadcast %reduce_sum3A_322 : i1 to vector<16xi1>
        %reduce_sum3A_324 = tpu.scan <sum>, %add3A_318 masked %reduce_sum3A_323 : vector<16xf32>, vector<16xi1> -> vector<16xf32>
        %reduce_sum3A_325 = vector.extract %reduce_sum3A_324[15] : f32 from vector<16xf32>
        %broadcast_in_dim3A_326 = vector.broadcast %reduce_sum3A_325 : f32 to vector<16xf32>
        %select_n3A_327 = arith.select %eq3A_321, %broadcast_in_dim3A_326, %select_n3A_269 : vector<16xi1>, vector<16xf32>
        %add3A_328 = arith.constant 5 : i32
        %add3A_329 = arith.addi %mul3A_41, %add3A_328 : i32
        %get3A_330 = arith.index_cast %add3A_329 : i32 to index
        %get3A_331 = arith.constant 0 : index
        %get3A_332 = tpu.vector_load %arg13[%get3A_330, %get3A_331] {strides = array<i32>} : memref<128x64xf32, #tpu.memory_space<vmem>>, vector<16xf32>,
        %get3A_333 = arith.index_cast %add3A_329 : i32 to index
        %get3A_334 = arith.constant 0 : index
        %get3A_335 = tpu.vector_load %arg14[%get3A_333, %get3A_334] {strides = array<i32>} : memref<128x64xf32, #tpu.memory_space<vmem>>, vector<16xf32>,
        %get3A_336 = arith.index_cast %add3A_329 : i32 to index
        %get3A_337 = arith.constant 0 : index
        %get3A_338 = tpu.vector_load %arg15[%get3A_336, %get3A_337] {strides = array<i32>} : memref<128x64xf32, #tpu.memory_space<vmem>>, vector<16xf32>,
        %add3A_339 = arith.addf %get3A_335, %get3A_338 : vector<16xf32>
        %mul3A_340 = arith.mulf %get3A_332, %add3A_339 : vector<16xf32>
        %get3A_341 = arith.index_cast %add3A_329 : i32 to index
        %get3A_342 = arith.constant 16 : index
        %get3A_343 = tpu.vector_load %arg13[%get3A_341, %get3A_342] {strides = array<i32>} : memref<128x64xf32, #tpu.memory_space<vmem>>, vector<16xf32>,
        %get3A_344 = arith.index_cast %add3A_329 : i32 to index
        %get3A_345 = arith.constant 16 : index
        %get3A_346 = tpu.vector_load %arg14[%get3A_344, %get3A_345] {strides = array<i32>} : memref<128x64xf32, #tpu.memory_space<vmem>>, vector<16xf32>,
        %get3A_347 = arith.index_cast %add3A_329 : i32 to index
        %get3A_348 = arith.constant 16 : index
        %get3A_349 = tpu.vector_load %arg15[%get3A_347, %get3A_348] {strides = array<i32>} : memref<128x64xf32, #tpu.memory_space<vmem>>, vector<16xf32>,
        %add3A_350 = arith.addf %get3A_346, %get3A_349 : vector<16xf32>
        %mul3A_351 = arith.mulf %get3A_343, %add3A_350 : vector<16xf32>
        %add3A_352 = arith.addf %mul3A_340, %mul3A_351 : vector<16xf32>
        %get3A_353 = arith.index_cast %add3A_329 : i32 to index
        %get3A_354 = arith.constant 32 : index
        %get3A_355 = tpu.vector_load %arg13[%get3A_353, %get3A_354] {strides = array<i32>} : memref<128x64xf32, #tpu.memory_space<vmem>>, vector<16xf32>,
        %get3A_356 = arith.index_cast %add3A_329 : i32 to index
        %get3A_357 = arith.constant 32 : index
        %get3A_358 = tpu.vector_load %arg14[%get3A_356, %get3A_357] {strides = array<i32>} : memref<128x64xf32, #tpu.memory_space<vmem>>, vector<16xf32>,
        %get3A_359 = arith.index_cast %add3A_329 : i32 to index
        %get3A_360 = arith.constant 32 : index
        %get3A_361 = tpu.vector_load %arg15[%get3A_359, %get3A_360] {strides = array<i32>} : memref<128x64xf32, #tpu.memory_space<vmem>>, vector<16xf32>,
        %add3A_362 = arith.addf %get3A_358, %get3A_361 : vector<16xf32>
        %mul3A_363 = arith.mulf %get3A_355, %add3A_362 : vector<16xf32>
        %add3A_364 = arith.addf %add3A_352, %mul3A_363 : vector<16xf32>
        %get3A_365 = arith.index_cast %add3A_329 : i32 to index
        %get3A_366 = arith.constant 48 : index
        %get3A_367 = tpu.vector_load %arg13[%get3A_365, %get3A_366] {strides = array<i32>} : memref<128x64xf32, #tpu.memory_space<vmem>>, vector<16xf32>,
        %get3A_368 = arith.index_cast %add3A_329 : i32 to index
        %get3A_369 = arith.constant 48 : index
        %get3A_370 = tpu.vector_load %arg14[%get3A_368, %get3A_369] {strides = array<i32>} : memref<128x64xf32, #tpu.memory_space<vmem>>, vector<16xf32>,
        %get3A_371 = arith.index_cast %add3A_329 : i32 to index
        %get3A_372 = arith.constant 48 : index
        %get3A_373 = tpu.vector_load %arg15[%get3A_371, %get3A_372] {strides = array<i32>} : memref<128x64xf32, #tpu.memory_space<vmem>>, vector<16xf32>,
        %add3A_374 = arith.addf %get3A_370, %get3A_373 : vector<16xf32>
        %mul3A_375 = arith.mulf %get3A_367, %add3A_374 : vector<16xf32>
        %add3A_376 = arith.addf %add3A_364, %mul3A_375 : vector<16xf32>
        %eq3A_377 = arith.constant 5 : i32
        %eq3A_378 = vector.broadcast %eq3A_377 : i32 to vector<16xi32>
        %eq3A_379 = arith.cmpi eq, %iota3A, %eq3A_378 : vector<16xi32>
        %reduce_sum3A_380 = arith.constant true
        %reduce_sum3A_381 = vector.broadcast %reduce_sum3A_380 : i1 to vector<16xi1>
        %reduce_sum3A_382 = tpu.scan <sum>, %add3A_376 masked %reduce_sum3A_381 : vector<16xf32>, vector<16xi1> -> vector<16xf32>
        %reduce_sum3A_383 = vector.extract %reduce_sum3A_382[15] : f32 from vector<16xf32>
        %broadcast_in_dim3A_384 = vector.broadcast %reduce_sum3A_383 : f32 to vector<16xf32>
        %select_n3A_385 = arith.select %eq3A_379, %broadcast_in_dim3A_384, %select_n3A_327 : vector<16xi1>, vector<16xf32>
        %add3A_386 = arith.constant 6 : i32
        %add3A_387 = arith.addi %mul3A_41, %add3A_386 : i32
        %get3A_388 = arith.index_cast %add3A_387 : i32 to index
        %get3A_389 = arith.constant 0 : index
        %get3A_390 = tpu.vector_load %arg13[%get3A_388, %get3A_389] {strides = array<i32>} : memref<128x64xf32, #tpu.memory_space<vmem>>, vector<16xf32>,
        %get3A_391 = arith.index_cast %add3A_387 : i32 to index
        %get3A_392 = arith.constant 0 : index
        %get3A_393 = tpu.vector_load %arg14[%get3A_391, %get3A_392] {strides = array<i32>} : memref<128x64xf32, #tpu.memory_space<vmem>>, vector<16xf32>,
        %get3A_394 = arith.index_cast %add3A_387 : i32 to index
        %get3A_395 = arith.constant 0 : index
        %get3A_396 = tpu.vector_load %arg15[%get3A_394, %get3A_395] {strides = array<i32>} : memref<128x64xf32, #tpu.memory_space<vmem>>, vector<16xf32>,
        %add3A_397 = arith.addf %get3A_393, %get3A_396 : vector<16xf32>
        %mul3A_398 = arith.mulf %get3A_390, %add3A_397 : vector<16xf32>
        %get3A_399 = arith.index_cast %add3A_387 : i32 to index
        %get3A_400 = arith.constant 16 : index
        %get3A_401 = tpu.vector_load %arg13[%get3A_399, %get3A_400] {strides = array<i32>} : memref<128x64xf32, #tpu.memory_space<vmem>>, vector<16xf32>,
        %get3A_402 = arith.index_cast %add3A_387 : i32 to index
        %get3A_403 = arith.constant 16 : index
        %get3A_404 = tpu.vector_load %arg14[%get3A_402, %get3A_403] {strides = array<i32>} : memref<128x64xf32, #tpu.memory_space<vmem>>, vector<16xf32>,
        %get3A_405 = arith.index_cast %add3A_387 : i32 to index
        %get3A_406 = arith.constant 16 : index
        %get3A_407 = tpu.vector_load %arg15[%get3A_405, %get3A_406] {strides = array<i32>} : memref<128x64xf32, #tpu.memory_space<vmem>>, vector<16xf32>,
        %add3A_408 = arith.addf %get3A_404, %get3A_407 : vector<16xf32>
        %mul3A_409 = arith.mulf %get3A_401, %add3A_408 : vector<16xf32>
        %add3A_410 = arith.addf %mul3A_398, %mul3A_409 : vector<16xf32>
        %get3A_411 = arith.index_cast %add3A_387 : i32 to index
        %get3A_412 = arith.constant 32 : index
        %get3A_413 = tpu.vector_load %arg13[%get3A_411, %get3A_412] {strides = array<i32>} : memref<128x64xf32, #tpu.memory_space<vmem>>, vector<16xf32>,
        %get3A_414 = arith.index_cast %add3A_387 : i32 to index
        %get3A_415 = arith.constant 32 : index
        %get3A_416 = tpu.vector_load %arg14[%get3A_414, %get3A_415] {strides = array<i32>} : memref<128x64xf32, #tpu.memory_space<vmem>>, vector<16xf32>,
        %get3A_417 = arith.index_cast %add3A_387 : i32 to index
        %get3A_418 = arith.constant 32 : index
        %get3A_419 = tpu.vector_load %arg15[%get3A_417, %get3A_418] {strides = array<i32>} : memref<128x64xf32, #tpu.memory_space<vmem>>, vector<16xf32>,
        %add3A_420 = arith.addf %get3A_416, %get3A_419 : vector<16xf32>
        %mul3A_421 = arith.mulf %get3A_413, %add3A_420 : vector<16xf32>
        %add3A_422 = arith.addf %add3A_410, %mul3A_421 : vector<16xf32>
        %get3A_423 = arith.index_cast %add3A_387 : i32 to index
        %get3A_424 = arith.constant 48 : index
        %get3A_425 = tpu.vector_load %arg13[%get3A_423, %get3A_424] {strides = array<i32>} : memref<128x64xf32, #tpu.memory_space<vmem>>, vector<16xf32>,
        %get3A_426 = arith.index_cast %add3A_387 : i32 to index
        %get3A_427 = arith.constant 48 : index
        %get3A_428 = tpu.vector_load %arg14[%get3A_426, %get3A_427] {strides = array<i32>} : memref<128x64xf32, #tpu.memory_space<vmem>>, vector<16xf32>,
        %get3A_429 = arith.index_cast %add3A_387 : i32 to index
        %get3A_430 = arith.constant 48 : index
        %get3A_431 = tpu.vector_load %arg15[%get3A_429, %get3A_430] {strides = array<i32>} : memref<128x64xf32, #tpu.memory_space<vmem>>, vector<16xf32>,
        %add3A_432 = arith.addf %get3A_428, %get3A_431 : vector<16xf32>
        %mul3A_433 = arith.mulf %get3A_425, %add3A_432 : vector<16xf32>
        %add3A_434 = arith.addf %add3A_422, %mul3A_433 : vector<16xf32>
        %eq3A_435 = arith.constant 6 : i32
        %eq3A_436 = vector.broadcast %eq3A_435 : i32 to vector<16xi32>
        %eq3A_437 = arith.cmpi eq, %iota3A, %eq3A_436 : vector<16xi32>
        %reduce_sum3A_438 = arith.constant true
        %reduce_sum3A_439 = vector.broadcast %reduce_sum3A_438 : i1 to vector<16xi1>
        %reduce_sum3A_440 = tpu.scan <sum>, %add3A_434 masked %reduce_sum3A_439 : vector<16xf32>, vector<16xi1> -> vector<16xf32>
        %reduce_sum3A_441 = vector.extract %reduce_sum3A_440[15] : f32 from vector<16xf32>
        %broadcast_in_dim3A_442 = vector.broadcast %reduce_sum3A_441 : f32 to vector<16xf32>
        %select_n3A_443 = arith.select %eq3A_437, %broadcast_in_dim3A_442, %select_n3A_385 : vector<16xi1>, vector<16xf32>
        %add3A_444 = arith.constant 7 : i32
        %add3A_445 = arith.addi %mul3A_41, %add3A_444 : i32
        %get3A_446 = arith.index_cast %add3A_445 : i32 to index
        %get3A_447 = arith.constant 0 : index
        %get3A_448 = tpu.vector_load %arg13[%get3A_446, %get3A_447] {strides = array<i32>} : memref<128x64xf32, #tpu.memory_space<vmem>>, vector<16xf32>,
        %get3A_449 = arith.index_cast %add3A_445 : i32 to index
        %get3A_450 = arith.constant 0 : index
        %get3A_451 = tpu.vector_load %arg14[%get3A_449, %get3A_450] {strides = array<i32>} : memref<128x64xf32, #tpu.memory_space<vmem>>, vector<16xf32>,
        %get3A_452 = arith.index_cast %add3A_445 : i32 to index
        %get3A_453 = arith.constant 0 : index
        %get3A_454 = tpu.vector_load %arg15[%get3A_452, %get3A_453] {strides = array<i32>} : memref<128x64xf32, #tpu.memory_space<vmem>>, vector<16xf32>,
        %add3A_455 = arith.addf %get3A_451, %get3A_454 : vector<16xf32>
        %mul3A_456 = arith.mulf %get3A_448, %add3A_455 : vector<16xf32>
        %get3A_457 = arith.index_cast %add3A_445 : i32 to index
        %get3A_458 = arith.constant 16 : index
        %get3A_459 = tpu.vector_load %arg13[%get3A_457, %get3A_458] {strides = array<i32>} : memref<128x64xf32, #tpu.memory_space<vmem>>, vector<16xf32>,
        %get3A_460 = arith.index_cast %add3A_445 : i32 to index
        %get3A_461 = arith.constant 16 : index
        %get3A_462 = tpu.vector_load %arg14[%get3A_460, %get3A_461] {strides = array<i32>} : memref<128x64xf32, #tpu.memory_space<vmem>>, vector<16xf32>,
        %get3A_463 = arith.index_cast %add3A_445 : i32 to index
        %get3A_464 = arith.constant 16 : index
        %get3A_465 = tpu.vector_load %arg15[%get3A_463, %get3A_464] {strides = array<i32>} : memref<128x64xf32, #tpu.memory_space<vmem>>, vector<16xf32>,
        %add3A_466 = arith.addf %get3A_462, %get3A_465 : vector<16xf32>
        %mul3A_467 = arith.mulf %get3A_459, %add3A_466 : vector<16xf32>
        %add3A_468 = arith.addf %mul3A_456, %mul3A_467 : vector<16xf32>
        %get3A_469 = arith.index_cast %add3A_445 : i32 to index
        %get3A_470 = arith.constant 32 : index
        %get3A_471 = tpu.vector_load %arg13[%get3A_469, %get3A_470] {strides = array<i32>} : memref<128x64xf32, #tpu.memory_space<vmem>>, vector<16xf32>,
        %get3A_472 = arith.index_cast %add3A_445 : i32 to index
        %get3A_473 = arith.constant 32 : index
        %get3A_474 = tpu.vector_load %arg14[%get3A_472, %get3A_473] {strides = array<i32>} : memref<128x64xf32, #tpu.memory_space<vmem>>, vector<16xf32>,
        %get3A_475 = arith.index_cast %add3A_445 : i32 to index
        %get3A_476 = arith.constant 32 : index
        %get3A_477 = tpu.vector_load %arg15[%get3A_475, %get3A_476] {strides = array<i32>} : memref<128x64xf32, #tpu.memory_space<vmem>>, vector<16xf32>,
        %add3A_478 = arith.addf %get3A_474, %get3A_477 : vector<16xf32>
        %mul3A_479 = arith.mulf %get3A_471, %add3A_478 : vector<16xf32>
        %add3A_480 = arith.addf %add3A_468, %mul3A_479 : vector<16xf32>
        %get3A_481 = arith.index_cast %add3A_445 : i32 to index
        %get3A_482 = arith.constant 48 : index
        %get3A_483 = tpu.vector_load %arg13[%get3A_481, %get3A_482] {strides = array<i32>} : memref<128x64xf32, #tpu.memory_space<vmem>>, vector<16xf32>,
        %get3A_484 = arith.index_cast %add3A_445 : i32 to index
        %get3A_485 = arith.constant 48 : index
        %get3A_486 = tpu.vector_load %arg14[%get3A_484, %get3A_485] {strides = array<i32>} : memref<128x64xf32, #tpu.memory_space<vmem>>, vector<16xf32>,
        %get3A_487 = arith.index_cast %add3A_445 : i32 to index
        %get3A_488 = arith.constant 48 : index
        %get3A_489 = tpu.vector_load %arg15[%get3A_487, %get3A_488] {strides = array<i32>} : memref<128x64xf32, #tpu.memory_space<vmem>>, vector<16xf32>,
        %add3A_490 = arith.addf %get3A_486, %get3A_489 : vector<16xf32>
        %mul3A_491 = arith.mulf %get3A_483, %add3A_490 : vector<16xf32>
        %add3A_492 = arith.addf %add3A_480, %mul3A_491 : vector<16xf32>
        %eq3A_493 = arith.constant 7 : i32
        %eq3A_494 = vector.broadcast %eq3A_493 : i32 to vector<16xi32>
        %eq3A_495 = arith.cmpi eq, %iota3A, %eq3A_494 : vector<16xi32>
        %reduce_sum3A_496 = arith.constant true
        %reduce_sum3A_497 = vector.broadcast %reduce_sum3A_496 : i1 to vector<16xi1>
        %reduce_sum3A_498 = tpu.scan <sum>, %add3A_492 masked %reduce_sum3A_497 : vector<16xf32>, vector<16xi1> -> vector<16xf32>
        %reduce_sum3A_499 = vector.extract %reduce_sum3A_498[15] : f32 from vector<16xf32>
        %broadcast_in_dim3A_500 = vector.broadcast %reduce_sum3A_499 : f32 to vector<16xf32>
        %select_n3A_501 = arith.select %eq3A_495, %broadcast_in_dim3A_500, %select_n3A_443 : vector<16xi1>, vector<16xf32>
        %add3A_502 = arith.constant 8 : i32
        %add3A_503 = arith.addi %mul3A_41, %add3A_502 : i32
        %get3A_504 = arith.index_cast %add3A_503 : i32 to index
        %get3A_505 = arith.constant 0 : index
        %get3A_506 = tpu.vector_load %arg13[%get3A_504, %get3A_505] {strides = array<i32>} : memref<128x64xf32, #tpu.memory_space<vmem>>, vector<16xf32>,
        %get3A_507 = arith.index_cast %add3A_503 : i32 to index
        %get3A_508 = arith.constant 0 : index
        %get3A_509 = tpu.vector_load %arg14[%get3A_507, %get3A_508] {strides = array<i32>} : memref<128x64xf32, #tpu.memory_space<vmem>>, vector<16xf32>,
        %get3A_510 = arith.index_cast %add3A_503 : i32 to index
        %get3A_511 = arith.constant 0 : index
        %get3A_512 = tpu.vector_load %arg15[%get3A_510, %get3A_511] {strides = array<i32>} : memref<128x64xf32, #tpu.memory_space<vmem>>, vector<16xf32>,
        %add3A_513 = arith.addf %get3A_509, %get3A_512 : vector<16xf32>
        %mul3A_514 = arith.mulf %get3A_506, %add3A_513 : vector<16xf32>
        %get3A_515 = arith.index_cast %add3A_503 : i32 to index
        %get3A_516 = arith.constant 16 : index
        %get3A_517 = tpu.vector_load %arg13[%get3A_515, %get3A_516] {strides = array<i32>} : memref<128x64xf32, #tpu.memory_space<vmem>>, vector<16xf32>,
        %get3A_518 = arith.index_cast %add3A_503 : i32 to index
        %get3A_519 = arith.constant 16 : index
        %get3A_520 = tpu.vector_load %arg14[%get3A_518, %get3A_519] {strides = array<i32>} : memref<128x64xf32, #tpu.memory_space<vmem>>, vector<16xf32>,
        %get3A_521 = arith.index_cast %add3A_503 : i32 to index
        %get3A_522 = arith.constant 16 : index
        %get3A_523 = tpu.vector_load %arg15[%get3A_521, %get3A_522] {strides = array<i32>} : memref<128x64xf32, #tpu.memory_space<vmem>>, vector<16xf32>,
        %add3A_524 = arith.addf %get3A_520, %get3A_523 : vector<16xf32>
        %mul3A_525 = arith.mulf %get3A_517, %add3A_524 : vector<16xf32>
        %add3A_526 = arith.addf %mul3A_514, %mul3A_525 : vector<16xf32>
        %get3A_527 = arith.index_cast %add3A_503 : i32 to index
        %get3A_528 = arith.constant 32 : index
        %get3A_529 = tpu.vector_load %arg13[%get3A_527, %get3A_528] {strides = array<i32>} : memref<128x64xf32, #tpu.memory_space<vmem>>, vector<16xf32>,
        %get3A_530 = arith.index_cast %add3A_503 : i32 to index
        %get3A_531 = arith.constant 32 : index
        %get3A_532 = tpu.vector_load %arg14[%get3A_530, %get3A_531] {strides = array<i32>} : memref<128x64xf32, #tpu.memory_space<vmem>>, vector<16xf32>,
        %get3A_533 = arith.index_cast %add3A_503 : i32 to index
        %get3A_534 = arith.constant 32 : index
        %get3A_535 = tpu.vector_load %arg15[%get3A_533, %get3A_534] {strides = array<i32>} : memref<128x64xf32, #tpu.memory_space<vmem>>, vector<16xf32>,
        %add3A_536 = arith.addf %get3A_532, %get3A_535 : vector<16xf32>
        %mul3A_537 = arith.mulf %get3A_529, %add3A_536 : vector<16xf32>
        %add3A_538 = arith.addf %add3A_526, %mul3A_537 : vector<16xf32>
        %get3A_539 = arith.index_cast %add3A_503 : i32 to index
        %get3A_540 = arith.constant 48 : index
        %get3A_541 = tpu.vector_load %arg13[%get3A_539, %get3A_540] {strides = array<i32>} : memref<128x64xf32, #tpu.memory_space<vmem>>, vector<16xf32>,
        %get3A_542 = arith.index_cast %add3A_503 : i32 to index
        %get3A_543 = arith.constant 48 : index
        %get3A_544 = tpu.vector_load %arg14[%get3A_542, %get3A_543] {strides = array<i32>} : memref<128x64xf32, #tpu.memory_space<vmem>>, vector<16xf32>,
        %get3A_545 = arith.index_cast %add3A_503 : i32 to index
        %get3A_546 = arith.constant 48 : index
        %get3A_547 = tpu.vector_load %arg15[%get3A_545, %get3A_546] {strides = array<i32>} : memref<128x64xf32, #tpu.memory_space<vmem>>, vector<16xf32>,
        %add3A_548 = arith.addf %get3A_544, %get3A_547 : vector<16xf32>
        %mul3A_549 = arith.mulf %get3A_541, %add3A_548 : vector<16xf32>
        %add3A_550 = arith.addf %add3A_538, %mul3A_549 : vector<16xf32>
        %eq3A_551 = arith.constant 8 : i32
        %eq3A_552 = vector.broadcast %eq3A_551 : i32 to vector<16xi32>
        %eq3A_553 = arith.cmpi eq, %iota3A, %eq3A_552 : vector<16xi32>
        %reduce_sum3A_554 = arith.constant true
        %reduce_sum3A_555 = vector.broadcast %reduce_sum3A_554 : i1 to vector<16xi1>
        %reduce_sum3A_556 = tpu.scan <sum>, %add3A_550 masked %reduce_sum3A_555 : vector<16xf32>, vector<16xi1> -> vector<16xf32>
        %reduce_sum3A_557 = vector.extract %reduce_sum3A_556[15] : f32 from vector<16xf32>
        %broadcast_in_dim3A_558 = vector.broadcast %reduce_sum3A_557 : f32 to vector<16xf32>
        %select_n3A_559 = arith.select %eq3A_553, %broadcast_in_dim3A_558, %select_n3A_501 : vector<16xi1>, vector<16xf32>
        %add3A_560 = arith.constant 9 : i32
        %add3A_561 = arith.addi %mul3A_41, %add3A_560 : i32
        %get3A_562 = arith.index_cast %add3A_561 : i32 to index
        %get3A_563 = arith.constant 0 : index
        %get3A_564 = tpu.vector_load %arg13[%get3A_562, %get3A_563] {strides = array<i32>} : memref<128x64xf32, #tpu.memory_space<vmem>>, vector<16xf32>,
        %get3A_565 = arith.index_cast %add3A_561 : i32 to index
        %get3A_566 = arith.constant 0 : index
        %get3A_567 = tpu.vector_load %arg14[%get3A_565, %get3A_566] {strides = array<i32>} : memref<128x64xf32, #tpu.memory_space<vmem>>, vector<16xf32>,
        %get3A_568 = arith.index_cast %add3A_561 : i32 to index
        %get3A_569 = arith.constant 0 : index
        %get3A_570 = tpu.vector_load %arg15[%get3A_568, %get3A_569] {strides = array<i32>} : memref<128x64xf32, #tpu.memory_space<vmem>>, vector<16xf32>,
        %add3A_571 = arith.addf %get3A_567, %get3A_570 : vector<16xf32>
        %mul3A_572 = arith.mulf %get3A_564, %add3A_571 : vector<16xf32>
        %get3A_573 = arith.index_cast %add3A_561 : i32 to index
        %get3A_574 = arith.constant 16 : index
        %get3A_575 = tpu.vector_load %arg13[%get3A_573, %get3A_574] {strides = array<i32>} : memref<128x64xf32, #tpu.memory_space<vmem>>, vector<16xf32>,
        %get3A_576 = arith.index_cast %add3A_561 : i32 to index
        %get3A_577 = arith.constant 16 : index
        %get3A_578 = tpu.vector_load %arg14[%get3A_576, %get3A_577] {strides = array<i32>} : memref<128x64xf32, #tpu.memory_space<vmem>>, vector<16xf32>,
        %get3A_579 = arith.index_cast %add3A_561 : i32 to index
        %get3A_580 = arith.constant 16 : index
        %get3A_581 = tpu.vector_load %arg15[%get3A_579, %get3A_580] {strides = array<i32>} : memref<128x64xf32, #tpu.memory_space<vmem>>, vector<16xf32>,
        %add3A_582 = arith.addf %get3A_578, %get3A_581 : vector<16xf32>
        %mul3A_583 = arith.mulf %get3A_575, %add3A_582 : vector<16xf32>
        %add3A_584 = arith.addf %mul3A_572, %mul3A_583 : vector<16xf32>
        %get3A_585 = arith.index_cast %add3A_561 : i32 to index
        %get3A_586 = arith.constant 32 : index
        %get3A_587 = tpu.vector_load %arg13[%get3A_585, %get3A_586] {strides = array<i32>} : memref<128x64xf32, #tpu.memory_space<vmem>>, vector<16xf32>,
        %get3A_588 = arith.index_cast %add3A_561 : i32 to index
        %get3A_589 = arith.constant 32 : index
        %get3A_590 = tpu.vector_load %arg14[%get3A_588, %get3A_589] {strides = array<i32>} : memref<128x64xf32, #tpu.memory_space<vmem>>, vector<16xf32>,
        %get3A_591 = arith.index_cast %add3A_561 : i32 to index
        %get3A_592 = arith.constant 32 : index
        %get3A_593 = tpu.vector_load %arg15[%get3A_591, %get3A_592] {strides = array<i32>} : memref<128x64xf32, #tpu.memory_space<vmem>>, vector<16xf32>,
        %add3A_594 = arith.addf %get3A_590, %get3A_593 : vector<16xf32>
        %mul3A_595 = arith.mulf %get3A_587, %add3A_594 : vector<16xf32>
        %add3A_596 = arith.addf %add3A_584, %mul3A_595 : vector<16xf32>
        %get3A_597 = arith.index_cast %add3A_561 : i32 to index
        %get3A_598 = arith.constant 48 : index
        %get3A_599 = tpu.vector_load %arg13[%get3A_597, %get3A_598] {strides = array<i32>} : memref<128x64xf32, #tpu.memory_space<vmem>>, vector<16xf32>,
        %get3A_600 = arith.index_cast %add3A_561 : i32 to index
        %get3A_601 = arith.constant 48 : index
        %get3A_602 = tpu.vector_load %arg14[%get3A_600, %get3A_601] {strides = array<i32>} : memref<128x64xf32, #tpu.memory_space<vmem>>, vector<16xf32>,
        %get3A_603 = arith.index_cast %add3A_561 : i32 to index
        %get3A_604 = arith.constant 48 : index
        %get3A_605 = tpu.vector_load %arg15[%get3A_603, %get3A_604] {strides = array<i32>} : memref<128x64xf32, #tpu.memory_space<vmem>>, vector<16xf32>,
        %add3A_606 = arith.addf %get3A_602, %get3A_605 : vector<16xf32>
        %mul3A_607 = arith.mulf %get3A_599, %add3A_606 : vector<16xf32>
        %add3A_608 = arith.addf %add3A_596, %mul3A_607 : vector<16xf32>
        %eq3A_609 = arith.constant 9 : i32
        %eq3A_610 = vector.broadcast %eq3A_609 : i32 to vector<16xi32>
        %eq3A_611 = arith.cmpi eq, %iota3A, %eq3A_610 : vector<16xi32>
        %reduce_sum3A_612 = arith.constant true
        %reduce_sum3A_613 = vector.broadcast %reduce_sum3A_612 : i1 to vector<16xi1>
        %reduce_sum3A_614 = tpu.scan <sum>, %add3A_608 masked %reduce_sum3A_613 : vector<16xf32>, vector<16xi1> -> vector<16xf32>
        %reduce_sum3A_615 = vector.extract %reduce_sum3A_614[15] : f32 from vector<16xf32>
        %broadcast_in_dim3A_616 = vector.broadcast %reduce_sum3A_615 : f32 to vector<16xf32>
        %select_n3A_617 = arith.select %eq3A_611, %broadcast_in_dim3A_616, %select_n3A_559 : vector<16xi1>, vector<16xf32>
        %add3A_618 = arith.constant 10 : i32
        %add3A_619 = arith.addi %mul3A_41, %add3A_618 : i32
        %get3A_620 = arith.index_cast %add3A_619 : i32 to index
        %get3A_621 = arith.constant 0 : index
        %get3A_622 = tpu.vector_load %arg13[%get3A_620, %get3A_621] {strides = array<i32>} : memref<128x64xf32, #tpu.memory_space<vmem>>, vector<16xf32>,
        %get3A_623 = arith.index_cast %add3A_619 : i32 to index
        %get3A_624 = arith.constant 0 : index
        %get3A_625 = tpu.vector_load %arg14[%get3A_623, %get3A_624] {strides = array<i32>} : memref<128x64xf32, #tpu.memory_space<vmem>>, vector<16xf32>,
        %get3A_626 = arith.index_cast %add3A_619 : i32 to index
        %get3A_627 = arith.constant 0 : index
        %get3A_628 = tpu.vector_load %arg15[%get3A_626, %get3A_627] {strides = array<i32>} : memref<128x64xf32, #tpu.memory_space<vmem>>, vector<16xf32>,
        %add3A_629 = arith.addf %get3A_625, %get3A_628 : vector<16xf32>
        %mul3A_630 = arith.mulf %get3A_622, %add3A_629 : vector<16xf32>
        %get3A_631 = arith.index_cast %add3A_619 : i32 to index
        %get3A_632 = arith.constant 16 : index
        %get3A_633 = tpu.vector_load %arg13[%get3A_631, %get3A_632] {strides = array<i32>} : memref<128x64xf32, #tpu.memory_space<vmem>>, vector<16xf32>,
        %get3A_634 = arith.index_cast %add3A_619 : i32 to index
        %get3A_635 = arith.constant 16 : index
        %get3A_636 = tpu.vector_load %arg14[%get3A_634, %get3A_635] {strides = array<i32>} : memref<128x64xf32, #tpu.memory_space<vmem>>, vector<16xf32>,
        %get3A_637 = arith.index_cast %add3A_619 : i32 to index
        %get3A_638 = arith.constant 16 : index
        %get3A_639 = tpu.vector_load %arg15[%get3A_637, %get3A_638] {strides = array<i32>} : memref<128x64xf32, #tpu.memory_space<vmem>>, vector<16xf32>,
        %add3A_640 = arith.addf %get3A_636, %get3A_639 : vector<16xf32>
        %mul3A_641 = arith.mulf %get3A_633, %add3A_640 : vector<16xf32>
        %add3A_642 = arith.addf %mul3A_630, %mul3A_641 : vector<16xf32>
        %get3A_643 = arith.index_cast %add3A_619 : i32 to index
        %get3A_644 = arith.constant 32 : index
        %get3A_645 = tpu.vector_load %arg13[%get3A_643, %get3A_644] {strides = array<i32>} : memref<128x64xf32, #tpu.memory_space<vmem>>, vector<16xf32>,
        %get3A_646 = arith.index_cast %add3A_619 : i32 to index
        %get3A_647 = arith.constant 32 : index
        %get3A_648 = tpu.vector_load %arg14[%get3A_646, %get3A_647] {strides = array<i32>} : memref<128x64xf32, #tpu.memory_space<vmem>>, vector<16xf32>,
        %get3A_649 = arith.index_cast %add3A_619 : i32 to index
        %get3A_650 = arith.constant 32 : index
        %get3A_651 = tpu.vector_load %arg15[%get3A_649, %get3A_650] {strides = array<i32>} : memref<128x64xf32, #tpu.memory_space<vmem>>, vector<16xf32>,
        %add3A_652 = arith.addf %get3A_648, %get3A_651 : vector<16xf32>
        %mul3A_653 = arith.mulf %get3A_645, %add3A_652 : vector<16xf32>
        %add3A_654 = arith.addf %add3A_642, %mul3A_653 : vector<16xf32>
        %get3A_655 = arith.index_cast %add3A_619 : i32 to index
        %get3A_656 = arith.constant 48 : index
        %get3A_657 = tpu.vector_load %arg13[%get3A_655, %get3A_656] {strides = array<i32>} : memref<128x64xf32, #tpu.memory_space<vmem>>, vector<16xf32>,
        %get3A_658 = arith.index_cast %add3A_619 : i32 to index
        %get3A_659 = arith.constant 48 : index
        %get3A_660 = tpu.vector_load %arg14[%get3A_658, %get3A_659] {strides = array<i32>} : memref<128x64xf32, #tpu.memory_space<vmem>>, vector<16xf32>,
        %get3A_661 = arith.index_cast %add3A_619 : i32 to index
        %get3A_662 = arith.constant 48 : index
        %get3A_663 = tpu.vector_load %arg15[%get3A_661, %get3A_662] {strides = array<i32>} : memref<128x64xf32, #tpu.memory_space<vmem>>, vector<16xf32>,
        %add3A_664 = arith.addf %get3A_660, %get3A_663 : vector<16xf32>
        %mul3A_665 = arith.mulf %get3A_657, %add3A_664 : vector<16xf32>
        %add3A_666 = arith.addf %add3A_654, %mul3A_665 : vector<16xf32>
        %eq3A_667 = arith.constant 10 : i32
        %eq3A_668 = vector.broadcast %eq3A_667 : i32 to vector<16xi32>
        %eq3A_669 = arith.cmpi eq, %iota3A, %eq3A_668 : vector<16xi32>
        %reduce_sum3A_670 = arith.constant true
        %reduce_sum3A_671 = vector.broadcast %reduce_sum3A_670 : i1 to vector<16xi1>
        %reduce_sum3A_672 = tpu.scan <sum>, %add3A_666 masked %reduce_sum3A_671 : vector<16xf32>, vector<16xi1> -> vector<16xf32>
        %reduce_sum3A_673 = vector.extract %reduce_sum3A_672[15] : f32 from vector<16xf32>
        %broadcast_in_dim3A_674 = vector.broadcast %reduce_sum3A_673 : f32 to vector<16xf32>
        %select_n3A_675 = arith.select %eq3A_669, %broadcast_in_dim3A_674, %select_n3A_617 : vector<16xi1>, vector<16xf32>
        %add3A_676 = arith.constant 11 : i32
        %add3A_677 = arith.addi %mul3A_41, %add3A_676 : i32
        %get3A_678 = arith.index_cast %add3A_677 : i32 to index
        %get3A_679 = arith.constant 0 : index
        %get3A_680 = tpu.vector_load %arg13[%get3A_678, %get3A_679] {strides = array<i32>} : memref<128x64xf32, #tpu.memory_space<vmem>>, vector<16xf32>,
        %get3A_681 = arith.index_cast %add3A_677 : i32 to index
        %get3A_682 = arith.constant 0 : index
        %get3A_683 = tpu.vector_load %arg14[%get3A_681, %get3A_682] {strides = array<i32>} : memref<128x64xf32, #tpu.memory_space<vmem>>, vector<16xf32>,
        %get3A_684 = arith.index_cast %add3A_677 : i32 to index
        %get3A_685 = arith.constant 0 : index
        %get3A_686 = tpu.vector_load %arg15[%get3A_684, %get3A_685] {strides = array<i32>} : memref<128x64xf32, #tpu.memory_space<vmem>>, vector<16xf32>,
        %add3A_687 = arith.addf %get3A_683, %get3A_686 : vector<16xf32>
        %mul3A_688 = arith.mulf %get3A_680, %add3A_687 : vector<16xf32>
        %get3A_689 = arith.index_cast %add3A_677 : i32 to index
        %get3A_690 = arith.constant 16 : index
        %get3A_691 = tpu.vector_load %arg13[%get3A_689, %get3A_690] {strides = array<i32>} : memref<128x64xf32, #tpu.memory_space<vmem>>, vector<16xf32>,
        %get3A_692 = arith.index_cast %add3A_677 : i32 to index
        %get3A_693 = arith.constant 16 : index
        %get3A_694 = tpu.vector_load %arg14[%get3A_692, %get3A_693] {strides = array<i32>} : memref<128x64xf32, #tpu.memory_space<vmem>>, vector<16xf32>,
        %get3A_695 = arith.index_cast %add3A_677 : i32 to index
        %get3A_696 = arith.constant 16 : index
        %get3A_697 = tpu.vector_load %arg15[%get3A_695, %get3A_696] {strides = array<i32>} : memref<128x64xf32, #tpu.memory_space<vmem>>, vector<16xf32>,
        %add3A_698 = arith.addf %get3A_694, %get3A_697 : vector<16xf32>
        %mul3A_699 = arith.mulf %get3A_691, %add3A_698 : vector<16xf32>
        %add3A_700 = arith.addf %mul3A_688, %mul3A_699 : vector<16xf32>
        %get3A_701 = arith.index_cast %add3A_677 : i32 to index
        %get3A_702 = arith.constant 32 : index
        %get3A_703 = tpu.vector_load %arg13[%get3A_701, %get3A_702] {strides = array<i32>} : memref<128x64xf32, #tpu.memory_space<vmem>>, vector<16xf32>,
        %get3A_704 = arith.index_cast %add3A_677 : i32 to index
        %get3A_705 = arith.constant 32 : index
        %get3A_706 = tpu.vector_load %arg14[%get3A_704, %get3A_705] {strides = array<i32>} : memref<128x64xf32, #tpu.memory_space<vmem>>, vector<16xf32>,
        %get3A_707 = arith.index_cast %add3A_677 : i32 to index
        %get3A_708 = arith.constant 32 : index
        %get3A_709 = tpu.vector_load %arg15[%get3A_707, %get3A_708] {strides = array<i32>} : memref<128x64xf32, #tpu.memory_space<vmem>>, vector<16xf32>,
        %add3A_710 = arith.addf %get3A_706, %get3A_709 : vector<16xf32>
        %mul3A_711 = arith.mulf %get3A_703, %add3A_710 : vector<16xf32>
        %add3A_712 = arith.addf %add3A_700, %mul3A_711 : vector<16xf32>
        %get3A_713 = arith.index_cast %add3A_677 : i32 to index
        %get3A_714 = arith.constant 48 : index
        %get3A_715 = tpu.vector_load %arg13[%get3A_713, %get3A_714] {strides = array<i32>} : memref<128x64xf32, #tpu.memory_space<vmem>>, vector<16xf32>,
        %get3A_716 = arith.index_cast %add3A_677 : i32 to index
        %get3A_717 = arith.constant 48 : index
        %get3A_718 = tpu.vector_load %arg14[%get3A_716, %get3A_717] {strides = array<i32>} : memref<128x64xf32, #tpu.memory_space<vmem>>, vector<16xf32>,
        %get3A_719 = arith.index_cast %add3A_677 : i32 to index
        %get3A_720 = arith.constant 48 : index
        %get3A_721 = tpu.vector_load %arg15[%get3A_719, %get3A_720] {strides = array<i32>} : memref<128x64xf32, #tpu.memory_space<vmem>>, vector<16xf32>,
        %add3A_722 = arith.addf %get3A_718, %get3A_721 : vector<16xf32>
        %mul3A_723 = arith.mulf %get3A_715, %add3A_722 : vector<16xf32>
        %add3A_724 = arith.addf %add3A_712, %mul3A_723 : vector<16xf32>
        %eq3A_725 = arith.constant 11 : i32
        %eq3A_726 = vector.broadcast %eq3A_725 : i32 to vector<16xi32>
        %eq3A_727 = arith.cmpi eq, %iota3A, %eq3A_726 : vector<16xi32>
        %reduce_sum3A_728 = arith.constant true
        %reduce_sum3A_729 = vector.broadcast %reduce_sum3A_728 : i1 to vector<16xi1>
        %reduce_sum3A_730 = tpu.scan <sum>, %add3A_724 masked %reduce_sum3A_729 : vector<16xf32>, vector<16xi1> -> vector<16xf32>
        %reduce_sum3A_731 = vector.extract %reduce_sum3A_730[15] : f32 from vector<16xf32>
        %broadcast_in_dim3A_732 = vector.broadcast %reduce_sum3A_731 : f32 to vector<16xf32>
        %select_n3A_733 = arith.select %eq3A_727, %broadcast_in_dim3A_732, %select_n3A_675 : vector<16xi1>, vector<16xf32>
        %add3A_734 = arith.constant 12 : i32
        %add3A_735 = arith.addi %mul3A_41, %add3A_734 : i32
        %get3A_736 = arith.index_cast %add3A_735 : i32 to index
        %get3A_737 = arith.constant 0 : index
        %get3A_738 = tpu.vector_load %arg13[%get3A_736, %get3A_737] {strides = array<i32>} : memref<128x64xf32, #tpu.memory_space<vmem>>, vector<16xf32>,
        %get3A_739 = arith.index_cast %add3A_735 : i32 to index
        %get3A_740 = arith.constant 0 : index
        %get3A_741 = tpu.vector_load %arg14[%get3A_739, %get3A_740] {strides = array<i32>} : memref<128x64xf32, #tpu.memory_space<vmem>>, vector<16xf32>,
        %get3A_742 = arith.index_cast %add3A_735 : i32 to index
        %get3A_743 = arith.constant 0 : index
        %get3A_744 = tpu.vector_load %arg15[%get3A_742, %get3A_743] {strides = array<i32>} : memref<128x64xf32, #tpu.memory_space<vmem>>, vector<16xf32>,
        %add3A_745 = arith.addf %get3A_741, %get3A_744 : vector<16xf32>
        %mul3A_746 = arith.mulf %get3A_738, %add3A_745 : vector<16xf32>
        %get3A_747 = arith.index_cast %add3A_735 : i32 to index
        %get3A_748 = arith.constant 16 : index
        %get3A_749 = tpu.vector_load %arg13[%get3A_747, %get3A_748] {strides = array<i32>} : memref<128x64xf32, #tpu.memory_space<vmem>>, vector<16xf32>,
        %get3A_750 = arith.index_cast %add3A_735 : i32 to index
        %get3A_751 = arith.constant 16 : index
        %get3A_752 = tpu.vector_load %arg14[%get3A_750, %get3A_751] {strides = array<i32>} : memref<128x64xf32, #tpu.memory_space<vmem>>, vector<16xf32>,
        %get3A_753 = arith.index_cast %add3A_735 : i32 to index
        %get3A_754 = arith.constant 16 : index
        %get3A_755 = tpu.vector_load %arg15[%get3A_753, %get3A_754] {strides = array<i32>} : memref<128x64xf32, #tpu.memory_space<vmem>>, vector<16xf32>,
        %add3A_756 = arith.addf %get3A_752, %get3A_755 : vector<16xf32>
        %mul3A_757 = arith.mulf %get3A_749, %add3A_756 : vector<16xf32>
        %add3A_758 = arith.addf %mul3A_746, %mul3A_757 : vector<16xf32>
        %get3A_759 = arith.index_cast %add3A_735 : i32 to index
        %get3A_760 = arith.constant 32 : index
        %get3A_761 = tpu.vector_load %arg13[%get3A_759, %get3A_760] {strides = array<i32>} : memref<128x64xf32, #tpu.memory_space<vmem>>, vector<16xf32>,
        %get3A_762 = arith.index_cast %add3A_735 : i32 to index
        %get3A_763 = arith.constant 32 : index
        %get3A_764 = tpu.vector_load %arg14[%get3A_762, %get3A_763] {strides = array<i32>} : memref<128x64xf32, #tpu.memory_space<vmem>>, vector<16xf32>,
        %get3A_765 = arith.index_cast %add3A_735 : i32 to index
        %get3A_766 = arith.constant 32 : index
        %get3A_767 = tpu.vector_load %arg15[%get3A_765, %get3A_766] {strides = array<i32>} : memref<128x64xf32, #tpu.memory_space<vmem>>, vector<16xf32>,
        %add3A_768 = arith.addf %get3A_764, %get3A_767 : vector<16xf32>
        %mul3A_769 = arith.mulf %get3A_761, %add3A_768 : vector<16xf32>
        %add3A_770 = arith.addf %add3A_758, %mul3A_769 : vector<16xf32>
        %get3A_771 = arith.index_cast %add3A_735 : i32 to index
        %get3A_772 = arith.constant 48 : index
        %get3A_773 = tpu.vector_load %arg13[%get3A_771, %get3A_772] {strides = array<i32>} : memref<128x64xf32, #tpu.memory_space<vmem>>, vector<16xf32>,
        %get3A_774 = arith.index_cast %add3A_735 : i32 to index
        %get3A_775 = arith.constant 48 : index
        %get3A_776 = tpu.vector_load %arg14[%get3A_774, %get3A_775] {strides = array<i32>} : memref<128x64xf32, #tpu.memory_space<vmem>>, vector<16xf32>,
        %get3A_777 = arith.index_cast %add3A_735 : i32 to index
        %get3A_778 = arith.constant 48 : index
        %get3A_779 = tpu.vector_load %arg15[%get3A_777, %get3A_778] {strides = array<i32>} : memref<128x64xf32, #tpu.memory_space<vmem>>, vector<16xf32>,
        %add3A_780 = arith.addf %get3A_776, %get3A_779 : vector<16xf32>
        %mul3A_781 = arith.mulf %get3A_773, %add3A_780 : vector<16xf32>
        %add3A_782 = arith.addf %add3A_770, %mul3A_781 : vector<16xf32>
        %eq3A_783 = arith.constant 12 : i32
        %eq3A_784 = vector.broadcast %eq3A_783 : i32 to vector<16xi32>
        %eq3A_785 = arith.cmpi eq, %iota3A, %eq3A_784 : vector<16xi32>
        %reduce_sum3A_786 = arith.constant true
        %reduce_sum3A_787 = vector.broadcast %reduce_sum3A_786 : i1 to vector<16xi1>
        %reduce_sum3A_788 = tpu.scan <sum>, %add3A_782 masked %reduce_sum3A_787 : vector<16xf32>, vector<16xi1> -> vector<16xf32>
        %reduce_sum3A_789 = vector.extract %reduce_sum3A_788[15] : f32 from vector<16xf32>
        %broadcast_in_dim3A_790 = vector.broadcast %reduce_sum3A_789 : f32 to vector<16xf32>
        %select_n3A_791 = arith.select %eq3A_785, %broadcast_in_dim3A_790, %select_n3A_733 : vector<16xi1>, vector<16xf32>
        %add3A_792 = arith.constant 13 : i32
        %add3A_793 = arith.addi %mul3A_41, %add3A_792 : i32
        %get3A_794 = arith.index_cast %add3A_793 : i32 to index
        %get3A_795 = arith.constant 0 : index
        %get3A_796 = tpu.vector_load %arg13[%get3A_794, %get3A_795] {strides = array<i32>} : memref<128x64xf32, #tpu.memory_space<vmem>>, vector<16xf32>,
        %get3A_797 = arith.index_cast %add3A_793 : i32 to index
        %get3A_798 = arith.constant 0 : index
        %get3A_799 = tpu.vector_load %arg14[%get3A_797, %get3A_798] {strides = array<i32>} : memref<128x64xf32, #tpu.memory_space<vmem>>, vector<16xf32>,
        %get3A_800 = arith.index_cast %add3A_793 : i32 to index
        %get3A_801 = arith.constant 0 : index
        %get3A_802 = tpu.vector_load %arg15[%get3A_800, %get3A_801] {strides = array<i32>} : memref<128x64xf32, #tpu.memory_space<vmem>>, vector<16xf32>,
        %add3A_803 = arith.addf %get3A_799, %get3A_802 : vector<16xf32>
        %mul3A_804 = arith.mulf %get3A_796, %add3A_803 : vector<16xf32>
        %get3A_805 = arith.index_cast %add3A_793 : i32 to index
        %get3A_806 = arith.constant 16 : index
        %get3A_807 = tpu.vector_load %arg13[%get3A_805, %get3A_806] {strides = array<i32>} : memref<128x64xf32, #tpu.memory_space<vmem>>, vector<16xf32>,
        %get3A_808 = arith.index_cast %add3A_793 : i32 to index
        %get3A_809 = arith.constant 16 : index
        %get3A_810 = tpu.vector_load %arg14[%get3A_808, %get3A_809] {strides = array<i32>} : memref<128x64xf32, #tpu.memory_space<vmem>>, vector<16xf32>,
        %get3A_811 = arith.index_cast %add3A_793 : i32 to index
        %get3A_812 = arith.constant 16 : index
        %get3A_813 = tpu.vector_load %arg15[%get3A_811, %get3A_812] {strides = array<i32>} : memref<128x64xf32, #tpu.memory_space<vmem>>, vector<16xf32>,
        %add3A_814 = arith.addf %get3A_810, %get3A_813 : vector<16xf32>
        %mul3A_815 = arith.mulf %get3A_807, %add3A_814 : vector<16xf32>
        %add3A_816 = arith.addf %mul3A_804, %mul3A_815 : vector<16xf32>
        %get3A_817 = arith.index_cast %add3A_793 : i32 to index
        %get3A_818 = arith.constant 32 : index
        %get3A_819 = tpu.vector_load %arg13[%get3A_817, %get3A_818] {strides = array<i32>} : memref<128x64xf32, #tpu.memory_space<vmem>>, vector<16xf32>,
        %get3A_820 = arith.index_cast %add3A_793 : i32 to index
        %get3A_821 = arith.constant 32 : index
        %get3A_822 = tpu.vector_load %arg14[%get3A_820, %get3A_821] {strides = array<i32>} : memref<128x64xf32, #tpu.memory_space<vmem>>, vector<16xf32>,
        %get3A_823 = arith.index_cast %add3A_793 : i32 to index
        %get3A_824 = arith.constant 32 : index
        %get3A_825 = tpu.vector_load %arg15[%get3A_823, %get3A_824] {strides = array<i32>} : memref<128x64xf32, #tpu.memory_space<vmem>>, vector<16xf32>,
        %add3A_826 = arith.addf %get3A_822, %get3A_825 : vector<16xf32>
        %mul3A_827 = arith.mulf %get3A_819, %add3A_826 : vector<16xf32>
        %add3A_828 = arith.addf %add3A_816, %mul3A_827 : vector<16xf32>
        %get3A_829 = arith.index_cast %add3A_793 : i32 to index
        %get3A_830 = arith.constant 48 : index
        %get3A_831 = tpu.vector_load %arg13[%get3A_829, %get3A_830] {strides = array<i32>} : memref<128x64xf32, #tpu.memory_space<vmem>>, vector<16xf32>,
        %get3A_832 = arith.index_cast %add3A_793 : i32 to index
        %get3A_833 = arith.constant 48 : index
        %get3A_834 = tpu.vector_load %arg14[%get3A_832, %get3A_833] {strides = array<i32>} : memref<128x64xf32, #tpu.memory_space<vmem>>, vector<16xf32>,
        %get3A_835 = arith.index_cast %add3A_793 : i32 to index
        %get3A_836 = arith.constant 48 : index
        %get3A_837 = tpu.vector_load %arg15[%get3A_835, %get3A_836] {strides = array<i32>} : memref<128x64xf32, #tpu.memory_space<vmem>>, vector<16xf32>,
        %add3A_838 = arith.addf %get3A_834, %get3A_837 : vector<16xf32>
        %mul3A_839 = arith.mulf %get3A_831, %add3A_838 : vector<16xf32>
        %add3A_840 = arith.addf %add3A_828, %mul3A_839 : vector<16xf32>
        %eq3A_841 = arith.constant 13 : i32
        %eq3A_842 = vector.broadcast %eq3A_841 : i32 to vector<16xi32>
        %eq3A_843 = arith.cmpi eq, %iota3A, %eq3A_842 : vector<16xi32>
        %reduce_sum3A_844 = arith.constant true
        %reduce_sum3A_845 = vector.broadcast %reduce_sum3A_844 : i1 to vector<16xi1>
        %reduce_sum3A_846 = tpu.scan <sum>, %add3A_840 masked %reduce_sum3A_845 : vector<16xf32>, vector<16xi1> -> vector<16xf32>
        %reduce_sum3A_847 = vector.extract %reduce_sum3A_846[15] : f32 from vector<16xf32>
        %broadcast_in_dim3A_848 = vector.broadcast %reduce_sum3A_847 : f32 to vector<16xf32>
        %select_n3A_849 = arith.select %eq3A_843, %broadcast_in_dim3A_848, %select_n3A_791 : vector<16xi1>, vector<16xf32>
        %add3A_850 = arith.constant 14 : i32
        %add3A_851 = arith.addi %mul3A_41, %add3A_850 : i32
        %get3A_852 = arith.index_cast %add3A_851 : i32 to index
        %get3A_853 = arith.constant 0 : index
        %get3A_854 = tpu.vector_load %arg13[%get3A_852, %get3A_853] {strides = array<i32>} : memref<128x64xf32, #tpu.memory_space<vmem>>, vector<16xf32>,
        %get3A_855 = arith.index_cast %add3A_851 : i32 to index
        %get3A_856 = arith.constant 0 : index
        %get3A_857 = tpu.vector_load %arg14[%get3A_855, %get3A_856] {strides = array<i32>} : memref<128x64xf32, #tpu.memory_space<vmem>>, vector<16xf32>,
        %get3A_858 = arith.index_cast %add3A_851 : i32 to index
        %get3A_859 = arith.constant 0 : index
        %get3A_860 = tpu.vector_load %arg15[%get3A_858, %get3A_859] {strides = array<i32>} : memref<128x64xf32, #tpu.memory_space<vmem>>, vector<16xf32>,
        %add3A_861 = arith.addf %get3A_857, %get3A_860 : vector<16xf32>
        %mul3A_862 = arith.mulf %get3A_854, %add3A_861 : vector<16xf32>
        %get3A_863 = arith.index_cast %add3A_851 : i32 to index
        %get3A_864 = arith.constant 16 : index
        %get3A_865 = tpu.vector_load %arg13[%get3A_863, %get3A_864] {strides = array<i32>} : memref<128x64xf32, #tpu.memory_space<vmem>>, vector<16xf32>,
        %get3A_866 = arith.index_cast %add3A_851 : i32 to index
        %get3A_867 = arith.constant 16 : index
        %get3A_868 = tpu.vector_load %arg14[%get3A_866, %get3A_867] {strides = array<i32>} : memref<128x64xf32, #tpu.memory_space<vmem>>, vector<16xf32>,
        %get3A_869 = arith.index_cast %add3A_851 : i32 to index
        %get3A_870 = arith.constant 16 : index
        %get3A_871 = tpu.vector_load %arg15[%get3A_869, %get3A_870] {strides = array<i32>} : memref<128x64xf32, #tpu.memory_space<vmem>>, vector<16xf32>,
        %add3A_872 = arith.addf %get3A_868, %get3A_871 : vector<16xf32>
        %mul3A_873 = arith.mulf %get3A_865, %add3A_872 : vector<16xf32>
        %add3A_874 = arith.addf %mul3A_862, %mul3A_873 : vector<16xf32>
        %get3A_875 = arith.index_cast %add3A_851 : i32 to index
        %get3A_876 = arith.constant 32 : index
        %get3A_877 = tpu.vector_load %arg13[%get3A_875, %get3A_876] {strides = array<i32>} : memref<128x64xf32, #tpu.memory_space<vmem>>, vector<16xf32>,
        %get3A_878 = arith.index_cast %add3A_851 : i32 to index
        %get3A_879 = arith.constant 32 : index
        %get3A_880 = tpu.vector_load %arg14[%get3A_878, %get3A_879] {strides = array<i32>} : memref<128x64xf32, #tpu.memory_space<vmem>>, vector<16xf32>,
        %get3A_881 = arith.index_cast %add3A_851 : i32 to index
        %get3A_882 = arith.constant 32 : index
        %get3A_883 = tpu.vector_load %arg15[%get3A_881, %get3A_882] {strides = array<i32>} : memref<128x64xf32, #tpu.memory_space<vmem>>, vector<16xf32>,
        %add3A_884 = arith.addf %get3A_880, %get3A_883 : vector<16xf32>
        %mul3A_885 = arith.mulf %get3A_877, %add3A_884 : vector<16xf32>
        %add3A_886 = arith.addf %add3A_874, %mul3A_885 : vector<16xf32>
        %get3A_887 = arith.index_cast %add3A_851 : i32 to index
        %get3A_888 = arith.constant 48 : index
        %get3A_889 = tpu.vector_load %arg13[%get3A_887, %get3A_888] {strides = array<i32>} : memref<128x64xf32, #tpu.memory_space<vmem>>, vector<16xf32>,
        %get3A_890 = arith.index_cast %add3A_851 : i32 to index
        %get3A_891 = arith.constant 48 : index
        %get3A_892 = tpu.vector_load %arg14[%get3A_890, %get3A_891] {strides = array<i32>} : memref<128x64xf32, #tpu.memory_space<vmem>>, vector<16xf32>,
        %get3A_893 = arith.index_cast %add3A_851 : i32 to index
        %get3A_894 = arith.constant 48 : index
        %get3A_895 = tpu.vector_load %arg15[%get3A_893, %get3A_894] {strides = array<i32>} : memref<128x64xf32, #tpu.memory_space<vmem>>, vector<16xf32>,
        %add3A_896 = arith.addf %get3A_892, %get3A_895 : vector<16xf32>
        %mul3A_897 = arith.mulf %get3A_889, %add3A_896 : vector<16xf32>
        %add3A_898 = arith.addf %add3A_886, %mul3A_897 : vector<16xf32>
        %eq3A_899 = arith.constant 14 : i32
        %eq3A_900 = vector.broadcast %eq3A_899 : i32 to vector<16xi32>
        %eq3A_901 = arith.cmpi eq, %iota3A, %eq3A_900 : vector<16xi32>
        %reduce_sum3A_902 = arith.constant true
        %reduce_sum3A_903 = vector.broadcast %reduce_sum3A_902 : i1 to vector<16xi1>
        %reduce_sum3A_904 = tpu.scan <sum>, %add3A_898 masked %reduce_sum3A_903 : vector<16xf32>, vector<16xi1> -> vector<16xf32>
        %reduce_sum3A_905 = vector.extract %reduce_sum3A_904[15] : f32 from vector<16xf32>
        %broadcast_in_dim3A_906 = vector.broadcast %reduce_sum3A_905 : f32 to vector<16xf32>
        %select_n3A_907 = arith.select %eq3A_901, %broadcast_in_dim3A_906, %select_n3A_849 : vector<16xi1>, vector<16xf32>
        %add3A_908 = arith.constant 15 : i32
        %add3A_909 = arith.addi %mul3A_41, %add3A_908 : i32
        %get3A_910 = arith.index_cast %add3A_909 : i32 to index
        %get3A_911 = arith.constant 0 : index
        %get3A_912 = tpu.vector_load %arg13[%get3A_910, %get3A_911] {strides = array<i32>} : memref<128x64xf32, #tpu.memory_space<vmem>>, vector<16xf32>,
        %get3A_913 = arith.index_cast %add3A_909 : i32 to index
        %get3A_914 = arith.constant 0 : index
        %get3A_915 = tpu.vector_load %arg14[%get3A_913, %get3A_914] {strides = array<i32>} : memref<128x64xf32, #tpu.memory_space<vmem>>, vector<16xf32>,
        %get3A_916 = arith.index_cast %add3A_909 : i32 to index
        %get3A_917 = arith.constant 0 : index
        %get3A_918 = tpu.vector_load %arg15[%get3A_916, %get3A_917] {strides = array<i32>} : memref<128x64xf32, #tpu.memory_space<vmem>>, vector<16xf32>,
        %add3A_919 = arith.addf %get3A_915, %get3A_918 : vector<16xf32>
        %mul3A_920 = arith.mulf %get3A_912, %add3A_919 : vector<16xf32>
        %get3A_921 = arith.index_cast %add3A_909 : i32 to index
        %get3A_922 = arith.constant 16 : index
        %get3A_923 = tpu.vector_load %arg13[%get3A_921, %get3A_922] {strides = array<i32>} : memref<128x64xf32, #tpu.memory_space<vmem>>, vector<16xf32>,
        %get3A_924 = arith.index_cast %add3A_909 : i32 to index
        %get3A_925 = arith.constant 16 : index
        %get3A_926 = tpu.vector_load %arg14[%get3A_924, %get3A_925] {strides = array<i32>} : memref<128x64xf32, #tpu.memory_space<vmem>>, vector<16xf32>,
        %get3A_927 = arith.index_cast %add3A_909 : i32 to index
        %get3A_928 = arith.constant 16 : index
        %get3A_929 = tpu.vector_load %arg15[%get3A_927, %get3A_928] {strides = array<i32>} : memref<128x64xf32, #tpu.memory_space<vmem>>, vector<16xf32>,
        %add3A_930 = arith.addf %get3A_926, %get3A_929 : vector<16xf32>
        %mul3A_931 = arith.mulf %get3A_923, %add3A_930 : vector<16xf32>
        %add3A_932 = arith.addf %mul3A_920, %mul3A_931 : vector<16xf32>
        %get3A_933 = arith.index_cast %add3A_909 : i32 to index
        %get3A_934 = arith.constant 32 : index
        %get3A_935 = tpu.vector_load %arg13[%get3A_933, %get3A_934] {strides = array<i32>} : memref<128x64xf32, #tpu.memory_space<vmem>>, vector<16xf32>,
        %get3A_936 = arith.index_cast %add3A_909 : i32 to index
        %get3A_937 = arith.constant 32 : index
        %get3A_938 = tpu.vector_load %arg14[%get3A_936, %get3A_937] {strides = array<i32>} : memref<128x64xf32, #tpu.memory_space<vmem>>, vector<16xf32>,
        %get3A_939 = arith.index_cast %add3A_909 : i32 to index
        %get3A_940 = arith.constant 32 : index
        %get3A_941 = tpu.vector_load %arg15[%get3A_939, %get3A_940] {strides = array<i32>} : memref<128x64xf32, #tpu.memory_space<vmem>>, vector<16xf32>,
        %add3A_942 = arith.addf %get3A_938, %get3A_941 : vector<16xf32>
        %mul3A_943 = arith.mulf %get3A_935, %add3A_942 : vector<16xf32>
        %add3A_944 = arith.addf %add3A_932, %mul3A_943 : vector<16xf32>
        %get3A_945 = arith.index_cast %add3A_909 : i32 to index
        %get3A_946 = arith.constant 48 : index
        %get3A_947 = tpu.vector_load %arg13[%get3A_945, %get3A_946] {strides = array<i32>} : memref<128x64xf32, #tpu.memory_space<vmem>>, vector<16xf32>,
        %get3A_948 = arith.index_cast %add3A_909 : i32 to index
        %get3A_949 = arith.constant 48 : index
        %get3A_950 = tpu.vector_load %arg14[%get3A_948, %get3A_949] {strides = array<i32>} : memref<128x64xf32, #tpu.memory_space<vmem>>, vector<16xf32>,
        %get3A_951 = arith.index_cast %add3A_909 : i32 to index
        %get3A_952 = arith.constant 48 : index
        %get3A_953 = tpu.vector_load %arg15[%get3A_951, %get3A_952] {strides = array<i32>} : memref<128x64xf32, #tpu.memory_space<vmem>>, vector<16xf32>,
        %add3A_954 = arith.addf %get3A_950, %get3A_953 : vector<16xf32>
        %mul3A_955 = arith.mulf %get3A_947, %add3A_954 : vector<16xf32>
        %add3A_956 = arith.addf %add3A_944, %mul3A_955 : vector<16xf32>
        %eq3A_957 = arith.constant 15 : i32
        %eq3A_958 = vector.broadcast %eq3A_957 : i32 to vector<16xi32>
        %eq3A_959 = arith.cmpi eq, %iota3A, %eq3A_958 : vector<16xi32>
        %reduce_sum3A_960 = arith.constant true
        %reduce_sum3A_961 = vector.broadcast %reduce_sum3A_960 : i1 to vector<16xi1>
        %reduce_sum3A_962 = tpu.scan <sum>, %add3A_956 masked %reduce_sum3A_961 : vector<16xf32>, vector<16xi1> -> vector<16xf32>
        %reduce_sum3A_963 = vector.extract %reduce_sum3A_962[15] : f32 from vector<16xf32>
        %broadcast_in_dim3A_964 = vector.broadcast %reduce_sum3A_963 : f32 to vector<16xf32>
        %select_n3A_965 = arith.select %eq3A_959, %broadcast_in_dim3A_964, %select_n3A_907 : vector<16xi1>, vector<16xf32>
        %add3A_966 = vector.broadcast %mul3A_41 : i32 to vector<16xi32>
        %add3A_967 = arith.addi %add3A_966, %iota3A : vector<16xi32>
        %gather3A = tpu.vector_load_idx %arg16[%add3A_967, %broadcast_in_dim3A_1] : memref<128x1xf32, #tpu.memory_space<vmem>>[vector<16xi32>, vector<16xi32>], vector<16xf32>,
        %add3A_968 = arith.addf %select_n3A_965, %gather3A : vector<16xf32>
        %add3A_969 = arith.addi %mul3A_13, %mul3A_41 : i32
        %swap3A = arith.index_cast %add3A_969 : i32 to index
        %swap3A_970 = tpu.vector_load %arg17[%swap3A] {strides = array<i32>} : memref<512xf32, #tpu.memory_space<vmem>>, vector<16xf32>,
        tpu.vector_store %arg17[%swap3A], %add3A_968 {strides = array<i32>} : memref<512xf32, #tpu.memory_space<vmem>>, vector<16xf32>,
        %scan3A_971 = arith.constant 0 : i32
        scf.yield %scan3A_971 : i32
      }
      %scan3A_34 = arith.constant 8 : i32
      %scan3A_35 = arith.constant 0 : i32
      scf.yield %scan3A_35 : i32
    }
    %scan3A_7 = arith.constant 4 : i32
    %mul3A_8 = arith.constant 512 : i32
    %mul3A_9 = arith.muli %add3A, %mul3A_8 : i32
    "tpu.region"() ({
      %run_scoped3A = tpu.sem_alloc : memref<!tpu.dma_semaphore, #tpu.memory_space<semaphore_mem>>
      %dma_start3A = tpu.memref_slice %arg9[%mul3A_9] : memref<16384xf32, #tpu.memory_space<hbm>> -> memref<512xf32, #tpu.memory_space<hbm>>
      %dma_start3A_10 = tpu.memref_slice %arg9[%mul3A_9] : memref<16384xf32, #tpu.memory_space<hbm>> -> memref<512xf32, #tpu.memory_space<hbm>>
      tpu.enqueue_dma source(%arg17 : memref<512xf32, #tpu.memory_space<vmem>>) target(%dma_start3A_10 : memref<512xf32, #tpu.memory_space<hbm>>) target_semaphore(%run_scoped3A : memref<!tpu.dma_semaphore, #tpu.memory_space<semaphore_mem>>)
      %dma_wait3A = tpu.memref_slice %arg9[%mul3A_9] : memref<16384xf32, #tpu.memory_space<hbm>> -> memref<512xf32, #tpu.memory_space<hbm>>
      %dma_wait3A_11 = tpu.memref_slice %arg9[%mul3A_9] : memref<16384xf32, #tpu.memory_space<hbm>> -> memref<512xf32, #tpu.memory_space<hbm>>
      tpu.wait_dma2 semaphore(%run_scoped3A : memref<!tpu.dma_semaphore, #tpu.memory_space<semaphore_mem>>) src(%arg17 : memref<512xf32, #tpu.memory_space<vmem>>) dst(%dma_wait3A_11 : memref<512xf32, #tpu.memory_space<hbm>>)
      tpu.yield
    }) : () -> ()
    return
  }
}

</mosaic_0001>

<sc_bundles>
// kernel: _sc_gather_dot.3.cloned.1.call-start
scs
__scs_entry_jumppad:
0x0: {  	(pc) =	sbr.rel $0x88, $3  }
0x1: {  	(tag) =	ssettag $0x0;
	lr =	simm.s32 $0x1  }
0x2: {  	[smem:$0x3F9A] =	sst lr;
	_ =	strace $0xD0000000  }
0x3: {  	_ = 	snop  }
0x4: {  	_ = 	snop  }
0x5: {  	_ = 	snop  }
0x6: {  	_ = 	snop  }
0x7: {  	_ = 	snop  }
__scs_overlays_trampoline_lowered:
0x8: {  	[smem:$0x3FA9] =	sst s0  }
0x9: {  	[smem:$0x3FAA] =	sst s1  }
0xa: {  	[smem:$0x3FAB] =	sst s2  }
0xb: {  	[smem:$0x3FAC] =	sst s3  }
0xc: {  	[smem:$0x3FAD] =	sst s4  }
0xd: {  	[smem:$0x3FAE] =	sst s5  }
0xe: {  	[smem:$0x3FAF] =	sst s6  }
0xf: {  	[smem:$0x3FB0] =	sst s7  }
0x10: {  	[smem:$0x3FB1] =	sst s8  }
0x11: {  	[smem:$0x3FB2] =	sst s9;
	s0 =	simm.s32 @!p0 $0x0  }
0x12: {  	s1 =	sld [smem:$0x3F98];
	s0 =	simm.s32 @p0 $0x1  }
0x13: {  	[smem:$0x3FB3] =	sst s0;
	s0 =	simm.s32 @!p1 $0x0  }
0x14: {  	s2 =	sld [smem:$0x3F97];
	s0 =	simm.s32 @p1 $0x1  }
0x15: {  	[smem:$0x3FB4] =	sst s0;
	s0 =	simm.s32 @!p2 $0x0  }
0x16: {  	s3 =	sld [smem:$0x3FDB];
	s0 =	simm.s32 @p2 $0x1  }
0x17: {  	s4 =	simm.s32 $0x1BF5;
	[smem:$0x3FB6] =	sst s0  }
0x18: {  	s0 =	sld [smem:$0x3F99];
	_ =	swait.ge [sflag:s4], $0x0  }
0x19: {  	s7 =	sld [smem:$0x3F9A]  }
0x1a: {  	s8 =	sadd.s32 $0xFFFFE003, lr  }
0x1b: {  	s9 =	sadd.s32 $0xFFFFFEF7, lr;
	s5 =	simm.s32 $0xFFFFFFFF;
	p2 =	slt.u32 s8, $0xFFFFF086  }
0x1c: {  	p1 =	slt.u32 s9, $0xF7A;
	s5 =	simm.s32 @!p2 $0x0  }
0x1d: {  	s5 =	simm.s32 @p1 $0x1;
	p0 =	seq.s32 s7, s2  }
0x1e: {  	s7 =	smul.u32 @!p0 $0xF7A, s2;
	p2 =	seq.s32 @!p0 s5, $0x0  }
0x1f: {  	s9 =	smul.u32 $0xF7A, s1;
	s8 =	simm.s32 @!p0 $0x1BF5;
	p2 =	por !p2, p0  }
0x20: {  	[sflag:s8] =	ssyncset.s32 @!p0 $0xFFFFF086;
	s6 =	sadd.s32 @!p0 s3, s7;
	s7 =	simm.s32 @!p0 $0x108  }
0x21: {  	s3 =	sadd.s32 s3, s9;
	s6 =	sadd.s32 @!p0 $0x88, s6;
	s7 =	simm.s32 @p2 $0x1082  }
0x22: {  	[simem:s7], [sflag:s8] =	dma.local @!p0 [hbm:s6], $0xF7A  }
0x23: {  	s9 =	sor.u32 $0xD0000000, s2;
	s6 =	simm.s32 $0x108;
	_ =	swait.ge @!p0 [sflag:s8], $0x0  }
0x24: {  	s3 =	sadd.s32 $0x88, s3;
	s6 =	simm.s32 @!p1 $0x1082;
	[sflag:s4] =	ssyncset.s32 $0xFFFFF086  }
0x25: {  	[simem:s6], [sflag:s4] =	dma.local [hbm:s3], $0xF7A  }
0x26: {  	[smem:$0x3F9A] =	sst s1;
	(tag) =	ssettag s2;
	_ =	strace s9  }
0x27: {  	s1 =	sld [smem:$0x3FAA]  }
0x28: {  	s2 =	sld [smem:$0x3FAB]  }
0x29: {  	s4 =	sld [smem:$0x3FAD]  }
0x2a: {  	p0 =	seq.s32 s5, $0x0;
	s5 =	sld [smem:$0x3FAE]  }
0x2b: {  	s6 =	sld [smem:$0x3FAF]  }
0x2c: {  	s7 =	sld [smem:$0x3FB0]  }
0x2d: {  	s3 =	simm.s32 $0x108;
	s8 =	sld [smem:$0x3FB1]  }
0x2e: {  	s3 =	simm.s32 @!p0 $0x1082;
	s9 =	sld [smem:$0x3FB2]  }
0x2f: {  	lr =	sadd.s32 s0, s3;
	s0 =	sld [smem:$0x3FA9]  }
0x30: {  	s3 =	sld [smem:$0x3FAC]  }
0x31: {  	[smem:$0x3FB5] =	sst s10  }
0x32: {  	s10 =	sld [smem:$0x3FB3];
	_ =	sdelay $0x3  }
0x33: {  	p0 =	seq.s32 s10, $0x1;
	s10 =	sld [smem:$0x3FB5];
	_ =	sdelay $0x3  }
0x34: {  	[smem:$0x3FB5] =	sst s10  }
0x35: {  	s10 =	sld [smem:$0x3FB4];
	_ =	sdelay $0x3  }
0x36: {  	p1 =	seq.s32 s10, $0x1;
	s10 =	sld [smem:$0x3FB5];
	_ =	sdelay $0x3  }
0x37: {  	[smem:$0x3FB5] =	sst s10  }
0x38: {  	s10 =	sld [smem:$0x3FB6]  }
0x39: {  	_ = 	snop;
	(pc) =	sbr.ind lr, $3  }
0x3a: {  	_ = 	snop  }
0x3b: {  	_ = 	snop  }
0x3c: {  	p2 =	seq.s32 s10, $0x1;
	s10 =	sld [smem:$0x3FB5]  }
0x3d: {  	_ =	shalt  }
0x3e: {  	_ =	shalt  }
0x3f: {  	_ =	shalt  }
0x40: {  	_ =	shalt  }
0x41: {  	_ =	shalt  }
0x42: {  	_ =	shalt  }
0x43: {  	_ =	shalt  }
0x44: {  	_ =	shalt  }
0x45: {  	_ =	shalt  }
0x46: {  	_ =	shalt  }
0x47: {  	_ =	shalt  }
0x48: {  	_ =	shalt  }
0x49: {  	_ =	shalt  }
0x4a: {  	_ =	shalt  }
0x4b: {  	_ =	shalt  }
0x4c: {  	_ =	shalt  }
0x4d: {  	_ =	shalt  }
0x4e: {  	_ =	shalt  }
0x4f: {  	_ =	shalt  }
0x50: {  	_ =	shalt  }
0x51: {  	_ =	shalt  }
0x52: {  	_ =	shalt  }
0x53: {  	_ =	shalt  }
0x54: {  	_ =	shalt  }
0x55: {  	_ =	shalt  }
0x56: {  	_ =	shalt  }
0x57: {  	_ =	shalt  }
0x58: {  	_ =	shalt  }
0x59: {  	_ =	shalt  }
0x5a: {  	_ =	shalt  }
0x5b: {  	_ =	shalt  }
0x5c: {  	_ =	shalt  }
0x5d: {  	_ =	shalt  }
0x5e: {  	_ =	shalt  }
0x5f: {  	_ =	shalt  }
0x60: {  	_ =	shalt  }
0x61: {  	_ =	shalt  }
0x62: {  	_ =	shalt  }
0x63: {  	_ =	shalt  }
0x64: {  	_ =	shalt  }
0x65: {  	_ =	shalt  }
0x66: {  	_ =	shalt  }
0x67: {  	_ =	shalt  }
0x68: {  	_ =	shalt  }
0x69: {  	_ =	shalt  }
0x6a: {  	_ =	shalt  }
0x6b: {  	_ =	shalt  }
0x6c: {  	_ =	shalt  }
0x6d: {  	_ =	shalt  }
0x6e: {  	_ =	shalt  }
0x6f: {  	_ =	shalt  }
0x70: {  	_ =	shalt  }
0x71: {  	_ =	shalt  }
0x72: {  	_ =	shalt  }
0x73: {  	_ =	shalt  }
0x74: {  	_ =	shalt  }
0x75: {  	_ =	shalt  }
0x76: {  	_ =	shalt  }
0x77: {  	_ =	shalt  }
0x78: {  	_ =	shalt  }
0x79: {  	_ =	shalt  }
0x7a: {  	_ =	shalt  }
0x7b: {  	_ =	shalt  }
0x7c: {  	_ =	shalt  }
0x7d: {  	_ =	shalt  }
0x7e: {  	_ =	shalt  }
0x7f: {  	_ =	shalt  }
0x80: {  	_ =	shalt  }
0x81: {  	_ =	shalt  }
0x82: {  	_ =	shalt  }
0x83: {  	_ =	shalt  }
0x84: {  	_ =	shalt  }
0x85: {  	_ =	shalt  }
0x86: {  	_ =	shalt  }
0x87: {  	_ =	shalt  }
.Lfunc_end0:
.L_simem_size_0:
called_computation_lowered:
.L_overlay_start_0:
0x88: {  	s2 =	sld [smem:$0x3FD9]  }
0x89: {  	s3 =	sld [smem:$0x3FFE];
	_ =	sdelay $0x1  }
0x8a: {  	s1 =	srdreg.scid  }
0x8b: {  	s0 =	sand.u32 $0x1, s1  }
0x8c: {  	s17 =	sshll.u32 s0, $0xA;
	s2 =	sadd.s32 s3, s2  }
0x8d: {  	s2 =	sadd.s32 s2, s17  }
0x8e: {  	[smem:$0x3FC1] =	sst s2  }
0x8f: {  	_ = 	snop  }
0x90: {  	s2 =	sld [smem:$0x3FC9]  }
0x91: {  	s18 =	sld [smem:$0x3FC8]  }
0x92: {  	s4 =	sld [smem:$0x3FC7]  }
0x93: {  	s5 =	sld [smem:$0x3FD0];
	(tm) =	ssettm $0x1  }
0x94: {  	s6 =	sld [smem:$0x3FFB];
	_ =	sdelay $0x3  }
0x95: {  	_ =	strace s6  }
0x96: {  	s6 =	sld [smem:$0x3FFC];
	_ =	sdelay $0x3  }
0x97: {  	_ =	strace s6  }
0x98: {  	s6 =	sld [smem:$0x3FFD];
	_ =	sdelay $0x3  }
0x99: {  	_ =	strace s6  }
0x9a: {  	_ =	strace $0x8FFFFFFF  }
0x9b: {  	s19 =	sld [smem:$0x3FDB];
	_ =	sdelay $0x1  }
0x9c: {  	s7 =	simm.s32 $_scs_section_size  }
0x9d: {  	s8 =	simm.s32 $_size__tile_overlayer_lowered;
	s9 =	simm.s32 $_tile_overlayer_lowered  }
0x9e: {  	s22 =	simm.s32 $0x1BFF;
	s21 =	sshll.u32 s9, $0x1;
	s6 =	sadd.s32 s7, s19  }
0x9f: {  	s10 =	simm.s32 $0x0;
	s20 =	sshll.u32 s8, $0x1;
	s8 =	sadd.s32 s21, s6  }
0xa0: {  	[timem:s10], [sflag:s22] =	dma.local [hbm:s8], s20  }
0xa1: {  	_ =	swait.ge [sflag:s22], s20  }
0xa2: {  	s7 =	ssub.s32 $0x0, s20;
	[sflag:s22] =	ssyncset.done $0x0  }
0xa3: {  	[sflag:s22] =	ssyncadd.s32 s7;
	_ =	sdelay $0x1  }
0xa4: {  	s23 =	simm.s32 $0x1B8B  }
0xa5: {  	_ =	swait.ge [sflag:s23], $0x1  }
0xa6: {  	[sflag:s23] =	ssyncset.done $0x0  }
0xa7: {  	s25 =	simm.s32 $0x1B8E;
	s24 =	sld [smem:$0x3FFE];
	[sflag:s23] =	ssyncadd.s32 $0xFFFFFFFF  }
0xa8: {  	s26 =	simm.s32 $execute0_lowered;
	[smem:$0x3FD2] =	sst s25  }
0xa9: {  	s8 =	sshll.u32 s26, $0x1;
	_ =	strace $0x80000046;
	[dreg:$0x1] =	wrdreg $0xFFFFFFFF  }
0xaa: {  	s28 =	simm.s32 $_size_execute0_lowered;
	s6 =	sadd.s32 s6, s8;
	[dreg:$0x0] =	wrdreg $0x0  }
0xab: {  	s8 =	sshll.u32 s28, $0x1;
	[dreg:$0x2] =	wrdreg s6  }
0xac: {  	[dreg:$0x3] =	wrdreg s8  }
0xad: {  	[dreg:$0x4] =	wrdreg $0xC0  }
0xae: {  	_ =	task [dreg:s10], $0x5FFFF  }
0xaf: {  	[dreg:$0x1] =	wrdreg $0xFFFFFFFF  }
0xb0: {  	[dreg:$0x0] =	wrdreg $0x60  }
0xb1: {  	[dreg:$0x2] =	wrdreg s2  }
0xb2: {  	[dreg:$0x3] =	wrdreg s18  }
0xb3: {  	[dreg:$0x4] =	wrdreg s4  }
0xb4: {  	[dreg:$0x5] =	wrdreg s24  }
0xb5: {  	[dreg:$0x6] =	wrdreg s5  }
0xb6: {  	[dreg:$0x7] =	wrdreg $0x9  }
0xb7: {  	_ =	task.clear_ibuf [dreg:s10], $0x8FFFF;
	_ =	strace $0x90000046  }
0xb8: {  	s29 =	simm.s32 $0x9;
	_ =	strace $0x80000048  }
0xb9: {  	_ =	swait.ge [sflag:s29], $0x1  }
0xba: {  	[sflag:s29] =	ssyncadd.s32 $0xFFFFFFFF  }
0xbb: {  	_ =	strace $0x90000048  }
0xbc: {  	_ =	sfence  }
0xbd: {  	s30 =	sld [smem:$0x0];
	_ =	sdelay $0x2  }
0xbe: {  	s31 =	sshll.u32 s1, $0xD;
	s1 =	sshrl.u32 s1, $0x2  }
0xbf: {  	s3 =	sand.u32 $0x4000, s31;
	s1 =	sadd.s32 s1, s30  }
0xc0: {  	s0 =	sor.u32 s3, s0;
	s1 =	sshll.u32 s1, $0x11  }
0xc1: {  	s0 =	sor.u32 s1, s0  }
0xc2: {  	s0 =	sadd.s32 $0x8F2B, s0  }
0xc3: {  	[sflag:s0] =	ssyncadd.remote.s32 $0x1  }
0xc4: {  	_ =	sfence.sel $0xFFFF  }
0xc5: {  	[dreg:$0x0] =	wrdreg $0xFFFFFFFF;
	(pc) =	sbr.abs _section_cstart, $3  }
0xc6: {  	[dreg:$0x1] =	wrdreg $0xFFFFFFFF  }
0xc7: {  	_ =	task.clear_ibuf [dreg:s10], $0x2FFFF;
	_ =	strace $0x9FFFFFFF  }
0xc8: {  	(tm) =	ssettm $0x7FFFFFFF  }
0xc9: {  	_ =	shalt  }
tec
execute0_lowered:
.L_overlay_start_1:
0x0: {  	(tag) =	ssettag $0x1  }
0x1: {  	s0 =	rddreg [dreg:$0x0]  }
0x2: {  	s1 =	rddreg [dreg:$0x1]  }
0x3: {  	s3 =	rddreg [dreg:$0x2]  }
0x4: {  	s6 =	rddreg [dreg:$0x3]  }
0x5: {  	s7 =	rddreg [dreg:$0x4]  }
0x6: {  	s4 =	srdreg.scid;
	s9 =	stileid.u32  }
0x7: {  	s2 =	simm.s32 $0x0;
	s5 =	sand.u32 $0x1, s4;
	s8 =	sshll.u32 s9, $0x1  }
0x8: {  	[smem:$0x7FF] =	sst s2;
	s8 =	sor.u32 s5, s8;
	s10 =	ssub.s32 $0x2, s5  }
0x9: {  	s11 =	sshll.u32 s9, $0x7;
	s12 =	sshll.u32 s8, $0x4;
	s13 =	sshrl.u32 s10, $0x1  }
0xa: {  	s14 =	sadd.s32 $0x4600, s6;
	s11 =	sor.u32 s11, s12;
	s10 =	ssub.s32 s10, s13  }
0xb: {  	vm0 =	vmmov $0x1;
	vm1 =	vmmov $0x3;
	s15 =	sadd.s32 $0xF46A00, s6;
	s11 =	sand.u32 $0x670, s11;
	s31 =	smax.u32 s10, $0x1  }
0xc: {  	vm2 =	vmmov $0x7;
	vm3 =	vmmov $0xf;
	vm4 =	vmmov $0x1f;
	_ =	strace $0x80000047;
	s0 =	sadd.s32 s0, s11;
	[dreg:$0x19] =	wrdreg s31  }
0xd: {  	vm5 =	vmmov $0x3f;
	vm6 =	vmmov $0x7f;
	v0 =	vlaneseq.u32;
	s9 =	sadd.s32 $0x1E88E00, s6;
	s28 =	sadd.s32 s1, s11;
	[dreg:$0x15] =	wrdreg s0  }
0xe: {  	vm7 =	vmmov $0xff;
	vm8 =	vmmov $0x1ff;
	v5 =	vmul.u32 $0x80, v0;
	s29 =	sshll.u32 s8, $0x6;
	s30 =	sadd.s32 s3, s11;
	[dreg:$0x16] =	wrdreg s28  }
0xf: {  	vm9 =	vmmov $0x3ff;
	vm10 =	vmmov $0x7ff;
	vm11 =	vmmov $0xfff;
	s6 =	sadd.s32 $0x600, s6;
	[dreg:$0x17] =	wrdreg s30;
	s0 =	sadd.s32 s7, s29  }
0x10: {  	vm12 =	vmmov $0x1fff;
	vm13 =	vmmov $0x3fff;
	vm14 =	vmmov $0x7fff;
	[tilespmem:$0x1FFF0] =	vst v5;
	s3 =	simm.s32 $0x5;
	s1 =	simm.s32 $0x0;
	[dreg:$0x18] =	wrdreg s0  }
.LBB2_1:
0x11: {  	[dreg:$0x1a] =	wrdreg s1  }
0x12: {  	s4 =	simm.s32 $0x400;
	s0 =	rddreg [dreg:$0x15];
	s29 =	simm.s32 $0x80  }
0x13: {  	[tilespmem:s2], [sflag:$0x5] =	stream.strided.gather [hbm4b:s0+s29], $0x200, s4, s29, $0x38;
	[tilespmem:$0x10800] =	vst v63  }
0x14: {  	_ =	swait.ge [sflag:s3], $0x200  }
0x15: {  	[sflag:s3] =	ssyncset.done $0x0  }
0x16: {  	s5 =	simm.s32 $0x200;
	s30 =	rddreg [dreg:$0x16];
	[sflag:s3] =	ssyncadd.s32 $0xFFFFFE00  }
0x17: {  	[tilespmem:s5], [sflag:$0x5] =	stream.strided.gather [hbm4b:s30+s29], $0x200, s4, s29, $0x38;
	[tilespmem:$0x10800] =	vst v63  }
0x18: {  	_ =	swait.ge [sflag:s3], $0x200  }
0x19: {  	[sflag:s3] =	ssyncset.done $0x0  }
0x1a: {  	s31 =	rddreg [dreg:$0x17];
	[sflag:s3] =	ssyncadd.s32 $0xFFFFFE00  }
0x1b: {  	[tilespmem:s4], [sflag:$0x5] =	stream.strided.gather [hbm4b:s31+s29], $0x200, s4, s29, $0x38;
	[tilespmem:$0x10800] =	vst v63  }
0x1c: {  	_ =	swait.ge [sflag:s3], $0x200  }
0x1d: {  	s1 =	simm.s32 $0x0;
	[sflag:s3] =	ssyncset.done $0x0  }
0x1e: {  	s0 =	simm.s32 $0x0;
	[sflag:s3] =	ssyncadd.s32 $0xFFFFFE00;
	s3 =	simm.s32 $0x10600  }
.LBB2_2:
0x1f: {  	v0 =	vld [tilespmem:s0+$0x0];
	_ =	sdelay $0x1  }
0x20: {  	v1 =	vld [tilespmem:s5+$0x0];
	_ =	sdelay $0x2  }
0x21: {  	v2 =	vld [tilespmem:s4+$0x0];
	v3 =	vshll.u32 v0, $0x4  }
0x22: {  	(v2sf) =	vpush v3, $0x0  }
0x23: {  	v1 =	vshll.u32 v1, $0x4;
	(v2sf) =	vpush v3, $0x1  }
0x24: {  	(v2sf) =	vpush v1, $0x1;
	_ =	sdelay $0x1  }
0x25: {  	v2 =	vshll.u32 v2, $0x4;
	(v2sf) =	vpush v1, $0x0  }
0x26: {  	(v2sf) =	vpush v2, $0x0;
	_ =	sdelay $0x2  }
0x27: {  	[dreg:$0x1f] =	wrdreg s1  }
0x28: {  	[dreg:$0x1d] =	wrdreg s3;
	(v2sf) =	vpush v2, $0x1  }
0x29: {  	s24 =	simm.s32 $0x2000;
	[dreg:$0x1e] =	wrdreg s0  }
0x2a: {  	s22 =	sadd.s32 $0x10, s0;
	s31 =	simm.s32 $0x0;
	[dreg:$0x1b] =	wrdreg s4;
	(v2sf) =	vpush v3, $0x2  }
0x2b: {  	s4 =	sadd.s32 $0x10, s4;
	[dreg:$0x1c] =	wrdreg s5;
	s5 =	sadd.s32 $0x10, s5  }
0x2c: {  	s12 =	simm.s32 $0x600;
	s13 =	simm.s32 $0x8600;
	s16 =	simm.s32 $0xC600  }
0x2d: {  	s17 =	simm.s32 $0x4600;
	s20 =	simm.s32 $0x700;
	s3 =	simm.s32 $0xC780  }
0x2e: {  	s23 =	simm.s32 $0x680;
	s26 =	simm.s32 $0xC680;
	s29 =	spop (v2sf)  }
0x2f: {  	s28 =	simm.s32 $0x4680;
	s0 =	sand.u32 $0x1FFFFFF0, s29;
	s30 =	spop (v2sf)  }
0x30: {  	s29 =	simm.s32 $0x8680;
	s7 =	sadd.s32 s14, s0;
	s8 =	spop (v2sf)  }
0x31: {  	[tilespmem:s12], [sflag:$0x1] =	stream.linear.gather [hbm4b:s7+s2], $0x80, $0x38;
	[tilespmem:$0x10800] =	vst v63  }
0x32: {  	(v2sf) =	vpush v1, $0x2;
	s0 =	sadd.s32 s15, s0;
	s1 =	sand.u32 $0x1FFFFFF0, s30;
	s10 =	spop (v2sf)  }
0x33: {  	s25 =	sadd.s32 s14, s1;
	s10 =	sand.u32 $0x1FFFFFF0, s10;
	s11 =	spop (v2sf)  }
0x34: {  	(v2sf) =	vpush v2, $0x2;
	[tilespmem:s16], [sflag:$0x2] =	stream.linear.gather [hbm4b:s0+s2], $0x80, $0x38;
	[tilespmem:$0x10800] =	vst v63  }
0x35: {  	s1 =	sadd.s32 s15, s1;
	(v2sf) =	vpush v3, $0x3;
	s18 =	sadd.s32 s9, s10;
	s19 =	sand.u32 $0x1FFFFFF0, s11  }
0x36: {  	[tilespmem:s17], [sflag:$0x3] =	stream.linear.gather [hbm4b:s18+s2], $0x80, $0x38;
	[tilespmem:$0x10800] =	vst v63  }
0x37: {  	s30 =	sand.u32 $0x1FFFFFF0, s8;
	(v2sf) =	vpush v1, $0x3;
	s11 =	spop (v2sf);
	s21 =	sadd.s32 s6, s19  }
0x38: {  	[tilespmem:s13], [sflag:$0x4] =	stream.linear.gather [hbm4b:s21+s2], $0x80, $0x38;
	[tilespmem:$0x10800] =	vst v63  }
0x39: {  	s7 =	sadd.s32 s9, s30;
	(v2sf) =	vpush v2, $0x3;
	s8 =	sand.u32 $0x1FFFFFF0, s11;
	s12 =	spop (v2sf)  }
0x3a: {  	[tilespmem:s23], [sflag:$0x1] =	stream.linear.gather [hbm4b:s25+s2], $0x80, $0x38;
	[tilespmem:$0x10800] =	vst v63  }
0x3b: {  	s30 =	simm.s32 $0x4780;
	(v2sf) =	vpush v3, $0x4;
	s16 =	sand.u32 $0x1FFFFFF0, s12;
	s8 =	sadd.s32 s6, s8  }
0x3c: {  	[tilespmem:s26], [sflag:$0x2] =	stream.linear.gather [hbm4b:s1+s2], $0x80, $0x38;
	[tilespmem:$0x10800] =	vst v63  }
0x3d: {  	s17 =	simm.s32 $0x4700;
	s11 =	sadd.s32 s14, s16;
	s10 =	sadd.s32 s15, s16  }
0x3e: {  	[tilespmem:s28], [sflag:$0x3] =	stream.linear.gather [hbm4b:s7+s2], $0x80, $0x38;
	[tilespmem:$0x10800] =	vst v63  }
0x3f: {  	s13 =	simm.s32 $0xC700;
	s26 =	simm.s32 $0x8700;
	s1 =	simm.s32 $0x880  }
0x40: {  	[tilespmem:s29], [sflag:$0x4] =	stream.linear.gather [hbm4b:s8+s2], $0x80, $0x38;
	[tilespmem:$0x10800] =	vst v63  }
0x41: {  	s28 =	simm.s32 $0x780;
	s18 =	spop (v2sf);
	(v2sf) =	vpush v1, $0x4;
	s29 =	simm.s32 $0x4800  }
0x42: {  	[tilespmem:s20], [sflag:$0x1] =	stream.linear.gather [hbm4b:s11+s2], $0x80, $0x38;
	[tilespmem:$0x10800] =	vst v63  }
0x43: {  	s19 =	sand.u32 $0x1FFFFFF0, s18;
	s18 =	simm.s32 $0x800;
	s20 =	spop (v2sf);
	(v2sf) =	vpush v2, $0x4  }
0x44: {  	s0 =	sadd.s32 s9, s19;
	s21 =	sand.u32 $0x1FFFFFF0, s20;
	s23 =	spop (v2sf)  }
0x45: {  	(v2sf) =	vpush v3, $0x5;
	[tilespmem:s13], [sflag:$0x2] =	stream.linear.gather [hbm4b:s10+s2], $0x80, $0x38;
	[tilespmem:$0x10800] =	vst v63  }
0x46: {  	s25 =	sand.u32 $0x1FFFFFF0, s23;
	s7 =	sadd.s32 s6, s21;
	s11 =	spop (v2sf);
	(v2sf) =	vpush v1, $0x5  }
0x47: {  	[tilespmem:s17], [sflag:$0x3] =	stream.linear.gather [hbm4b:s0+s2], $0x80, $0x38;
	[tilespmem:$0x10800] =	vst v63  }
0x48: {  	s21 =	simm.s32 $0xC800;
	s23 =	simm.s32 $0x4880;
	s12 =	spop (v2sf);
	(v2sf) =	vpush v2, $0x5  }
0x49: {  	(v2sf) =	vpush v3, $0x6;
	[tilespmem:s26], [sflag:$0x4] =	stream.linear.gather [hbm4b:s7+s2], $0x80, $0x38;
	[tilespmem:$0x10800] =	vst v63  }
0x4a: {  	s8 =	sadd.s32 s14, s25;
	s10 =	sand.u32 $0x1FFFFFF0, s11;
	s16 =	spop (v2sf)  }
0x4b: {  	(v2sf) =	vpush v1, $0x6;
	[tilespmem:s28], [sflag:$0x1] =	stream.linear.gather [hbm4b:s8+s2], $0x80, $0x38;
	[tilespmem:$0x10800] =	vst v63  }
0x4c: {  	s0 =	sadd.s32 s15, s25;
	s13 =	sand.u32 $0x1FFFFFF0, s12;
	s10 =	sadd.s32 s9, s10  }
0x4d: {  	[tilespmem:s3], [sflag:$0x2] =	stream.linear.gather [hbm4b:s0+s2], $0x80, $0x38;
	[tilespmem:$0x10800] =	vst v63  }
0x4e: {  	s17 =	simm.s32 $0x8780;
	s3 =	sand.u32 $0x1FFFFFF0, s16;
	s0 =	sadd.s32 s6, s13  }
0x4f: {  	[tilespmem:s30], [sflag:$0x3] =	stream.linear.gather [hbm4b:s10+s2], $0x80, $0x38;
	[tilespmem:$0x10800] =	vst v63  }
0x50: {  	s16 =	simm.s32 $0xC880;
	s19 =	sadd.s32 s14, s3;
	s20 =	spop (v2sf)  }
0x51: {  	[tilespmem:s17], [sflag:$0x4] =	stream.linear.gather [hbm4b:s0+s2], $0x80, $0x38;
	[tilespmem:$0x10800] =	vst v63  }
0x52: {  	s3 =	sadd.s32 s15, s3;
	s30 =	simm.s32 $0x900;
	s25 =	spop (v2sf)  }
0x53: {  	[tilespmem:s18], [sflag:$0x1] =	stream.linear.gather [hbm4b:s19+s2], $0x80, $0x38;
	[tilespmem:$0x10800] =	vst v63  }
0x54: {  	(v2sf) =	vpush v2, $0x6;
	s0 =	simm.s32 $0xCC00;
	s8 =	sand.u32 $0x1FFFFFF0, s20;
	s26 =	spop (v2sf)  }
0x55: {  	s20 =	simm.s32 $0x4900;
	s8 =	sadd.s32 s9, s8;
	s12 =	spop (v2sf)  }
0x56: {  	(v2sf) =	vpush v3, $0x7;
	[tilespmem:s21], [sflag:$0x2] =	stream.linear.gather [hbm4b:s3+s2], $0x80, $0x38;
	[tilespmem:$0x10800] =	vst v63  }
0x57: {  	s10 =	sand.u32 $0x1FFFFFF0, s25;
	s19 =	simm.s32 $0x8880;
	s13 =	spop (v2sf)  }
0x58: {  	s25 =	simm.s32 $0xC900;
	s28 =	sand.u32 $0x1FFFFFF0, s26;
	(v2sf) =	vpush v1, $0x7;
	s17 =	spop (v2sf)  }
0x59: {  	(v2sf) =	vpush v2, $0x7;
	[tilespmem:s29], [sflag:$0x3] =	stream.linear.gather [hbm4b:s8+s2], $0x80, $0x38;
	[tilespmem:$0x10800] =	vst v63  }
0x5a: {  	s10 =	sadd.s32 s6, s10;
	s11 =	sadd.s32 s14, s28;
	s18 =	spop (v2sf)  }
0x5b: {  	s7 =	sadd.s32 s15, s28;
	(v2sf) =	vpush v3, $0x8;
	s29 =	simm.s32 $0x8800;
	s3 =	sand.u32 $0x1FFFFFF0, s18  }
0x5c: {  	[tilespmem:s29], [sflag:$0x4] =	stream.linear.gather [hbm4b:s10+s2], $0x80, $0x38;
	[tilespmem:$0x10800] =	vst v63  }
0x5d: {  	(v2sf) =	vpush v1, $0x8;
	s10 =	sand.u32 $0x1FFFFFF0, s12;
	s3 =	sadd.s32 s9, s3;
	s29 =	simm.s32 $0x8900  }
0x5e: {  	[tilespmem:s1], [sflag:$0x1] =	stream.linear.gather [hbm4b:s11+s2], $0x80, $0x38;
	[tilespmem:$0x10800] =	vst v63  }
0x5f: {  	(v2sf) =	vpush v2, $0x8;
	s12 =	simm.s32 $0xC980;
	s1 =	sand.u32 $0x1FFFFFF0, s13;
	s11 =	sand.u32 $0x1FFFFFF0, s17  }
0x60: {  	[tilespmem:s16], [sflag:$0x2] =	stream.linear.gather [hbm4b:s7+s2], $0x80, $0x38;
	[tilespmem:$0x10800] =	vst v63  }
0x61: {  	s10 =	sadd.s32 s9, s10;
	s1 =	sadd.s32 s6, s1;
	s21 =	sadd.s32 s14, s11  }
0x62: {  	[tilespmem:s23], [sflag:$0x3] =	stream.linear.gather [hbm4b:s10+s2], $0x80, $0x38;
	[tilespmem:$0x10800] =	vst v63  }
0x63: {  	s11 =	sadd.s32 s15, s11;
	s7 =	simm.s32 $0xA00;
	s23 =	spop (v2sf)  }
0x64: {  	[tilespmem:s19], [sflag:$0x4] =	stream.linear.gather [hbm4b:s1+s2], $0x80, $0x38;
	[tilespmem:$0x10800] =	vst v63  }
0x65: {  	s16 =	simm.s32 $0x4980;
	s8 =	sand.u32 $0x1FFFFFF0, s23;
	s26 =	spop (v2sf)  }
0x66: {  	[tilespmem:s30], [sflag:$0x1] =	stream.linear.gather [hbm4b:s21+s2], $0x80, $0x38;
	[tilespmem:$0x10800] =	vst v63  }
0x67: {  	s8 =	sadd.s32 s6, s8;
	(v2sf) =	vpush v3, $0x9;
	s28 =	sand.u32 $0x1FFFFFF0, s26;
	s30 =	spop (v2sf)  }
0x68: {  	s19 =	simm.s32 $0x8980;
	(v2sf) =	vpush v1, $0x9;
	s10 =	sadd.s32 s14, s28;
	s13 =	spop (v2sf)  }
0x69: {  	[tilespmem:s25], [sflag:$0x2] =	stream.linear.gather [hbm4b:s11+s2], $0x80, $0x38;
	[tilespmem:$0x10800] =	vst v63  }
0x6a: {  	s1 =	sadd.s32 s15, s28;
	(v2sf) =	vpush v2, $0x9;
	s28 =	simm.s32 $0x4A00;
	s17 =	spop (v2sf)  }
0x6b: {  	[tilespmem:s20], [sflag:$0x3] =	stream.linear.gather [hbm4b:s3+s2], $0x80, $0x38;
	[tilespmem:$0x10800] =	vst v63  }
0x6c: {  	s11 =	simm.s32 $0x980;
	(v2sf) =	vpush v3, $0xA;
	s18 =	spop (v2sf);
	s3 =	sand.u32 $0x1FFFFFF0, s30  }
0x6d: {  	[tilespmem:s29], [sflag:$0x4] =	stream.linear.gather [hbm4b:s8+s2], $0x80, $0x38;
	[tilespmem:$0x10800] =	vst v63  }
0x6e: {  	(v2sf) =	vpush v1, $0xA;
	s20 =	simm.s32 $0xCA00;
	s21 =	spop (v2sf);
	s30 =	simm.s32 $0x8A00  }
0x6f: {  	[tilespmem:s11], [sflag:$0x1] =	stream.linear.gather [hbm4b:s10+s2], $0x80, $0x38;
	[tilespmem:$0x10800] =	vst v63  }
0x70: {  	(v2sf) =	vpush v2, $0xA;
	s3 =	sadd.s32 s9, s3;
	s25 =	sand.u32 $0x1FFFFFF0, s21;
	s8 =	sand.u32 $0x1FFFFFF0, s17  }
0x71: {  	[tilespmem:s12], [sflag:$0x2] =	stream.linear.gather [hbm4b:s1+s2], $0x80, $0x38;
	[tilespmem:$0x10800] =	vst v63  }
0x72: {  	s17 =	simm.s32 $0x4A80;
	s23 =	sadd.s32 s14, s8;
	s10 =	sand.u32 $0x1FFFFFF0, s13  }
0x73: {  	[tilespmem:s16], [sflag:$0x3] =	stream.linear.gather [hbm4b:s3+s2], $0x80, $0x38;
	[tilespmem:$0x10800] =	vst v63  }
0x74: {  	s8 =	sadd.s32 s15, s8;
	s10 =	sadd.s32 s6, s10;
	s1 =	sand.u32 $0x1FFFFFF0, s18  }
0x75: {  	[tilespmem:s19], [sflag:$0x4] =	stream.linear.gather [hbm4b:s10+s2], $0x80, $0x38;
	[tilespmem:$0x10800] =	vst v63  }
0x76: {  	s12 =	simm.s32 $0xCA80;
	s18 =	simm.s32 $0x8A80;
	s26 =	spop (v2sf);
	(v2sf) =	vpush v3, $0xB  }
0x77: {  	s1 =	sadd.s32 s9, s1;
	s3 =	simm.s32 $0xD00;
	s10 =	spop (v2sf)  }
0x78: {  	(v2sf) =	vpush v1, $0xB;
	[tilespmem:s7], [sflag:$0x1] =	stream.linear.gather [hbm4b:s23+s2], $0x80, $0x38;
	[tilespmem:$0x10800] =	vst v63  }
0x79: {  	s29 =	sand.u32 $0x1FFFFFF0, s26;
	s26 =	simm.s32 $0xB80;
	s13 =	spop (v2sf)  }
0x7a: {  	(v2sf) =	vpush v2, $0xB;
	[tilespmem:s20], [sflag:$0x2] =	stream.linear.gather [hbm4b:s8+s2], $0x80, $0x38;
	[tilespmem:$0x10800] =	vst v63  }
0x7b: {  	s7 =	sadd.s32 s6, s25;
	s11 =	sadd.s32 s14, s29;
	s16 =	spop (v2sf)  }
0x7c: {  	(v2sf) =	vpush v3, $0xC;
	[tilespmem:s28], [sflag:$0x3] =	stream.linear.gather [hbm4b:s1+s2], $0x80, $0x38;
	[tilespmem:$0x10800] =	vst v63  }
0x7d: {  	s25 =	simm.s32 $0xCB00;
	s8 =	simm.s32 $0xA80;
	s21 =	spop (v2sf)  }
0x7e: {  	[tilespmem:s30], [sflag:$0x4] =	stream.linear.gather [hbm4b:s7+s2], $0x80, $0x38;
	[tilespmem:$0x10800] =	vst v63  }
0x7f: {  	s20 =	simm.s32 $0xB00;
	s1 =	sadd.s32 s15, s29;
	s28 =	spop (v2sf)  }
0x80: {  	(v2sf) =	vpush v1, $0xC;
	[tilespmem:s8], [sflag:$0x1] =	stream.linear.gather [hbm4b:s11+s2], $0x80, $0x38;
	[tilespmem:$0x10800] =	vst v63  }
0x81: {  	s7 =	sand.u32 $0x1FFFFFF0, s10;
	s10 =	sand.u32 $0x1FFFFFF0, s13;
	s30 =	simm.s32 $0x4B00  }
0x82: {  	[tilespmem:s12], [sflag:$0x2] =	stream.linear.gather [hbm4b:s1+s2], $0x80, $0x38;
	[tilespmem:$0x10800] =	vst v63  }
0x83: {  	s13 =	simm.s32 $0xCB80;
	s7 =	sadd.s32 s9, s7;
	s19 =	sadd.s32 s6, s10  }
0x84: {  	(v2sf) =	vpush v2, $0xC;
	[tilespmem:s17], [sflag:$0x3] =	stream.linear.gather [hbm4b:s7+s2], $0x80, $0x38;
	[tilespmem:$0x10800] =	vst v63  }
0x85: {  	s8 =	simm.s32 $0x8B80;
	s1 =	sand.u32 $0x1FFFFFF0, s16;
	s29 =	spop (v2sf)  }
0x86: {  	[tilespmem:s18], [sflag:$0x4] =	stream.linear.gather [hbm4b:s19+s2], $0x80, $0x38;
	[tilespmem:$0x10800] =	vst v63  }
0x87: {  	s11 =	sand.u32 $0x1FFFFFF0, s28;
	s23 =	sadd.s32 s14, s1;
	s16 =	spop (v2sf)  }
0x88: {  	[tilespmem:s20], [sflag:$0x1] =	stream.linear.gather [hbm4b:s23+s2], $0x80, $0x38;
	[tilespmem:$0x10800] =	vst v63  }
0x89: {  	s1 =	sadd.s32 s15, s1;
	s7 =	sand.u32 $0x1FFFFFF0, s21;
	s18 =	spop (v2sf)  }
0x8a: {  	(v2sf) =	vpush v3, $0xD;
	[tilespmem:s25], [sflag:$0x2] =	stream.linear.gather [hbm4b:s1+s2], $0x80, $0x38;
	[tilespmem:$0x10800] =	vst v63  }
0x8b: {  	s12 =	sadd.s32 s6, s11;
	s7 =	sadd.s32 s9, s7;
	s19 =	spop (v2sf)  }
0x8c: {  	(v2sf) =	vpush v1, $0xD;
	[tilespmem:s30], [sflag:$0x3] =	stream.linear.gather [hbm4b:s7+s2], $0x80, $0x38;
	[tilespmem:$0x10800] =	vst v63  }
0x8d: {  	s20 =	simm.s32 $0x4B80;
	s1 =	sand.u32 $0x1FFFFFF0, s29;
	s7 =	simm.s32 $0x8B00  }
0x8e: {  	(v2sf) =	vpush v2, $0xD;
	[tilespmem:s7], [sflag:$0x4] =	stream.linear.gather [hbm4b:s12+s2], $0x80, $0x38;
	[tilespmem:$0x10800] =	vst v63  }
0x8f: {  	s21 =	sand.u32 $0x1FFFFFF0, s18;
	s23 =	spop (v2sf);
	s17 =	sadd.s32 s14, s1  }
0x90: {  	(v2sf) =	vpush v3, $0xE;
	[tilespmem:s26], [sflag:$0x1] =	stream.linear.gather [hbm4b:s17+s2], $0x80, $0x38;
	[tilespmem:$0x10800] =	vst v63  }
0x91: {  	s10 =	sand.u32 $0x1FFFFFF0, s23;
	s1 =	sadd.s32 s15, s1;
	s7 =	sand.u32 $0x1FFFFFF0, s16  }
0x92: {  	[tilespmem:s13], [sflag:$0x2] =	stream.linear.gather [hbm4b:s1+s2], $0x80, $0x38;
	[tilespmem:$0x10800] =	vst v63  }
0x93: {  	s25 =	spop (v2sf);
	s11 =	sadd.s32 s9, s10;
	s7 =	sadd.s32 s9, s7  }
0x94: {  	(v2sf) =	vpush v1, $0xE;
	[tilespmem:s20], [sflag:$0x3] =	stream.linear.gather [hbm4b:s7+s2], $0x80, $0x38;
	[tilespmem:$0x10800] =	vst v63  }
0x95: {  	s16 =	simm.s32 $0xC80;
	s1 =	sand.u32 $0x1FFFFFF0, s19;
	s7 =	sadd.s32 s6, s21  }
0x96: {  	(v2sf) =	vpush v2, $0xE;
	[tilespmem:s8], [sflag:$0x4] =	stream.linear.gather [hbm4b:s7+s2], $0x80, $0x38;
	[tilespmem:$0x10800] =	vst v63  }
0x97: {  	s26 =	simm.s32 $0xC00;
	s13 =	simm.s32 $0x8C00;
	s28 =	sadd.s32 s14, s1  }
0x98: {  	(v2sf) =	vpush v3, $0xF;
	[tilespmem:s26], [sflag:$0x1] =	stream.linear.gather [hbm4b:s28+s2], $0x80, $0x38;
	[tilespmem:$0x10800] =	vst v63  }
0x99: {  	s19 =	simm.s32 $0xCC80;
	s1 =	sadd.s32 s15, s1;
	s29 =	spop (v2sf)  }
0x9a: {  	(v2sf) =	vpush v1, $0xF;
	[tilespmem:s0], [sflag:$0x2] =	stream.linear.gather [hbm4b:s1+s2], $0x80, $0x38;
	[tilespmem:$0x10800] =	vst v63  }
0x9b: {  	(v2sf) =	vpush v2, $0xF;
	s12 =	spop (v2sf);
	s7 =	sand.u32 $0x1FFFFFF0, s25;
	s8 =	simm.s32 $0x4C00  }
0x9c: {  	[tilespmem:s8], [sflag:$0x3] =	stream.linear.gather [hbm4b:s11+s2], $0x80, $0x38;
	[tilespmem:$0x10800] =	vst v63  }
0x9d: {  	s30 =	sand.u32 $0x1FFFFFF0, s29;
	s17 =	spop (v2sf);
	s7 =	sadd.s32 s6, s7  }
0x9e: {  	[tilespmem:s13], [sflag:$0x4] =	stream.linear.gather [hbm4b:s7+s2], $0x80, $0x38;
	[tilespmem:$0x10800] =	vst v63  }
0x9f: {  	s18 =	sadd.s32 s14, s30;
	s25 =	simm.s32 $0x4C80;
	s20 =	spop (v2sf)  }
0xa0: {  	[tilespmem:s16], [sflag:$0x1] =	stream.linear.gather [hbm4b:s18+s2], $0x80, $0x38;
	[tilespmem:$0x10800] =	vst v63  }
0xa1: {  	s21 =	sand.u32 $0x1FFFFFF0, s20;
	s1 =	sand.u32 $0x1FFFFFF0, s12;
	s0 =	sadd.s32 s15, s30  }
0xa2: {  	[tilespmem:s19], [sflag:$0x2] =	stream.linear.gather [hbm4b:s0+s2], $0x80, $0x38;
	[tilespmem:$0x10800] =	vst v63  }
0xa3: {  	s23 =	spop (v2sf);
	s1 =	sadd.s32 s9, s1;
	s8 =	sand.u32 $0x1FFFFFF0, s17  }
0xa4: {  	[tilespmem:s25], [sflag:$0x3] =	stream.linear.gather [hbm4b:s1+s2], $0x80, $0x38;
	[tilespmem:$0x10800] =	vst v63  }
0xa5: {  	s28 =	simm.s32 $0x8C80;
	s26 =	spop (v2sf);
	s8 =	sadd.s32 s6, s8  }
0xa6: {  	[tilespmem:s28], [sflag:$0x4] =	stream.linear.gather [hbm4b:s8+s2], $0x80, $0x38;
	[tilespmem:$0x10800] =	vst v63  }
0xa7: {  	s10 =	simm.s32 $0xCD00;
	s29 =	spop (v2sf);
	s30 =	sadd.s32 s14, s21  }
0xa8: {  	[tilespmem:s3], [sflag:$0x1] =	stream.linear.gather [hbm4b:s30+s2], $0x80, $0x38;
	[tilespmem:$0x10800] =	vst v63  }
0xa9: {  	s11 =	sadd.s32 s15, s21;
	s7 =	sand.u32 $0x1FFFFFF0, s23;
	s3 =	spop (v2sf)  }
0xaa: {  	s1 =	sand.u32 $0x1FFFFFF0, s29;
	s8 =	sand.u32 $0x1FFFFFF0, s26;
	s0 =	spop (v2sf)  }
.LBB2_3:
0xab: {  	[tilespmem:s10], [sflag:$0x2] =	stream.linear.gather [hbm4b:s11+s2], $0x80, $0x38;
	[tilespmem:$0x10800] =	vst v63  }
0xac: {  	s20 =	sadd.s32 $0x4D00, s31;
	s7 =	sadd.s32 s9, s7  }
0xad: {  	[tilespmem:s20], [sflag:$0x3] =	stream.linear.gather [hbm4b:s7+s2], $0x80, $0x38;
	[tilespmem:$0x10800] =	vst v63  }
0xae: {  	s21 =	sadd.s32 $0x8D00, s31;
	s8 =	sadd.s32 s6, s8  }
0xaf: {  	[tilespmem:s21], [sflag:$0x4] =	stream.linear.gather [hbm4b:s8+s2], $0x80, $0x38;
	[tilespmem:$0x10800] =	vst v63  }
0xb0: {  	s23 =	sadd.s32 $0xD80, s31;
	s25 =	sadd.s32 s14, s1  }
0xb1: {  	[tilespmem:s23], [sflag:$0x1] =	stream.linear.gather [hbm4b:s25+s2], $0x80, $0x38;
	[tilespmem:$0x10800] =	vst v63  }
0xb2: {  	s26 =	sadd.s32 $0xCD80, s31;
	s28 =	sadd.s32 s15, s1;
	s3 =	sand.u32 $0x1FFFFFF0, s3  }
0xb3: {  	[tilespmem:s26], [sflag:$0x2] =	stream.linear.gather [hbm4b:s28+s2], $0x80, $0x38;
	[tilespmem:$0x10800] =	vst v63  }
0xb4: {  	s29 =	sadd.s32 $0x4D80, s31;
	s0 =	sand.u32 $0x1FFFFFF0, s0;
	s3 =	sadd.s32 s9, s3  }
0xb5: {  	[tilespmem:s29], [sflag:$0x3] =	stream.linear.gather [hbm4b:s3+s2], $0x80, $0x38;
	[tilespmem:$0x10800] =	vst v63  }
0xb6: {  	s30 =	sadd.s32 $0x8D80, s31;
	s0 =	sadd.s32 s6, s0  }
0xb7: {  	[tilespmem:s30], [sflag:$0x4] =	stream.linear.gather [hbm4b:s0+s2], $0x80, $0x38;
	[tilespmem:$0x10800] =	vst v63  }
0xb8: {  	v0 =	vld [tilespmem:s22+$0x0];
	_ =	sdelay $0x1  }
0xb9: {  	v1 =	vld [tilespmem:s5+$0x0];
	_ =	sdelay $0x1  }
0xba: {  	s19 =	smov.u32 s24  }
0xbb: {  	s1 =	sadd.s32 $0x10, s5;
	s31 =	sshra.s32 s19, $0x2;
	v4 =	vld [tilespmem:s4+$0x0];
	v3 =	vshll.u32 v0, $0x4  }
0xbc: {  	p0 =	sne.s32 s24, $0xE000;
	[dreg:$0x7] =	wrdreg s1;
	s7 =	sadd.s32 $0x8B80, s31;
	(v2sf) =	vpush v3, $0x0  }
0xbd: {  	s24 =	sadd.s32 $0x2000, s24;
	s12 =	sadd.s32 $0x4900, s31;
	[dreg:$0xb] =	wrdreg s7;
	v2 =	vshll.u32 v1, $0x4;
	(v2sf) =	vpush v3, $0x1  }
0xbe: {  	s19 =	sadd.s32 $0x8600, s31;
	s13 =	sadd.s32 $0xC980, s31;
	[dreg:$0x14] =	wrdreg s12;
	(v2sf) =	vpush v2, $0x1  }
0xbf: {  	s17 =	sadd.s32 $0x700, s31;
	s16 =	sadd.s32 $0xCB00, s31;
	[dreg:$0x12] =	wrdreg s13;
	(v2sf) =	vpush v2, $0x0  }
0xc0: {  	s1 =	sadd.s32 $0xC680, s31;
	s20 =	sadd.s32 $0xCA00, s31;
	[dreg:$0xe] =	wrdreg s16;
	v63 =	vshll.u32 v4, $0x4  }
0xc1: {  	s18 =	sadd.s32 $0x880, s31;
	s13 =	sadd.s32 $0x4980, s31;
	[dreg:$0x11] =	wrdreg s20;
	(v2sf) =	vpush v63, $0x0  }
0xc2: {  	s10 =	sadd.s32 $0x4800, s31;
	s12 =	sadd.s32 $0xCC80, s31;
	[dreg:$0x13] =	wrdreg s13  }
0xc3: {  	s11 =	sadd.s32 $0x900, s31;
	s8 =	sadd.s32 $0xA00, s31;
	[dreg:$0xa] =	wrdreg s12;
	(v2sf) =	vpush v63, $0x1  }
0xc4: {  	s7 =	sadd.s32 $0x8680, s31;
	s21 =	sadd.s32 $0x4780, s31;
	[dreg:$0x10] =	wrdreg s8  }
0xc5: {  	s8 =	sadd.s32 $0x4680, s31;
	s23 =	sadd.s32 $0x4880, s31;
	s25 =	sadd.s32 $0xD00, s31;
	(v2sf) =	vpush v3, $0x2  }
0xc6: {  	[dreg:$0x8] =	wrdreg s25;
	s25 =	sadd.s32 $0xC80, s31;
	s26 =	smov.u32 s6;
	(v2sf) =	vpush v2, $0x2  }
0xc7: {  	s6 =	sadd.s32 $0x680, s31;
	s28 =	sadd.s32 $0xB80, s31;
	[dreg:$0xc] =	wrdreg s25  }
0xc8: {  	[dreg:$0xd] =	wrdreg s28;
	s29 =	sadd.s32 $0xC780, s31;
	s3 =	sadd.s32 $0xCC00, s31;
	(v2sf) =	vpush v63, $0x2  }
0xc9: {  	[dreg:$0x9] =	wrdreg s3;
	s3 =	sadd.s32 $0xC700, s31;
	s0 =	sadd.s32 $0x10, s4  }
0xca: {  	s30 =	smov.u32 s9;
	s9 =	sadd.s32 $0x600, s31;
	s22 =	sadd.s32 $0x10, s22  }
0xcb: {  	[dreg:$0x6] =	wrdreg s0;
	s4 =	sadd.s32 $0xC600, s31;
	s16 =	spop (v2sf)  }
0xcc: {  	s5 =	sadd.s32 $0xCA80, s31;
	s0 =	sadd.s32 $0x4700, s31;
	s12 =	spop (v2sf)  }
0xcd: {  	[dreg:$0xf] =	wrdreg s5;
	s28 =	sand.u32 $0x1FFFFFF0, s16;
	s20 =	spop (v2sf)  }
0xce: {  	s5 =	sadd.s32 $0x4600, s31;
	(v2sf) =	vpush v3, $0x3;
	s13 =	sadd.s32 s14, s28;
	s25 =	spop (v2sf)  }
0xcf: {  	(v2sf) =	vpush v2, $0x3;
	[tilespmem:s9], [sflag:$0x1] =	stream.linear.gather [hbm4b:s13+s2], $0x80, $0x38;
	[tilespmem:$0x10800] =	vst v63  }
0xd0: {  	s13 =	sadd.s32 s15, s28;
	s25 =	sand.u32 $0x1FFFFFF0, s25;
	s28 =	spop (v2sf)  }
0xd1: {  	(v2sf) =	vpush v63, $0x3;
	[tilespmem:s4], [sflag:$0x2] =	stream.linear.gather [hbm4b:s13+s2], $0x80, $0x38;
	[tilespmem:$0x10800] =	vst v63  }
0xd2: {  	s13 =	sadd.s32 s30, s25;
	s25 =	sand.u32 $0x1FFFFFF0, s28;
	s28 =	spop (v2sf)  }
0xd3: {  	(v2sf) =	vpush v3, $0x4;
	[tilespmem:s5], [sflag:$0x3] =	stream.linear.gather [hbm4b:s13+s2], $0x80, $0x38;
	[tilespmem:$0x10800] =	vst v63  }
0xd4: {  	s16 =	sadd.s32 $0x800, s31;
	s12 =	sand.u32 $0x1FFFFFF0, s12;
	s13 =	spop (v2sf)  }
0xd5: {  	(v2sf) =	vpush v2, $0x4;
	s9 =	sadd.s32 s26, s25;
	s5 =	sand.u32 $0x1FFFFFF0, s28;
	s28 =	spop (v2sf)  }
0xd6: {  	[tilespmem:s19], [sflag:$0x4] =	stream.linear.gather [hbm4b:s9+s2], $0x80, $0x38;
	[tilespmem:$0x10800] =	vst v63  }
0xd7: {  	s20 =	sand.u32 $0x1FFFFFF0, s20;
	s25 =	sadd.s32 s14, s12;
	(v2sf) =	vpush v63, $0x4;
	s19 =	spop (v2sf)  }
0xd8: {  	(v2sf) =	vpush v3, $0x5;
	[tilespmem:s6], [sflag:$0x1] =	stream.linear.gather [hbm4b:s25+s2], $0x80, $0x38;
	[tilespmem:$0x10800] =	vst v63  }
0xd9: {  	s12 =	sadd.s32 s15, s12;
	s9 =	sand.u32 $0x1FFFFFF0, s13;
	s4 =	sand.u32 $0x1FFFFFF0, s19  }
0xda: {  	[tilespmem:s1], [sflag:$0x2] =	stream.linear.gather [hbm4b:s12+s2], $0x80, $0x38;
	[tilespmem:$0x10800] =	vst v63  }
0xdb: {  	s19 =	sadd.s32 s14, s9;
	s6 =	sand.u32 $0x1FFFFFF0, s28;
	s25 =	sadd.s32 s30, s20  }
0xdc: {  	[tilespmem:s8], [sflag:$0x3] =	stream.linear.gather [hbm4b:s25+s2], $0x80, $0x38;
	[tilespmem:$0x10800] =	vst v63  }
0xdd: {  	s12 =	sadd.s32 s30, s6;
	s28 =	spop (v2sf);
	s8 =	sadd.s32 s26, s5  }
0xde: {  	(v2sf) =	vpush v2, $0x5;
	s25 =	sadd.s32 s15, s9;
	s9 =	smov.u32 s30;
	s13 =	spop (v2sf)  }
0xdf: {  	[tilespmem:s7], [sflag:$0x4] =	stream.linear.gather [hbm4b:s8+s2], $0x80, $0x38;
	[tilespmem:$0x10800] =	vst v63  }
0xe0: {  	s5 =	sand.u32 $0x1FFFFFF0, s28;
	s7 =	sand.u32 $0x1FFFFFF0, s13;
	s20 =	spop (v2sf)  }
0xe1: {  	[tilespmem:s17], [sflag:$0x1] =	stream.linear.gather [hbm4b:s19+s2], $0x80, $0x38;
	[tilespmem:$0x10800] =	vst v63  }
0xe2: {  	(v2sf) =	vpush v63, $0x5;
	s8 =	sand.u32 $0x1FFFFFF0, s20;
	s28 =	spop (v2sf);
	s17 =	sadd.s32 $0x8700, s31  }
0xe3: {  	[tilespmem:s3], [sflag:$0x2] =	stream.linear.gather [hbm4b:s25+s2], $0x80, $0x38;
	[tilespmem:$0x10800] =	vst v63  }
0xe4: {  	s19 =	sadd.s32 s26, s4;
	s20 =	sadd.s32 $0x780, s31;
	s13 =	spop (v2sf)  }
0xe5: {  	[tilespmem:s0], [sflag:$0x3] =	stream.linear.gather [hbm4b:s12+s2], $0x80, $0x38;
	[tilespmem:$0x10800] =	vst v63  }
0xe6: {  	(v2sf) =	vpush v3, $0x6;
	s3 =	sand.u32 $0x1FFFFFF0, s28;
	s4 =	sand.u32 $0x1FFFFFF0, s13;
	s28 =	spop (v2sf)  }
0xe7: {  	s25 =	sadd.s32 s14, s5;
	s12 =	sadd.s32 s15, s5;
	s13 =	spop (v2sf)  }
0xe8: {  	(v2sf) =	vpush v2, $0x6;
	[tilespmem:s17], [sflag:$0x4] =	stream.linear.gather [hbm4b:s19+s2], $0x80, $0x38;
	[tilespmem:$0x10800] =	vst v63  }
0xe9: {  	s1 =	sand.u32 $0x1FFFFFF0, s28;
	s17 =	sadd.s32 s30, s7;
	s5 =	sand.u32 $0x1FFFFFF0, s13  }
0xea: {  	(v2sf) =	vpush v63, $0x6;
	[tilespmem:s20], [sflag:$0x1] =	stream.linear.gather [hbm4b:s25+s2], $0x80, $0x38;
	[tilespmem:$0x10800] =	vst v63  }
0xeb: {  	s1 =	sadd.s32 s26, s1;
	s13 =	sadd.s32 s14, s5;
	s20 =	sadd.s32 $0x8780, s31  }
0xec: {  	[tilespmem:s29], [sflag:$0x2] =	stream.linear.gather [hbm4b:s12+s2], $0x80, $0x38;
	[tilespmem:$0x10800] =	vst v63  }
0xed: {  	s25 =	sadd.s32 s14, s3;
	s3 =	sadd.s32 s15, s3;
	s19 =	spop (v2sf)  }
0xee: {  	(v2sf) =	vpush v3, $0x7;
	[tilespmem:s21], [sflag:$0x3] =	stream.linear.gather [hbm4b:s17+s2], $0x80, $0x38;
	[tilespmem:$0x10800] =	vst v63  }
0xef: {  	s29 =	sadd.s32 $0xC800, s31;
	s12 =	sadd.s32 $0x8800, s31;
	s21 =	sadd.s32 s26, s8  }
0xf0: {  	[tilespmem:s20], [sflag:$0x4] =	stream.linear.gather [hbm4b:s21+s2], $0x80, $0x38;
	[tilespmem:$0x10800] =	vst v63  }
0xf1: {  	s6 =	sand.u32 $0x1FFFFFF0, s19;
	s8 =	sadd.s32 $0xB00, s31;
	s28 =	spop (v2sf);
	(v2sf) =	vpush v2, $0x7  }
0xf2: {  	[tilespmem:s16], [sflag:$0x1] =	stream.linear.gather [hbm4b:s25+s2], $0x80, $0x38;
	[tilespmem:$0x10800] =	vst v63  }
0xf3: {  	s21 =	sadd.s32 $0xCB80, s31;
	s20 =	sadd.s32 s30, s6;
	s7 =	sand.u32 $0x1FFFFFF0, s28;
	(v2sf) =	vpush v63, $0x7  }
0xf4: {  	[tilespmem:s29], [sflag:$0x2] =	stream.linear.gather [hbm4b:s3+s2], $0x80, $0x38;
	[tilespmem:$0x10800] =	vst v63  }
0xf5: {  	s28 =	sadd.s32 $0x8880, s31;
	s3 =	sadd.s32 s30, s4;
	s4 =	spop (v2sf)  }
0xf6: {  	(v2sf) =	vpush v3, $0x8;
	[tilespmem:s10], [sflag:$0x3] =	stream.linear.gather [hbm4b:s3+s2], $0x80, $0x38;
	[tilespmem:$0x10800] =	vst v63  }
0xf7: {  	s16 =	sadd.s32 $0xC880, s31;
	s29 =	sadd.s32 s26, s7;
	s17 =	spop (v2sf)  }
0xf8: {  	(v2sf) =	vpush v2, $0x8;
	[tilespmem:s12], [sflag:$0x4] =	stream.linear.gather [hbm4b:s1+s2], $0x80, $0x38;
	[tilespmem:$0x10800] =	vst v63  }
0xf9: {  	s3 =	sand.u32 $0x1FFFFFF0, s4;
	s4 =	sand.u32 $0x1FFFFFF0, s17;
	s19 =	spop (v2sf)  }
0xfa: {  	(v2sf) =	vpush v63, $0x8;
	[tilespmem:s18], [sflag:$0x1] =	stream.linear.gather [hbm4b:s13+s2], $0x80, $0x38;
	[tilespmem:$0x10800] =	vst v63  }
0xfb: {  	s10 =	sadd.s32 $0xC900, s31;
	s1 =	sand.u32 $0x1FFFFFF0, s19;
	s18 =	sadd.s32 s15, s5  }
0xfc: {  	[tilespmem:s16], [sflag:$0x2] =	stream.linear.gather [hbm4b:s18+s2], $0x80, $0x38;
	[tilespmem:$0x10800] =	vst v63  }
0xfd: {  	s7 =	sadd.s32 s14, s3;
	s1 =	sadd.s32 s26, s1;
	s25 =	spop (v2sf)  }
0xfe: {  	s13 =	sadd.s32 s15, s3;
	s18 =	sadd.s32 s30, s4;
	s5 =	sand.u32 $0x1FFFFFF0, s25  }
0xff: {  	[tilespmem:s23], [sflag:$0x3] =	stream.linear.gather [hbm4b:s20+s2], $0x80, $0x38;
	[tilespmem:$0x10800] =	vst v63  }
0x100: {  	(v2sf) =	vpush v3, $0x9;
	s25 =	sadd.s32 $0x980, s31;
	s20 =	rddreg [dreg:$0x14];
	s12 =	spop (v2sf)  }
0x101: {  	[tilespmem:s28], [sflag:$0x4] =	stream.linear.gather [hbm4b:s29+s2], $0x80, $0x38;
	[tilespmem:$0x10800] =	vst v63  }
0x102: {  	s23 =	sadd.s32 $0x8900, s31;
	(v2sf) =	vpush v2, $0x9;
	s16 =	sand.u32 $0x1FFFFFF0, s12;
	s17 =	spop (v2sf)  }
0x103: {  	s28 =	sadd.s32 s14, s5;
	s5 =	sadd.s32 s15, s5;
	s4 =	sand.u32 $0x1FFFFFF0, s17  }
0x104: {  	[tilespmem:s11], [sflag:$0x1] =	stream.linear.gather [hbm4b:s7+s2], $0x80, $0x38;
	[tilespmem:$0x10800] =	vst v63  }
0x105: {  	(v2sf) =	vpush v63, $0x9;
	s12 =	sadd.s32 s30, s16;
	s17 =	rddreg [dreg:$0x13];
	s19 =	spop (v2sf)  }
0x106: {  	[tilespmem:s10], [sflag:$0x2] =	stream.linear.gather [hbm4b:s13+s2], $0x80, $0x38;
	[tilespmem:$0x10800] =	vst v63  }
0x107: {  	s11 =	rddreg [dreg:$0x12];
	(v2sf) =	vpush v3, $0xA;
	s6 =	sand.u32 $0x1FFFFFF0, s19;
	s29 =	spop (v2sf)  }
0x108: {  	(v2sf) =	vpush v2, $0xA;
	[tilespmem:s20], [sflag:$0x3] =	stream.linear.gather [hbm4b:s18+s2], $0x80, $0x38;
	[tilespmem:$0x10800] =	vst v63  }
0x109: {  	s4 =	sadd.s32 s26, s4;
	s10 =	spop (v2sf);
	s19 =	sadd.s32 s14, s6  }
0x10a: {  	(v2sf) =	vpush v63, $0xA;
	[tilespmem:s23], [sflag:$0x4] =	stream.linear.gather [hbm4b:s1+s2], $0x80, $0x38;
	[tilespmem:$0x10800] =	vst v63  }
0x10b: {  	s13 =	sand.u32 $0x1FFFFFF0, s10;
	s18 =	sadd.s32 $0x8980, s31;
	s23 =	rddreg [dreg:$0x10]  }
0x10c: {  	[tilespmem:s25], [sflag:$0x1] =	stream.linear.gather [hbm4b:s28+s2], $0x80, $0x38;
	[tilespmem:$0x10800] =	vst v63  }
0x10d: {  	s13 =	sadd.s32 s26, s13;
	s1 =	sand.u32 $0x1FFFFFF0, s29;
	s29 =	rddreg [dreg:$0x11]  }
0x10e: {  	[tilespmem:s11], [sflag:$0x2] =	stream.linear.gather [hbm4b:s5+s2], $0x80, $0x38;
	[tilespmem:$0x10800] =	vst v63  }
0x10f: {  	s1 =	sadd.s32 s30, s1;
	s25 =	sadd.s32 s15, s6;
	s16 =	spop (v2sf)  }
0x110: {  	(v2sf) =	vpush v3, $0xB;
	[tilespmem:s17], [sflag:$0x3] =	stream.linear.gather [hbm4b:s12+s2], $0x80, $0x38;
	[tilespmem:$0x10800] =	vst v63  }
0x111: {  	s5 =	sand.u32 $0x1FFFFFF0, s16;
	s11 =	sadd.s32 $0x4A00, s31;
	s20 =	spop (v2sf)  }
0x112: {  	(v2sf) =	vpush v2, $0xB;
	s12 =	sadd.s32 $0x8A00, s31;
	s17 =	sadd.s32 s14, s5;
	s6 =	sand.u32 $0x1FFFFFF0, s20  }
0x113: {  	[tilespmem:s18], [sflag:$0x4] =	stream.linear.gather [hbm4b:s4+s2], $0x80, $0x38;
	[tilespmem:$0x10800] =	vst v63  }
0x114: {  	s28 =	spop (v2sf);
	(v2sf) =	vpush v63, $0xB;
	s20 =	sadd.s32 s15, s5;
	s5 =	sadd.s32 $0x8A80, s31  }
0x115: {  	[tilespmem:s23], [sflag:$0x1] =	stream.linear.gather [hbm4b:s19+s2], $0x80, $0x38;
	[tilespmem:$0x10800] =	vst v63  }
0x116: {  	s4 =	sadd.s32 $0xA80, s31;
	s7 =	sand.u32 $0x1FFFFFF0, s28;
	s16 =	spop (v2sf)  }
0x117: {  	s28 =	sadd.s32 $0x4A80, s31;
	s18 =	sand.u32 $0x1FFFFFF0, s16;
	s19 =	spop (v2sf)  }
0x118: {  	(v2sf) =	vpush v3, $0xC;
	[tilespmem:s29], [sflag:$0x2] =	stream.linear.gather [hbm4b:s25+s2], $0x80, $0x38;
	[tilespmem:$0x10800] =	vst v63  }
0x119: {  	s3 =	sand.u32 $0x1FFFFFF0, s19;
	s23 =	spop (v2sf);
	s25 =	rddreg [dreg:$0xf]  }
0x11a: {  	(v2sf) =	vpush v2, $0xC;
	[tilespmem:s11], [sflag:$0x3] =	stream.linear.gather [hbm4b:s1+s2], $0x80, $0x38;
	[tilespmem:$0x10800] =	vst v63  }
0x11b: {  	s29 =	sadd.s32 s30, s6;
	s6 =	sadd.s32 s26, s7;
	s10 =	sadd.s32 s14, s18  }
0x11c: {  	(v2sf) =	vpush v63, $0xC;
	[tilespmem:s12], [sflag:$0x4] =	stream.linear.gather [hbm4b:s13+s2], $0x80, $0x38;
	[tilespmem:$0x10800] =	vst v63  }
0x11d: {  	s19 =	sadd.s32 $0x4B00, s31;
	s3 =	sadd.s32 s30, s3;
	s13 =	sadd.s32 s15, s18  }
0x11e: {  	[tilespmem:s4], [sflag:$0x1] =	stream.linear.gather [hbm4b:s17+s2], $0x80, $0x38;
	[tilespmem:$0x10800] =	vst v63  }
0x11f: {  	s18 =	rddreg [dreg:$0xe];
	s4 =	sand.u32 $0x1FFFFFF0, s23;
	s7 =	spop (v2sf)  }
0x120: {  	[tilespmem:s25], [sflag:$0x2] =	stream.linear.gather [hbm4b:s20+s2], $0x80, $0x38;
	[tilespmem:$0x10800] =	vst v63  }
0x121: {  	s11 =	sand.u32 $0x1FFFFFF0, s7;
	s23 =	sadd.s32 s26, s4;
	s12 =	spop (v2sf)  }
0x122: {  	(v2sf) =	vpush v3, $0xD;
	[tilespmem:s28], [sflag:$0x3] =	stream.linear.gather [hbm4b:s29+s2], $0x80, $0x38;
	[tilespmem:$0x10800] =	vst v63  }
0x123: {  	s20 =	sadd.s32 $0x8B00, s31;
	s16 =	sand.u32 $0x1FFFFFF0, s12;
	s17 =	spop (v2sf)  }
0x124: {  	[tilespmem:s5], [sflag:$0x4] =	stream.linear.gather [hbm4b:s6+s2], $0x80, $0x38;
	[tilespmem:$0x10800] =	vst v63  }
0x125: {  	s28 =	sadd.s32 s14, s11;
	s11 =	sadd.s32 s15, s11;
	s1 =	sadd.s32 s30, s16  }
0x126: {  	(v2sf) =	vpush v2, $0xD;
	[tilespmem:s8], [sflag:$0x1] =	stream.linear.gather [hbm4b:s10+s2], $0x80, $0x38;
	[tilespmem:$0x10800] =	vst v63  }
0x127: {  	s6 =	sand.u32 $0x1FFFFFF0, s17;
	s17 =	sadd.s32 $0xC00, s31;
	s25 =	spop (v2sf)  }
0x128: {  	(v2sf) =	vpush v63, $0xD;
	[tilespmem:s18], [sflag:$0x2] =	stream.linear.gather [hbm4b:s13+s2], $0x80, $0x38;
	[tilespmem:$0x10800] =	vst v63  }
0x129: {  	s16 =	sadd.s32 s26, s6;
	s29 =	sand.u32 $0x1FFFFFF0, s25;
	s8 =	spop (v2sf)  }
0x12a: {  	[tilespmem:s19], [sflag:$0x3] =	stream.linear.gather [hbm4b:s3+s2], $0x80, $0x38;
	[tilespmem:$0x10800] =	vst v63  }
0x12b: {  	s10 =	rddreg [dreg:$0xd];
	s4 =	sand.u32 $0x1FFFFFF0, s8;
	s12 =	spop (v2sf)  }
0x12c: {  	(v2sf) =	vpush v3, $0xE;
	[tilespmem:s20], [sflag:$0x4] =	stream.linear.gather [hbm4b:s23+s2], $0x80, $0x38;
	[tilespmem:$0x10800] =	vst v63  }
0x12d: {  	s8 =	sadd.s32 $0x4C00, s31;
	s13 =	sadd.s32 $0x4B80, s31;
	s5 =	sand.u32 $0x1FFFFFF0, s12  }
0x12e: {  	(v2sf) =	vpush v2, $0xE;
	[tilespmem:s10], [sflag:$0x1] =	stream.linear.gather [hbm4b:s28+s2], $0x80, $0x38;
	[tilespmem:$0x10800] =	vst v63  }
0x12f: {  	s4 =	sadd.s32 s30, s4;
	s19 =	rddreg [dreg:$0xb];
	s20 =	sadd.s32 s14, s29  }
0x130: {  	[tilespmem:s21], [sflag:$0x2] =	stream.linear.gather [hbm4b:s11+s2], $0x80, $0x38;
	[tilespmem:$0x10800] =	vst v63  }
0x131: {  	s23 =	sadd.s32 s15, s29;
	s29 =	rddreg [dreg:$0x9];
	s18 =	spop (v2sf)  }
0x132: {  	(v2sf) =	vpush v63, $0xE;
	[tilespmem:s13], [sflag:$0x3] =	stream.linear.gather [hbm4b:s1+s2], $0x80, $0x38;
	[tilespmem:$0x10800] =	vst v63  }
0x133: {  	s6 =	sand.u32 $0x1FFFFFF0, s18;
	s10 =	sadd.s32 $0x8C00, s31;
	s18 =	rddreg [dreg:$0xc]  }
0x134: {  	(v2sf) =	vpush v3, $0xF;
	[tilespmem:s19], [sflag:$0x4] =	stream.linear.gather [hbm4b:s16+s2], $0x80, $0x38;
	[tilespmem:$0x10800] =	vst v63  }
0x135: {  	s21 =	spop (v2sf);
	(v2sf) =	vpush v2, $0xF;
	s11 =	sadd.s32 s26, s5;
	s5 =	rddreg [dreg:$0x7]  }
0x136: {  	[tilespmem:s17], [sflag:$0x1] =	stream.linear.gather [hbm4b:s20+s2], $0x80, $0x38;
	[tilespmem:$0x10800] =	vst v63  }
0x137: {  	s25 =	sand.u32 $0x1FFFFFF0, s21;
	s28 =	spop (v2sf);
	(v2sf) =	vpush v63, $0xF;
	s21 =	rddreg [dreg:$0xa]  }
0x138: {  	[tilespmem:s29], [sflag:$0x2] =	stream.linear.gather [hbm4b:s23+s2], $0x80, $0x38;
	[tilespmem:$0x10800] =	vst v63  }
0x139: {  	s3 =	sand.u32 $0x1FFFFFF0, s28;
	s13 =	sadd.s32 s14, s6;
	s1 =	sadd.s32 s30, s25  }
0x13a: {  	[tilespmem:s8], [sflag:$0x3] =	stream.linear.gather [hbm4b:s4+s2], $0x80, $0x38;
	[tilespmem:$0x10800] =	vst v63  }
0x13b: {  	s25 =	sadd.s32 $0x8C80, s31;
	s30 =	rddreg [dreg:$0x8];
	s12 =	spop (v2sf)  }
0x13c: {  	[tilespmem:s10], [sflag:$0x4] =	stream.linear.gather [hbm4b:s11+s2], $0x80, $0x38;
	[tilespmem:$0x10800] =	vst v63  }
0x13d: {  	s19 =	sadd.s32 s15, s6;
	s6 =	smov.u32 s26;
	s17 =	spop (v2sf)  }
0x13e: {  	[tilespmem:s18], [sflag:$0x1] =	stream.linear.gather [hbm4b:s13+s2], $0x80, $0x38;
	[tilespmem:$0x10800] =	vst v63  }
0x13f: {  	s26 =	sadd.s32 s26, s3;
	s16 =	sand.u32 $0x1FFFFFF0, s12;
	s7 =	sand.u32 $0x1FFFFFF0, s17  }
0x140: {  	[tilespmem:s21], [sflag:$0x2] =	stream.linear.gather [hbm4b:s19+s2], $0x80, $0x38;
	[tilespmem:$0x10800] =	vst v63  }
0x141: {  	s20 =	spop (v2sf);
	s23 =	sadd.s32 $0x4C80, s31;
	s29 =	sadd.s32 s14, s16  }
0x142: {  	[tilespmem:s23], [sflag:$0x3] =	stream.linear.gather [hbm4b:s1+s2], $0x80, $0x38;
	[tilespmem:$0x10800] =	vst v63  }
.Ltmp0:
0x143: {  	s8 =	sand.u32 $0x1FFFFFF0, s20;
	s28 =	spop (v2sf);
	(pc) =	sbr.rel @p0 .LBB2_3-.Ltmp0, $4  }
0x144: {  	s4 =	rddreg [dreg:$0x6];
	s10 =	sadd.s32 $0xCD00, s31;
	s3 =	spop (v2sf)  }
0x145: {  	[tilespmem:s25], [sflag:$0x4] =	stream.linear.gather [hbm4b:s26+s2], $0x80, $0x38;
	[tilespmem:$0x10800] =	vst v63  }
0x146: {  	s11 =	sadd.s32 s15, s16;
	s0 =	spop (v2sf);
	s1 =	sand.u32 $0x1FFFFFF0, s28  }
0x147: {  	[tilespmem:s30], [sflag:$0x1] =	stream.linear.gather [hbm4b:s29+s2], $0x80, $0x38;
	[tilespmem:$0x10800] =	vst v63  }
0x148: {  	[tilespmem:s10], [sflag:$0x2] =	stream.linear.gather [hbm4b:s11+s2], $0x80, $0x38;
	[tilespmem:$0x10800] =	vst v63  }
0x149: {  	s4 =	sadd.s32 $0x4D00, s31;
	s5 =	sadd.s32 s9, s7  }
0x14a: {  	[tilespmem:s4], [sflag:$0x3] =	stream.linear.gather [hbm4b:s5+s2], $0x80, $0x38;
	[tilespmem:$0x10800] =	vst v63  }
0x14b: {  	s23 =	sadd.s32 $0x8D00, s31;
	s24 =	sadd.s32 s6, s8  }
0x14c: {  	[tilespmem:s23], [sflag:$0x4] =	stream.linear.gather [hbm4b:s24+s2], $0x80, $0x38;
	[tilespmem:$0x10800] =	vst v63  }
0x14d: {  	s25 =	sadd.s32 $0xD80, s31;
	s26 =	sadd.s32 s14, s1  }
0x14e: {  	[tilespmem:s25], [sflag:$0x1] =	stream.linear.gather [hbm4b:s26+s2], $0x80, $0x38;
	[tilespmem:$0x10800] =	vst v63  }
0x14f: {  	s28 =	sadd.s32 $0xCD80, s31;
	s29 =	sadd.s32 s15, s1;
	s3 =	sand.u32 $0x1FFFFFF0, s3  }
0x150: {  	[tilespmem:s28], [sflag:$0x2] =	stream.linear.gather [hbm4b:s29+s2], $0x80, $0x38;
	[tilespmem:$0x10800] =	vst v63  }
0x151: {  	s30 =	sadd.s32 $0x4D80, s31;
	s0 =	sand.u32 $0x1FFFFFF0, s0;
	s3 =	sadd.s32 s9, s3  }
0x152: {  	[tilespmem:s30], [sflag:$0x3] =	stream.linear.gather [hbm4b:s3+s2], $0x80, $0x38;
	[tilespmem:$0x10800] =	vst v63  }
0x153: {  	s31 =	sadd.s32 $0x8D80, s31;
	s1 =	simm.s32 $0x1;
	s0 =	sadd.s32 s6, s0  }
0x154: {  	[tilespmem:s31], [sflag:$0x4] =	stream.linear.gather [hbm4b:s0+s2], $0x80, $0x38;
	[tilespmem:$0x10800] =	vst v63  }
0x155: {  	_ =	swait.ge [sflag:s1], $0x80  }
0x156: {  	[sflag:s1] =	ssyncset.done $0x0  }
0x157: {  	s3 =	simm.s32 $0x2;
	[sflag:s1] =	ssyncadd.s32 $0xFFFFFF80  }
0x158: {  	_ =	swait.ge [sflag:s3], $0x80  }
0x159: {  	[sflag:s3] =	ssyncset.done $0x0  }
0x15a: {  	s4 =	simm.s32 $0x3;
	[sflag:s3] =	ssyncadd.s32 $0xFFFFFF80  }
0x15b: {  	_ =	swait.ge [sflag:s4], $0x80  }
0x15c: {  	[sflag:s4] =	ssyncset.done $0x0  }
0x15d: {  	s5 =	simm.s32 $0x4;
	[sflag:s4] =	ssyncadd.s32 $0xFFFFFF80  }
0x15e: {  	_ =	swait.ge [sflag:s5], $0x80  }
0x15f: {  	s0 =	simm.s32 $0x7F;
	[sflag:s5] =	ssyncset.done $0x0  }
.LBB2_5:
0x160: {  	p0 =	sne.s32 s0, $0x1;
	s0 =	sadd.s32 $0xFFFFFFFF, s0;
	[sflag:s5] =	ssyncadd.s32 $0xFFFFFF80  }
0x161: {  	_ =	swait.ge [sflag:s1], $0x80  }
0x162: {  	[sflag:s1] =	ssyncset.done $0x0  }
0x163: {  	[sflag:s1] =	ssyncadd.s32 $0xFFFFFF80  }
0x164: {  	_ =	swait.ge [sflag:s3], $0x80  }
0x165: {  	[sflag:s3] =	ssyncset.done $0x0  }
0x166: {  	[sflag:s3] =	ssyncadd.s32 $0xFFFFFF80  }
.Ltmp1:
0x167: {  	_ =	swait.ge [sflag:s4], $0x80;
	(pc) =	sbr.rel @p0 .LBB2_5-.Ltmp1, $4  }
0x168: {  	[sflag:s4] =	ssyncset.done $0x0  }
0x169: {  	[sflag:s4] =	ssyncadd.s32 $0xFFFFFF80  }
0x16a: {  	_ =	swait.ge [sflag:s5], $0x80  }
0x16b: {  	[sflag:s5] =	ssyncset.done $0x0  }
0x16c: {  	[sflag:s5] =	ssyncadd.s32 $0xFFFFFF80;
	s1 =	simm.s32 $0x4A00  }
0x16d: {  	v0 =	vld [tilespmem:s1+$0x3B0];
	_ =	sdelay $0x3  }
0x16e: {  	s0 =	simm.s32 $0xA00  }
0x16f: {  	[tilespmem:$0x1FB80] =	vst v0;
	v0 =	vld [tilespmem:s0+$0x330];
	_ =	sdelay $0x4  }
0x170: {  	[tilespmem:$0x1F790] =	vst v0;
	v0 =	vld [tilespmem:s0+$0x380];
	_ =	sdelay $0x4  }
0x171: {  	[tilespmem:$0x1FB50] =	vst v0;
	v0 =	vld [tilespmem:s0+$0x390];
	_ =	sdelay $0x4  }
0x172: {  	[tilespmem:$0x1FB70] =	vst v0;
	v0 =	vld [tilespmem:s1+$0x3A0];
	_ =	sdelay $0x4  }
0x173: {  	[tilespmem:$0x1FB60] =	vst v0;
	v0 =	vld [tilespmem:s0+$0x320];
	_ =	sdelay $0x4  }
0x174: {  	[tilespmem:$0x1F770] =	vst v0;
	v0 =	vld [tilespmem:s1+$0x330];
	_ =	sdelay $0x3  }
0x175: {  	s3 =	simm.s32 $0x8A00  }
0x176: {  	[tilespmem:$0x1F730] =	vst v0;
	v0 =	vld [tilespmem:s3+$0x330];
	_ =	sdelay $0x4  }
0x177: {  	[tilespmem:$0x1F740] =	vst v0;
	v0 =	vld [tilespmem:s1+$0x380];
	_ =	sdelay $0x4  }
0x178: {  	[tilespmem:$0x1F750] =	vst v0;
	v0 =	vld [tilespmem:s3+$0x380];
	_ =	sdelay $0x4  }
0x179: {  	[tilespmem:$0x1F760] =	vst v0;
	v0 =	vld [tilespmem:s1+$0x390];
	_ =	sdelay $0x4  }
0x17a: {  	[tilespmem:$0x1FB10] =	vst v0;
	v0 =	vld [tilespmem:s3+$0x390];
	_ =	sdelay $0x4  }
0x17b: {  	[tilespmem:$0x1FB20] =	vst v0;
	v0 =	vld [tilespmem:s0+$0x230];
	_ =	sdelay $0x4  }
0x17c: {  	[tilespmem:$0x1F7E0] =	vst v0;
	v0 =	vld [tilespmem:s0+$0x2A0];
	_ =	sdelay $0x4  }
0x17d: {  	[tilespmem:$0x1FB30] =	vst v0;
	v0 =	vld [tilespmem:s1+$0x2B0];
	_ =	sdelay $0x4  }
0x17e: {  	[tilespmem:$0x1FB40] =	vst v0;
	v0 =	vld [tilespmem:s0+$0x1B0];
	_ =	sdelay $0x4  }
0x17f: {  	[tilespmem:$0x1F820] =	vst v0;
	v0 =	vld [tilespmem:s0+$0x220];
	_ =	sdelay $0x4  }
0x180: {  	[tilespmem:$0x1F7B0] =	vst v0;
	v0 =	vld [tilespmem:s0+$0x280];
	_ =	sdelay $0x4  }
0x181: {  	[tilespmem:$0x1FB00] =	vst v0;
	v0 =	vld [tilespmem:s1+$0x2A0];
	_ =	sdelay $0x4  }
0x182: {  	[tilespmem:$0x1F780] =	vst v0;
	v0 =	vld [tilespmem:s0+$0x1A0];
	_ =	sdelay $0x4  }
0x183: {  	[tilespmem:$0x1F810] =	vst v0;
	v0 =	vld [tilespmem:s1+$0x1B0];
	_ =	sdelay $0x4  }
0x184: {  	[tilespmem:$0x1F7C0] =	vst v0;
	v0 =	vld [tilespmem:s3+$0x1B0];
	_ =	sdelay $0x4  }
0x185: {  	[tilespmem:$0x1F7D0] =	vst v0;
	v0 =	vld [tilespmem:s0+$0x210];
	_ =	sdelay $0x4  }
0x186: {  	[tilespmem:$0x1F7A0] =	vst v0;
	v0 =	vld [tilespmem:s1+$0x280];
	_ =	sdelay $0x4  }
0x187: {  	[tilespmem:$0x1F7F0] =	vst v0;
	v0 =	vld [tilespmem:s3+$0x280];
	_ =	sdelay $0x4  }
0x188: {  	[tilespmem:$0x1F800] =	vst v0;
	v0 =	vld [tilespmem:s1+$0x290];
	_ =	sdelay $0x4  }
0x189: {  	[tilespmem:$0x1FAC0] =	vst v0;
	v0 =	vld [tilespmem:s3+$0x290];
	_ =	sdelay $0x4  }
0x18a: {  	[tilespmem:$0x1FAD0] =	vst v0;
	v0 =	vld [tilespmem:s0+$0xB0];
	_ =	sdelay $0x4  }
0x18b: {  	[tilespmem:$0x1F8A0] =	vst v0;
	v0 =	vld [tilespmem:s0+$0x120];
	_ =	sdelay $0x4  }
0x18c: {  	[tilespmem:$0x1FAE0] =	vst v0;
	v0 =	vld [tilespmem:s1+$0x130];
	_ =	sdelay $0x4  }
0x18d: {  	[tilespmem:$0x1FAF0] =	vst v0;
	v0 =	vld [tilespmem:s0+$0x30];
	_ =	sdelay $0x4  }
0x18e: {  	[tilespmem:$0x1F8F0] =	vst v0;
	v0 =	vld [tilespmem:s0+$0xA0];
	_ =	sdelay $0x4  }
0x18f: {  	[tilespmem:$0x1F870] =	vst v0;
	v0 =	vld [tilespmem:s1+$0xB0];
	_ =	sdelay $0x4  }
0x190: {  	[tilespmem:$0x1F830] =	vst v0;
	v0 =	vld [tilespmem:s3+$0xB0]  }
0x191: {  	v56 =	vld [tilespmem:s0+$0x300]  }
0x192: {  	v57 =	vld [tilespmem:s0+$0x310]  }
0x193: {  	v54 =	vld [tilespmem:s1+$0x320]  }
0x194: {  	v50 =	vld [tilespmem:s3+$0x320]  }
0x195: {  	[tilespmem:$0x1F840] =	vst v0;
	v0 =	vld [tilespmem:s0+$0x100]  }
0x196: {  	v47 =	vld [tilespmem:s1+$0x230]  }
0x197: {  	v36 =	vld [tilespmem:s3+$0x230]  }
0x198: {  	v63 =	vld [tilespmem:s3+$0x2A0]  }
0x199: {  	v27 =	vld [tilespmem:s1+$0x300]  }
0x19a: {  	[tilespmem:$0x1FAB0] =	vst v0;
	v0 =	vld [tilespmem:s1+$0x120]  }
0x19b: {  	v26 =	vld [tilespmem:s3+$0x300]  }
0x19c: {  	v25 =	vld [tilespmem:s1+$0x310]  }
0x19d: {  	v24 =	vld [tilespmem:s3+$0x310]  }
0x19e: {  	v37 =	vld [tilespmem:s0+$0x200]  }
0x19f: {  	[tilespmem:$0x1F850] =	vst v0;
	v0 =	vld [tilespmem:s3+$0x120]  }
0x1a0: {  	v35 =	vld [tilespmem:s1+$0x220]  }
0x1a1: {  	v34 =	vld [tilespmem:s3+$0x220]  }
0x1a2: {  	v41 =	vld [tilespmem:s0+$0x180]  }
0x1a3: {  	v42 =	vld [tilespmem:s0+$0x190]  }
0x1a4: {  	[tilespmem:$0x1F860] =	vst v0;
	v0 =	vld [tilespmem:s0+$0x20]  }
0x1a5: {  	v29 =	vld [tilespmem:s1+$0x1A0]  }
0x1a6: {  	v28 =	vld [tilespmem:s3+$0x1A0]  }
0x1a7: {  	v7 =	vld [tilespmem:s1+$0x200]  }
0x1a8: {  	v3 =	vld [tilespmem:s3+$0x200]  }
0x1a9: {  	[tilespmem:$0x1F8D0] =	vst v0;
	v0 =	vld [tilespmem:s1+$0x30]  }
0x1aa: {  	v9 =	vld [tilespmem:s0+$0xFFFFFEB0]  }
0x1ab: {  	v18 =	vld [tilespmem:s1+$0x210]  }
0x1ac: {  	v16 =	vld [tilespmem:s3+$0x210]  }
0x1ad: {  	v13 =	vld [tilespmem:s1+$0x180]  }
0x1ae: {  	[tilespmem:$0x1F880] =	vst v0;
	v0 =	vld [tilespmem:s3+$0x30]  }
0x1af: {  	[tilespmem:$0x1F970] =	vst v9;
	v9 =	vld [tilespmem:s0+$0xFFFFFF20]  }
0x1b0: {  	v8 =	vld [tilespmem:s3+$0x180]  }
0x1b1: {  	v6 =	vld [tilespmem:s1+$0x190]  }
0x1b2: {  	v4 =	vld [tilespmem:s3+$0x190]  }
0x1b3: {  	[tilespmem:$0x1F890] =	vst v0;
	v0 =	vld [tilespmem:s1+$0x100]  }
0x1b4: {  	[tilespmem:$0x1F900] =	vst v9;
	v9 =	vld [tilespmem:s0+$0xFFFFFF80]  }
0x1b5: {  	v31 =	vld [tilespmem:s0+$0x80]  }
0x1b6: {  	v32 =	vld [tilespmem:s0+$0x90]  }
0x1b7: {  	v33 =	vld [tilespmem:s1+$0xA0]  }
0x1b8: {  	[tilespmem:$0x1F8B0] =	vst v0;
	v0 =	vld [tilespmem:s3+$0x100]  }
0x1b9: {  	[tilespmem:$0x1FA60] =	vst v9;
	v9 =	vld [tilespmem:s1+$0xFFFFFFA0]  }
0x1ba: {  	v30 =	vld [tilespmem:s3+$0xA0]  }
0x1bb: {  	v60 =	vld [tilespmem:s0+$0x0]  }
0x1bc: {  	v61 =	vld [tilespmem:s0+$0x10]  }
0x1bd: {  	[tilespmem:$0x1F8C0] =	vst v0;
	v0 =	vld [tilespmem:s1+$0x110]  }
0x1be: {  	[tilespmem:$0x1F8E0] =	vst v9;
	v9 =	vld [tilespmem:s0+$0xFFFFFEA0]  }
0x1bf: {  	v62 =	vld [tilespmem:s1+$0x20]  }
0x1c0: {  	v58 =	vld [tilespmem:s3+$0x20]  }
0x1c1: {  	v5 =	vld [tilespmem:s1+$0x80]  }
0x1c2: {  	[tilespmem:$0x1FA70] =	vst v0;
	v0 =	vld [tilespmem:s3+$0x110]  }
0x1c3: {  	[tilespmem:$0x1F940] =	vst v9;
	v9 =	vld [tilespmem:s1+$0xFFFFFEB0]  }
0x1c4: {  	v2 =	vld [tilespmem:s3+$0x80]  }
0x1c5: {  	v1 =	vld [tilespmem:s1+$0x90]  }
0x1c6: {  	v52 =	vld [tilespmem:s1+$0xFFFFFF30]  }
0x1c7: {  	[tilespmem:$0x1FA80] =	vst v0;
	v0 =	vld [tilespmem:s0+$0xFFFFFF30]  }
0x1c8: {  	[tilespmem:$0x1F910] =	vst v9;
	v9 =	vld [tilespmem:s3+$0xFFFFFEB0]  }
0x1c9: {  	v43 =	vld [tilespmem:s3+$0xFFFFFF30]  }
0x1ca: {  	v59 =	vld [tilespmem:s3+$0xFFFFFFA0]  }
0x1cb: {  	v23 =	vld [tilespmem:s1+$0x0]  }
0x1cc: {  	[tilespmem:$0x1F930] =	vst v0;
	v0 =	vld [tilespmem:s0+$0xFFFFFFA0]  }
0x1cd: {  	[tilespmem:$0x1F920] =	vst v9;
	v9 =	vld [tilespmem:s1+$0xFFFFFF80]  }
0x1ce: {  	v22 =	vld [tilespmem:s3+$0x0]  }
0x1cf: {  	v21 =	vld [tilespmem:s1+$0x10]  }
0x1d0: {  	v20 =	vld [tilespmem:s3+$0x10]  }
0x1d1: {  	[tilespmem:$0x1FA90] =	vst v0;
	v0 =	vld [tilespmem:s1+$0xFFFFFFB0]  }
0x1d2: {  	[tilespmem:$0x1F950] =	vst v9;
	v9 =	vld [tilespmem:s3+$0xFFFFFF80]  }
0x1d3: {  	v44 =	vld [tilespmem:s0+$0xFFFFFF00]  }
0x1d4: {  	v45 =	vld [tilespmem:s0+$0xFFFFFF10]  }
0x1d5: {  	v46 =	vld [tilespmem:s1+$0xFFFFFF20]  }
0x1d6: {  	v38 =	vld [tilespmem:s3+$0xFFFFFF20];
	[tilespmem:$0x1FAA0] =	vst v0  }
0x1d7: {  	v0 =	vld [tilespmem:s3+$0x90];
	[tilespmem:$0x1F960] =	vst v9  }
0x1d8: {  	v9 =	vld [tilespmem:s1+$0xFFFFFF90]  }
0x1d9: {  	v48 =	vld [tilespmem:s0+$0xFFFFFE80]  }
0x1da: {  	v49 =	vld [tilespmem:s0+$0xFFFFFE90]  }
0x1db: {  	v40 =	vld [tilespmem:s1+$0xFFFFFEA0]  }
0x1dc: {  	v39 =	vld [tilespmem:s3+$0xFFFFFEA0]  }
0x1dd: {  	v17 =	vld [tilespmem:s1+$0xFFFFFF00]  }
0x1de: {  	v11 =	vld [tilespmem:s3+$0xFFFFFF00]  }
0x1df: {  	v12 =	vld [tilespmem:s1+$0xFFFFFF10]  }
0x1e0: {  	v10 =	vld [tilespmem:s0+$0xFFFFFD30]  }
0x1e1: {  	v55 =	vld [tilespmem:s1+$0xFFFFFDB0]  }
0x1e2: {  	v51 =	vld [tilespmem:s3+$0xFFFFFDB0]  }
0x1e3: {  	v19 =	vld [tilespmem:s1+$0xFFFFFE80]  }
0x1e4: {  	v14 =	vld [tilespmem:s3+$0xFFFFFE80]  }
0x1e5: {  	v15 =	vld [tilespmem:s1+$0xFFFFFE90]  }
0x1e6: {  	v53 =	vld [tilespmem:s0+$0xFFFFFC30]  }
0x1e7: {  	v24 =	vadd.f32 v24, v25;
	v25 =	vld [tilespmem:s0+$0xFFFFFD80]  }
0x1e8: {  	v26 =	vadd.f32 v26, v27;
	v27 =	vld [tilespmem:$0x1F730]  }
0x1e9: {  	v50 =	vadd.f32 v50, v54;
	v54 =	vld [tilespmem:s1+$0xFFFFFDA0]  }
0x1ea: {  	v26 =	vmul.f32 v26, v56;
	v56 =	vmul.f32 v24, v57;
	v24 =	vld [tilespmem:$0x1F750]  }
0x1eb: {  	v57 =	vld [tilespmem:$0x1F760]  }
0x1ec: {  	v36 =	vadd.f32 v36, v47;
	v47 =	vld [tilespmem:s3+$0xFFFFFDA0]  }
0x1ed: {  	v3 =	vadd.f32 v3, v7;
	v7 =	vadd.f32 v56, v26;
	v26 =	vld [tilespmem:$0x1F770]  }
0x1ee: {  	v16 =	vadd.f32 v16, v18;
	v18 =	vld [tilespmem:$0x1F780]  }
0x1ef: {  	v13 =	vadd.f32 v8, v13;
	v4 =	vadd.f32 v4, v6;
	v56 =	vld [tilespmem:s3+$0xFFFFFE00]  }
0x1f0: {  	v6 =	vld [tilespmem:$0x1F7A0]  }
0x1f1: {  	v13 =	vmul.f32 v13, v41;
	v4 =	vmul.f32 v4, v42;
	v8 =	vld [tilespmem:$0x1F7B0]  }
0x1f2: {  	v41 =	vld [tilespmem:$0x1F800]  }
0x1f3: {  	v2 =	vadd.f32 v2, v5;
	v13 =	vadd.f32 v4, v13;
	v4 =	vld [tilespmem:$0x1F810]  }
0x1f4: {  	v5 =	vld [tilespmem:s0+$0xFFFFFD00]  }
0x1f5: {  	v2 =	vmul.f32 v2, v31;
	v31 =	vld [tilespmem:s1+$0xFFFFFD20]  }
0x1f6: {  	v42 =	vld [tilespmem:$0x1F840]  }
0x1f7: {  	v30 =	vadd.f32 v30, v33;
	v33 =	vld [tilespmem:s3+$0xFFFFFD20]  }
0x1f8: {  	v20 =	vadd.f32 v20, v21;
	v21 =	vld [tilespmem:s3+$0xFFFFFD80]  }
0x1f9: {  	v22 =	vadd.f32 v22, v23;
	v23 =	vld [tilespmem:$0x1F880]  }
0x1fa: {  	v20 =	vmul.f32 v20, v61;
	v61 =	vld [tilespmem:s3+$0xFFFFFD90]  }
0x1fb: {  	v22 =	vmul.f32 v22, v60;
	v60 =	vadd.f32 v58, v62;
	v62 =	vld [tilespmem:$0x1F8C0]  }
0x1fc: {  	v34 =	vadd.f32 v34, v35;
	v35 =	vld [tilespmem:s0+$0xFFFFFC00]  }
0x1fd: {  	v20 =	vadd.f32 v20, v22;
	v22 =	vld [tilespmem:$0x1F8D0]  }
0x1fe: {  	v38 =	vadd.f32 v38, v46;
	v46 =	vld [tilespmem:s3+$0xFFFFFD00]  }
0x1ff: {  	v58 =	vld [tilespmem:s3+$0xFFFFFD10]  }
0x200: {  	v0 =	vadd.f32 v0, v1;
	v1 =	vld [tilespmem:$0x1F820]  }
0x201: {  	[tilespmem:$0x1FA20] =	vst v9;
	v9 =	vld [tilespmem:s3+$0xFFFFFF90]  }
0x202: {  	[tilespmem:$0x1F9F0] =	vst v10;
	v10 =	vld [tilespmem:s0+$0xFFFFFDA0]  }
0x203: {  	[tilespmem:$0x1FA00] =	vst v53;
	v53 =	vld [tilespmem:s0+$0xFFFFFD20]  }
0x204: {  	v26 =	vmul.f32 v50, v26;
	v50 =	vld [tilespmem:s1+$0xFFFFFE00]  }
0x205: {  	v18 =	vadd.f32 v63, v18;
	v63 =	vld [tilespmem:$0x1F790]  }
0x206: {  	v16 =	vmul.f32 v16, v6;
	v6 =	vld [tilespmem:s3+$0xFFFFFE10]  }
0x207: {  	v28 =	vadd.f32 v28, v29;
	v29 =	vmul.f32 v34, v8;
	v8 =	vld [tilespmem:s0+$0xFFFFFC20]  }
0x208: {  	v24 =	vadd.f32 v57, v24;
	v57 =	vld [tilespmem:$0x1F7D0]  }
0x209: {  	v28 =	vmul.f32 v28, v4;
	v4 =	vld [tilespmem:s0+$0xFFFFFCA0]  }
0x20a: {  	v3 =	vmul.f32 v3, v37;
	v11 =	vadd.f32 v11, v17;
	v17 =	vld [tilespmem:$0x1F8E0]  }
0x20b: {  	v22 =	vmul.f32 v60, v22;
	v26 =	vadd.f32 v26, v7;
	v7 =	vld [tilespmem:s1+$0xFFFFFE10]  }
0x20c: {  	v14 =	vadd.f32 v14, v19;
	v16 =	vadd.f32 v16, v3;
	v3 =	vld [tilespmem:$0x1F7C0]  }
0x20d: {  	v0 =	vmul.f32 v0, v32;
	v20 =	vadd.f32 v22, v20;
	v22 =	vld [tilespmem:$0x1F8F0]  }
0x20e: {  	v14 =	vmul.f32 v14, v48;
	v48 =	vld [tilespmem:$0x1F910]  }
0x20f: {  	v0 =	vadd.f32 v0, v2;
	v2 =	vld [tilespmem:$0x1F870]  }
0x210: {  	v16 =	vadd.f32 v29, v16;
	v29 =	vld [tilespmem:s0+$0xFFFFFD10]  }
0x211: {  	[tilespmem:$0x1FA30] =	vst v9;
	v9 =	vld [tilespmem:s0+$0xFFFFFDB0]  }
0x212: {  	[tilespmem:$0x1F9C0] =	vst v10;
	v10 =	vld [tilespmem:s0+$0xFFFFFE00]  }
0x213: {  	[tilespmem:$0x1F9E0] =	vst v53;
	v53 =	vld [tilespmem:s1+$0xFFFFFD30]  }
0x214: {  	v34 =	vadd.f32 v57, v3;
	v3 =	vld [tilespmem:$0x1F7E0]  }
0x215: {  	v57 =	vld [tilespmem:$0x1F860]  }
0x216: {  	v6 =	vadd.f32 v6, v7;
	v7 =	vld [tilespmem:s0+$0xFFFFFF90]  }
0x217: {  	v2 =	vmul.f32 v30, v2;
	v30 =	vld [tilespmem:$0x1F890]  }
0x218: {  	v13 =	vadd.f32 v28, v13;
	v28 =	vmul.f32 v34, v1;
	v1 =	vld [tilespmem:$0x1F830]  }
0x219: {  	[tilespmem:$0x1F9D0] =	vst v9;
	v9 =	vld [tilespmem:s0+$0xFFFFFE20]  }
0x21a: {  	[tilespmem:$0x1FA10] =	vst v10;
	v10 =	vld [tilespmem:s1+$0xFFFFFE20]  }
0x21b: {  	[tilespmem:$0x1F9A0] =	vst v53;
	v53 =	vld [tilespmem:s3+$0xFFFFFD30]  }
0x21c: {  	v0 =	vadd.f32 v2, v0;
	v2 =	vld [tilespmem:$0x1F8A0]  }
0x21d: {  	v13 =	vadd.f32 v28, v13;
	v28 =	vld [tilespmem:s1+$0xFFFFFD80]  }
0x21e: {  	v23 =	vadd.f32 v30, v23;
	v30 =	vld [tilespmem:s1+$0xFFFFFD90]  }
0x21f: {  	[tilespmem:$0x1FA40] =	vst v9;
	v9 =	vld [tilespmem:s1+$0xFFFFFE30]  }
0x220: {  	[tilespmem:$0x1F980] =	vst v10;
	v10 =	vld [tilespmem:s3+$0xFFFFFE20]  }
0x221: {  	v32 =	vadd.f32 v42, v1;
	v1 =	vld [tilespmem:$0x1F850]  }
0x222: {  	[tilespmem:$0x1F9B0] =	vst v53;
	v53 =	vld [tilespmem:$0x1F740]  }
0x223: {  	v22 =	vmul.f32 v23, v22;
	v23 =	vld [tilespmem:s3+$0xFFFFFC20]  }
0x224: {  	[tilespmem:$0x1FA50] =	vst v9;
	v9 =	vld [tilespmem:s3+$0xFFFFFF10]  }
0x225: {  	[tilespmem:$0x1F990] =	vst v10;
	v10 =	vld [tilespmem:s3+$0xFFFFFE90]  }
0x226: {  	v2 =	vmul.f32 v32, v2;
	v32 =	vld [tilespmem:s0+$0xFFFFFC10]  }
0x227: {  	v21 =	vadd.f32 v21, v28;
	v28 =	vld [tilespmem:s3+$0xFFFFFC00]  }
0x228: {  	v60 =	vld [tilespmem:$0x1F980]  }
0x229: {  	v19 =	vadd.f32 v22, v20;
	v20 =	vld [tilespmem:s1+$0xFFFFFD00];
	v9 =	vadd.f32 v9, v12  }
0x22a: {  	v11 =	vmul.f32 v11, v44;
	v0 =	vadd.f32 v2, v0;
	v2 =	vld [tilespmem:$0x1F8B0];
	v10 =	vadd.f32 v10, v15  }
0x22b: {  	v21 =	vmul.f32 v21, v25;
	v25 =	vadd.f32 v47, v54;
	v47 =	vld [tilespmem:$0x1F9C0];
	v9 =	vmul.f32 v9, v45  }
0x22c: {  	v1 =	vadd.f32 v57, v1;
	v57 =	vld [tilespmem:$0x1F960];
	v10 =	vmul.f32 v10, v49  }
0x22d: {  	v9 =	vadd.f32 v9, v11;
	v11 =	vld [tilespmem:$0x1F900]  }
0x22e: {  	v10 =	vadd.f32 v10, v14;
	v14 =	vld [tilespmem:$0x1F940]  }
0x22f: {  	v27 =	vadd.f32 v53, v27;
	v53 =	vld [tilespmem:s0+$0xFFFFFD90]  }
0x230: {  	v30 =	vadd.f32 v61, v30;
	v61 =	vld [tilespmem:$0x1F990]  }
0x231: {  	v22 =	vadd.f32 v39, v40;
	v27 =	vmul.f32 v27, v63;
	v63 =	vmul.f32 v36, v3;
	v3 =	vld [tilespmem:$0x1F7F0]  }
0x232: {  	v36 =	vld [tilespmem:s3+$0xFFFFFC30];
	v11 =	vmul.f32 v38, v11  }
0x233: {  	v49 =	vld [tilespmem:$0x1F920];
	v14 =	vmul.f32 v22, v14  }
0x234: {  	v9 =	vadd.f32 v11, v9;
	v11 =	vld [tilespmem:$0x1F930]  }
0x235: {  	v10 =	vadd.f32 v14, v10;
	v14 =	vld [tilespmem:$0x1F970]  }
0x236: {  	v20 =	vadd.f32 v46, v20;
	v46 =	vld [tilespmem:$0x1F9B0];
	v2 =	vadd.f32 v62, v2  }
0x237: {  	v62 =	vld [tilespmem:s1+$0xFFFFFC10];
	v16 =	vadd.f32 v63, v16;
	v63 =	vadd.f32 v43, v52  }
0x238: {  	v26 =	vadd.f32 v27, v26;
	v27 =	vld [tilespmem:s1+$0xFFFFFC30];
	v39 =	vadd.f32 v49, v48  }
0x239: {  	v52 =	vld [tilespmem:s1+$0xFFFFFD10];
	v11 =	vmul.f32 v63, v11  }
0x23a: {  	v12 =	vld [tilespmem:s1+$0xFFFFFC20];
	v14 =	vmul.f32 v39, v14  }
0x23b: {  	v9 =	vadd.f32 v11, v9;
	v11 =	vld [tilespmem:s1+$0xFFFFFC00]  }
0x23c: {  	v10 =	vadd.f32 v14, v10;
	v14 =	vld [tilespmem:s3+$0xFFFFFC10]  }
0x23d: {  	v15 =	vld [tilespmem:s1+$0xFFFFFCA0];
	v30 =	vmul.f32 v30, v53  }
0x23e: {  	v3 =	vadd.f32 v41, v3;
	v41 =	vld [tilespmem:s0+$0xFFFFFC80];
	v37 =	vadd.f32 v58, v52  }
0x23f: {  	v5 =	vmul.f32 v20, v5;
	v45 =	vld [tilespmem:$0x1F9A0];
	v21 =	vadd.f32 v30, v21  }
0x240: {  	v30 =	vadd.f32 v33, v31;
	v31 =	vld [tilespmem:s3+$0xFFFFFC90];
	v12 =	vadd.f32 v23, v12;
	v20 =	vmul.f32 v37, v29  }
0x241: {  	v25 =	vmul.f32 v25, v47;
	v23 =	vld [tilespmem:s3+$0xFFFFFCB0];
	v11 =	vadd.f32 v28, v11;
	v14 =	vadd.f32 v14, v62  }
0x242: {  	v29 =	vld [tilespmem:s1+$0xFFFFFC90];
	v5 =	vadd.f32 v20, v5  }
0x243: {  	v20 =	vadd.f32 v25, v21;
	v21 =	vld [tilespmem:$0x1F9D0];
	v11 =	vmul.f32 v11, v35;
	v14 =	vmul.f32 v14, v32  }
0x244: {  	(xrf2) =	vadd.scan.msk.f32 $0xffff, v26;
	v28 =	vld [tilespmem:$0x1F9E0]  }
0x245: {  	(xrf2) =	vadd.scan.msk.f32 $0xffff, v16;
	v49 =	vld [tilespmem:s3+$0xFFFFFC80];
	v8 =	vmul.f32 v12, v8;
	v11 =	vadd.f32 v14, v11  }
0x246: {  	v17 =	vadd.f32 v59, v17;
	v59 =	vadd.f32 v51, v55;
	(xrf2) =	vadd.scan.msk.f32 $0xffff, v13;
	v63 =	vld [tilespmem:s1+$0xFFFFFC80]  }
0x247: {  	(xrf2) =	vadd.scan.msk.f32 $0xffff, v0;
	v0 =	vadd.f32 v8, v11;
	v8 =	vld [tilespmem:$0x1FA00]  }
0x248: {  	v25 =	vld [tilespmem:s3+$0xFFFFFCA0];
	v21 =	vmul.f32 v59, v21  }
0x249: {  	v28 =	vmul.f32 v30, v28;
	v30 =	vld [tilespmem:s0+$0xFFFFFC90]  }
0x24a: {  	v27 =	vadd.f32 v36, v27;
	v20 =	vadd.f32 v21, v20;
	v21 =	vld [tilespmem:s1+$0xFFFFFCB0]  }
0x24b: {  	v5 =	vadd.f32 v28, v5;
	v28 =	vadd.f32 v31, v29;
	v29 =	vld [tilespmem:$0x1F9F0]  }
0x24c: {  	v26 =	vadd.f32 v49, v63;
	v14 =	vld [tilespmem:s0+$0xFFFFFCB0];
	v8 =	vmul.f32 v27, v8  }
0x24d: {  	v40 =	vadd.f32 v46, v45;
	v12 =	vadd.f32 v25, v15;
	v31 =	vld [tilespmem:s0+$0xFFFFFE10]  }
0x24e: {  	v13 =	vmul.f32 v26, v41;
	v15 =	vmul.f32 v28, v30;
	v0 =	vadd.f32 v8, v0;
	v8 =	vld [tilespmem:$0x1FA10]  }
0x24f: {  	v16 =	vld [tilespmem:s3+$0xFFFFFE30];
	(xrf2) =	vadd.scan.msk.f32 $0xffff, v19;
	v4 =	vmul.f32 v12, v4;
	v12 =	vadd.f32 v23, v21  }
0x250: {  	v22 =	vld [tilespmem:$0x1F950];
	(xrf2) =	vadd.scan.msk.f32 $0xffff, v9;
	v29 =	vmul.f32 v40, v29;
	v11 =	vadd.f32 v15, v13  }
0x251: {  	v48 =	vadd.f32 v56, v50;
	(xrf2) =	vadd.scan.msk.f32 $0xffff, v10;
	v10 =	vmul.f32 v12, v14;
	v12 =	vld [tilespmem:$0x1FA30]  }
0x252: {  	v5 =	vadd.f32 v29, v5;
	v4 =	vadd.f32 v4, v11;
	v11 =	vld [tilespmem:$0x1FA20]  }
0x253: {  	(xrf2) =	vadd.scan.msk.f32 $0xffff, v20;
	v14 =	vld [tilespmem:$0x1FA50];
	v6 =	vmul.f32 v6, v31;
	v8 =	vmul.f32 v48, v8  }
0x254: {  	(xrf2) =	vadd.scan.msk.f32 $0xffff, v5;
	v5 =	vld [tilespmem:$0x1FA60]  }
0x255: {  	v6 =	vadd.f32 v6, v8;
	v8 =	vld [tilespmem:$0x1FA40];
	_ =	sdelay $0x1  }
0x256: {  	v22 =	vadd.f32 v57, v22;
	v13 =	vld [tilespmem:s0+$0xFFFFFE30];
	v11 =	vadd.f32 v12, v11  }
0x257: {  	v34 =	vadd.f32 v61, v60  }
0x258: {  	v5 =	vmul.f32 v22, v5;
	v7 =	vmul.f32 v11, v7  }
0x259: {  	v9 =	vld [tilespmem:s3+$0xFFFFFFB0];
	v14 =	vadd.f32 v16, v14;
	v8 =	vmul.f32 v34, v8  }
0x25a: {  	v5 =	vadd.f32 v7, v5;
	v7 =	vld [tilespmem:$0x1FA90]  }
0x25b: {  	(xrf2) =	vadd.scan.msk.f32 $0xffff, v0;
	v0 =	vadd.f32 v8, v6;
	v6 =	vmul.f32 v14, v13;
	v14 =	vld [tilespmem:$0x1FAA0];
	_ =	sdelay $0x1  }
0x25c: {  	v15 =	vld [tilespmem:s0+$0xFFFFFFB0]  }
0x25d: {  	v11 =	vld [tilespmem:$0x1FA80]  }
0x25e: {  	v8 =	vld [tilespmem:$0x1FA70]  }
0x25f: {  	v12 =	vld [tilespmem:s0+$0x110];
	v7 =	vmul.f32 v17, v7;
	v9 =	vadd.f32 v9, v14  }
0x260: {  	v0 =	vadd.f32 v6, v0;
	v6 =	vld [tilespmem:$0x1FAB0]  }
0x261: {  	v5 =	vadd.f32 v7, v5;
	v7 =	vmul.f32 v9, v15;
	v9 =	vld [tilespmem:$0x1FAC0]  }
0x262: {  	v15 =	vld [tilespmem:$0x1FAD0]  }
0x263: {  	v8 =	vadd.f32 v11, v8;
	v11 =	vld [tilespmem:s0+$0x290]  }
0x264: {  	v5 =	vadd.f32 v7, v5;
	v7 =	vld [tilespmem:$0x1FB00];
	_ =	sdelay $0x1  }
0x265: {  	v2 =	vmul.f32 v2, v6;
	v6 =	vmul.f32 v8, v12  }
0x266: {  	v9 =	vadd.f32 v15, v9  }
0x267: {  	v2 =	vadd.f32 v6, v2;
	v6 =	vld [tilespmem:$0x1FAE0]  }
0x268: {  	v3 =	vmul.f32 v3, v7;
	v7 =	vmul.f32 v9, v11;
	_ =	sdelay $0x1  }
0x269: {  	v3 =	vadd.f32 v7, v3;
	v7 =	vld [tilespmem:$0x1FB30]  }
0x26a: {  	v4 =	vadd.f32 v10, v4;
	v10 =	vld [tilespmem:s3+$0x130]  }
0x26b: {  	v1 =	vmul.f32 v1, v6;
	v6 =	vld [tilespmem:$0x1FAF0]  }
0x26c: {  	v14 =	vld [tilespmem:s0+$0x130]  }
0x26d: {  	v8 =	vld [tilespmem:s3+$0x2B0]  }
0x26e: {  	v7 =	vmul.f32 v18, v7;
	v18 =	vld [tilespmem:$0x1FB40];
	_ =	sdelay $0x1  }
0x26f: {  	v6 =	vadd.f32 v10, v6;
	v10 =	vld [tilespmem:s0+$0x2B0]  }
0x270: {  	v15 =	vld [tilespmem:s3+$0x3A0]  }
0x271: {  	v1 =	vadd.f32 v1, v2;
	v2 =	vmul.f32 v6, v14;
	v6 =	vld [tilespmem:$0x1FB10]  }
0x272: {  	v14 =	vld [tilespmem:$0x1FB20];
	v8 =	vadd.f32 v8, v18  }
0x273: {  	v13, _, _ =	vpop (xrf2);
	(xrf2) =	vadd.scan.msk.f32 $0xffff, v4;
	v9 =	vld [tilespmem:s3+$0x3B0]  }
0x274: {  	v4, _, _ =	vpop (xrf2);
	v3 =	vadd.f32 v7, v3;
	v7 =	vmul.f32 v8, v10;
	v8 =	vld [tilespmem:$0x1FB70]  }
0x275: {  	v12, _, _ =	vpop (xrf2);
	v18 =	vld [tilespmem:$0x1FB60]  }
0x276: {  	v16, _, _ =	vpop (xrf2);
	v1 =	vadd.f32 v2, v1;
	v2 =	vld [tilespmem:$0x1FB50]  }
0x277: {  	(xrf2) =	vadd.scan.msk.f32 $0xffff, v0;
	v0, _, _ =	vpop (xrf2);
	v6 =	vadd.f32 v14, v6;
	v14 =	vld [tilespmem:s0+$0x3A0]  }
0x278: {  	v11, _, _ =	vpop (xrf2);
	v10 =	vld [tilespmem:$0x1FB80]  }
0x279: {  	(xrf2) =	vadd.scan.msk.f32 $0xffff, v5;
	v17, _, _ =	vpop (xrf2);
	v6 =	vmul.f32 v6, v8  }
0x27a: {  	v5, _, _ =	vpop (xrf2);
	v15 =	vadd.f32 v15, v18;
	v18 =	vld [tilespmem:s0+$0x3B0]  }
0x27b: {  	v19, _, _ =	vpop (xrf2);
	v2 =	vmul.f32 v24, v2  }
0x27c: {  	(xrf2) =	vadd.scan.msk.f32 $0xffff, v1;
	v1 =	vadd.f32 v7, v3;
	v8, _, _ =	vpop (xrf2)  }
0x27d: {  	v9 =	vadd.f32 v9, v10;
	v3 =	vmul.f32 v15, v14;
	v2 =	vadd.f32 v6, v2;
	v6, _, _ =	vpop (xrf2)  }
0x27e: {  	v7 =	vbroadcast v8, $0xF;
	v6 =	vbroadcast v6, $0xF  }
0x27f: {  	v8 =	vbroadcast v19, $0xF;
	v2 =	vadd.f32 v3, v2;
	v3 =	vmul.f32 v9, v18  }
0x280: {  	v5 =	vbroadcast v5, $0xF;
	(xrf2) =	vadd.scan.msk.f32 $0xffff, v1;
	v1 =	vsel vm0, v7, v6  }
0x281: {  	s26 =	simm.s32 $0x0;
	v2 =	vadd.f32 v3, v2;
	v1 =	vsel vm1, v1, v8  }
0x282: {  	v6, _, _ =	vpop (xrf2);
	v1 =	vsel vm2, v1, v5;
	v5 =	vmov s26  }
0x283: {  	v6 =	vbroadcast v6, $0xF;
	v7, _, _ =	vpop (xrf2);
	(xrf2) =	vadd.scan.msk.f32 $0xffff, v2;
	v2 =	vshll.u32 v5, $0x7;
	v5 =	vld [tilespmem:$0x1FFF0]  }
0x284: {  	v3 =	vbroadcast v17, $0xF  }
0x285: {  	v1 =	vsel vm3, v1, v6;
	v6 =	vbroadcast v11, $0xF  }
0x286: {  	v1 =	vsel vm4, v1, v3;
	v3 =	vbroadcast v7, $0xF  }
0x287: {  	v0 =	vbroadcast v0, $0xF;
	v1 =	vsel vm5, v1, v6  }
0x288: {  	v2 =	vor.u32 v5, v2;
	v1 =	vsel vm6, v1, v3;
	v3 =	vbroadcast v16, $0xF;
	v5, _, _ =	vpop (xrf2)  }
0x289: {  	v0 =	vsel vm7, v1, v0;
	v1 =	vbroadcast v5, $0xF  }
0x28a: {  	v0 =	vsel vm8, v0, v3;
	v3 =	vbroadcast v12, $0xF  }
0x28b: {  	v0 =	vsel vm9, v0, v1;
	v1 =	vbroadcast v4, $0xF  }
0x28c: {  	v0 =	vsel vm10, v0, v3  }
0x28d: {  	s1 =	simm.s32 $0xC600;
	v4, _, _ =	vpop (xrf2);
	v0 =	vsel vm11, v0, v1;
	v1 =	vbroadcast v13, $0xF  }
0x28e: {  	v3 =	vbroadcast v4, $0xF;
	v2 =	vld.idx.msk [tilespmem:v2+s1+$0x0], $0xffff;
	_ =	sdelay $0x1  }
0x28f: {  	v0 =	vsel vm12, v0, v3  }
0x290: {  	v0 =	vsel vm13, v0, v1;
	v1, _, _ =	vpop (xrf2)  }
0x291: {  	v0 =	vsel vm14, v0, v1  }
0x292: {  	v0 =	vadd.f32 v0, v2  }
0x293: {  	s3 =	rddreg [dreg:$0x1d]  }
0x294: {  	s29 =	simm.s32 $0x5200;
	[tilespmem:s3+$0x0] =	vst v0  }
0x295: {  	v0 =	vld [tilespmem:s29+$0x3B0];
	_ =	sdelay $0x3  }
0x296: {  	s26 =	simm.s32 $0x1200  }
0x297: {  	[tilespmem:$0x1FB90] =	vst v0;
	v0 =	vld [tilespmem:s26+$0x380];
	_ =	sdelay $0x4  }
0x298: {  	[tilespmem:$0x1FBA0] =	vst v0;
	v0 =	vld [tilespmem:s26+$0x390];
	_ =	sdelay $0x4  }
0x299: {  	[tilespmem:$0x1FBB0] =	vst v0;
	v0 =	vld [tilespmem:s29+$0x3A0];
	_ =	sdelay $0x4  }
0x29a: {  	[tilespmem:$0x1FBC0] =	vst v0;
	v0 =	vld [tilespmem:s26+$0x320];
	_ =	sdelay $0x4  }
0x29b: {  	[tilespmem:$0x1FD80] =	vst v0;
	v0 =	vld [tilespmem:s29+$0x330];
	_ =	sdelay $0x3  }
0x29c: {  	s28 =	simm.s32 $0x9200  }
0x29d: {  	[tilespmem:$0x1FD40] =	vst v0;
	v0 =	vld [tilespmem:s28+$0x330];
	_ =	sdelay $0x4  }
0x29e: {  	[tilespmem:$0x1FD50] =	vst v0;
	v0 =	vld [tilespmem:s29+$0x380];
	_ =	sdelay $0x4  }
0x29f: {  	[tilespmem:$0x1FD60] =	vst v0;
	v0 =	vld [tilespmem:s28+$0x380];
	_ =	sdelay $0x4  }
0x2a0: {  	[tilespmem:$0x1FD70] =	vst v0;
	v0 =	vld [tilespmem:s29+$0x390];
	_ =	sdelay $0x4  }
0x2a1: {  	[tilespmem:$0x1FBD0] =	vst v0;
	v0 =	vld [tilespmem:s28+$0x390];
	_ =	sdelay $0x4  }
0x2a2: {  	[tilespmem:$0x1FBE0] =	vst v0;
	v0 =	vld [tilespmem:s26+$0x230];
	_ =	sdelay $0x4  }
0x2a3: {  	[tilespmem:$0x1FE00] =	vst v0;
	v0 =	vld [tilespmem:s26+$0x2A0];
	_ =	sdelay $0x4  }
0x2a4: {  	[tilespmem:$0x1FBF0] =	vst v0;
	v0 =	vld [tilespmem:s29+$0x2B0];
	_ =	sdelay $0x4  }
0x2a5: {  	[tilespmem:$0x1FC00] =	vst v0;
	v0 =	vld [tilespmem:s26+$0x1B0];
	_ =	sdelay $0x4  }
0x2a6: {  	[tilespmem:$0x1FE10] =	vst v0;
	v0 =	vld [tilespmem:s26+$0x220];
	_ =	sdelay $0x4  }
0x2a7: {  	[tilespmem:$0x1FDA0] =	vst v0;
	v0 =	vld [tilespmem:s26+$0x280];
	_ =	sdelay $0x4  }
0x2a8: {  	[tilespmem:$0x1FC10] =	vst v0;
	v0 =	vld [tilespmem:s29+$0x2A0];
	_ =	sdelay $0x4  }
0x2a9: {  	[tilespmem:$0x1FD90] =	vst v0;
	v0 =	vld [tilespmem:s26+$0x1A0];
	_ =	sdelay $0x4  }
0x2aa: {  	[tilespmem:$0x1FDF0] =	vst v0;
	v0 =	vld [tilespmem:s29+$0x1B0];
	_ =	sdelay $0x4  }
0x2ab: {  	[tilespmem:$0x1FDB0] =	vst v0;
	v0 =	vld [tilespmem:s28+$0x1B0];
	_ =	sdelay $0x3  }
0x2ac: {  	v47 =	vld [tilespmem:s26+$0x330]  }
0x2ad: {  	[tilespmem:$0x1FDC0] =	vst v0;
	v0 =	vld [tilespmem:s29+$0x280]  }
0x2ae: {  	v34 =	vld [tilespmem:s26+$0x300]  }
0x2af: {  	v35 =	vld [tilespmem:s26+$0x310]  }
0x2b0: {  	v38 =	vld [tilespmem:s29+$0x320]  }
0x2b1: {  	v22 =	vld [tilespmem:s28+$0x320]  }
0x2b2: {  	[tilespmem:$0x1FDD0] =	vst v0;
	v0 =	vld [tilespmem:s28+$0x280]  }
0x2b3: {  	v31 =	vld [tilespmem:s29+$0x230]  }
0x2b4: {  	v45 =	vld [tilespmem:s28+$0x230]  }
0x2b5: {  	v32 =	vld [tilespmem:s28+$0x2A0]  }
0x2b6: {  	v44 =	vld [tilespmem:s29+$0x300]  }
0x2b7: {  	[tilespmem:$0x1FDE0] =	vst v0;
	v0 =	vld [tilespmem:s29+$0x290]  }
0x2b8: {  	v51 =	vld [tilespmem:s28+$0x300]  }
0x2b9: {  	v52 =	vld [tilespmem:s29+$0x310]  }
0x2ba: {  	v53 =	vld [tilespmem:s28+$0x310]  }
0x2bb: {  	v54 =	vld [tilespmem:s26+$0x200]  }
0x2bc: {  	[tilespmem:$0x1FC20] =	vst v0;
	v0 =	vld [tilespmem:s28+$0x290]  }
0x2bd: {  	v37 =	vld [tilespmem:s26+$0x210]  }
0x2be: {  	v56 =	vld [tilespmem:s29+$0x220]  }
0x2bf: {  	v57 =	vld [tilespmem:s28+$0x220]  }
0x2c0: {  	v58 =	vld [tilespmem:s26+$0x180]  }
0x2c1: {  	[tilespmem:$0x1FC30] =	vst v0;
	v0 =	vld [tilespmem:s26+$0xB0]  }
0x2c2: {  	v59 =	vld [tilespmem:s26+$0x190]  }
0x2c3: {  	v60 =	vld [tilespmem:s29+$0x1A0]  }
0x2c4: {  	v61 =	vld [tilespmem:s28+$0x1A0]  }
0x2c5: {  	v62 =	vld [tilespmem:s29+$0x200]  }
0x2c6: {  	[tilespmem:$0x1FE70] =	vst v0;
	v0 =	vld [tilespmem:s26+$0x120]  }
0x2c7: {  	v63 =	vld [tilespmem:s28+$0x200]  }
0x2c8: {  	v17 =	vld [tilespmem:s29+$0x210]  }
0x2c9: {  	v16 =	vld [tilespmem:s28+$0x210]  }
0x2ca: {  	v10 =	vld [tilespmem:s29+$0x180]  }
0x2cb: {  	[tilespmem:$0x1FC40] =	vst v0;
	v0 =	vld [tilespmem:s29+$0x130]  }
0x2cc: {  	v6 =	vld [tilespmem:s28+$0x180]  }
0x2cd: {  	v5 =	vld [tilespmem:s29+$0x190]  }
0x2ce: {  	v4 =	vld [tilespmem:s28+$0x190]  }
0x2cf: {  	v24 =	vld [tilespmem:s26+$0x80]  }
0x2d0: {  	[tilespmem:$0x1FC50] =	vst v0;
	v0 =	vld [tilespmem:s26+$0x30]  }
0x2d1: {  	v25 =	vld [tilespmem:s26+$0x90]  }
0x2d2: {  	v26 =	vld [tilespmem:s29+$0xA0]  }
0x2d3: {  	v23 =	vld [tilespmem:s28+$0xA0]  }
0x2d4: {  	v48 =	vld [tilespmem:s26+$0x0]  }
0x2d5: {  	[tilespmem:$0x1FEF0] =	vst v0;
	v0 =	vld [tilespmem:s26+$0xA0]  }
0x2d6: {  	v40 =	vld [tilespmem:s26+$0x10]  }
0x2d7: {  	v49 =	vld [tilespmem:s29+$0x20]  }
0x2d8: {  	v39 =	vld [tilespmem:s28+$0x20]  }
0x2d9: {  	v7 =	vld [tilespmem:s26+$0xFFFFFEB0]  }
0x2da: {  	[tilespmem:$0x1FE60] =	vst v0;
	v0 =	vld [tilespmem:s29+$0xB0]  }
0x2db: {  	v3 =	vld [tilespmem:s29+$0x80]  }
0x2dc: {  	v2 =	vld [tilespmem:s28+$0x80]  }
0x2dd: {  	v1 =	vld [tilespmem:s29+$0x90]  }
0x2de: {  	[tilespmem:$0x1FF90] =	vst v7;
	v7 =	vld [tilespmem:s26+$0xFFFFFF20]  }
0x2df: {  	[tilespmem:$0x1FE20] =	vst v0;
	v0 =	vld [tilespmem:s28+$0xB0]  }
0x2e0: {  	v21 =	vld [tilespmem:s29+$0x0]  }
0x2e1: {  	v20 =	vld [tilespmem:s28+$0x0]  }
0x2e2: {  	v19 =	vld [tilespmem:s29+$0x10]  }
0x2e3: {  	[tilespmem:$0x1FF20] =	vst v7;
	v7 =	vld [tilespmem:s29+$0xFFFFFF30]  }
0x2e4: {  	[tilespmem:$0x1FE30] =	vst v0;
	v0 =	vld [tilespmem:s26+$0x100]  }
0x2e5: {  	v18 =	vld [tilespmem:s28+$0x10]  }
0x2e6: {  	v30 =	vld [tilespmem:s26+$0xFFFFFF00]  }
0x2e7: {  	v28 =	vld [tilespmem:s26+$0xFFFFFF10]  }
0x2e8: {  	[tilespmem:$0x1FED0] =	vst v7;
	v7 =	vld [tilespmem:s28+$0xFFFFFF30]  }
0x2e9: {  	[tilespmem:$0x1FC60] =	vst v0;
	v0 =	vld [tilespmem:s29+$0x120]  }
0x2ea: {  	v29 =	vld [tilespmem:s29+$0xFFFFFF20]  }
0x2eb: {  	v27 =	vld [tilespmem:s28+$0xFFFFFF20]  }
0x2ec: {  	v42 =	vld [tilespmem:s26+$0xFFFFFE80]  }
0x2ed: {  	[tilespmem:$0x1FEE0] =	vst v7;
	v7 =	vld [tilespmem:s26+$0xFFFFFF80]  }
0x2ee: {  	[tilespmem:$0x1FE40] =	vst v0;
	v0 =	vld [tilespmem:s28+$0x120]  }
0x2ef: {  	v36 =	vld [tilespmem:s26+$0xFFFFFE90]  }
0x2f0: {  	v33 =	vld [tilespmem:s29+$0xFFFFFEA0]  }
0x2f1: {  	v41 =	vld [tilespmem:s28+$0xFFFFFEA0]  }
0x2f2: {  	[tilespmem:$0x1FCB0] =	vst v7;
	v7 =	vld [tilespmem:s29+$0xFFFFFFA0]  }
0x2f3: {  	[tilespmem:$0x1FE50] =	vst v0;
	v0 =	vld [tilespmem:s26+$0x20]  }
0x2f4: {  	v14 =	vld [tilespmem:s29+$0xFFFFFF00]  }
0x2f5: {  	v12 =	vld [tilespmem:s28+$0xFFFFFF00]  }
0x2f6: {  	v9 =	vld [tilespmem:s29+$0xFFFFFF10]  }
0x2f7: {  	[tilespmem:$0x1FF00] =	vst v7;
	v7 =	vld [tilespmem:s28+$0xFFFFFFA0]  }
0x2f8: {  	[tilespmem:$0x1FEC0] =	vst v0;
	v0 =	vld [tilespmem:s29+$0x30]  }
0x2f9: {  	v8 =	vld [tilespmem:s26+$0xFFFFFD30]  }
0x2fa: {  	v55 =	vld [tilespmem:s29+$0xFFFFFDB0]  }
0x2fb: {  	v43 =	vld [tilespmem:s28+$0xFFFFFDB0]  }
0x2fc: {  	[tilespmem:$0x1FF10] =	vst v7;
	v7 =	vld [tilespmem:s26+$0xFFFFFEA0]  }
0x2fd: {  	[tilespmem:$0x1FE80] =	vst v0;
	v0 =	vld [tilespmem:s28+$0x30]  }
0x2fe: {  	v15 =	vld [tilespmem:s29+$0xFFFFFE80]  }
0x2ff: {  	v11 =	vld [tilespmem:s28+$0xFFFFFE80]  }
0x300: {  	v13 =	vld [tilespmem:s29+$0xFFFFFE90]  }
0x301: {  	[tilespmem:$0x1FF60] =	vst v7;
	v7 =	vld [tilespmem:s29+$0xFFFFFEB0]  }
0x302: {  	[tilespmem:$0x1FE90] =	vst v0;
	v0 =	vld [tilespmem:s29+$0x100]  }
0x303: {  	v50 =	vld [tilespmem:s26+$0xFFFFFC30]  }
0x304: {  	v46 =	vld [tilespmem:s29+$0xFFFFFD30]  }
0x305: {  	[tilespmem:$0x1FD10] =	vst v8;
	v8 =	vld [tilespmem:s26+$0xFFFFFDA0]  }
0x306: {  	[tilespmem:$0x1FF30] =	vst v7;
	v7 =	vld [tilespmem:s28+$0xFFFFFEB0]  }
0x307: {  	[tilespmem:$0x1FEA0] =	vst v0;
	v0 =	vld [tilespmem:s28+$0x100]  }
0x308: {  	[tilespmem:$0x1FD30] =	vst v50;
	v50 =	vld [tilespmem:s26+$0xFFFFFD20];
	v44 =	vadd.f32 v51, v44  }
0x309: {  	[tilespmem:$0x1FFC0] =	vst v46;
	v46 =	vld [tilespmem:s28+$0xFFFFFD30]  }
0x30a: {  	v34 =	vmul.f32 v44, v34;
	v44 =	vld [tilespmem:s29+$0xFFFFFDA0]  }
0x30b: {  	[tilespmem:$0x1FF40] =	vst v7;
	v7 =	vld [tilespmem:s29+$0xFFFFFF80]  }
0x30c: {  	v16 =	vadd.f32 v16, v17;
	[tilespmem:$0x1FEB0] =	vst v0;
	v0 =	vld [tilespmem:s29+$0x110]  }
0x30d: {  	[tilespmem:$0x1FFE0] =	vst v8;
	v8 =	vld [tilespmem:s26+$0xFFFFFE00]  }
0x30e: {  	v6 =	vadd.f32 v6, v10;
	v10 =	vmul.f32 v16, v37;
	v37 =	vld [tilespmem:s26+$0xFFFFFCA0]  }
0x30f: {  	v16 =	vadd.f32 v61, v60;
	v60 =	vld [tilespmem:s26+$0xFFFFFD00]  }
0x310: {  	[tilespmem:$0x1FF70] =	vst v7;
	v7 =	vld [tilespmem:s28+$0xFFFFFF80]  }
0x311: {  	[tilespmem:$0x1FC70] =	vst v0;
	v0 =	vld [tilespmem:s28+$0x110]  }
0x312: {  	[tilespmem:$0x1FD20] =	vst v8;
	v8 =	vld [tilespmem:s29+$0xFFFFFE20]  }
0x313: {  	v38 =	vadd.f32 v22, v38;
	v22 =	vld [tilespmem:$0x1FD40]  }
0x314: {  	v51 =	vld [tilespmem:$0x1FD50]  }
0x315: {  	[tilespmem:$0x1FF80] =	vst v7;
	v7 =	vld [tilespmem:s29+$0xFFFFFF90]  }
0x316: {  	[tilespmem:$0x1FC80] =	vst v0;
	v0 =	vld [tilespmem:s26+$0xFFFFFF30]  }
0x317: {  	v61 =	vld [tilespmem:s28+$0xFFFFFD20];
	[tilespmem:$0x1FFD0] =	vst v46;
	v46 =	vadd.f32 v53, v52  }
0x318: {  	[tilespmem:$0x1FFA0] =	vst v8;
	v8 =	vld [tilespmem:s28+$0xFFFFFE20]  }
0x319: {  	v35 =	vmul.f32 v46, v35;
	v46 =	vadd.f32 v51, v22;
	v51 =	vadd.f32 v45, v31;
	v31 =	vld [tilespmem:$0x1FD60]  }
0x31a: {  	[tilespmem:$0x1FCC0] =	vst v7;
	v7 =	vld [tilespmem:s28+$0xFFFFFF90]  }
0x31b: {  	[tilespmem:$0x1FF50] =	vst v0;
	v0 =	vld [tilespmem:s26+$0xFFFFFFA0]  }
0x31c: {  	v45 =	vld [tilespmem:$0x1FD70]  }
0x31d: {  	v52 =	vld [tilespmem:s26+$0xFFFFFD80]  }
0x31e: {  	[tilespmem:$0x1FFB0] =	vst v8;
	v8 =	vld [tilespmem:s28+$0xFFFFFE90]  }
0x31f: {  	[tilespmem:$0x1FCD0] =	vst v7;
	v7 =	vld [tilespmem:s26+$0xFFFFFDB0]  }
0x320: {  	[tilespmem:$0x1FC90] =	vst v0;
	v0 =	vld [tilespmem:s29+$0xFFFFFFB0]  }
0x321: {  	v45 =	vadd.f32 v45, v31;
	v31 =	vld [tilespmem:$0x1FD80]  }
0x322: {  	v53 =	vld [tilespmem:s26+$0xFFFFFD90]  }
0x323: {  	v17 =	vld [tilespmem:$0x1FD90]  }
0x324: {  	[tilespmem:$0x1FCE0] =	vst v7;
	v7 =	vld [tilespmem:s26+$0xFFFFFE20]  }
0x325: {  	v34 =	vadd.f32 v35, v34;
	[tilespmem:$0x1FCA0] =	vst v0;
	v0 =	vld [tilespmem:s28+$0x90]  }
0x326: {  	v8 =	vadd.f32 v8, v13;
	v13 =	vld [tilespmem:$0x1FF00];
	v35 =	vmul.f32 v38, v31;
	v38 =	vadd.f32 v63, v62  }
0x327: {  	v4 =	vadd.f32 v4, v5;
	v11 =	vadd.f32 v11, v15;
	v15 =	vld [tilespmem:$0x1FF10]  }
0x328: {  	v63 =	vadd.f32 v32, v17;
	v17 =	vmul.f32 v46, v47;
	v46 =	vmul.f32 v38, v54;
	v54 =	vld [tilespmem:$0x1FDA0]  }
0x329: {  	[tilespmem:$0x1FCF0] =	vst v7;
	v7 =	vld [tilespmem:s29+$0xFFFFFE30]  }
0x32a: {  	v6 =	vmul.f32 v6, v58;
	v4 =	vmul.f32 v4, v59;
	v0 =	vadd.f32 v0, v1;
	v1 =	vld [tilespmem:$0x1FE00]  }
0x32b: {  	v5 =	vadd.f32 v57, v56;
	v22 =	vld [tilespmem:s28+$0xFFFFFDA0]  }
0x32c: {  	v2 =	vadd.f32 v2, v3;
	v4 =	vadd.f32 v4, v6;
	v6 =	vld [tilespmem:$0x1FDF0]  }
0x32d: {  	v31 =	vld [tilespmem:s29+$0xFFFFFE00];
	v10 =	vadd.f32 v10, v46;
	v5 =	vmul.f32 v5, v54  }
0x32e: {  	v2 =	vmul.f32 v2, v24;
	[tilespmem:$0x1FD00] =	vst v7;
	v7 =	vld [tilespmem:s28+$0xFFFFFF10];
	v0 =	vmul.f32 v0, v25  }
0x32f: {  	v62 =	vld [tilespmem:s28+$0xFFFFFE00];
	v3 =	vadd.f32 v5, v10;
	v1 =	vmul.f32 v51, v1  }
0x330: {  	v0 =	vadd.f32 v0, v2;
	v2 =	vld [tilespmem:$0x1FE60]  }
0x331: {  	v6 =	vmul.f32 v16, v6;
	v16 =	vadd.f32 v1, v3;
	v1 =	vld [tilespmem:$0x1FE20]  }
0x332: {  	v3 =	vld [tilespmem:$0x1FE30]  }
0x333: {  	v7 =	vadd.f32 v7, v9;
	v9 =	vld [tilespmem:$0x1FED0]  }
0x334: {  	v32 =	vadd.f32 v35, v34;
	v34 =	vld [tilespmem:s29+$0xFFFFFE10];
	v5 =	vadd.f32 v23, v26  }
0x335: {  	v35 =	vld [tilespmem:s28+$0xFFFFFE10]  }
0x336: {  	v23 =	vld [tilespmem:$0x1FE50];
	v2 =	vmul.f32 v5, v2  }
0x337: {  	v1 =	vadd.f32 v3, v1;
	v3 =	vld [tilespmem:$0x1FE40]  }
0x338: {  	v0 =	vadd.f32 v2, v0;
	v2 =	vld [tilespmem:$0x1FE70]  }
0x339: {  	v38 =	vld [tilespmem:s26+$0xFFFFFC20]  }
0x33a: {  	v47 =	vld [tilespmem:s29+$0xFFFFFC30]  }
0x33b: {  	v56 =	vld [tilespmem:$0x1FDB0];
	v5 =	vadd.f32 v18, v19  }
0x33c: {  	v57 =	vld [tilespmem:$0x1FDC0];
	v51 =	vadd.f32 v23, v3;
	v3 =	vadd.f32 v20, v21  }
0x33d: {  	v1 =	vmul.f32 v1, v2;
	v21 =	vld [tilespmem:$0x1FE90]  }
0x33e: {  	v2 =	vmul.f32 v3, v48;
	v3 =	vmul.f32 v5, v40;
	v5 =	vld [tilespmem:$0x1FE80]  }
0x33f: {  	v4 =	vadd.f32 v6, v4;
	v6 =	vld [tilespmem:$0x1FE10]  }
0x340: {  	v54 =	vld [tilespmem:s28+$0xFFFFFC30]  }
0x341: {  	v17 =	vadd.f32 v17, v32;
	v10 =	vld [tilespmem:s26+$0xFFFFFD10]  }
0x342: {  	v32 =	vadd.f32 v57, v56;
	v24 =	vadd.f32 v1, v0;
	v0 =	vld [tilespmem:$0x1FEA0]  }
0x343: {  	v21 =	vadd.f32 v21, v5;
	v5 =	vld [tilespmem:$0x1FEB0]  }
0x344: {  	v26 =	vld [tilespmem:s29+$0xFFFFFD20];
	v6 =	vmul.f32 v32, v6  }
0x345: {  	v58 =	vld [tilespmem:$0x1FDD0]  }
0x346: {  	v6 =	vadd.f32 v6, v4;
	v59 =	vld [tilespmem:$0x1FDE0]  }
0x347: {  	v4 =	vadd.f32 v39, v49;
	v25 =	vadd.f32 v27, v29;
	v27 =	vld [tilespmem:s29+$0xFFFFFD10]  }
0x348: {  	v39 =	vadd.f32 v5, v0;
	v0 =	vadd.f32 v3, v2;
	v2 =	vld [tilespmem:$0x1FEC0]  }
0x349: {  	v18 =	vld [tilespmem:s28+$0xFFFFFD80]  }
0x34a: {  	(xrf2) =	vadd.scan.msk.f32 $0xffff, v17;
	v19 =	vld [tilespmem:s29+$0xFFFFFD90]  }
0x34b: {  	(xrf2) =	vadd.scan.msk.f32 $0xffff, v16;
	v16 =	vld [tilespmem:$0x1FF40]  }
0x34c: {  	v40 =	vadd.f32 v15, v13;
	v13 =	vld [tilespmem:$0x1FF20]  }
0x34d: {  	(xrf2) =	vadd.scan.msk.f32 $0xffff, v6;
	v6 =	vld [tilespmem:$0x1FFC0];
	v2 =	vmul.f32 v4, v2;
	v4 =	vadd.f32 v12, v14  }
0x34e: {  	v23 =	vld [tilespmem:s29+$0xFFFFFD80]  }
0x34f: {  	v7 =	vmul.f32 v7, v28;
	v14 =	vmul.f32 v4, v30;
	v4 =	vld [tilespmem:$0x1FEF0]  }
0x350: {  	v20 =	vld [tilespmem:s28+$0xFFFFFD90]  }
0x351: {  	v13 =	vmul.f32 v25, v13;
	v12 =	vld [tilespmem:$0x1FEE0];
	v7 =	vadd.f32 v7, v14  }
0x352: {  	v15 =	vld [tilespmem:$0x1FF30]  }
0x353: {  	v7 =	vadd.f32 v13, v7;
	v13 =	vld [tilespmem:$0x1FF50]  }
0x354: {  	v1 =	vld [tilespmem:s26+$0xFFFFFC00];
	v0 =	vadd.f32 v2, v0;
	v21 =	vmul.f32 v21, v4  }
0x355: {  	v8 =	vmul.f32 v8, v36;
	v19 =	vadd.f32 v20, v19;
	v20 =	vld [tilespmem:$0x1FFB0]  }
0x356: {  	v25 =	vld [tilespmem:s28+$0xFFFFFD00];
	v9 =	vadd.f32 v12, v9;
	v21 =	vadd.f32 v21, v0;
	v0 =	vmul.f32 v11, v42  }
0x357: {  	v17 =	vadd.f32 v16, v15;
	v16 =	vld [tilespmem:s28+$0xFFFFFC00]  }
0x358: {  	v9 =	vmul.f32 v9, v13;
	v8 =	vadd.f32 v8, v0;
	v0 =	vld [tilespmem:$0x1FF60]  }
0x359: {  	v3 =	vld [tilespmem:s26+$0xFFFFFC10]  }
0x35a: {  	v29 =	vadd.f32 v9, v7;
	v7 =	vld [tilespmem:$0x1FF90]  }
0x35b: {  	v5 =	vld [tilespmem:s29+$0xFFFFFC20];
	v11 =	vadd.f32 v41, v33  }
0x35c: {  	v2 =	vld [tilespmem:s26+$0xFFFFFC80]  }
0x35d: {  	v14 =	vld [tilespmem:s29+$0xFFFFFD00];
	v28 =	vmul.f32 v11, v0  }
0x35e: {  	v12 =	vld [tilespmem:s28+$0xFFFFFC20]  }
0x35f: {  	v4 =	vld [tilespmem:s29+$0xFFFFFCA0];
	v9 =	vadd.f32 v18, v23;
	v8 =	vadd.f32 v28, v8;
	v18 =	vmul.f32 v17, v7  }
0x360: {  	v13 =	vld [tilespmem:s28+$0xFFFFFD10]  }
0x361: {  	(xrf2) =	vadd.scan.msk.f32 $0xffff, v24;
	v28 =	vmul.f32 v9, v52;
	v9 =	vadd.f32 v18, v8;
	v8 =	vld [tilespmem:$0x1FFD0]  }
0x362: {  	(xrf2) =	vadd.scan.msk.f32 $0xffff, v21;
	v21 =	vld [tilespmem:s28+$0xFFFFFC90]  }
0x363: {  	v0 =	vld [tilespmem:$0x1FF70]  }
0x364: {  	v11 =	vld [tilespmem:$0x1FF80]  }
0x365: {  	v17 =	vld [tilespmem:s29+$0xFFFFFC10]  }
0x366: {  	v27 =	vadd.f32 v13, v27;
	v13 =	vadd.f32 v8, v6;
	v6 =	vld [tilespmem:$0x1FFE0]  }
0x367: {  	v22 =	vadd.f32 v22, v44;
	v7 =	vld [tilespmem:$0x1FFA0]  }
0x368: {  	v46 =	vadd.f32 v59, v58;
	v18 =	vadd.f32 v25, v14;
	v25 =	vmul.f32 v19, v53;
	v14 =	vld [tilespmem:s29+$0xFFFFFC80]  }
0x369: {  	v15 =	vadd.f32 v43, v55;
	v19 =	vld [tilespmem:s28+$0xFFFFFC80];
	v0 =	vadd.f32 v11, v0  }
0x36a: {  	v11 =	vld [tilespmem:s29+$0xFFFFFC00];
	v23 =	vmul.f32 v18, v60;
	v24 =	vadd.f32 v25, v28;
	v25 =	vmul.f32 v27, v10  }
0x36b: {  	v18 =	vld [tilespmem:s29+$0xFFFFFC90];
	v10 =	vadd.f32 v54, v47;
	v8 =	vadd.f32 v62, v31;
	v31, _, _ =	vpop (xrf2);
	v6 =	vmul.f32 v22, v6  }
0x36c: {  	s31 =	simm.s32 $0x10;
	s30 =	smov.u32 s3;
	s0 =	simm.s32 $0x20;
	v7 =	vadd.f32 v20, v7;
	v20 =	vld [tilespmem:s28+$0xFFFFFC10];
	(xrf2) =	vadd.scan.msk.f32 $0xffff, v29;
	v36, _, _ =	vpop (xrf2);
	v22 =	vadd.f32 v61, v26  }
.LBB2_7:
0x36d: {  	v24 =	vadd.f32 v6, v24;
	v6 =	vld [tilespmem:$0x1FCE0];
	_ =	sdelay $0x3  }
0x36e: {  	v11 =	vadd.f32 v16, v11;
	v16 =	vadd.f32 v20, v17  }
0x36f: {  	v15 =	vmul.f32 v15, v6  }
0x370: {  	v5 =	vadd.f32 v12, v5;
	v6, _, _ =	vpop (xrf2);
	(xrf2) =	vadd.scan.msk.f32 $0xffff, v9;
	v9 =	vmul.f32 v11, v1;
	v3 =	vmul.f32 v16, v3;
	_ =	sdelay $0x1  }
0x371: {  	v5 =	vmul.f32 v5, v38;
	v3 =	vadd.f32 v3, v9  }
0x372: {  	v26 =	vld [tilespmem:s28+$0xFFFFFCA0]  }
0x373: {  	v3 =	vadd.f32 v5, v3;
	v5 =	vld [tilespmem:$0x1FD30]  }
0x374: {  	v14 =	vadd.f32 v19, v14;
	v19 =	vld [tilespmem:$0x1FD10]  }
0x375: {  	v17 =	vld [tilespmem:s26+$0xFFFFFC90]  }
0x376: {  	v12 =	vld [tilespmem:s29+$0xFFFFFCB0]  }
0x377: {  	v11 =	vld [tilespmem:s28+$0xFFFFFCB0]  }
0x378: {  	v9 =	vld [tilespmem:s26+$0xFFFFFCB0];
	v5 =	vmul.f32 v10, v5  }
0x379: {  	v18 =	vadd.f32 v21, v18;
	v13 =	vmul.f32 v13, v19;
	v19 =	vld [tilespmem:s26+$0xFFFFFE10]  }
0x37a: {  	v15 =	vadd.f32 v15, v24;
	v3 =	vadd.f32 v5, v3;
	v5 =	vld [tilespmem:$0x1FD20]  }
0x37b: {  	v23 =	vadd.f32 v25, v23;
	v20 =	vmul.f32 v22, v50;
	v4 =	vadd.f32 v26, v4  }
0x37c: {  	v14 =	vmul.f32 v14, v2;
	v1, _, _ =	vpop (xrf2);
	(xrf2) =	vadd.scan.msk.f32 $0xffff, v15;
	v15 =	vmul.f32 v18, v17;
	v11 =	vadd.f32 v11, v12  }
0x37d: {  	v16 =	vadd.f32 v20, v23;
	v10 =	vadd.f32 v35, v34  }
0x37e: {  	v4 =	vmul.f32 v4, v37;
	v14 =	vadd.f32 v15, v14;
	v9 =	vmul.f32 v11, v9  }
0x37f: {  	v11 =	vld [tilespmem:$0x1FCC0];
	v5 =	vmul.f32 v8, v5;
	v8 =	vmul.f32 v10, v19  }
0x380: {  	v18 =	vadd.f32 v13, v16;
	v4 =	vadd.f32 v4, v14;
	v14 =	vld [tilespmem:$0x1FCD0]  }
0x381: {  	v5 =	vadd.f32 v8, v5;
	v8 =	vld [tilespmem:$0x1FCF0]  }
0x382: {  	v2, _, _ =	vpop (xrf2);
	v17 =	vld [tilespmem:s26+$0xFFFFFF90];
	(xrf2) =	vadd.scan.msk.f32 $0xffff, v18  }
0x383: {  	v13, _, _ =	vpop (xrf2);
	(xrf2) =	vadd.scan.msk.f32 $0xffff, v3;
	v3 =	vadd.f32 v9, v4;
	v4 =	vld [tilespmem:$0x1FCB0];
	_ =	sdelay $0x1  }
0x384: {  	v16 =	vld [tilespmem:s28+$0xFFFFFE30]  }
0x385: {  	v18 =	vadd.f32 v14, v11;
	v7 =	vmul.f32 v7, v8;
	v8 =	vld [tilespmem:$0x1FD00];
	_ =	sdelay $0x1  }
0x386: {  	v12 =	vld [tilespmem:s26+$0xFFFFFE30];
	v0 =	vmul.f32 v0, v4;
	v4 =	vmul.f32 v18, v17  }
0x387: {  	v10 =	vld [tilespmem:s28+$0xFFFFFFB0]  }
0x388: {  	v0 =	vadd.f32 v4, v0;
	v4 =	vld [tilespmem:$0x1FC90]  }
0x389: {  	v8 =	vadd.f32 v16, v8;
	v16 =	vld [tilespmem:$0x1FCA0]  }
0x38a: {  	v15 =	vld [tilespmem:s26+$0xFFFFFFB0]  }
0x38b: {  	v5 =	vadd.f32 v7, v5;
	v7 =	vmul.f32 v8, v12;
	v8 =	vld [tilespmem:$0x1FC70]  }
0x38c: {  	v12 =	vld [tilespmem:$0x1FC80];
	_ =	sdelay $0x1  }
0x38d: {  	v14 =	vld [tilespmem:s26+$0x110];
	v4 =	vmul.f32 v40, v4;
	v10 =	vadd.f32 v10, v16  }
0x38e: {  	v11, _, _ =	vpop (xrf2);
	(xrf2) =	vadd.scan.msk.f32 $0xffff, v3;
	v3 =	vadd.f32 v7, v5;
	v5 =	vld [tilespmem:$0x1FC60]  }
0x38f: {  	v0 =	vadd.f32 v4, v0;
	v4 =	vmul.f32 v10, v15;
	v10 =	vld [tilespmem:$0x1FC20]  }
0x390: {  	v8 =	vadd.f32 v12, v8;
	v15 =	vld [tilespmem:$0x1FC30]  }
0x391: {  	v12 =	vld [tilespmem:s26+$0x290]  }
0x392: {  	v7 =	vmul.f32 v8, v14;
	v14, _, _ =	vpop (xrf2);
	(xrf2) =	vadd.scan.msk.f32 $0xffff, v3;
	v3 =	vld [tilespmem:$0x1FC10]  }
0x393: {  	v9 =	vld [tilespmem:s28+$0x130]  }
0x394: {  	v17 =	vld [tilespmem:$0x1FC50];
	v5 =	vmul.f32 v39, v5  }
0x395: {  	v18 =	vld [tilespmem:$0x1FC00];
	v10 =	vadd.f32 v15, v10  }
0x396: {  	v5 =	vadd.f32 v7, v5;
	v7 =	vld [tilespmem:$0x1FC40]  }
0x397: {  	v16 =	vld [tilespmem:s26+$0x130];
	v0 =	vadd.f32 v4, v0;
	v3 =	vmul.f32 v46, v3;
	v4 =	vmul.f32 v10, v12  }
0x398: {  	v8 =	vld [tilespmem:s28+$0x2B0]  }
0x399: {  	v3 =	vadd.f32 v4, v3;
	v4 =	vld [tilespmem:$0x1FBF0];
	_ =	sdelay $0x1  }
0x39a: {  	v9 =	vadd.f32 v9, v17;
	v17 =	vld [tilespmem:s26+$0x2B0];
	v7 =	vmul.f32 v51, v7;
	_ =	sdelay $0x1  }
0x39b: {  	v5 =	vadd.f32 v7, v5;
	v7 =	vmul.f32 v9, v16;
	v9 =	vld [tilespmem:$0x1FBD0]  }
0x39c: {  	v8 =	vadd.f32 v8, v18;
	v16 =	vld [tilespmem:$0x1FBE0];
	v4 =	vmul.f32 v63, v4  }
0x39d: {  	v15 =	vld [tilespmem:s28+$0x3A0]  }
0x39e: {  	v3 =	vadd.f32 v4, v3;
	v4 =	vmul.f32 v8, v17;
	v8 =	vld [tilespmem:$0x1FBB0]  }
0x39f: {  	v12, _, _ =	vpop (xrf2);
	(xrf2) =	vadd.scan.msk.f32 $0xffff, v0;
	v0 =	vadd.f32 v7, v5;
	v5 =	vld [tilespmem:$0x1FBA0]  }
0x3a0: {  	v7 =	vld [tilespmem:$0x1FBC0]  }
0x3a1: {  	v10 =	vld [tilespmem:s28+$0x3B0];
	v9 =	vadd.f32 v16, v9  }
0x3a2: {  	v16 =	vld [tilespmem:s26+$0x3A0]  }
0x3a3: {  	v8 =	vmul.f32 v9, v8;
	v9 =	vld [tilespmem:$0x1FB90];
	_ =	sdelay $0x1  }
0x3a4: {  	v19 =	vmul.f32 v45, v5;
	v7 =	vadd.f32 v15, v7;
	v15 =	vld [tilespmem:s26+$0x3B0]  }
0x3a5: {  	v18, _, _ =	vpop (xrf2)  }
0x3a6: {  	(xrf2) =	vadd.scan.msk.f32 $0xffff, v0;
	v0 =	vadd.f32 v4, v3;
	v5, _, _ =	vpop (xrf2);
	v4 =	vmul.f32 v7, v16;
	v3 =	vadd.f32 v8, v19  }
0x3a7: {  	v5 =	vbroadcast v5, $0xF;
	v9 =	vadd.f32 v10, v9;
	v10 =	vbroadcast v18, $0xF  }
0x3a8: {  	v8 =	vbroadcast v12, $0xF;
	v3 =	vadd.f32 v4, v3  }
0x3a9: {  	(xrf2) =	vadd.scan.msk.f32 $0xffff, v0;
	v7, _, _ =	vpop (xrf2);
	v4 =	vmul.f32 v9, v15;
	v0 =	vsel vm0, v10, v5;
	v5 =	vbroadcast v14, $0xF  }
0x3aa: {  	v7 =	vbroadcast v7, $0xF;
	v0 =	vsel vm1, v0, v8  }
0x3ab: {  	v3 =	vadd.f32 v4, v3;
	v0 =	vsel vm2, v0, v5;
	v4 =	vbroadcast v11, $0xF  }
0x3ac: {  	v0 =	vsel vm3, v0, v7  }
0x3ad: {  	v0 =	vsel vm4, v0, v4;
	v4 =	vld [tilespmem:$0x1FFF0];
	_ =	sdelay $0x2  }
0x3ae: {  	v5 =	vmov s31  }
0x3af: {  	v8, _, _ =	vpop (xrf2);
	v7 =	vbroadcast v13, $0xF;
	v5 =	vshll.u32 v5, $0x7;
	(xrf2) =	vadd.scan.msk.f32 $0xffff, v3  }
0x3b0: {  	v8 =	vbroadcast v8, $0xF;
	v4 =	vor.u32 v4, v5  }
0x3b1: {  	v2 =	vbroadcast v2, $0xF;
	v0 =	vsel vm5, v0, v7  }
0x3b2: {  	v1 =	vbroadcast v1, $0xF;
	v0 =	vsel vm6, v0, v8;
	v3, _, _ =	vpop (xrf2)  }
0x3b3: {  	v0 =	vsel vm7, v0, v2;
	v2 =	vbroadcast v3, $0xF  }
0x3b4: {  	v0 =	vsel vm8, v0, v1;
	v1 =	vbroadcast v6, $0xF  }
0x3b5: {  	v0 =	vsel vm9, v0, v2;
	v2 =	vbroadcast v36, $0xF;
	v3 =	vld.idx.msk [tilespmem:v4+s1+$0x0], $0xffff;
	v4, _, _ =	vpop (xrf2)  }
0x3b6: {  	v0 =	vsel vm10, v0, v1;
	v4 =	vbroadcast v4, $0xF  }
0x3b7: {  	v0 =	vsel vm11, v0, v2;
	v2 =	vbroadcast v31, $0xF  }
0x3b8: {  	v0 =	vsel vm12, v0, v4  }
0x3b9: {  	v1, _, _ =	vpop (xrf2);
	v0 =	vsel vm13, v0, v2  }
0x3ba: {  	v0 =	vsel vm14, v0, v1  }
0x3bb: {  	v0 =	vadd.f32 v0, v3  }
0x3bc: {  	s30 =	sadd.s32 $0x10, s30  }
0x3bd: {  	s29 =	sadd.s32 $0x800, s29;
	[tilespmem:s30+$0x0] =	vst v0  }
0x3be: {  	v0 =	vld [tilespmem:s29+$0x3B0];
	_ =	sdelay $0x3  }
0x3bf: {  	s26 =	sadd.s32 $0x800, s26  }
0x3c0: {  	[tilespmem:$0x1FB90] =	vst v0;
	v0 =	vld [tilespmem:s26+$0x330];
	_ =	sdelay $0x4  }
0x3c1: {  	[tilespmem:$0x1F4D0] =	vst v0;
	v0 =	vld [tilespmem:s26+$0x380];
	_ =	sdelay $0x4  }
0x3c2: {  	[tilespmem:$0x1FBA0] =	vst v0;
	v0 =	vld [tilespmem:s26+$0x390];
	_ =	sdelay $0x4  }
0x3c3: {  	[tilespmem:$0x1FBB0] =	vst v0;
	v0 =	vld [tilespmem:s29+$0x3A0];
	_ =	sdelay $0x3  }
0x3c4: {  	s28 =	sadd.s32 $0x800, s28  }
0x3c5: {  	[tilespmem:$0x1FBC0] =	vst v0;
	v0 =	vld [tilespmem:s28+$0x380];
	_ =	sdelay $0x4  }
0x3c6: {  	[tilespmem:$0x1F4A0] =	vst v0;
	v0 =	vld [tilespmem:s29+$0x390];
	_ =	sdelay $0x4  }
0x3c7: {  	[tilespmem:$0x1FBD0] =	vst v0;
	v0 =	vld [tilespmem:s28+$0x390];
	_ =	sdelay $0x4  }
0x3c8: {  	[tilespmem:$0x1FBE0] =	vst v0;
	v0 =	vld [tilespmem:s26+$0x230];
	_ =	sdelay $0x4  }
0x3c9: {  	[tilespmem:$0x1F560] =	vst v0;
	v0 =	vld [tilespmem:s26+$0x2A0];
	_ =	sdelay $0x4  }
0x3ca: {  	[tilespmem:$0x1FBF0] =	vst v0;
	v0 =	vld [tilespmem:s29+$0x2B0];
	_ =	sdelay $0x4  }
0x3cb: {  	[tilespmem:$0x1FC00] =	vst v0;
	v0 =	vld [tilespmem:s29+$0x320];
	_ =	sdelay $0x4  }
0x3cc: {  	[tilespmem:$0x1F470] =	vst v0;
	v0 =	vld [tilespmem:s28+$0x320];
	_ =	sdelay $0x4  }
0x3cd: {  	[tilespmem:$0x1F480] =	vst v0;
	v0 =	vld [tilespmem:s26+$0x1B0];
	_ =	sdelay $0x4  }
0x3ce: {  	[tilespmem:$0x1F5A0] =	vst v0;
	v0 =	vld [tilespmem:s26+$0x220];
	_ =	sdelay $0x4  }
0x3cf: {  	[tilespmem:$0x1F510] =	vst v0;
	v0 =	vld [tilespmem:s29+$0x230];
	_ =	sdelay $0x4  }
0x3d0: {  	[tilespmem:$0x1F490] =	vst v0;
	v0 =	vld [tilespmem:s26+$0x280];
	_ =	sdelay $0x4  }
0x3d1: {  	[tilespmem:$0x1FC10] =	vst v0;
	v0 =	vld [tilespmem:s29+$0x2A0];
	_ =	sdelay $0x4  }
0x3d2: {  	[tilespmem:$0x1F4B0] =	vst v0;
	v0 =	vld [tilespmem:s28+$0x2A0];
	_ =	sdelay $0x4  }
0x3d3: {  	[tilespmem:$0x1F4C0] =	vst v0;
	v0 =	vld [tilespmem:s26+$0x1A0];
	_ =	sdelay $0x4  }
0x3d4: {  	[tilespmem:$0x1F590] =	vst v0;
	v0 =	vld [tilespmem:s29+$0x1B0];
	_ =	sdelay $0x4  }
0x3d5: {  	[tilespmem:$0x1F540] =	vst v0;
	v0 =	vld [tilespmem:s28+$0x1B0];
	_ =	sdelay $0x4  }
0x3d6: {  	[tilespmem:$0x1F550] =	vst v0;
	v0 =	vld [tilespmem:s26+$0x200];
	_ =	sdelay $0x4  }
0x3d7: {  	[tilespmem:$0x1F4E0] =	vst v0;
	v0 =	vld [tilespmem:s26+$0x210];
	_ =	sdelay $0x4  }
0x3d8: {  	[tilespmem:$0x1F4F0] =	vst v0;
	v0 =	vld [tilespmem:s29+$0x280];
	_ =	sdelay $0x4  }
0x3d9: {  	[tilespmem:$0x1F570] =	vst v0;
	v0 =	vld [tilespmem:s28+$0x280];
	_ =	sdelay $0x4  }
0x3da: {  	[tilespmem:$0x1F580] =	vst v0;
	v0 =	vld [tilespmem:s29+$0x290];
	_ =	sdelay $0x4  }
0x3db: {  	[tilespmem:$0x1FC20] =	vst v0;
	v0 =	vld [tilespmem:s28+$0x290];
	_ =	sdelay $0x4  }
0x3dc: {  	[tilespmem:$0x1FC30] =	vst v0;
	v0 =	vld [tilespmem:s26+$0xB0];
	_ =	sdelay $0x4  }
0x3dd: {  	[tilespmem:$0x1F630] =	vst v0;
	v0 =	vld [tilespmem:s26+$0x120];
	_ =	sdelay $0x4  }
0x3de: {  	[tilespmem:$0x1FC40] =	vst v0;
	v0 =	vld [tilespmem:s29+$0x130];
	_ =	sdelay $0x4  }
0x3df: {  	[tilespmem:$0x1FC50] =	vst v0;
	v0 =	vld [tilespmem:s26+$0x180];
	_ =	sdelay $0x4  }
0x3e0: {  	[tilespmem:$0x1F520] =	vst v0;
	v0 =	vld [tilespmem:s26+$0x190];
	_ =	sdelay $0x4  }
0x3e1: {  	[tilespmem:$0x1F530] =	vst v0;
	v0 =	vld [tilespmem:s29+$0x1A0];
	_ =	sdelay $0x4  }
0x3e2: {  	[tilespmem:$0x1F500] =	vst v0;
	v0 =	vld [tilespmem:s26+$0x30];
	_ =	sdelay $0x4  }
0x3e3: {  	[tilespmem:$0x1F690] =	vst v0;
	v0 =	vld [tilespmem:s26+$0xA0];
	_ =	sdelay $0x4  }
0x3e4: {  	[tilespmem:$0x1F600] =	vst v0;
	v0 =	vld [tilespmem:s29+$0xB0];
	_ =	sdelay $0x4  }
0x3e5: {  	[tilespmem:$0x1F5C0] =	vst v0;
	v0 =	vld [tilespmem:s28+$0xB0];
	_ =	sdelay $0x4  }
0x3e6: {  	[tilespmem:$0x1F5D0] =	vst v0;
	v0 =	vld [tilespmem:s26+$0x100];
	_ =	sdelay $0x4  }
0x3e7: {  	[tilespmem:$0x1FC60] =	vst v0;
	v0 =	vld [tilespmem:s29+$0x120]  }
0x3e8: {  	v63 =	vld [tilespmem:s26+$0x320]  }
0x3e9: {  	v33 =	vld [tilespmem:s29+$0x330]  }
0x3ea: {  	v43 =	vld [tilespmem:s28+$0x330]  }
0x3eb: {  	v47 =	vld [tilespmem:s29+$0x380]  }
0x3ec: {  	[tilespmem:$0x1F5E0] =	vst v0;
	v0 =	vld [tilespmem:s28+$0x120]  }
0x3ed: {  	v44 =	vld [tilespmem:s26+$0x300]  }
0x3ee: {  	v45 =	vld [tilespmem:s26+$0x310]  }
0x3ef: {  	v46 =	vld [tilespmem:s28+$0x230]  }
0x3f0: {  	v18 =	vld [tilespmem:s29+$0x300]  }
0x3f1: {  	[tilespmem:$0x1F5F0] =	vst v0;
	v0 =	vld [tilespmem:s26+$0x20]  }
0x3f2: {  	v29 =	vld [tilespmem:s28+$0x300]  }
0x3f3: {  	v19 =	vld [tilespmem:s29+$0x310]  }
0x3f4: {  	v13 =	vld [tilespmem:s28+$0x310]  }
0x3f5: {  	v38 =	vld [tilespmem:s29+$0x220]  }
0x3f6: {  	[tilespmem:$0x1F680] =	vst v0;
	v0 =	vld [tilespmem:s29+$0x30]  }
0x3f7: {  	v35 =	vld [tilespmem:s28+$0x220]  }
0x3f8: {  	v37 =	vld [tilespmem:s28+$0x1A0]  }
0x3f9: {  	v34 =	vld [tilespmem:s29+$0x200]  }
0x3fa: {  	v49 =	vld [tilespmem:s28+$0x200]  }
0x3fb: {  	[tilespmem:$0x1F610] =	vst v0;
	v0 =	vld [tilespmem:s28+$0x30]  }
0x3fc: {  	v1 =	vld [tilespmem:s29+$0x210]  }
0x3fd: {  	v48 =	vld [tilespmem:s28+$0x210]  }
0x3fe: {  	v52 =	vld [tilespmem:s29+$0x180]  }
0x3ff: {  	v54 =	vld [tilespmem:s28+$0x180]  }
0x400: {  	[tilespmem:$0x1F620] =	vst v0;
	v0 =	vld [tilespmem:s26+$0x80]  }
0x401: {  	v56 =	vld [tilespmem:s29+$0x190]  }
0x402: {  	v57 =	vld [tilespmem:s28+$0x190]  }
0x403: {  	v51 =	vld [tilespmem:s26+$0x90]  }
0x404: {  	v31 =	vld [tilespmem:s29+$0xA0]  }
0x405: {  	[tilespmem:$0x1F5B0] =	vst v0;
	v0 =	vld [tilespmem:s29+$0x100]  }
0x406: {  	v3 =	vld [tilespmem:s28+$0xA0]  }
0x407: {  	v39 =	vld [tilespmem:s29+$0x20]  }
0x408: {  	v12 =	vld [tilespmem:s28+$0x20]  }
0x409: {  	v10 =	vld [tilespmem:s29+$0x80]  }
0x40a: {  	[tilespmem:$0x1F660] =	vst v0;
	v0 =	vld [tilespmem:s28+$0x100]  }
0x40b: {  	v15 =	vld [tilespmem:s28+$0x80]  }
0x40c: {  	v16 =	vld [tilespmem:s29+$0x90]  }
0x40d: {  	v5 =	vld [tilespmem:s28+$0x90]  }
0x40e: {  	v7 =	vld [tilespmem:s29+$0xFFFFFF30]  }
0x40f: {  	[tilespmem:$0x1F670] =	vst v0;
	v0 =	vld [tilespmem:s29+$0x110]  }
0x410: {  	v2 =	vld [tilespmem:s28+$0xFFFFFF30]  }
0x411: {  	v36 =	vld [tilespmem:s29+$0xFFFFFFA0]  }
0x412: {  	v40 =	vld [tilespmem:s28+$0xFFFFFFA0]  }
0x413: {  	v9 =	vld [tilespmem:s29+$0x0]  }
0x414: {  	[tilespmem:$0x1FC70] =	vst v0;
	v0 =	vld [tilespmem:s28+$0x110]  }
0x415: {  	v11 =	vld [tilespmem:s28+$0x0]  }
0x416: {  	v27 =	vld [tilespmem:s29+$0x10]  }
0x417: {  	v17 =	vld [tilespmem:s28+$0x10]  }
0x418: {  	v24 =	vld [tilespmem:s26+$0xFFFFFF00]  }
0x419: {  	[tilespmem:$0x1FC80] =	vst v0;
	v0 =	vld [tilespmem:s26+$0xFFFFFF30]  }
0x41a: {  	v4 =	vld [tilespmem:s26+$0xFFFFFF10]  }
0x41b: {  	v53 =	vld [tilespmem:s29+$0xFFFFFF20]  }
0x41c: {  	v55 =	vld [tilespmem:s28+$0xFFFFFF20]  }
0x41d: {  	v59 =	vld [tilespmem:s26+$0xFFFFFE80]  }
0x41e: {  	[tilespmem:$0x1F6D0] =	vst v0;
	v0 =	vld [tilespmem:s26+$0xFFFFFFA0]  }
0x41f: {  	v61 =	vld [tilespmem:s26+$0xFFFFFE90]  }
0x420: {  	v25 =	vld [tilespmem:s29+$0xFFFFFEA0]  }
0x421: {  	v28 =	vld [tilespmem:s28+$0xFFFFFEA0]  }
0x422: {  	v21 =	vld [tilespmem:s29+$0xFFFFFF00]  }
0x423: {  	[tilespmem:$0x1FC90] =	vst v0;
	v0 =	vld [tilespmem:s29+$0xFFFFFFB0]  }
0x424: {  	v30 =	vld [tilespmem:s28+$0xFFFFFF00]  }
0x425: {  	v20 =	vld [tilespmem:s29+$0xFFFFFF10]  }
0x426: {  	v22 =	vld [tilespmem:s28+$0xFFFFFF10]  }
0x427: {  	v26 =	vld [tilespmem:s29+$0xFFFFFDB0]  }
0x428: {  	[tilespmem:$0x1FCA0] =	vst v0;
	v0 =	vld [tilespmem:s26+$0x0]  }
0x429: {  	v8 =	vld [tilespmem:s28+$0xFFFFFDB0]  }
0x42a: {  	v32 =	vld [tilespmem:s29+$0xFFFFFE20]  }
0x42b: {  	v60 =	vld [tilespmem:s28+$0xFFFFFE20]  }
0x42c: {  	v41 =	vld [tilespmem:s29+$0xFFFFFE80]  }
0x42d: {  	[tilespmem:$0x1F640] =	vst v0;
	v0 =	vld [tilespmem:s26+$0x10]  }
0x42e: {  	v42 =	vld [tilespmem:s28+$0xFFFFFE80]  }
0x42f: {  	v23 =	vld [tilespmem:s29+$0xFFFFFE90]  }
0x430: {  	v6 =	vld [tilespmem:s26+$0xFFFFFC30]  }
0x431: {  	v50 =	vld [tilespmem:s26+$0xFFFFFD20]  }
0x432: {  	[tilespmem:$0x1F650] =	vst v0;
	v0 =	vld [tilespmem:s26+$0xFFFFFEB0]  }
0x433: {  	v58 =	vld [tilespmem:s29+$0xFFFFFD30]  }
0x434: {  	v62 =	vld [tilespmem:s28+$0xFFFFFD30]  }
0x435: {  	v14 =	vld [tilespmem:s26+$0xFFFFFD80]  }
0x436: {  	[tilespmem:$0x1FD30] =	vst v6;
	v18 =	vadd.f32 v29, v18;
	v6 =	vld [tilespmem:$0x1F470]  }
0x437: {  	[tilespmem:$0x1F710] =	vst v0;
	v0 =	vld [tilespmem:s26+$0xFFFFFF20]  }
0x438: {  	v33 =	vadd.f32 v43, v33;
	v43 =	vmul.f32 v18, v44;
	v18 =	vld [tilespmem:$0x1F480]  }
0x439: {  	v19 =	vadd.f32 v13, v19;
	v13 =	vld [tilespmem:s26+$0xFFFFFD90]  }
0x43a: {  	v29 =	vld [tilespmem:s29+$0xFFFFFDA0]  }
0x43b: {  	v44 =	vmul.f32 v19, v45;
	v19 =	vld [tilespmem:s28+$0xFFFFFDA0]  }
0x43c: {  	[tilespmem:$0x1F6A0] =	vst v0;
	v0 =	vld [tilespmem:s26+$0xFFFFFF80]  }
0x43d: {  	v45 =	vadd.f32 v18, v6;
	v18 =	vld [tilespmem:s29+$0xFFFFFE00]  }
0x43e: {  	v5 =	vadd.f32 v5, v16;
	v16 =	vld [tilespmem:$0x1F5A0]  }
0x43f: {  	v43 =	vadd.f32 v44, v43;
	v44 =	vmul.f32 v45, v63;
	v45 =	vld [tilespmem:$0x1F4D0]  }
0x440: {  	v6 =	vld [tilespmem:$0x1F490]  }
0x441: {  	v43 =	vadd.f32 v44, v43;
	[tilespmem:$0x1FCB0] =	vst v0;
	v0 =	vld [tilespmem:s26+$0xFFFFFEA0]  }
0x442: {  	v44 =	vadd.f32 v54, v52;
	v52 =	vadd.f32 v57, v56;
	v57 =	vld [tilespmem:$0x1F510]  }
0x443: {  	v1 =	vadd.f32 v48, v1;
	v48 =	vld [tilespmem:$0x1F4B0]  }
0x444: {  	v63 =	vld [tilespmem:$0x1F4C0]  }
0x445: {  	v33 =	vmul.f32 v33, v45;
	v46 =	vadd.f32 v46, v6;
	v6 =	vld [tilespmem:$0x1F4A0]  }
0x446: {  	[tilespmem:$0x1F6E0] =	vst v0;
	v0 =	vld [tilespmem:s29+$0xFFFFFEB0]  }
0x447: {  	v33 =	vadd.f32 v33, v43;
	v43 =	vld [tilespmem:$0x1F520]  }
0x448: {  	v45 =	vld [tilespmem:$0x1F530]  }
0x449: {  	v63 =	vadd.f32 v63, v48;
	v48 =	vld [tilespmem:$0x1F4E0]  }
0x44a: {  	v54 =	vld [tilespmem:$0x1F4F0]  }
0x44b: {  	[tilespmem:$0x1F6B0] =	vst v0;
	v0 =	vld [tilespmem:s28+$0xFFFFFEB0]  }
0x44c: {  	v6 =	vadd.f32 v6, v47;
	v56 =	vld [tilespmem:$0x1F500]  }
0x44d: {  	v47 =	vadd.f32 v49, v34;
	v49 =	vld [tilespmem:s28+$0xFFFFFE00];
	v43 =	vmul.f32 v44, v43;
	v44 =	vmul.f32 v52, v45  }
0x44e: {  	v45 =	vld [tilespmem:$0x1F560]  }
0x44f: {  	v43 =	vadd.f32 v44, v43;
	v44 =	vld [tilespmem:$0x1F590]  }
0x450: {  	v47 =	vmul.f32 v47, v48;
	v48 =	vadd.f32 v35, v38;
	[tilespmem:$0x1F6C0] =	vst v0;
	v0 =	vld [tilespmem:s29+$0xFFFFFF80]  }
0x451: {  	v1 =	vmul.f32 v1, v54;
	v54 =	vadd.f32 v37, v56;
	v37 =	vld [tilespmem:$0x1F540]  }
0x452: {  	v56 =	vmul.f32 v48, v57;
	v57 =	vld [tilespmem:$0x1F550]  }
0x453: {  	v34 =	vld [tilespmem:s29+$0xFFFFFE10]  }
0x454: {  	v35 =	vld [tilespmem:s28+$0xFFFFFE10]  }
0x455: {  	v1 =	vadd.f32 v1, v47;
	[tilespmem:$0x1F6F0] =	vst v0;
	v0 =	vld [tilespmem:s28+$0xFFFFFF80]  }
0x456: {  	v38 =	vld [tilespmem:s26+$0xFFFFFC20];
	v44 =	vmul.f32 v54, v44  }
0x457: {  	v52 =	vld [tilespmem:s28+$0xFFFFFC30];
	v1 =	vadd.f32 v56, v1;
	v47 =	vadd.f32 v57, v37;
	v57 =	vmul.f32 v46, v45  }
0x458: {  	v10 =	vadd.f32 v15, v10;
	v48 =	vld [tilespmem:s29+$0xFFFFFC30]  }
0x459: {  	v15 =	vadd.f32 v44, v43;
	v43 =	vadd.f32 v57, v1;
	v1 =	vld [tilespmem:$0x1F5B0]  }
0x45a: {  	[tilespmem:$0x1F700] =	vst v0;
	v0 =	vld [tilespmem:s29+$0xFFFFFF90]  }
0x45b: {  	v54 =	vld [tilespmem:s26+$0xFFFFFD00]  }
0x45c: {  	v56 =	vld [tilespmem:s26+$0xFFFFFD10]  }
0x45d: {  	v44 =	vld [tilespmem:s29+$0xFFFFFD20]  }
0x45e: {  	v37 =	vld [tilespmem:$0x1F570]  }
0x45f: {  	v5 =	vmul.f32 v5, v51;
	v1 =	vmul.f32 v10, v1;
	[tilespmem:$0x1FCC0] =	vst v0;
	v0 =	vld [tilespmem:s28+$0xFFFFFF90]  }
0x460: {  	v45 =	vld [tilespmem:$0x1F580]  }
0x461: {  	v1 =	vadd.f32 v5, v1;
	v5 =	vld [tilespmem:$0x1F600]  }
0x462: {  	v16 =	vmul.f32 v47, v16;
	v47 =	vld [tilespmem:s28+$0xFFFFFD20]  }
0x463: {  	v3 =	vadd.f32 v3, v31;
	v31 =	vld [tilespmem:$0x1F5D0]  }
0x464: {  	[tilespmem:$0x1FCD0] =	vst v0;
	v0 =	vld [tilespmem:s26+$0xFFFFFDB0]  }
0x465: {  	v10 =	vld [tilespmem:$0x1F5C0]  }
0x466: {  	v57 =	vld [tilespmem:$0x1F5F0];
	v3 =	vmul.f32 v3, v5  }
0x467: {  	v15 =	vadd.f32 v16, v15;
	v16 =	vld [tilespmem:$0x1F620]  }
0x468: {  	v3 =	vadd.f32 v3, v1;
	v1 =	vld [tilespmem:$0x1F630]  }
0x469: {  	[tilespmem:$0x1FCE0] =	vst v0;
	v0 =	vld [tilespmem:s26+$0xFFFFFE20]  }
0x46a: {  	v10 =	vadd.f32 v31, v10;
	v31 =	vld [tilespmem:$0x1F5E0]  }
0x46b: {  	v5 =	vadd.f32 v11, v9;
	v11 =	vld [tilespmem:$0x1F610]  }
0x46c: {  	v46 =	vadd.f32 v45, v37;
	v37 =	vld [tilespmem:s26+$0xFFFFFCA0]  }
0x46d: {  	v10 =	vmul.f32 v10, v1;
	v1 =	vld [tilespmem:$0x1F640]  }
0x46e: {  	[tilespmem:$0x1FCF0] =	vst v0;
	v0 =	vld [tilespmem:s29+$0xFFFFFE30]  }
0x46f: {  	v51 =	vadd.f32 v57, v31;
	v31 =	vld [tilespmem:s29+$0xFFFFFD80]  }
0x470: {  	v11 =	vadd.f32 v16, v11;
	v16 =	vld [tilespmem:$0x1F670]  }
0x471: {  	v10 =	vadd.f32 v10, v3;
	v3 =	vld [tilespmem:$0x1F660]  }
0x472: {  	v5 =	vmul.f32 v5, v1;
	v1 =	vld [tilespmem:$0x1F650]  }
0x473: {  	[tilespmem:$0x1FD00] =	vst v0;
	v0 =	vld [tilespmem:s26+$0xFFFFFD30]  }
0x474: {  	v57 =	vld [tilespmem:s28+$0xFFFFFD80]  }
0x475: {  	v45 =	vld [tilespmem:s28+$0xFFFFFD90]  }
0x476: {  	(xrf2) =	vadd.scan.msk.f32 $0xffff, v33;
	v9 =	vadd.f32 v17, v27;
	v27 =	vld [tilespmem:s29+$0xFFFFFD90]  }
0x477: {  	v12 =	vadd.f32 v12, v39;
	(xrf2) =	vadd.scan.msk.f32 $0xffff, v43;
	v17 =	vadd.f32 v22, v20;
	v22 =	vld [tilespmem:s29+$0xFFFFFD00]  }
0x478: {  	v39 =	vadd.f32 v16, v3;
	v16 =	vadd.f32 v30, v21;
	v9 =	vmul.f32 v9, v1;
	[tilespmem:$0x1FD10] =	vst v0;
	v0 =	vld [tilespmem:s26+$0xFFFFFDA0]  }
0x479: {  	(xrf2) =	vadd.scan.msk.f32 $0xffff, v15;
	v15 =	vadd.f32 v8, v26;
	v17 =	vmul.f32 v17, v4;
	v4 =	vld [tilespmem:s29+$0xFFFFFCA0];
	v8 =	vadd.f32 v57, v31  }
0x47a: {  	v7 =	vadd.f32 v2, v7;
	v16 =	vmul.f32 v16, v24;
	v2 =	vadd.f32 v9, v5;
	v5 =	vld [tilespmem:$0x1F680]  }
0x47b: {  	(xrf2) =	vadd.scan.msk.f32 $0xffff, v10;
	v10 =	vadd.f32 v45, v27;
	v27 =	vmul.f32 v8, v14;
	v14 =	vld [tilespmem:s29+$0xFFFFFC80]  }
0x47c: {  	v16 =	vadd.f32 v17, v16;
	v17 =	vld [tilespmem:$0x1F6A0]  }
0x47d: {  	[tilespmem:$0x1F720] =	vst v0;
	v0 =	vld [tilespmem:s26+$0xFFFFFE00]  }
0x47e: {  	v45 =	vmov v6;
	v6 =	vadd.f32 v19, v29;
	v19 =	vld [tilespmem:s28+$0xFFFFFC80]  }
0x47f: {  	v20 =	vadd.f32 v55, v53;
	v3 =	vld [tilespmem:s26+$0xFFFFFC10];
	v9 =	vmul.f32 v12, v5  }
0x480: {  	v24 =	vld [tilespmem:s28+$0xFFFFFD00]  }
0x481: {  	v9 =	vadd.f32 v9, v2;
	v2 =	vld [tilespmem:$0x1F690];
	v17 =	vmul.f32 v20, v17  }
0x482: {  	[tilespmem:$0x1FD20] =	vst v0;
	v0 =	vld [tilespmem:s28+$0xFFFFFE90]  }
0x483: {  	v16 =	vadd.f32 v17, v16;
	v17 =	vld [tilespmem:$0x1F6D0]  }
0x484: {  	v1 =	vld [tilespmem:s26+$0xFFFFFC00]  }
0x485: {  	v5 =	vld [tilespmem:s29+$0xFFFFFC20]  }
0x486: {  	v12 =	vld [tilespmem:s28+$0xFFFFFC20];
	v11 =	vmul.f32 v11, v2  }
0x487: {  	v21 =	vadd.f32 v42, v41;
	v2 =	vld [tilespmem:s26+$0xFFFFFC80];
	v0 =	vadd.f32 v0, v23  }
0x488: {  	v7 =	vmul.f32 v7, v17;
	v20 =	vld [tilespmem:$0x1F6B0];
	v23 =	vadd.f32 v11, v9  }
0x489: {  	v9 =	vmul.f32 v21, v59;
	v11 =	vadd.f32 v28, v25;
	v25 =	vld [tilespmem:$0x1F6C0];
	v0 =	vmul.f32 v0, v61  }
0x48a: {  	v26 =	vadd.f32 v7, v16;
	v7 =	vld [tilespmem:$0x1F710]  }
0x48b: {  	v9 =	vadd.f32 v0, v9;
	v0 =	vld [tilespmem:$0x1F6E0]  }
0x48c: {  	v8 =	vld [tilespmem:$0x1F720]  }
0x48d: {  	v21 =	vld [tilespmem:s29+$0xFFFFFD10]  }
0x48e: {  	v20 =	vadd.f32 v25, v20;
	v25 =	vld [tilespmem:s28+$0xFFFFFD10]  }
0x48f: {  	v16 =	vld [tilespmem:s28+$0xFFFFFC00]  }
0x490: {  	v17 =	vmul.f32 v11, v0;
	v0 =	vld [tilespmem:$0x1F6F0]  }
0x491: {  	p0 =	sne.s32 s0, $0x70;
	v40 =	vadd.f32 v40, v36;
	v10 =	vmul.f32 v10, v13;
	v13 =	vadd.f32 v62, v58;
	v11 =	vld [tilespmem:$0x1F700]  }
.Ltmp2:
0x492: {  	v22 =	vadd.f32 v24, v22;
	v6 =	vmul.f32 v6, v8;
	v8 =	vadd.f32 v49, v18;
	v18 =	vld [tilespmem:s29+$0xFFFFFC90];
	(pc) =	sbr.rel @p0 .LBB2_7-.Ltmp2, $4  }
0x493: {  	v24 =	vadd.f32 v10, v27;
	v28 =	vmul.f32 v20, v7;
	v20 =	vld [tilespmem:s28+$0xFFFFFC10];
	v21 =	vadd.f32 v25, v21  }
0x494: {  	v31, _, _ =	vpop (xrf2);
	v10 =	vadd.f32 v52, v48;
	(xrf2) =	vadd.scan.msk.f32 $0xffff, v23;
	v23 =	vmul.f32 v22, v54;
	v9 =	vadd.f32 v17, v9;
	v17 =	vld [tilespmem:s29+$0xFFFFFC10]  }
0x495: {  	v22 =	vadd.f32 v47, v44;
	v7 =	vadd.f32 v60, v32;
	v25 =	vmul.f32 v21, v56;
	v21 =	vld [tilespmem:s28+$0xFFFFFC90]  }
0x496: {  	s31 =	smov.u32 s0;
	s0 =	sadd.s32 $0x10, s0;
	v36, _, _ =	vpop (xrf2);
	(xrf2) =	vadd.scan.msk.f32 $0xffff, v26;
	v9 =	vadd.f32 v28, v9;
	v0 =	vadd.f32 v11, v0;
	v11 =	vld [tilespmem:s29+$0xFFFFFC00]  }
0x497: {  	v48 =	vld [tilespmem:$0x1FCE0]  }
0x498: {  	v49 =	vld [tilespmem:s28+$0xFFFFFCA0]  }
0x499: {  	v54 =	vld [tilespmem:s26+$0xFFFFFC90]  }
0x49a: {  	v55 =	vld [tilespmem:s29+$0xFFFFFCB0]  }
0x49b: {  	v57 =	vld [tilespmem:s28+$0xFFFFFCB0]  }
0x49c: {  	v59 =	vld [tilespmem:$0x1FD10]  }
0x49d: {  	v60 =	vld [tilespmem:s26+$0xFFFFFE10]  }
0x49e: {  	v62 =	vld [tilespmem:s26+$0xFFFFFCB0]  }
0x49f: {  	v53 =	vmul.f32 v22, v50;
	v22 =	vld [tilespmem:$0x1FD30]  }
0x4a0: {  	v6 =	vadd.f32 v6, v24;
	v24 =	vld [tilespmem:s26+$0xFFFFFF90]  }
0x4a1: {  	v23 =	vadd.f32 v25, v23;
	v25 =	vld [tilespmem:s26+$0xFFFFFE30]  }
0x4a2: {  	v26 =	vld [tilespmem:$0x1FD20]  }
0x4a3: {  	v28 =	vld [tilespmem:s28+$0xFFFFFFB0]  }
0x4a4: {  	v30 =	vld [tilespmem:$0x1FCC0]  }
0x4a5: {  	v32 =	vld [tilespmem:$0x1FCD0]  }
0x4a6: {  	v33 =	vld [tilespmem:s26+$0x110]  }
0x4a7: {  	v42 =	vld [tilespmem:s28+$0x130]  }
0x4a8: {  	v47 =	vld [tilespmem:$0x1FC70]  }
0x4a9: {  	v5 =	vadd.f32 v12, v5;
	v50 =	vld [tilespmem:$0x1FC90]  }
0x4aa: {  	v56 =	vadd.f32 v53, v23;
	v23 =	vadd.f32 v35, v34;
	v34 =	vld [tilespmem:$0x1FCF0]  }
0x4ab: {  	v35 =	vld [tilespmem:$0x1FD00]  }
0x4ac: {  	v61 =	vmul.f32 v5, v38;
	v38 =	vld [tilespmem:$0x1FCB0]  }
0x4ad: {  	v52 =	vadd.f32 v20, v17;
	v53 =	vld [tilespmem:s26+$0x130]  }
0x4ae: {  	v58 =	vadd.f32 v21, v18;
	v21 =	vld [tilespmem:s28+$0xFFFFFE30]  }
0x4af: {  	v3 =	vmul.f32 v52, v3;
	v52 =	vld [tilespmem:$0x1FCA0]  }
0x4b0: {  	v15 =	vmul.f32 v15, v48;
	v48 =	vld [tilespmem:$0x1FC80]  }
0x4b1: {  	v4 =	vadd.f32 v49, v4;
	v49 =	vld [tilespmem:s26+$0x290]  }
0x4b2: {  	v20 =	vmul.f32 v58, v54;
	v54 =	vld [tilespmem:$0x1FC60]  }
0x4b3: {  	v11 =	vadd.f32 v16, v11;
	v12 =	vadd.f32 v57, v55;
	v55 =	vld [tilespmem:s28+$0x2B0]  }
0x4b4: {  	v57 =	vld [tilespmem:$0x1FC20]  }
0x4b5: {  	v58 =	vld [tilespmem:$0x1FC30];
	v1 =	vmul.f32 v11, v1  }
0x4b6: {  	v14 =	vadd.f32 v19, v14;
	v13 =	vmul.f32 v13, v59;
	v59 =	vld [tilespmem:s28+$0x3A0]  }
0x4b7: {  	v27 =	vmul.f32 v23, v60;
	v60 =	vld [tilespmem:$0x1FC40];
	v1 =	vadd.f32 v3, v1  }
0x4b8: {  	v2 =	vmul.f32 v14, v2;
	v5 =	vadd.f32 v32, v30;
	v23 =	vld [tilespmem:s28+$0x3B0]  }
0x4b9: {  	v32 =	vld [tilespmem:$0x1FBA0];
	v6 =	vadd.f32 v15, v6;
	v3 =	vmul.f32 v10, v22;
	v1 =	vadd.f32 v61, v1  }
0x4ba: {  	v11 =	vadd.f32 v13, v56;
	v2 =	vadd.f32 v20, v2;
	v4 =	vmul.f32 v4, v37;
	v37 =	vld [tilespmem:s26+$0xFFFFFFB0]  }
0x4bb: {  	(xrf2) =	vadd.scan.msk.f32 $0xffff, v9;
	v29 =	vmul.f32 v12, v62;
	v20 =	vld [tilespmem:s26+$0x2B0];
	v1 =	vadd.f32 v3, v1;
	v3 =	vmul.f32 v8, v26  }
0x4bc: {  	v2 =	vadd.f32 v4, v2;
	(xrf2) =	vadd.scan.msk.f32 $0xffff, v6;
	v6 =	vmul.f32 v7, v34;
	v7 =	vadd.f32 v21, v35;
	v21 =	vld [tilespmem:$0x1FC10]  }
0x4bd: {  	v10 =	vadd.f32 v28, v52;
	v28 =	vld [tilespmem:$0x1FBF0];
	v3 =	vadd.f32 v27, v3  }
0x4be: {  	v0 =	vmul.f32 v0, v38;
	v41 =	vmul.f32 v5, v24;
	(xrf2) =	vadd.scan.msk.f32 $0xffff, v11;
	v61 =	vld [tilespmem:$0x1FC50];
	v2 =	vadd.f32 v29, v2  }
0x4bf: {  	v44 =	vmul.f32 v7, v25;
	v25 =	vld [tilespmem:$0x1FBD0];
	(xrf2) =	vadd.scan.msk.f32 $0xffff, v1;
	v43 =	vadd.f32 v6, v3;
	v6 =	vadd.f32 v48, v47  }
0x4c0: {  	v0 =	vadd.f32 v41, v0;
	v4 =	vmul.f32 v40, v50;
	v29 =	vld [tilespmem:$0x1FC00];
	(xrf2) =	vadd.scan.msk.f32 $0xffff, v2  }
0x4c1: {  	v26 =	vld [tilespmem:$0x1FBE0];
	v3 =	vmul.f32 v39, v54;
	v1 =	vadd.f32 v44, v43;
	v6 =	vmul.f32 v6, v33  }
0x4c2: {  	v34 =	vld [tilespmem:$0x1FBC0];
	v0 =	vadd.f32 v4, v0;
	v56 =	vmul.f32 v10, v37;
	v8, _, _ =	vpop (xrf2);
	v10 =	vadd.f32 v58, v57  }
0x4c3: {  	v37 =	vld [tilespmem:$0x1FBB0];
	v62, _, _ =	vpop (xrf2);
	v5 =	vadd.f32 v42, v61;
	v3 =	vadd.f32 v6, v3;
	v6 =	vmul.f32 v51, v60;
	(xrf2) =	vadd.scan.msk.f32 $0xffff, v1  }
0x4c4: {  	v0 =	vadd.f32 v56, v0;
	v4 =	vmul.f32 v46, v21;
	v22, _, _ =	vpop (xrf2);
	v7 =	vmul.f32 v10, v49;
	v39 =	vld [tilespmem:$0x1FB90]  }
0x4c5: {  	v27 =	vld [tilespmem:s26+$0x3A0];
	v24, _, _ =	vpop (xrf2);
	v9 =	vadd.f32 v55, v29;
	v2 =	vmul.f32 v5, v53;
	v3 =	vadd.f32 v6, v3  }
0x4c6: {  	v4 =	vadd.f32 v7, v4;
	v7 =	vmul.f32 v63, v28;
	v30, _, _ =	vpop (xrf2);
	(xrf2) =	vadd.scan.msk.f32 $0xffff, v0;
	v6 =	vadd.f32 v26, v25  }
0x4c7: {  	v35 =	vld [tilespmem:s26+$0x3B0];
	v11 =	vadd.f32 v59, v34;
	v33, _, _ =	vpop (xrf2);
	v1 =	vmul.f32 v9, v20;
	v2 =	vadd.f32 v2, v3  }
0x4c8: {  	v4 =	vadd.f32 v7, v4;
	v38, _, _ =	vpop (xrf2);
	v3 =	vmul.f32 v45, v32;
	v6 =	vmul.f32 v6, v37  }
0x4c9: {  	v9 =	vadd.f32 v23, v39;
	v40, _, _ =	vpop (xrf2);
	(xrf2) =	vadd.scan.msk.f32 $0xffff, v2  }
0x4ca: {  	v41 =	vmul.f32 v11, v27;
	v1 =	vadd.f32 v1, v4;
	v42, _, _ =	vpop (xrf2);
	v3 =	vadd.f32 v6, v3  }
0x4cb: {  	v2 =	vbroadcast v40, $0xF;
	v6 =	vbroadcast v42, $0xF  }
0x4cc: {  	v44 =	vbroadcast v38, $0xF;
	v43 =	vmul.f32 v9, v35;
	(xrf2) =	vadd.scan.msk.f32 $0xffff, v1;
	v3 =	vadd.f32 v41, v3  }
0x4cd: {  	v53 =	vld [tilespmem:$0x1FFF0];
	v45 =	vbroadcast v33, $0xF;
	v2 =	vsel vm0, v2, v6;
	v46, _, _ =	vpop (xrf2)  }
0x4ce: {  	v1 =	vsel vm1, v2, v44;
	v47 =	vadd.f32 v43, v3;
	v48 =	vbroadcast v46, $0xF  }
0x4cf: {  	v0 =	vbroadcast v30, $0xF;
	v1 =	vsel vm2, v1, v45  }
0x4d0: {  	v49 =	vmov s31;
	v50 =	vbroadcast v24, $0xF;
	v51, _, _ =	vpop (xrf2);
	(xrf2) =	vadd.scan.msk.f32 $0xffff, v47;
	v1 =	vsel vm3, v1, v48  }
0x4d1: {  	v52 =	vshll.u32 v49, $0x7;
	v2 =	vbroadcast v51, $0xF;
	v0 =	vsel vm4, v1, v0  }
0x4d2: {  	v54 =	vbroadcast v22, $0xF;
	v1 =	vor.u32 v53, v52;
	v0 =	vsel vm5, v0, v50  }
0x4d3: {  	v55 =	vbroadcast v62, $0xF;
	v0 =	vsel vm6, v0, v2;
	v56, _, _ =	vpop (xrf2)  }
0x4d4: {  	v0 =	vsel vm7, v0, v54;
	v57 =	vbroadcast v56, $0xF  }
0x4d5: {  	v58 =	vbroadcast v8, $0xF;
	v0 =	vsel vm8, v0, v55  }
0x4d6: {  	v59 =	vbroadcast v36, $0xF;
	v60, _, _ =	vpop (xrf2);
	v0 =	vsel vm9, v0, v57  }
0x4d7: {  	s29 =	rddreg [dreg:$0x1f];
	v61 =	vbroadcast v60, $0xF;
	v1 =	vld.idx.msk [tilespmem:v1+s1+$0x0], $0xffff;
	v0 =	vsel vm10, v0, v58  }
0x4d8: {  	v62 =	vbroadcast v31, $0xF;
	s1 =	sadd.s32 $0x1, s29;
	v0 =	vsel vm11, v0, v59  }
0x4d9: {  	p0 =	sne.s32 s1, $0x4;
	v0 =	vsel vm12, v0, v61  }
.Ltmp3:
0x4da: {  	v63, _, _ =	vpop (xrf2);
	v0 =	vsel vm13, v0, v62;
	(pc) =	sbr.rel @p0 .LBB2_2-.Ltmp3, $4  }
0x4db: {  	s4 =	rddreg [dreg:$0x1b];
	v0 =	vsel vm14, v0, v63  }
0x4dc: {  	s5 =	rddreg [dreg:$0x1c];
	v0 =	vadd.f32 v0, v1  }
0x4dd: {  	s0 =	sadd.s32 $0x10, s30;
	s3 =	sadd.s32 $0x80, s3;
	s31 =	rddreg [dreg:$0x1e]  }
0x4de: {  	s4 =	sadd.s32 $0x80, s4;
	s5 =	sadd.s32 $0x80, s5;
	[tilespmem:s0+$0x0] =	vst v0;
	s0 =	sadd.s32 $0x80, s31  }
0x4df: {  	s0 =	rddreg [dreg:$0x18];
	s1 =	simm.s32 $0x10600;
	s3 =	simm.s32 $0x5  }
0x4e0: {  	[hbm4b:s0+s2] =	stream.linear.scatter [tilespmem:s1], [sflag:$0x5], $0x200, $0x38;
	[tilespmem:$0x10800] =	vst v63  }
0x4e1: {  	_ =	swait.ge [sflag:s3], $0x200  }
0x4e2: {  	s30 =	rddreg [dreg:$0x1a]  }
0x4e3: {  	s31 =	rddreg [dreg:$0x19];
	s1 =	sadd.s32 $0x1, s30  }
0x4e4: {  	p0 =	sne.s32 s1, s31  }
.Ltmp4:
0x4e5: {  	_ = 	snop;
	(pc) =	sbr.rel @p0 .LBB2_1-.Ltmp4, $3  }
0x4e6: {  	_ =	sdelay $0x1  }
0x4e7: {  	[sflag:s3] =	ssyncset.done $0x0  }
0x4e8: {  	[sflag:s3] =	ssyncadd.s32 $0xFFFFFE00  }
0x4e9: {  	_ =	sfence.sel $0x180000  }
0x4ea: {  	[bflag:$0x0] =	sbarrier.arrive $0xFFFF  }
0x4eb: {  	_ =	strace $0x90000047  }
0x4ec: {  	s0 =	stileid.u32;
	[bflag:$0x2] =	sbarrier.arrive $0xFFFF  }
0x4ed: {  	p0 =	sne.s32 s0, $0x0;
	s0 =	rddreg [dreg:$0x5]  }
0x4ee: {  	s0 =	sadd.s32 @!p0 $0x100000, s0  }
0x4ef: {  	[sflag:s0] =	ssyncadd.tile.s32 @!p0 $0x1;
	_ =	shalt  }
.Lfunc_end2:
_tile_overlayer_lowered:
.L_overlay_start_2:
0x4f0: {  	(tag) =	ssettag $0x2  }
0x4f1: {  	s0 =	rddreg [dreg:$0x0];
	s2 =	stileid.u32  }
0x4f2: {  	s1 =	rddreg [dreg:$0x1];
	p0 =	sne.s32 s2, $0x0  }
0x4f3: {  	s3 =	rddreg [dreg:$0x2];
	[bflag:$0x3] =	sbarrier.arrive $0xFFFF;
	s2 =	simm.s32 @!p0 $0x1C05  }
0x4f4: {  	[timem:s3], [sflag:s2] =	dma.local @!p0 [hbm:s0], s1  }
0x4f5: {  	s0 =	simm.s32 @!p0 $0x5  }
0x4f6: {  	_ =	swait.ge @!p0 [sflag:s0], s1  }
0x4f7: {  	s1 =	ssub.s32 @!p0 $0x0, s1;
	[sflag:s0] =	ssyncset.done @!p0 $0x0  }
0x4f8: {  	[sflag:s0] =	ssyncadd.s32 @!p0 s1  }
0x4f9: {  	[bflag:$0x3] =	sbarrier.arrive $0xFFFF  }
0x4fa: {  	_ =	shalt  }

</sc_bundles>
